<compile_context>
chip_gen: v7x
topology: tpu7x:2x2x1
jax: 0.10.2.dev20260603
libtpu: 0.0.44.dev20260713+nightly
codegen_flags: <defaults>
</compile_context>

<pallas_src>
import functools

import jax
import jax.numpy as jnp
from jax import lax
from jax.experimental import pallas as pl
from jax.experimental.pallas import tpu as pltpu
from jax.experimental.pallas import tpu_sc as plsc

N = 10000
NP = 10016
D = 128
E = 320000
LANE = 128
NSC = 2
NSUB = 16
UNITS = 2560
EPAD = UNITS * LANE
SLAB = 16
SPLIT = 512
UPT_B = UNITS // NSUB
UPT_U0 = SPLIT // NSUB
UPT_U1 = (UNITS - SPLIT) // NSUB
DUMMY = NP
ACC_ROWS = NP + 16
RPT = 624
TAIL = N - NSUB * RPT
BLK = 2504


def _tc_body(xu, xi, wmb, wmbb, wmf, wrb, wru, tb, tbb, tf, ii, iu):
    u = xu[...]
    i = xi[...]
    tb[...] = jnp.dot(u, wmb[...], preferred_element_type=jnp.float32)
    tbb[...] = jnp.dot(i, wmbb[...], preferred_element_type=jnp.float32)
    tf[...] = jnp.dot(u, wmf[...], preferred_element_type=jnp.float32)
    ii[...] = jnp.dot(i, wrb[...], preferred_element_type=jnp.float32)
    iu[...] = jnp.dot(u, wru[...], preferred_element_type=jnp.float32)


def _tc_transform(x_user, x_item, wmb, wmbb, wmf, wrb, wru):
    nblk = NP // BLK
    xspec = pl.BlockSpec((BLK, D), lambda i: (i, 0))
    wspec = pl.BlockSpec((D, D), lambda i: (0, 0))
    ospec = pl.BlockSpec((BLK, D), lambda i: (i, 0))
    oshape = jax.ShapeDtypeStruct((NP, D), jnp.float32)
    pad = ((0, NP - N), (0, 0))
    return pl.pallas_call(
        _tc_body,
        grid=(nblk,),
        in_specs=[xspec, xspec, wspec, wspec, wspec, wspec, wspec],
        out_specs=[ospec] * 5,
        out_shape=[oshape] * 5,
    )(jnp.pad(x_user, pad), jnp.pad(x_item, pad), wmb, wmbb, wmf, wrb, wru)


def _add_body(a, b, o):
    o[...] = a[...] + b[...]


def _tc_add(a, b):
    spec = pl.BlockSpec((2000, D), lambda i: (i, 0))
    return pl.pallas_call(
        _add_body,
        grid=(N // 2000,),
        in_specs=[spec, spec],
        out_specs=spec,
        out_shape=jax.ShapeDtypeStruct((N, D), jnp.float32),
    )(a, b)


def _sc_body(tb, tbb, tf, ii, iu, zz,
             sb_b, db_b, sb_bb, db_bb, sb_f, db_f,
             out_i, pu0, pu1,
             src_v, dst_v, rows_a, rows_b, acc, sem_a, sem_b):
    c = lax.axis_index("c")
    s = lax.axis_index("s")
    row0 = s * RPT
    t0 = NSUB * RPT

    def init_acc(init_hbm):
        pltpu.sync_copy(init_hbm.at[pl.ds(row0, RPT)], acc.at[pl.ds(row0, RPT)])
        @pl.when(s == NSUB - 1)
        def _():
            pltpu.sync_copy(init_hbm.at[pl.ds(t0, TAIL)], acc.at[pl.ds(t0, TAIL)])
        plsc.subcore_barrier()

    def copy_out(out_hbm):
        plsc.subcore_barrier()
        pltpu.sync_copy(acc.at[pl.ds(row0, RPT)], out_hbm.at[pl.ds(row0, RPT)])
        @pl.when(s == NSUB - 1)
        def _():
            pltpu.sync_copy(acc.at[pl.ds(t0, TAIL)], out_hbm.at[pl.ds(t0, TAIL)])
        plsc.subcore_barrier()

    def run_edges(tbl, srcb, dstb, ubase, nunits):
        def slab_body(t, carry):
            u0 = ubase + t * SLAB
            pltpu.sync_copy(srcb.at[pl.ds(u0, SLAB)], src_v)
            pltpu.sync_copy(dstb.at[pl.ds(u0, SLAB)], dst_v)
            pltpu.async_copy(tbl.at[src_v.at[0]], rows_a, sem_a)
            for p in range(SLAB // 2):
                j = 2 * p
                pltpu.make_async_copy(tbl.at[src_v.at[j]], rows_a, sem_a).wait()
                pltpu.async_copy(tbl.at[src_v.at[j + 1]], rows_b, sem_b)
                pltpu.sync_copy(rows_a, acc.at[dst_v.at[j]], add=True)
                pltpu.make_async_copy(tbl.at[src_v.at[j + 1]], rows_b,
                                      sem_b).wait()
                if j + 2 < SLAB:
                    pltpu.async_copy(tbl.at[src_v.at[j + 2]], rows_a, sem_a)
                pltpu.sync_copy(rows_b, acc.at[dst_v.at[j + 1]], add=True)
            return carry

        lax.fori_loop(0, nunits // SLAB, slab_body, 0, unroll=False)

    @pl.when(c == 1)
    def _():
        init_acc(ii)
        run_edges(tb, sb_b, db_b, s * UPT_B, UPT_B)
        copy_out(out_i)
        init_acc(zz)
        run_edges(tbb, sb_bb, db_bb, s * UPT_U0, UPT_U0)
        run_edges(tf, sb_f, db_f, s * UPT_U0, UPT_U0)
        copy_out(pu0)

    @pl.when(c == 0)
    def _():
        init_acc(iu)
        run_edges(tbb, sb_bb, db_bb, SPLIT + s * UPT_U1, UPT_U1)
        run_edges(tf, sb_f, db_f, SPLIT + s * UPT_U1, UPT_U1)
        copy_out(pu1)


_sc_aggregate = functools.partial(
    pl.kernel,
    out_type=(
        jax.ShapeDtypeStruct((N, D), jnp.float32),
        jax.ShapeDtypeStruct((N, D), jnp.float32),
        jax.ShapeDtypeStruct((N, D), jnp.float32),
    ),
    mesh=plsc.VectorSubcoreMesh(core_axis_name="c", subcore_axis_name="s"),
    scratch_types=[
        pltpu.VMEM((SLAB, LANE), jnp.int32),
        pltpu.VMEM((SLAB, LANE), jnp.int32),
        pltpu.VMEM((LANE, D), jnp.float32),
        pltpu.VMEM((LANE, D), jnp.float32),
        pltpu.VMEM_SHARED((ACC_ROWS, D), jnp.float32),
        pltpu.SemaphoreType.DMA,
        pltpu.SemaphoreType.DMA,
    ],
)(_sc_body)


def _prep_edges(ei):
    src = ei[0].astype(jnp.int32)
    dst = ei[1].astype(jnp.int32)
    pad = EPAD - E
    src_p = jnp.concatenate([src, jnp.zeros((pad,), jnp.int32)])
    dst_p = jnp.concatenate([dst, jnp.full((pad,), DUMMY, jnp.int32)])
    return src_p.reshape(UNITS, LANE), dst_p.reshape(UNITS, LANE)


def kernel(x_user, x_item, edge_index_buys, edge_index_bought_by,
           edge_index_follows, W_msg_buys, W_root_buys, W_msg_bought_by,
           W_root_bought_by, W_msg_follows, W_root_follows):
    wru = W_root_bought_by + W_root_follows
    tb, tbb, tf, ii, iu = _tc_transform(
        x_user, x_item, W_msg_buys, W_msg_bought_by, W_msg_follows,
        W_root_buys, wru)
    sb_b, db_b = _prep_edges(edge_index_buys)
    sb_bb, db_bb = _prep_edges(edge_index_bought_by)
    sb_f, db_f = _prep_edges(edge_index_follows)
    zz = jnp.zeros((NP, D), jnp.float32)
    out_item, pu0, pu1 = _sc_aggregate(tb, tbb, tf, ii, iu, zz,
                                       sb_b, db_b, sb_bb, db_bb, sb_f, db_f)
    out_user = _tc_add(pu0, pu1)
    return (out_user, out_item)

# --- scband reference (transcript-rebuilt; emitter-appended) ---
"""Pipeline reference for scband-hetero-conv-layer-1099511628134 (READ-ONLY COPY).

The authoritative reference and input builder live on the scoring server;
editing this copy changes nothing except your own understanding.
"""

import jax, jax.numpy as jnp
import numpy as np

N_USER = 10000
N_ITEM = 10000
D = 128
E = 320000


def setup_inputs(seed: int = 0) -> dict:
    key = jax.random.key(seed)
    ks = jax.random.split(key, 14)
    scale = 1.0 / np.sqrt(D)
    x_user = jax.random.normal(ks[0], (N_USER, D), dtype=jnp.float32)
    x_item = jax.random.normal(ks[1], (N_ITEM, D), dtype=jnp.float32)
    # edge_index[0] = src node ids, edge_index[1] = dst node ids
    ei_buys = jnp.stack([
        jax.random.randint(ks[2], (E,), 0, N_USER, dtype=jnp.int64),
        jax.random.randint(ks[3], (E,), 0, N_ITEM, dtype=jnp.int64),
    ])
    ei_bought_by = jnp.stack([
        jax.random.randint(ks[4], (E,), 0, N_ITEM, dtype=jnp.int64),
        jax.random.randint(ks[5], (E,), 0, N_USER, dtype=jnp.int64),
    ])
    ei_follows = jnp.stack([
        jax.random.randint(ks[6], (E,), 0, N_USER, dtype=jnp.int64),
        jax.random.randint(ks[7], (E,), 0, N_USER, dtype=jnp.int64),
    ])
    W_msg_buys = jax.random.normal(ks[8], (D, D), dtype=jnp.float32) * scale
    W_root_buys = jax.random.normal(ks[9], (D, D), dtype=jnp.float32) * scale
    W_msg_bought_by = jax.random.normal(ks[10], (D, D), dtype=jnp.float32) * scale
    W_root_bought_by = jax.random.normal(ks[11], (D, D), dtype=jnp.float32) * scale
    W_msg_follows = jax.random.normal(ks[12], (D, D), dtype=jnp.float32) * scale
    W_root_follows = jax.random.normal(ks[13], (D, D), dtype=jnp.float32) * scale
    return {
        'x_user': x_user, 'x_item': x_item,
        'edge_index_buys': ei_buys,
        'edge_index_bought_by': ei_bought_by,
        'edge_index_follows': ei_follows,
        'W_msg_buys': W_msg_buys, 'W_root_buys': W_root_buys,
        'W_msg_bought_by': W_msg_bought_by, 'W_root_bought_by': W_root_bought_by,
        'W_msg_follows': W_msg_follows, 'W_root_follows': W_root_follows,
    }


def _sage_conv(x_src, x_dst, edge_index, W_msg, W_root):
    # conv(x_src, x_dst, edge_index): gather source features along edges,
    # scatter-add into destination nodes, then linear transform + root transform.
    src = edge_index[0]
    dst = edge_index[1]
    msg = jnp.take(x_src, src, axis=0)                          # gather [E, D]
    agg = jax.ops.segment_sum(msg, dst, num_segments=x_dst.shape[0])  # scatter-add [N_dst, D]
    return agg @ W_msg + x_dst @ W_root


def reference(x_user, x_item, edge_index_buys, edge_index_bought_by, edge_index_follows,
              W_msg_buys, W_root_buys, W_msg_bought_by, W_root_bought_by,
              W_msg_follows, W_root_follows):
    # HeteroConvLayer.forward: run each edge-type conv, group updates by dst
    # node type, and sum them; node types with no updates keep their input.
    out_item_from_buys = _sage_conv(x_user, x_item, edge_index_buys, W_msg_buys, W_root_buys)
    out_user_from_bought = _sage_conv(x_item, x_user, edge_index_bought_by, W_msg_bought_by, W_root_bought_by)
    out_user_from_follows = _sage_conv(x_user, x_user, edge_index_follows, W_msg_follows, W_root_follows)
    out_user = out_user_from_bought + out_user_from_follows
    out_item = out_item_from_buys
    return (out_user, out_item)

if __name__ == "__main__":
    import jax
    _d = setup_inputs()
    print(jax.jit(kernel)(*tuple(_d.values())))

</pallas_src>

<mosaic_0001>
#map = affine_map<(d0, d1) -> (0, 0)>
module attributes {stable_mosaic.version = 14 : i64} {
  func.func @_sc_body(%arg0: i32, %arg1: i32, %arg2: memref<10016x128xf32, #tpu.memory_space<hbm>>, %arg3: memref<10016x128xf32, #tpu.memory_space<hbm>>, %arg4: memref<10016x128xf32, #tpu.memory_space<hbm>>, %arg5: memref<10016x128xf32, #tpu.memory_space<hbm>>, %arg6: memref<10016x128xf32, #tpu.memory_space<hbm>>, %arg7: memref<10016x128xf32, #tpu.memory_space<hbm>>, %arg8: memref<2560x128xi32, #tpu.memory_space<hbm>>, %arg9: memref<2560x128xi32, #tpu.memory_space<hbm>>, %arg10: memref<2560x128xi32, #tpu.memory_space<hbm>>, %arg11: memref<2560x128xi32, #tpu.memory_space<hbm>>, %arg12: memref<2560x128xi32, #tpu.memory_space<hbm>>, %arg13: memref<2560x128xi32, #tpu.memory_space<hbm>>, %arg14: memref<10000x128xf32, #tpu.memory_space<hbm>>, %arg15: memref<10000x128xf32, #tpu.memory_space<hbm>>, %arg16: memref<10000x128xf32, #tpu.memory_space<hbm>>, %arg17: memref<16x128xi32, #tpu.memory_space<vmem>>, %arg18: memref<16x128xi32, #tpu.memory_space<vmem>>, %arg19: memref<128x128xf32, #tpu.memory_space<vmem>>, %arg20: memref<128x128xf32, #tpu.memory_space<vmem>>, %arg21: memref<10032x128xf32, #tpu.memory_space<vmem_shared>>, %arg22: memref<!tpu.dma_semaphore, #tpu.memory_space<semaphore_mem>>, %arg23: memref<!tpu.dma_semaphore, #tpu.memory_space<semaphore_mem>>) attributes {dimension_semantics = [#tpu.dimension_semantics<core_parallel>, #tpu.dimension_semantics<subcore_parallel>], iteration_bounds = array<i64: 2, 16>, scalar_prefetch = 0 : i64, scratch_operands = 7 : i64, tpu.core_type = #tpu.core_type<sc_vector_subcore>, window_params = [{transform_indices = #map}, {transform_indices = #map}, {transform_indices = #map}, {transform_indices = #map}, {transform_indices = #map}, {transform_indices = #map}, {transform_indices = #map}, {transform_indices = #map}, {transform_indices = #map}, {transform_indices = #map}, {transform_indices = #map}, {transform_indices = #map}, {transform_indices = #map}, {transform_indices = #map}, {transform_indices = #map}]} {
    %mul3A = arith.constant 624 : i32
    %mul3A_0 = arith.muli %arg1, %mul3A : i32
    %eq3A = arith.constant 1 : i32
    %eq3A_1 = arith.cmpi eq, %arg0, %eq3A : i32
    %convert_element_type3A = arith.extui %eq3A_1 : i1 to i32
    %cond3A = arith.constant 0 : i32
    %cond3A_2 = arith.cmpi ne, %convert_element_type3A, %cond3A : i32
    scf.if %cond3A_2 {
      "tpu.region"() ({
        %run_scoped3A = tpu.sem_alloc : memref<!tpu.dma_semaphore, #tpu.memory_space<semaphore_mem>>
        %dma_start3A = arith.constant 0 : i32
        %dma_start3A_56 = tpu.memref_slice %arg21[%mul3A_0, %dma_start3A] : memref<10032x128xf32, #tpu.memory_space<vmem_shared>> -> memref<624x128xf32, #tpu.memory_space<vmem_shared>>
        %dma_start3A_57 = arith.constant 0 : i32
        %dma_start3A_58 = tpu.memref_slice %arg5[%mul3A_0, %dma_start3A_57] : memref<10016x128xf32, #tpu.memory_space<hbm>> -> memref<624x128xf32, #tpu.memory_space<hbm>>
        tpu.enqueue_dma source(%dma_start3A_58 : memref<624x128xf32, #tpu.memory_space<hbm>>) target(%dma_start3A_56 : memref<624x128xf32, #tpu.memory_space<vmem_shared>>) target_semaphore(%run_scoped3A : memref<!tpu.dma_semaphore, #tpu.memory_space<semaphore_mem>>)
        %dma_wait3A = arith.constant 0 : i32
        %dma_wait3A_59 = tpu.memref_slice %arg21[%mul3A_0, %dma_wait3A] : memref<10032x128xf32, #tpu.memory_space<vmem_shared>> -> memref<624x128xf32, #tpu.memory_space<vmem_shared>>
        %dma_wait3A_60 = arith.constant 0 : i32
        %dma_wait3A_61 = tpu.memref_slice %arg5[%mul3A_0, %dma_wait3A_60] : memref<10016x128xf32, #tpu.memory_space<hbm>> -> memref<624x128xf32, #tpu.memory_space<hbm>>
        tpu.wait_dma2 semaphore(%run_scoped3A : memref<!tpu.dma_semaphore, #tpu.memory_space<semaphore_mem>>) src(%dma_wait3A_61 : memref<624x128xf32, #tpu.memory_space<hbm>>) dst(%dma_wait3A_59 : memref<624x128xf32, #tpu.memory_space<vmem_shared>>)
        tpu.yield
      }) : () -> ()
      %eq3A_8 = arith.constant 15 : i32
      %eq3A_9 = arith.cmpi eq, %arg1, %eq3A_8 : i32
      %convert_element_type3A_10 = arith.extui %eq3A_9 : i1 to i32
      %cond3A_11 = arith.constant 0 : i32
      %cond3A_12 = arith.cmpi ne, %convert_element_type3A_10, %cond3A_11 : i32
      scf.if %cond3A_12 {
        "tpu.region"() ({
          %run_scoped3A = tpu.sem_alloc : memref<!tpu.dma_semaphore, #tpu.memory_space<semaphore_mem>>
          %dma_start3A = arith.constant 9984 : i32
          %dma_start3A_56 = arith.constant 0 : i32
          %dma_start3A_57 = tpu.memref_slice %arg21[%dma_start3A, %dma_start3A_56] : memref<10032x128xf32, #tpu.memory_space<vmem_shared>> -> memref<16x128xf32, #tpu.memory_space<vmem_shared>>
          %dma_start3A_58 = arith.constant 9984 : i32
          %dma_start3A_59 = arith.constant 0 : i32
          %dma_start3A_60 = tpu.memref_slice %arg5[%dma_start3A_58, %dma_start3A_59] : memref<10016x128xf32, #tpu.memory_space<hbm>> -> memref<16x128xf32, #tpu.memory_space<hbm>>
          tpu.enqueue_dma source(%dma_start3A_60 : memref<16x128xf32, #tpu.memory_space<hbm>>) target(%dma_start3A_57 : memref<16x128xf32, #tpu.memory_space<vmem_shared>>) target_semaphore(%run_scoped3A : memref<!tpu.dma_semaphore, #tpu.memory_space<semaphore_mem>>)
          %dma_wait3A = arith.constant 9984 : i32
          %dma_wait3A_61 = arith.constant 0 : i32
          %dma_wait3A_62 = tpu.memref_slice %arg21[%dma_wait3A, %dma_wait3A_61] : memref<10032x128xf32, #tpu.memory_space<vmem_shared>> -> memref<16x128xf32, #tpu.memory_space<vmem_shared>>
          %dma_wait3A_63 = arith.constant 9984 : i32
          %dma_wait3A_64 = arith.constant 0 : i32
          %dma_wait3A_65 = tpu.memref_slice %arg5[%dma_wait3A_63, %dma_wait3A_64] : memref<10016x128xf32, #tpu.memory_space<hbm>> -> memref<16x128xf32, #tpu.memory_space<hbm>>
          tpu.wait_dma2 semaphore(%run_scoped3A : memref<!tpu.dma_semaphore, #tpu.memory_space<semaphore_mem>>) src(%dma_wait3A_65 : memref<16x128xf32, #tpu.memory_space<hbm>>) dst(%dma_wait3A_62 : memref<16x128xf32, #tpu.memory_space<vmem_shared>>)
          tpu.yield
        }) : () -> ()
      } else {
      }
      %barrier3A = arith.constant 0 : index
      tpu.barrier barrier_id(%barrier3A)
      %mul3A_13 = arith.constant 160 : i32
      %mul3A_14 = arith.muli %arg1, %mul3A_13 : i32
      %scan3A = arith.constant 0 : i32
      %scan3A_15 = arith.constant 0 : i32
      %scan3A_16 = arith.constant 10 : i32
      %scan3A_17 = arith.addi %scan3A_15, %scan3A_16 : i32
      %scan3A_18 = arith.constant 1 : i32
      scf.for %scan3A_56 = %scan3A_15 to %scan3A_17 step %scan3A_18  : i32 {
        %mul3A_57 = arith.constant 16 : i32
        %mul3A_58 = arith.muli %scan3A_56, %mul3A_57 : i32
        %add3A = arith.addi %mul3A_14, %mul3A_58 : i32
        "tpu.region"() ({
          %run_scoped3A_296 = tpu.sem_alloc : memref<!tpu.dma_semaphore, #tpu.memory_space<semaphore_mem>>
          %dma_start3A_297 = arith.constant 0 : i32
          %dma_start3A_298 = tpu.memref_slice %arg8[%add3A, %dma_start3A_297] : memref<2560x128xi32, #tpu.memory_space<hbm>> -> memref<16x128xi32, #tpu.memory_space<hbm>>
          %dma_start3A_299 = arith.constant 0 : i32
          %dma_start3A_300 = tpu.memref_slice %arg8[%add3A, %dma_start3A_299] : memref<2560x128xi32, #tpu.memory_space<hbm>> -> memref<16x128xi32, #tpu.memory_space<hbm>>
          tpu.enqueue_dma source(%dma_start3A_300 : memref<16x128xi32, #tpu.memory_space<hbm>>) target(%arg17 : memref<16x128xi32, #tpu.memory_space<vmem>>) target_semaphore(%run_scoped3A_296 : memref<!tpu.dma_semaphore, #tpu.memory_space<semaphore_mem>>)
          %dma_wait3A_301 = arith.constant 0 : i32
          %dma_wait3A_302 = tpu.memref_slice %arg8[%add3A, %dma_wait3A_301] : memref<2560x128xi32, #tpu.memory_space<hbm>> -> memref<16x128xi32, #tpu.memory_space<hbm>>
          %dma_wait3A_303 = arith.constant 0 : i32
          %dma_wait3A_304 = tpu.memref_slice %arg8[%add3A, %dma_wait3A_303] : memref<2560x128xi32, #tpu.memory_space<hbm>> -> memref<16x128xi32, #tpu.memory_space<hbm>>
          tpu.wait_dma2 semaphore(%run_scoped3A_296 : memref<!tpu.dma_semaphore, #tpu.memory_space<semaphore_mem>>) src(%dma_wait3A_304 : memref<16x128xi32, #tpu.memory_space<hbm>>) dst(%arg17 : memref<16x128xi32, #tpu.memory_space<vmem>>)
          tpu.yield
        }) : () -> ()
        "tpu.region"() ({
          %run_scoped3A_296 = tpu.sem_alloc : memref<!tpu.dma_semaphore, #tpu.memory_space<semaphore_mem>>
          %dma_start3A_297 = arith.constant 0 : i32
          %dma_start3A_298 = tpu.memref_slice %arg9[%add3A, %dma_start3A_297] : memref<2560x128xi32, #tpu.memory_space<hbm>> -> memref<16x128xi32, #tpu.memory_space<hbm>>
          %dma_start3A_299 = arith.constant 0 : i32
          %dma_start3A_300 = tpu.memref_slice %arg9[%add3A, %dma_start3A_299] : memref<2560x128xi32, #tpu.memory_space<hbm>> -> memref<16x128xi32, #tpu.memory_space<hbm>>
          tpu.enqueue_dma source(%dma_start3A_300 : memref<16x128xi32, #tpu.memory_space<hbm>>) target(%arg18 : memref<16x128xi32, #tpu.memory_space<vmem>>) target_semaphore(%run_scoped3A_296 : memref<!tpu.dma_semaphore, #tpu.memory_space<semaphore_mem>>)
          %dma_wait3A_301 = arith.constant 0 : i32
          %dma_wait3A_302 = tpu.memref_slice %arg9[%add3A, %dma_wait3A_301] : memref<2560x128xi32, #tpu.memory_space<hbm>> -> memref<16x128xi32, #tpu.memory_space<hbm>>
          %dma_wait3A_303 = arith.constant 0 : i32
          %dma_wait3A_304 = tpu.memref_slice %arg9[%add3A, %dma_wait3A_303] : memref<2560x128xi32, #tpu.memory_space<hbm>> -> memref<16x128xi32, #tpu.memory_space<hbm>>
          tpu.wait_dma2 semaphore(%run_scoped3A_296 : memref<!tpu.dma_semaphore, #tpu.memory_space<semaphore_mem>>) src(%dma_wait3A_304 : memref<16x128xi32, #tpu.memory_space<hbm>>) dst(%arg18 : memref<16x128xi32, #tpu.memory_space<vmem>>)
          tpu.yield
        }) : () -> ()
        %dma_start3A = arith.constant 0 : i32
        %dma_start3A_59 = arith.constant 0 : i32
        %dma_start3A_60 = tpu.memref_slice %arg17[%dma_start3A, %dma_start3A_59] : memref<16x128xi32, #tpu.memory_space<vmem>> -> memref<1x128xi32, #tpu.memory_space<vmem>>
        %dma_start3A_61 = tpu.memref_squeeze %dma_start3A_60 : memref<1x128xi32, #tpu.memory_space<vmem>> -> memref<128xi32, #tpu.memory_space<vmem>>
        %dma_start3A_62 = arith.constant 0 : i32
        %dma_start3A_63 = arith.constant 0 : i32
        %dma_start3A_64 = tpu.memref_slice %arg2[%dma_start3A_62, %dma_start3A_63] : memref<10016x128xf32, #tpu.memory_space<hbm>> -> memref<10016x128xf32, #tpu.memory_space<hbm>>
        tpu.enqueue_indirect_dma source(%dma_start3A_64 : memref<10016x128xf32, #tpu.memory_space<hbm>>) target(%arg19 : memref<128x128xf32, #tpu.memory_space<vmem>>) offsets(%dma_start3A_61 : memref<128xi32, #tpu.memory_space<vmem>>) semaphore(%arg22 : memref<!tpu.dma_semaphore, #tpu.memory_space<semaphore_mem>>)
        %dma_wait3A = arith.constant 0 : i32
        %dma_wait3A_65 = arith.constant 0 : i32
        %dma_wait3A_66 = tpu.memref_slice %arg17[%dma_wait3A, %dma_wait3A_65] : memref<16x128xi32, #tpu.memory_space<vmem>> -> memref<1x128xi32, #tpu.memory_space<vmem>>
        %dma_wait3A_67 = tpu.memref_squeeze %dma_wait3A_66 : memref<1x128xi32, #tpu.memory_space<vmem>> -> memref<128xi32, #tpu.memory_space<vmem>>
        %dma_wait3A_68 = arith.constant 0 : i32
        %dma_wait3A_69 = arith.constant 0 : i32
        %dma_wait3A_70 = tpu.memref_slice %arg2[%dma_wait3A_68, %dma_wait3A_69] : memref<10016x128xf32, #tpu.memory_space<hbm>> -> memref<10016x128xf32, #tpu.memory_space<hbm>>
        tpu.wait_indirect_dma semaphore(%arg22 : memref<!tpu.dma_semaphore, #tpu.memory_space<semaphore_mem>>) src(%dma_wait3A_70 : memref<10016x128xf32, #tpu.memory_space<hbm>>) dst(%arg19 : memref<128x128xf32, #tpu.memory_space<vmem>>)
        %dma_start3A_71 = arith.constant 1 : i32
        %dma_start3A_72 = arith.constant 0 : i32
        %dma_start3A_73 = tpu.memref_slice %arg17[%dma_start3A_71, %dma_start3A_72] : memref<16x128xi32, #tpu.memory_space<vmem>> -> memref<1x128xi32, #tpu.memory_space<vmem>>
        %dma_start3A_74 = tpu.memref_squeeze %dma_start3A_73 : memref<1x128xi32, #tpu.memory_space<vmem>> -> memref<128xi32, #tpu.memory_space<vmem>>
        %dma_start3A_75 = arith.constant 0 : i32
        %dma_start3A_76 = arith.constant 0 : i32
        %dma_start3A_77 = tpu.memref_slice %arg2[%dma_start3A_75, %dma_start3A_76] : memref<10016x128xf32, #tpu.memory_space<hbm>> -> memref<10016x128xf32, #tpu.memory_space<hbm>>
        tpu.enqueue_indirect_dma source(%dma_start3A_77 : memref<10016x128xf32, #tpu.memory_space<hbm>>) target(%arg20 : memref<128x128xf32, #tpu.memory_space<vmem>>) offsets(%dma_start3A_74 : memref<128xi32, #tpu.memory_space<vmem>>) semaphore(%arg23 : memref<!tpu.dma_semaphore, #tpu.memory_space<semaphore_mem>>)
        %run_scoped3A = arith.constant 0 : i32
        "tpu.region"() ({
          %run_scoped3A_296 = tpu.sem_alloc : memref<!tpu.dma_semaphore, #tpu.memory_space<semaphore_mem>>
          %dma_start3A_297 = arith.constant 0 : i32
          %dma_start3A_298 = tpu.memref_slice %arg18[%run_scoped3A, %dma_start3A_297] : memref<16x128xi32, #tpu.memory_space<vmem>> -> memref<1x128xi32, #tpu.memory_space<vmem>>
          %dma_start3A_299 = tpu.memref_squeeze %dma_start3A_298 : memref<1x128xi32, #tpu.memory_space<vmem>> -> memref<128xi32, #tpu.memory_space<vmem>>
          %dma_start3A_300 = arith.constant 0 : i32
          %dma_start3A_301 = arith.constant 0 : i32
          %dma_start3A_302 = tpu.memref_slice %arg21[%dma_start3A_300, %dma_start3A_301] : memref<10032x128xf32, #tpu.memory_space<vmem_shared>> -> memref<10032x128xf32, #tpu.memory_space<vmem_shared>>
          tpu.enqueue_indirect_dma source(%arg19 : memref<128x128xf32, #tpu.memory_space<vmem>>) target(%dma_start3A_302 : memref<10032x128xf32, #tpu.memory_space<vmem_shared>>) offsets(%dma_start3A_299 : memref<128xi32, #tpu.memory_space<vmem>>) semaphore(%run_scoped3A_296 : memref<!tpu.dma_semaphore, #tpu.memory_space<semaphore_mem>>) {add = true}
          %dma_wait3A_303 = arith.constant 0 : i32
          %dma_wait3A_304 = tpu.memref_slice %arg18[%run_scoped3A, %dma_wait3A_303] : memref<16x128xi32, #tpu.memory_space<vmem>> -> memref<1x128xi32, #tpu.memory_space<vmem>>
          %dma_wait3A_305 = tpu.memref_squeeze %dma_wait3A_304 : memref<1x128xi32, #tpu.memory_space<vmem>> -> memref<128xi32, #tpu.memory_space<vmem>>
          %dma_wait3A_306 = arith.constant 0 : i32
          %dma_wait3A_307 = arith.constant 0 : i32
          %dma_wait3A_308 = tpu.memref_slice %arg21[%dma_wait3A_306, %dma_wait3A_307] : memref<10032x128xf32, #tpu.memory_space<vmem_shared>> -> memref<10032x128xf32, #tpu.memory_space<vmem_shared>>
          tpu.wait_indirect_dma semaphore(%run_scoped3A_296 : memref<!tpu.dma_semaphore, #tpu.memory_space<semaphore_mem>>) src(%arg19 : memref<128x128xf32, #tpu.memory_space<vmem>>) dst(%dma_wait3A_308 : memref<10032x128xf32, #tpu.memory_space<vmem_shared>>)
          tpu.yield
        }) : () -> ()
        %dma_wait3A_78 = arith.constant 1 : i32
        %dma_wait3A_79 = arith.constant 0 : i32
        %dma_wait3A_80 = tpu.memref_slice %arg17[%dma_wait3A_78, %dma_wait3A_79] : memref<16x128xi32, #tpu.memory_space<vmem>> -> memref<1x128xi32, #tpu.memory_space<vmem>>
        %dma_wait3A_81 = tpu.memref_squeeze %dma_wait3A_80 : memref<1x128xi32, #tpu.memory_space<vmem>> -> memref<128xi32, #tpu.memory_space<vmem>>
        %dma_wait3A_82 = arith.constant 0 : i32
        %dma_wait3A_83 = arith.constant 0 : i32
        %dma_wait3A_84 = tpu.memref_slice %arg2[%dma_wait3A_82, %dma_wait3A_83] : memref<10016x128xf32, #tpu.memory_space<hbm>> -> memref<10016x128xf32, #tpu.memory_space<hbm>>
        tpu.wait_indirect_dma semaphore(%arg23 : memref<!tpu.dma_semaphore, #tpu.memory_space<semaphore_mem>>) src(%dma_wait3A_84 : memref<10016x128xf32, #tpu.memory_space<hbm>>) dst(%arg20 : memref<128x128xf32, #tpu.memory_space<vmem>>)
        %dma_start3A_85 = arith.constant 2 : i32
        %dma_start3A_86 = arith.constant 0 : i32
        %dma_start3A_87 = tpu.memref_slice %arg17[%dma_start3A_85, %dma_start3A_86] : memref<16x128xi32, #tpu.memory_space<vmem>> -> memref<1x128xi32, #tpu.memory_space<vmem>>
        %dma_start3A_88 = tpu.memref_squeeze %dma_start3A_87 : memref<1x128xi32, #tpu.memory_space<vmem>> -> memref<128xi32, #tpu.memory_space<vmem>>
        %dma_start3A_89 = arith.constant 0 : i32
        %dma_start3A_90 = arith.constant 0 : i32
        %dma_start3A_91 = tpu.memref_slice %arg2[%dma_start3A_89, %dma_start3A_90] : memref<10016x128xf32, #tpu.memory_space<hbm>> -> memref<10016x128xf32, #tpu.memory_space<hbm>>
        tpu.enqueue_indirect_dma source(%dma_start3A_91 : memref<10016x128xf32, #tpu.memory_space<hbm>>) target(%arg19 : memref<128x128xf32, #tpu.memory_space<vmem>>) offsets(%dma_start3A_88 : memref<128xi32, #tpu.memory_space<vmem>>) semaphore(%arg22 : memref<!tpu.dma_semaphore, #tpu.memory_space<semaphore_mem>>)
        %run_scoped3A_92 = arith.constant 1 : i32
        "tpu.region"() ({
          %run_scoped3A_296 = tpu.sem_alloc : memref<!tpu.dma_semaphore, #tpu.memory_space<semaphore_mem>>
          %dma_start3A_297 = arith.constant 0 : i32
          %dma_start3A_298 = tpu.memref_slice %arg18[%run_scoped3A_92, %dma_start3A_297] : memref<16x128xi32, #tpu.memory_space<vmem>> -> memref<1x128xi32, #tpu.memory_space<vmem>>
          %dma_start3A_299 = tpu.memref_squeeze %dma_start3A_298 : memref<1x128xi32, #tpu.memory_space<vmem>> -> memref<128xi32, #tpu.memory_space<vmem>>
          %dma_start3A_300 = arith.constant 0 : i32
          %dma_start3A_301 = arith.constant 0 : i32
          %dma_start3A_302 = tpu.memref_slice %arg21[%dma_start3A_300, %dma_start3A_301] : memref<10032x128xf32, #tpu.memory_space<vmem_shared>> -> memref<10032x128xf32, #tpu.memory_space<vmem_shared>>
          tpu.enqueue_indirect_dma source(%arg20 : memref<128x128xf32, #tpu.memory_space<vmem>>) target(%dma_start3A_302 : memref<10032x128xf32, #tpu.memory_space<vmem_shared>>) offsets(%dma_start3A_299 : memref<128xi32, #tpu.memory_space<vmem>>) semaphore(%run_scoped3A_296 : memref<!tpu.dma_semaphore, #tpu.memory_space<semaphore_mem>>) {add = true}
          %dma_wait3A_303 = arith.constant 0 : i32
          %dma_wait3A_304 = tpu.memref_slice %arg18[%run_scoped3A_92, %dma_wait3A_303] : memref<16x128xi32, #tpu.memory_space<vmem>> -> memref<1x128xi32, #tpu.memory_space<vmem>>
          %dma_wait3A_305 = tpu.memref_squeeze %dma_wait3A_304 : memref<1x128xi32, #tpu.memory_space<vmem>> -> memref<128xi32, #tpu.memory_space<vmem>>
          %dma_wait3A_306 = arith.constant 0 : i32
          %dma_wait3A_307 = arith.constant 0 : i32
          %dma_wait3A_308 = tpu.memref_slice %arg21[%dma_wait3A_306, %dma_wait3A_307] : memref<10032x128xf32, #tpu.memory_space<vmem_shared>> -> memref<10032x128xf32, #tpu.memory_space<vmem_shared>>
          tpu.wait_indirect_dma semaphore(%run_scoped3A_296 : memref<!tpu.dma_semaphore, #tpu.memory_space<semaphore_mem>>) src(%arg20 : memref<128x128xf32, #tpu.memory_space<vmem>>) dst(%dma_wait3A_308 : memref<10032x128xf32, #tpu.memory_space<vmem_shared>>)
          tpu.yield
        }) : () -> ()
        %dma_wait3A_93 = arith.constant 2 : i32
        %dma_wait3A_94 = arith.constant 0 : i32
        %dma_wait3A_95 = tpu.memref_slice %arg17[%dma_wait3A_93, %dma_wait3A_94] : memref<16x128xi32, #tpu.memory_space<vmem>> -> memref<1x128xi32, #tpu.memory_space<vmem>>
        %dma_wait3A_96 = tpu.memref_squeeze %dma_wait3A_95 : memref<1x128xi32, #tpu.memory_space<vmem>> -> memref<128xi32, #tpu.memory_space<vmem>>
        %dma_wait3A_97 = arith.constant 0 : i32
        %dma_wait3A_98 = arith.constant 0 : i32
        %dma_wait3A_99 = tpu.memref_slice %arg2[%dma_wait3A_97, %dma_wait3A_98] : memref<10016x128xf32, #tpu.memory_space<hbm>> -> memref<10016x128xf32, #tpu.memory_space<hbm>>
        tpu.wait_indirect_dma semaphore(%arg22 : memref<!tpu.dma_semaphore, #tpu.memory_space<semaphore_mem>>) src(%dma_wait3A_99 : memref<10016x128xf32, #tpu.memory_space<hbm>>) dst(%arg19 : memref<128x128xf32, #tpu.memory_space<vmem>>)
        %dma_start3A_100 = arith.constant 3 : i32
        %dma_start3A_101 = arith.constant 0 : i32
        %dma_start3A_102 = tpu.memref_slice %arg17[%dma_start3A_100, %dma_start3A_101] : memref<16x128xi32, #tpu.memory_space<vmem>> -> memref<1x128xi32, #tpu.memory_space<vmem>>
        %dma_start3A_103 = tpu.memref_squeeze %dma_start3A_102 : memref<1x128xi32, #tpu.memory_space<vmem>> -> memref<128xi32, #tpu.memory_space<vmem>>
        %dma_start3A_104 = arith.constant 0 : i32
        %dma_start3A_105 = arith.constant 0 : i32
        %dma_start3A_106 = tpu.memref_slice %arg2[%dma_start3A_104, %dma_start3A_105] : memref<10016x128xf32, #tpu.memory_space<hbm>> -> memref<10016x128xf32, #tpu.memory_space<hbm>>
        tpu.enqueue_indirect_dma source(%dma_start3A_106 : memref<10016x128xf32, #tpu.memory_space<hbm>>) target(%arg20 : memref<128x128xf32, #tpu.memory_space<vmem>>) offsets(%dma_start3A_103 : memref<128xi32, #tpu.memory_space<vmem>>) semaphore(%arg23 : memref<!tpu.dma_semaphore, #tpu.memory_space<semaphore_mem>>)
        %run_scoped3A_107 = arith.constant 2 : i32
        "tpu.region"() ({
          %run_scoped3A_296 = tpu.sem_alloc : memref<!tpu.dma_semaphore, #tpu.memory_space<semaphore_mem>>
          %dma_start3A_297 = arith.constant 0 : i32
          %dma_start3A_298 = tpu.memref_slice %arg18[%run_scoped3A_107, %dma_start3A_297] : memref<16x128xi32, #tpu.memory_space<vmem>> -> memref<1x128xi32, #tpu.memory_space<vmem>>
          %dma_start3A_299 = tpu.memref_squeeze %dma_start3A_298 : memref<1x128xi32, #tpu.memory_space<vmem>> -> memref<128xi32, #tpu.memory_space<vmem>>
          %dma_start3A_300 = arith.constant 0 : i32
          %dma_start3A_301 = arith.constant 0 : i32
          %dma_start3A_302 = tpu.memref_slice %arg21[%dma_start3A_300, %dma_start3A_301] : memref<10032x128xf32, #tpu.memory_space<vmem_shared>> -> memref<10032x128xf32, #tpu.memory_space<vmem_shared>>
          tpu.enqueue_indirect_dma source(%arg19 : memref<128x128xf32, #tpu.memory_space<vmem>>) target(%dma_start3A_302 : memref<10032x128xf32, #tpu.memory_space<vmem_shared>>) offsets(%dma_start3A_299 : memref<128xi32, #tpu.memory_space<vmem>>) semaphore(%run_scoped3A_296 : memref<!tpu.dma_semaphore, #tpu.memory_space<semaphore_mem>>) {add = true}
          %dma_wait3A_303 = arith.constant 0 : i32
          %dma_wait3A_304 = tpu.memref_slice %arg18[%run_scoped3A_107, %dma_wait3A_303] : memref<16x128xi32, #tpu.memory_space<vmem>> -> memref<1x128xi32, #tpu.memory_space<vmem>>
          %dma_wait3A_305 = tpu.memref_squeeze %dma_wait3A_304 : memref<1x128xi32, #tpu.memory_space<vmem>> -> memref<128xi32, #tpu.memory_space<vmem>>
          %dma_wait3A_306 = arith.constant 0 : i32
          %dma_wait3A_307 = arith.constant 0 : i32
          %dma_wait3A_308 = tpu.memref_slice %arg21[%dma_wait3A_306, %dma_wait3A_307] : memref<10032x128xf32, #tpu.memory_space<vmem_shared>> -> memref<10032x128xf32, #tpu.memory_space<vmem_shared>>
          tpu.wait_indirect_dma semaphore(%run_scoped3A_296 : memref<!tpu.dma_semaphore, #tpu.memory_space<semaphore_mem>>) src(%arg19 : memref<128x128xf32, #tpu.memory_space<vmem>>) dst(%dma_wait3A_308 : memref<10032x128xf32, #tpu.memory_space<vmem_shared>>)
          tpu.yield
        }) : () -> ()
        %dma_wait3A_108 = arith.constant 3 : i32
        %dma_wait3A_109 = arith.constant 0 : i32
        %dma_wait3A_110 = tpu.memref_slice %arg17[%dma_wait3A_108, %dma_wait3A_109] : memref<16x128xi32, #tpu.memory_space<vmem>> -> memref<1x128xi32, #tpu.memory_space<vmem>>
        %dma_wait3A_111 = tpu.memref_squeeze %dma_wait3A_110 : memref<1x128xi32, #tpu.memory_space<vmem>> -> memref<128xi32, #tpu.memory_space<vmem>>
        %dma_wait3A_112 = arith.constant 0 : i32
        %dma_wait3A_113 = arith.constant 0 : i32
        %dma_wait3A_114 = tpu.memref_slice %arg2[%dma_wait3A_112, %dma_wait3A_113] : memref<10016x128xf32, #tpu.memory_space<hbm>> -> memref<10016x128xf32, #tpu.memory_space<hbm>>
        tpu.wait_indirect_dma semaphore(%arg23 : memref<!tpu.dma_semaphore, #tpu.memory_space<semaphore_mem>>) src(%dma_wait3A_114 : memref<10016x128xf32, #tpu.memory_space<hbm>>) dst(%arg20 : memref<128x128xf32, #tpu.memory_space<vmem>>)
        %dma_start3A_115 = arith.constant 4 : i32
        %dma_start3A_116 = arith.constant 0 : i32
        %dma_start3A_117 = tpu.memref_slice %arg17[%dma_start3A_115, %dma_start3A_116] : memref<16x128xi32, #tpu.memory_space<vmem>> -> memref<1x128xi32, #tpu.memory_space<vmem>>
        %dma_start3A_118 = tpu.memref_squeeze %dma_start3A_117 : memref<1x128xi32, #tpu.memory_space<vmem>> -> memref<128xi32, #tpu.memory_space<vmem>>
        %dma_start3A_119 = arith.constant 0 : i32
        %dma_start3A_120 = arith.constant 0 : i32
        %dma_start3A_121 = tpu.memref_slice %arg2[%dma_start3A_119, %dma_start3A_120] : memref<10016x128xf32, #tpu.memory_space<hbm>> -> memref<10016x128xf32, #tpu.memory_space<hbm>>
        tpu.enqueue_indirect_dma source(%dma_start3A_121 : memref<10016x128xf32, #tpu.memory_space<hbm>>) target(%arg19 : memref<128x128xf32, #tpu.memory_space<vmem>>) offsets(%dma_start3A_118 : memref<128xi32, #tpu.memory_space<vmem>>) semaphore(%arg22 : memref<!tpu.dma_semaphore, #tpu.memory_space<semaphore_mem>>)
        %run_scoped3A_122 = arith.constant 3 : i32
        "tpu.region"() ({
          %run_scoped3A_296 = tpu.sem_alloc : memref<!tpu.dma_semaphore, #tpu.memory_space<semaphore_mem>>
          %dma_start3A_297 = arith.constant 0 : i32
          %dma_start3A_298 = tpu.memref_slice %arg18[%run_scoped3A_122, %dma_start3A_297] : memref<16x128xi32, #tpu.memory_space<vmem>> -> memref<1x128xi32, #tpu.memory_space<vmem>>
          %dma_start3A_299 = tpu.memref_squeeze %dma_start3A_298 : memref<1x128xi32, #tpu.memory_space<vmem>> -> memref<128xi32, #tpu.memory_space<vmem>>
          %dma_start3A_300 = arith.constant 0 : i32
          %dma_start3A_301 = arith.constant 0 : i32
          %dma_start3A_302 = tpu.memref_slice %arg21[%dma_start3A_300, %dma_start3A_301] : memref<10032x128xf32, #tpu.memory_space<vmem_shared>> -> memref<10032x128xf32, #tpu.memory_space<vmem_shared>>
          tpu.enqueue_indirect_dma source(%arg20 : memref<128x128xf32, #tpu.memory_space<vmem>>) target(%dma_start3A_302 : memref<10032x128xf32, #tpu.memory_space<vmem_shared>>) offsets(%dma_start3A_299 : memref<128xi32, #tpu.memory_space<vmem>>) semaphore(%run_scoped3A_296 : memref<!tpu.dma_semaphore, #tpu.memory_space<semaphore_mem>>) {add = true}
          %dma_wait3A_303 = arith.constant 0 : i32
          %dma_wait3A_304 = tpu.memref_slice %arg18[%run_scoped3A_122, %dma_wait3A_303] : memref<16x128xi32, #tpu.memory_space<vmem>> -> memref<1x128xi32, #tpu.memory_space<vmem>>
          %dma_wait3A_305 = tpu.memref_squeeze %dma_wait3A_304 : memref<1x128xi32, #tpu.memory_space<vmem>> -> memref<128xi32, #tpu.memory_space<vmem>>
          %dma_wait3A_306 = arith.constant 0 : i32
          %dma_wait3A_307 = arith.constant 0 : i32
          %dma_wait3A_308 = tpu.memref_slice %arg21[%dma_wait3A_306, %dma_wait3A_307] : memref<10032x128xf32, #tpu.memory_space<vmem_shared>> -> memref<10032x128xf32, #tpu.memory_space<vmem_shared>>
          tpu.wait_indirect_dma semaphore(%run_scoped3A_296 : memref<!tpu.dma_semaphore, #tpu.memory_space<semaphore_mem>>) src(%arg20 : memref<128x128xf32, #tpu.memory_space<vmem>>) dst(%dma_wait3A_308 : memref<10032x128xf32, #tpu.memory_space<vmem_shared>>)
          tpu.yield
        }) : () -> ()
        %dma_wait3A_123 = arith.constant 4 : i32
        %dma_wait3A_124 = arith.constant 0 : i32
        %dma_wait3A_125 = tpu.memref_slice %arg17[%dma_wait3A_123, %dma_wait3A_124] : memref<16x128xi32, #tpu.memory_space<vmem>> -> memref<1x128xi32, #tpu.memory_space<vmem>>
        %dma_wait3A_126 = tpu.memref_squeeze %dma_wait3A_125 : memref<1x128xi32, #tpu.memory_space<vmem>> -> memref<128xi32, #tpu.memory_space<vmem>>
        %dma_wait3A_127 = arith.constant 0 : i32
        %dma_wait3A_128 = arith.constant 0 : i32
        %dma_wait3A_129 = tpu.memref_slice %arg2[%dma_wait3A_127, %dma_wait3A_128] : memref<10016x128xf32, #tpu.memory_space<hbm>> -> memref<10016x128xf32, #tpu.memory_space<hbm>>
        tpu.wait_indirect_dma semaphore(%arg22 : memref<!tpu.dma_semaphore, #tpu.memory_space<semaphore_mem>>) src(%dma_wait3A_129 : memref<10016x128xf32, #tpu.memory_space<hbm>>) dst(%arg19 : memref<128x128xf32, #tpu.memory_space<vmem>>)
        %dma_start3A_130 = arith.constant 5 : i32
        %dma_start3A_131 = arith.constant 0 : i32
        %dma_start3A_132 = tpu.memref_slice %arg17[%dma_start3A_130, %dma_start3A_131] : memref<16x128xi32, #tpu.memory_space<vmem>> -> memref<1x128xi32, #tpu.memory_space<vmem>>
        %dma_start3A_133 = tpu.memref_squeeze %dma_start3A_132 : memref<1x128xi32, #tpu.memory_space<vmem>> -> memref<128xi32, #tpu.memory_space<vmem>>
        %dma_start3A_134 = arith.constant 0 : i32
        %dma_start3A_135 = arith.constant 0 : i32
        %dma_start3A_136 = tpu.memref_slice %arg2[%dma_start3A_134, %dma_start3A_135] : memref<10016x128xf32, #tpu.memory_space<hbm>> -> memref<10016x128xf32, #tpu.memory_space<hbm>>
        tpu.enqueue_indirect_dma source(%dma_start3A_136 : memref<10016x128xf32, #tpu.memory_space<hbm>>) target(%arg20 : memref<128x128xf32, #tpu.memory_space<vmem>>) offsets(%dma_start3A_133 : memref<128xi32, #tpu.memory_space<vmem>>) semaphore(%arg23 : memref<!tpu.dma_semaphore, #tpu.memory_space<semaphore_mem>>)
        %run_scoped3A_137 = arith.constant 4 : i32
        "tpu.region"() ({
          %run_scoped3A_296 = tpu.sem_alloc : memref<!tpu.dma_semaphore, #tpu.memory_space<semaphore_mem>>
          %dma_start3A_297 = arith.constant 0 : i32
          %dma_start3A_298 = tpu.memref_slice %arg18[%run_scoped3A_137, %dma_start3A_297] : memref<16x128xi32, #tpu.memory_space<vmem>> -> memref<1x128xi32, #tpu.memory_space<vmem>>
          %dma_start3A_299 = tpu.memref_squeeze %dma_start3A_298 : memref<1x128xi32, #tpu.memory_space<vmem>> -> memref<128xi32, #tpu.memory_space<vmem>>
          %dma_start3A_300 = arith.constant 0 : i32
          %dma_start3A_301 = arith.constant 0 : i32
          %dma_start3A_302 = tpu.memref_slice %arg21[%dma_start3A_300, %dma_start3A_301] : memref<10032x128xf32, #tpu.memory_space<vmem_shared>> -> memref<10032x128xf32, #tpu.memory_space<vmem_shared>>
          tpu.enqueue_indirect_dma source(%arg19 : memref<128x128xf32, #tpu.memory_space<vmem>>) target(%dma_start3A_302 : memref<10032x128xf32, #tpu.memory_space<vmem_shared>>) offsets(%dma_start3A_299 : memref<128xi32, #tpu.memory_space<vmem>>) semaphore(%run_scoped3A_296 : memref<!tpu.dma_semaphore, #tpu.memory_space<semaphore_mem>>) {add = true}
          %dma_wait3A_303 = arith.constant 0 : i32
          %dma_wait3A_304 = tpu.memref_slice %arg18[%run_scoped3A_137, %dma_wait3A_303] : memref<16x128xi32, #tpu.memory_space<vmem>> -> memref<1x128xi32, #tpu.memory_space<vmem>>
          %dma_wait3A_305 = tpu.memref_squeeze %dma_wait3A_304 : memref<1x128xi32, #tpu.memory_space<vmem>> -> memref<128xi32, #tpu.memory_space<vmem>>
          %dma_wait3A_306 = arith.constant 0 : i32
          %dma_wait3A_307 = arith.constant 0 : i32
          %dma_wait3A_308 = tpu.memref_slice %arg21[%dma_wait3A_306, %dma_wait3A_307] : memref<10032x128xf32, #tpu.memory_space<vmem_shared>> -> memref<10032x128xf32, #tpu.memory_space<vmem_shared>>
          tpu.wait_indirect_dma semaphore(%run_scoped3A_296 : memref<!tpu.dma_semaphore, #tpu.memory_space<semaphore_mem>>) src(%arg19 : memref<128x128xf32, #tpu.memory_space<vmem>>) dst(%dma_wait3A_308 : memref<10032x128xf32, #tpu.memory_space<vmem_shared>>)
          tpu.yield
        }) : () -> ()
        %dma_wait3A_138 = arith.constant 5 : i32
        %dma_wait3A_139 = arith.constant 0 : i32
        %dma_wait3A_140 = tpu.memref_slice %arg17[%dma_wait3A_138, %dma_wait3A_139] : memref<16x128xi32, #tpu.memory_space<vmem>> -> memref<1x128xi32, #tpu.memory_space<vmem>>
        %dma_wait3A_141 = tpu.memref_squeeze %dma_wait3A_140 : memref<1x128xi32, #tpu.memory_space<vmem>> -> memref<128xi32, #tpu.memory_space<vmem>>
        %dma_wait3A_142 = arith.constant 0 : i32
        %dma_wait3A_143 = arith.constant 0 : i32
        %dma_wait3A_144 = tpu.memref_slice %arg2[%dma_wait3A_142, %dma_wait3A_143] : memref<10016x128xf32, #tpu.memory_space<hbm>> -> memref<10016x128xf32, #tpu.memory_space<hbm>>
        tpu.wait_indirect_dma semaphore(%arg23 : memref<!tpu.dma_semaphore, #tpu.memory_space<semaphore_mem>>) src(%dma_wait3A_144 : memref<10016x128xf32, #tpu.memory_space<hbm>>) dst(%arg20 : memref<128x128xf32, #tpu.memory_space<vmem>>)
        %dma_start3A_145 = arith.constant 6 : i32
        %dma_start3A_146 = arith.constant 0 : i32
        %dma_start3A_147 = tpu.memref_slice %arg17[%dma_start3A_145, %dma_start3A_146] : memref<16x128xi32, #tpu.memory_space<vmem>> -> memref<1x128xi32, #tpu.memory_space<vmem>>
        %dma_start3A_148 = tpu.memref_squeeze %dma_start3A_147 : memref<1x128xi32, #tpu.memory_space<vmem>> -> memref<128xi32, #tpu.memory_space<vmem>>
        %dma_start3A_149 = arith.constant 0 : i32
        %dma_start3A_150 = arith.constant 0 : i32
        %dma_start3A_151 = tpu.memref_slice %arg2[%dma_start3A_149, %dma_start3A_150] : memref<10016x128xf32, #tpu.memory_space<hbm>> -> memref<10016x128xf32, #tpu.memory_space<hbm>>
        tpu.enqueue_indirect_dma source(%dma_start3A_151 : memref<10016x128xf32, #tpu.memory_space<hbm>>) target(%arg19 : memref<128x128xf32, #tpu.memory_space<vmem>>) offsets(%dma_start3A_148 : memref<128xi32, #tpu.memory_space<vmem>>) semaphore(%arg22 : memref<!tpu.dma_semaphore, #tpu.memory_space<semaphore_mem>>)
        %run_scoped3A_152 = arith.constant 5 : i32
        "tpu.region"() ({
          %run_scoped3A_296 = tpu.sem_alloc : memref<!tpu.dma_semaphore, #tpu.memory_space<semaphore_mem>>
          %dma_start3A_297 = arith.constant 0 : i32
          %dma_start3A_298 = tpu.memref_slice %arg18[%run_scoped3A_152, %dma_start3A_297] : memref<16x128xi32, #tpu.memory_space<vmem>> -> memref<1x128xi32, #tpu.memory_space<vmem>>
          %dma_start3A_299 = tpu.memref_squeeze %dma_start3A_298 : memref<1x128xi32, #tpu.memory_space<vmem>> -> memref<128xi32, #tpu.memory_space<vmem>>
          %dma_start3A_300 = arith.constant 0 : i32
          %dma_start3A_301 = arith.constant 0 : i32
          %dma_start3A_302 = tpu.memref_slice %arg21[%dma_start3A_300, %dma_start3A_301] : memref<10032x128xf32, #tpu.memory_space<vmem_shared>> -> memref<10032x128xf32, #tpu.memory_space<vmem_shared>>
          tpu.enqueue_indirect_dma source(%arg20 : memref<128x128xf32, #tpu.memory_space<vmem>>) target(%dma_start3A_302 : memref<10032x128xf32, #tpu.memory_space<vmem_shared>>) offsets(%dma_start3A_299 : memref<128xi32, #tpu.memory_space<vmem>>) semaphore(%run_scoped3A_296 : memref<!tpu.dma_semaphore, #tpu.memory_space<semaphore_mem>>) {add = true}
          %dma_wait3A_303 = arith.constant 0 : i32
          %dma_wait3A_304 = tpu.memref_slice %arg18[%run_scoped3A_152, %dma_wait3A_303] : memref<16x128xi32, #tpu.memory_space<vmem>> -> memref<1x128xi32, #tpu.memory_space<vmem>>
          %dma_wait3A_305 = tpu.memref_squeeze %dma_wait3A_304 : memref<1x128xi32, #tpu.memory_space<vmem>> -> memref<128xi32, #tpu.memory_space<vmem>>
          %dma_wait3A_306 = arith.constant 0 : i32
          %dma_wait3A_307 = arith.constant 0 : i32
          %dma_wait3A_308 = tpu.memref_slice %arg21[%dma_wait3A_306, %dma_wait3A_307] : memref<10032x128xf32, #tpu.memory_space<vmem_shared>> -> memref<10032x128xf32, #tpu.memory_space<vmem_shared>>
          tpu.wait_indirect_dma semaphore(%run_scoped3A_296 : memref<!tpu.dma_semaphore, #tpu.memory_space<semaphore_mem>>) src(%arg20 : memref<128x128xf32, #tpu.memory_space<vmem>>) dst(%dma_wait3A_308 : memref<10032x128xf32, #tpu.memory_space<vmem_shared>>)
          tpu.yield
        }) : () -> ()
        %dma_wait3A_153 = arith.constant 6 : i32
        %dma_wait3A_154 = arith.constant 0 : i32
        %dma_wait3A_155 = tpu.memref_slice %arg17[%dma_wait3A_153, %dma_wait3A_154] : memref<16x128xi32, #tpu.memory_space<vmem>> -> memref<1x128xi32, #tpu.memory_space<vmem>>
        %dma_wait3A_156 = tpu.memref_squeeze %dma_wait3A_155 : memref<1x128xi32, #tpu.memory_space<vmem>> -> memref<128xi32, #tpu.memory_space<vmem>>
        %dma_wait3A_157 = arith.constant 0 : i32
        %dma_wait3A_158 = arith.constant 0 : i32
        %dma_wait3A_159 = tpu.memref_slice %arg2[%dma_wait3A_157, %dma_wait3A_158] : memref<10016x128xf32, #tpu.memory_space<hbm>> -> memref<10016x128xf32, #tpu.memory_space<hbm>>
        tpu.wait_indirect_dma semaphore(%arg22 : memref<!tpu.dma_semaphore, #tpu.memory_space<semaphore_mem>>) src(%dma_wait3A_159 : memref<10016x128xf32, #tpu.memory_space<hbm>>) dst(%arg19 : memref<128x128xf32, #tpu.memory_space<vmem>>)
        %dma_start3A_160 = arith.constant 7 : i32
        %dma_start3A_161 = arith.constant 0 : i32
        %dma_start3A_162 = tpu.memref_slice %arg17[%dma_start3A_160, %dma_start3A_161] : memref<16x128xi32, #tpu.memory_space<vmem>> -> memref<1x128xi32, #tpu.memory_space<vmem>>
        %dma_start3A_163 = tpu.memref_squeeze %dma_start3A_162 : memref<1x128xi32, #tpu.memory_space<vmem>> -> memref<128xi32, #tpu.memory_space<vmem>>
        %dma_start3A_164 = arith.constant 0 : i32
        %dma_start3A_165 = arith.constant 0 : i32
        %dma_start3A_166 = tpu.memref_slice %arg2[%dma_start3A_164, %dma_start3A_165] : memref<10016x128xf32, #tpu.memory_space<hbm>> -> memref<10016x128xf32, #tpu.memory_space<hbm>>
        tpu.enqueue_indirect_dma source(%dma_start3A_166 : memref<10016x128xf32, #tpu.memory_space<hbm>>) target(%arg20 : memref<128x128xf32, #tpu.memory_space<vmem>>) offsets(%dma_start3A_163 : memref<128xi32, #tpu.memory_space<vmem>>) semaphore(%arg23 : memref<!tpu.dma_semaphore, #tpu.memory_space<semaphore_mem>>)
        %run_scoped3A_167 = arith.constant 6 : i32
        "tpu.region"() ({
          %run_scoped3A_296 = tpu.sem_alloc : memref<!tpu.dma_semaphore, #tpu.memory_space<semaphore_mem>>
          %dma_start3A_297 = arith.constant 0 : i32
          %dma_start3A_298 = tpu.memref_slice %arg18[%run_scoped3A_167, %dma_start3A_297] : memref<16x128xi32, #tpu.memory_space<vmem>> -> memref<1x128xi32, #tpu.memory_space<vmem>>
          %dma_start3A_299 = tpu.memref_squeeze %dma_start3A_298 : memref<1x128xi32, #tpu.memory_space<vmem>> -> memref<128xi32, #tpu.memory_space<vmem>>
          %dma_start3A_300 = arith.constant 0 : i32
          %dma_start3A_301 = arith.constant 0 : i32
          %dma_start3A_302 = tpu.memref_slice %arg21[%dma_start3A_300, %dma_start3A_301] : memref<10032x128xf32, #tpu.memory_space<vmem_shared>> -> memref<10032x128xf32, #tpu.memory_space<vmem_shared>>
          tpu.enqueue_indirect_dma source(%arg19 : memref<128x128xf32, #tpu.memory_space<vmem>>) target(%dma_start3A_302 : memref<10032x128xf32, #tpu.memory_space<vmem_shared>>) offsets(%dma_start3A_299 : memref<128xi32, #tpu.memory_space<vmem>>) semaphore(%run_scoped3A_296 : memref<!tpu.dma_semaphore, #tpu.memory_space<semaphore_mem>>) {add = true}
          %dma_wait3A_303 = arith.constant 0 : i32
          %dma_wait3A_304 = tpu.memref_slice %arg18[%run_scoped3A_167, %dma_wait3A_303] : memref<16x128xi32, #tpu.memory_space<vmem>> -> memref<1x128xi32, #tpu.memory_space<vmem>>
          %dma_wait3A_305 = tpu.memref_squeeze %dma_wait3A_304 : memref<1x128xi32, #tpu.memory_space<vmem>> -> memref<128xi32, #tpu.memory_space<vmem>>
          %dma_wait3A_306 = arith.constant 0 : i32
          %dma_wait3A_307 = arith.constant 0 : i32
          %dma_wait3A_308 = tpu.memref_slice %arg21[%dma_wait3A_306, %dma_wait3A_307] : memref<10032x128xf32, #tpu.memory_space<vmem_shared>> -> memref<10032x128xf32, #tpu.memory_space<vmem_shared>>
          tpu.wait_indirect_dma semaphore(%run_scoped3A_296 : memref<!tpu.dma_semaphore, #tpu.memory_space<semaphore_mem>>) src(%arg19 : memref<128x128xf32, #tpu.memory_space<vmem>>) dst(%dma_wait3A_308 : memref<10032x128xf32, #tpu.memory_space<vmem_shared>>)
          tpu.yield
        }) : () -> ()
        %dma_wait3A_168 = arith.constant 7 : i32
        %dma_wait3A_169 = arith.constant 0 : i32
        %dma_wait3A_170 = tpu.memref_slice %arg17[%dma_wait3A_168, %dma_wait3A_169] : memref<16x128xi32, #tpu.memory_space<vmem>> -> memref<1x128xi32, #tpu.memory_space<vmem>>
        %dma_wait3A_171 = tpu.memref_squeeze %dma_wait3A_170 : memref<1x128xi32, #tpu.memory_space<vmem>> -> memref<128xi32, #tpu.memory_space<vmem>>
        %dma_wait3A_172 = arith.constant 0 : i32
        %dma_wait3A_173 = arith.constant 0 : i32
        %dma_wait3A_174 = tpu.memref_slice %arg2[%dma_wait3A_172, %dma_wait3A_173] : memref<10016x128xf32, #tpu.memory_space<hbm>> -> memref<10016x128xf32, #tpu.memory_space<hbm>>
        tpu.wait_indirect_dma semaphore(%arg23 : memref<!tpu.dma_semaphore, #tpu.memory_space<semaphore_mem>>) src(%dma_wait3A_174 : memref<10016x128xf32, #tpu.memory_space<hbm>>) dst(%arg20 : memref<128x128xf32, #tpu.memory_space<vmem>>)
        %dma_start3A_175 = arith.constant 8 : i32
        %dma_start3A_176 = arith.constant 0 : i32
        %dma_start3A_177 = tpu.memref_slice %arg17[%dma_start3A_175, %dma_start3A_176] : memref<16x128xi32, #tpu.memory_space<vmem>> -> memref<1x128xi32, #tpu.memory_space<vmem>>
        %dma_start3A_178 = tpu.memref_squeeze %dma_start3A_177 : memref<1x128xi32, #tpu.memory_space<vmem>> -> memref<128xi32, #tpu.memory_space<vmem>>
        %dma_start3A_179 = arith.constant 0 : i32
        %dma_start3A_180 = arith.constant 0 : i32
        %dma_start3A_181 = tpu.memref_slice %arg2[%dma_start3A_179, %dma_start3A_180] : memref<10016x128xf32, #tpu.memory_space<hbm>> -> memref<10016x128xf32, #tpu.memory_space<hbm>>
        tpu.enqueue_indirect_dma source(%dma_start3A_181 : memref<10016x128xf32, #tpu.memory_space<hbm>>) target(%arg19 : memref<128x128xf32, #tpu.memory_space<vmem>>) offsets(%dma_start3A_178 : memref<128xi32, #tpu.memory_space<vmem>>) semaphore(%arg22 : memref<!tpu.dma_semaphore, #tpu.memory_space<semaphore_mem>>)
        %run_scoped3A_182 = arith.constant 7 : i32
        "tpu.region"() ({
          %run_scoped3A_296 = tpu.sem_alloc : memref<!tpu.dma_semaphore, #tpu.memory_space<semaphore_mem>>
          %dma_start3A_297 = arith.constant 0 : i32
          %dma_start3A_298 = tpu.memref_slice %arg18[%run_scoped3A_182, %dma_start3A_297] : memref<16x128xi32, #tpu.memory_space<vmem>> -> memref<1x128xi32, #tpu.memory_space<vmem>>
          %dma_start3A_299 = tpu.memref_squeeze %dma_start3A_298 : memref<1x128xi32, #tpu.memory_space<vmem>> -> memref<128xi32, #tpu.memory_space<vmem>>
          %dma_start3A_300 = arith.constant 0 : i32
          %dma_start3A_301 = arith.constant 0 : i32
          %dma_start3A_302 = tpu.memref_slice %arg21[%dma_start3A_300, %dma_start3A_301] : memref<10032x128xf32, #tpu.memory_space<vmem_shared>> -> memref<10032x128xf32, #tpu.memory_space<vmem_shared>>
          tpu.enqueue_indirect_dma source(%arg20 : memref<128x128xf32, #tpu.memory_space<vmem>>) target(%dma_start3A_302 : memref<10032x128xf32, #tpu.memory_space<vmem_shared>>) offsets(%dma_start3A_299 : memref<128xi32, #tpu.memory_space<vmem>>) semaphore(%run_scoped3A_296 : memref<!tpu.dma_semaphore, #tpu.memory_space<semaphore_mem>>) {add = true}
          %dma_wait3A_303 = arith.constant 0 : i32
          %dma_wait3A_304 = tpu.memref_slice %arg18[%run_scoped3A_182, %dma_wait3A_303] : memref<16x128xi32, #tpu.memory_space<vmem>> -> memref<1x128xi32, #tpu.memory_space<vmem>>
          %dma_wait3A_305 = tpu.memref_squeeze %dma_wait3A_304 : memref<1x128xi32, #tpu.memory_space<vmem>> -> memref<128xi32, #tpu.memory_space<vmem>>
          %dma_wait3A_306 = arith.constant 0 : i32
          %dma_wait3A_307 = arith.constant 0 : i32
          %dma_wait3A_308 = tpu.memref_slice %arg21[%dma_wait3A_306, %dma_wait3A_307] : memref<10032x128xf32, #tpu.memory_space<vmem_shared>> -> memref<10032x128xf32, #tpu.memory_space<vmem_shared>>
          tpu.wait_indirect_dma semaphore(%run_scoped3A_296 : memref<!tpu.dma_semaphore, #tpu.memory_space<semaphore_mem>>) src(%arg20 : memref<128x128xf32, #tpu.memory_space<vmem>>) dst(%dma_wait3A_308 : memref<10032x128xf32, #tpu.memory_space<vmem_shared>>)
          tpu.yield
        }) : () -> ()
        %dma_wait3A_183 = arith.constant 8 : i32
        %dma_wait3A_184 = arith.constant 0 : i32
        %dma_wait3A_185 = tpu.memref_slice %arg17[%dma_wait3A_183, %dma_wait3A_184] : memref<16x128xi32, #tpu.memory_space<vmem>> -> memref<1x128xi32, #tpu.memory_space<vmem>>
        %dma_wait3A_186 = tpu.memref_squeeze %dma_wait3A_185 : memref<1x128xi32, #tpu.memory_space<vmem>> -> memref<128xi32, #tpu.memory_space<vmem>>
        %dma_wait3A_187 = arith.constant 0 : i32
        %dma_wait3A_188 = arith.constant 0 : i32
        %dma_wait3A_189 = tpu.memref_slice %arg2[%dma_wait3A_187, %dma_wait3A_188] : memref<10016x128xf32, #tpu.memory_space<hbm>> -> memref<10016x128xf32, #tpu.memory_space<hbm>>
        tpu.wait_indirect_dma semaphore(%arg22 : memref<!tpu.dma_semaphore, #tpu.memory_space<semaphore_mem>>) src(%dma_wait3A_189 : memref<10016x128xf32, #tpu.memory_space<hbm>>) dst(%arg19 : memref<128x128xf32, #tpu.memory_space<vmem>>)
        %dma_start3A_190 = arith.constant 9 : i32
        %dma_start3A_191 = arith.constant 0 : i32
        %dma_start3A_192 = tpu.memref_slice %arg17[%dma_start3A_190, %dma_start3A_191] : memref<16x128xi32, #tpu.memory_space<vmem>> -> memref<1x128xi32, #tpu.memory_space<vmem>>
        %dma_start3A_193 = tpu.memref_squeeze %dma_start3A_192 : memref<1x128xi32, #tpu.memory_space<vmem>> -> memref<128xi32, #tpu.memory_space<vmem>>
        %dma_start3A_194 = arith.constant 0 : i32
        %dma_start3A_195 = arith.constant 0 : i32
        %dma_start3A_196 = tpu.memref_slice %arg2[%dma_start3A_194, %dma_start3A_195] : memref<10016x128xf32, #tpu.memory_space<hbm>> -> memref<10016x128xf32, #tpu.memory_space<hbm>>
        tpu.enqueue_indirect_dma source(%dma_start3A_196 : memref<10016x128xf32, #tpu.memory_space<hbm>>) target(%arg20 : memref<128x128xf32, #tpu.memory_space<vmem>>) offsets(%dma_start3A_193 : memref<128xi32, #tpu.memory_space<vmem>>) semaphore(%arg23 : memref<!tpu.dma_semaphore, #tpu.memory_space<semaphore_mem>>)
        %run_scoped3A_197 = arith.constant 8 : i32
        "tpu.region"() ({
          %run_scoped3A_296 = tpu.sem_alloc : memref<!tpu.dma_semaphore, #tpu.memory_space<semaphore_mem>>
          %dma_start3A_297 = arith.constant 0 : i32
          %dma_start3A_298 = tpu.memref_slice %arg18[%run_scoped3A_197, %dma_start3A_297] : memref<16x128xi32, #tpu.memory_space<vmem>> -> memref<1x128xi32, #tpu.memory_space<vmem>>
          %dma_start3A_299 = tpu.memref_squeeze %dma_start3A_298 : memref<1x128xi32, #tpu.memory_space<vmem>> -> memref<128xi32, #tpu.memory_space<vmem>>
          %dma_start3A_300 = arith.constant 0 : i32
          %dma_start3A_301 = arith.constant 0 : i32
          %dma_start3A_302 = tpu.memref_slice %arg21[%dma_start3A_300, %dma_start3A_301] : memref<10032x128xf32, #tpu.memory_space<vmem_shared>> -> memref<10032x128xf32, #tpu.memory_space<vmem_shared>>
          tpu.enqueue_indirect_dma source(%arg19 : memref<128x128xf32, #tpu.memory_space<vmem>>) target(%dma_start3A_302 : memref<10032x128xf32, #tpu.memory_space<vmem_shared>>) offsets(%dma_start3A_299 : memref<128xi32, #tpu.memory_space<vmem>>) semaphore(%run_scoped3A_296 : memref<!tpu.dma_semaphore, #tpu.memory_space<semaphore_mem>>) {add = true}
          %dma_wait3A_303 = arith.constant 0 : i32
          %dma_wait3A_304 = tpu.memref_slice %arg18[%run_scoped3A_197, %dma_wait3A_303] : memref<16x128xi32, #tpu.memory_space<vmem>> -> memref<1x128xi32, #tpu.memory_space<vmem>>
          %dma_wait3A_305 = tpu.memref_squeeze %dma_wait3A_304 : memref<1x128xi32, #tpu.memory_space<vmem>> -> memref<128xi32, #tpu.memory_space<vmem>>
          %dma_wait3A_306 = arith.constant 0 : i32
          %dma_wait3A_307 = arith.constant 0 : i32
          %dma_wait3A_308 = tpu.memref_slice %arg21[%dma_wait3A_306, %dma_wait3A_307] : memref<10032x128xf32, #tpu.memory_space<vmem_shared>> -> memref<10032x128xf32, #tpu.memory_space<vmem_shared>>
          tpu.wait_indirect_dma semaphore(%run_scoped3A_296 : memref<!tpu.dma_semaphore, #tpu.memory_space<semaphore_mem>>) src(%arg19 : memref<128x128xf32, #tpu.memory_space<vmem>>) dst(%dma_wait3A_308 : memref<10032x128xf32, #tpu.memory_space<vmem_shared>>)
          tpu.yield
        }) : () -> ()
        %dma_wait3A_198 = arith.constant 9 : i32
        %dma_wait3A_199 = arith.constant 0 : i32
        %dma_wait3A_200 = tpu.memref_slice %arg17[%dma_wait3A_198, %dma_wait3A_199] : memref<16x128xi32, #tpu.memory_space<vmem>> -> memref<1x128xi32, #tpu.memory_space<vmem>>
        %dma_wait3A_201 = tpu.memref_squeeze %dma_wait3A_200 : memref<1x128xi32, #tpu.memory_space<vmem>> -> memref<128xi32, #tpu.memory_space<vmem>>
        %dma_wait3A_202 = arith.constant 0 : i32
        %dma_wait3A_203 = arith.constant 0 : i32
        %dma_wait3A_204 = tpu.memref_slice %arg2[%dma_wait3A_202, %dma_wait3A_203] : memref<10016x128xf32, #tpu.memory_space<hbm>> -> memref<10016x128xf32, #tpu.memory_space<hbm>>
        tpu.wait_indirect_dma semaphore(%arg23 : memref<!tpu.dma_semaphore, #tpu.memory_space<semaphore_mem>>) src(%dma_wait3A_204 : memref<10016x128xf32, #tpu.memory_space<hbm>>) dst(%arg20 : memref<128x128xf32, #tpu.memory_space<vmem>>)
        %dma_start3A_205 = arith.constant 10 : i32
        %dma_start3A_206 = arith.constant 0 : i32
        %dma_start3A_207 = tpu.memref_slice %arg17[%dma_start3A_205, %dma_start3A_206] : memref<16x128xi32, #tpu.memory_space<vmem>> -> memref<1x128xi32, #tpu.memory_space<vmem>>
        %dma_start3A_208 = tpu.memref_squeeze %dma_start3A_207 : memref<1x128xi32, #tpu.memory_space<vmem>> -> memref<128xi32, #tpu.memory_space<vmem>>
        %dma_start3A_209 = arith.constant 0 : i32
        %dma_start3A_210 = arith.constant 0 : i32
        %dma_start3A_211 = tpu.memref_slice %arg2[%dma_start3A_209, %dma_start3A_210] : memref<10016x128xf32, #tpu.memory_space<hbm>> -> memref<10016x128xf32, #tpu.memory_space<hbm>>
        tpu.enqueue_indirect_dma source(%dma_start3A_211 : memref<10016x128xf32, #tpu.memory_space<hbm>>) target(%arg19 : memref<128x128xf32, #tpu.memory_space<vmem>>) offsets(%dma_start3A_208 : memref<128xi32, #tpu.memory_space<vmem>>) semaphore(%arg22 : memref<!tpu.dma_semaphore, #tpu.memory_space<semaphore_mem>>)
        %run_scoped3A_212 = arith.constant 9 : i32
        "tpu.region"() ({
          %run_scoped3A_296 = tpu.sem_alloc : memref<!tpu.dma_semaphore, #tpu.memory_space<semaphore_mem>>
          %dma_start3A_297 = arith.constant 0 : i32
          %dma_start3A_298 = tpu.memref_slice %arg18[%run_scoped3A_212, %dma_start3A_297] : memref<16x128xi32, #tpu.memory_space<vmem>> -> memref<1x128xi32, #tpu.memory_space<vmem>>
          %dma_start3A_299 = tpu.memref_squeeze %dma_start3A_298 : memref<1x128xi32, #tpu.memory_space<vmem>> -> memref<128xi32, #tpu.memory_space<vmem>>
          %dma_start3A_300 = arith.constant 0 : i32
          %dma_start3A_301 = arith.constant 0 : i32
          %dma_start3A_302 = tpu.memref_slice %arg21[%dma_start3A_300, %dma_start3A_301] : memref<10032x128xf32, #tpu.memory_space<vmem_shared>> -> memref<10032x128xf32, #tpu.memory_space<vmem_shared>>
          tpu.enqueue_indirect_dma source(%arg20 : memref<128x128xf32, #tpu.memory_space<vmem>>) target(%dma_start3A_302 : memref<10032x128xf32, #tpu.memory_space<vmem_shared>>) offsets(%dma_start3A_299 : memref<128xi32, #tpu.memory_space<vmem>>) semaphore(%run_scoped3A_296 : memref<!tpu.dma_semaphore, #tpu.memory_space<semaphore_mem>>) {add = true}
          %dma_wait3A_303 = arith.constant 0 : i32
          %dma_wait3A_304 = tpu.memref_slice %arg18[%run_scoped3A_212, %dma_wait3A_303] : memref<16x128xi32, #tpu.memory_space<vmem>> -> memref<1x128xi32, #tpu.memory_space<vmem>>
          %dma_wait3A_305 = tpu.memref_squeeze %dma_wait3A_304 : memref<1x128xi32, #tpu.memory_space<vmem>> -> memref<128xi32, #tpu.memory_space<vmem>>
          %dma_wait3A_306 = arith.constant 0 : i32
          %dma_wait3A_307 = arith.constant 0 : i32
          %dma_wait3A_308 = tpu.memref_slice %arg21[%dma_wait3A_306, %dma_wait3A_307] : memref<10032x128xf32, #tpu.memory_space<vmem_shared>> -> memref<10032x128xf32, #tpu.memory_space<vmem_shared>>
          tpu.wait_indirect_dma semaphore(%run_scoped3A_296 : memref<!tpu.dma_semaphore, #tpu.memory_space<semaphore_mem>>) src(%arg20 : memref<128x128xf32, #tpu.memory_space<vmem>>) dst(%dma_wait3A_308 : memref<10032x128xf32, #tpu.memory_space<vmem_shared>>)
          tpu.yield
        }) : () -> ()
        %dma_wait3A_213 = arith.constant 10 : i32
        %dma_wait3A_214 = arith.constant 0 : i32
        %dma_wait3A_215 = tpu.memref_slice %arg17[%dma_wait3A_213, %dma_wait3A_214] : memref<16x128xi32, #tpu.memory_space<vmem>> -> memref<1x128xi32, #tpu.memory_space<vmem>>
        %dma_wait3A_216 = tpu.memref_squeeze %dma_wait3A_215 : memref<1x128xi32, #tpu.memory_space<vmem>> -> memref<128xi32, #tpu.memory_space<vmem>>
        %dma_wait3A_217 = arith.constant 0 : i32
        %dma_wait3A_218 = arith.constant 0 : i32
        %dma_wait3A_219 = tpu.memref_slice %arg2[%dma_wait3A_217, %dma_wait3A_218] : memref<10016x128xf32, #tpu.memory_space<hbm>> -> memref<10016x128xf32, #tpu.memory_space<hbm>>
        tpu.wait_indirect_dma semaphore(%arg22 : memref<!tpu.dma_semaphore, #tpu.memory_space<semaphore_mem>>) src(%dma_wait3A_219 : memref<10016x128xf32, #tpu.memory_space<hbm>>) dst(%arg19 : memref<128x128xf32, #tpu.memory_space<vmem>>)
        %dma_start3A_220 = arith.constant 11 : i32
        %dma_start3A_221 = arith.constant 0 : i32
        %dma_start3A_222 = tpu.memref_slice %arg17[%dma_start3A_220, %dma_start3A_221] : memref<16x128xi32, #tpu.memory_space<vmem>> -> memref<1x128xi32, #tpu.memory_space<vmem>>
        %dma_start3A_223 = tpu.memref_squeeze %dma_start3A_222 : memref<1x128xi32, #tpu.memory_space<vmem>> -> memref<128xi32, #tpu.memory_space<vmem>>
        %dma_start3A_224 = arith.constant 0 : i32
        %dma_start3A_225 = arith.constant 0 : i32
        %dma_start3A_226 = tpu.memref_slice %arg2[%dma_start3A_224, %dma_start3A_225] : memref<10016x128xf32, #tpu.memory_space<hbm>> -> memref<10016x128xf32, #tpu.memory_space<hbm>>
        tpu.enqueue_indirect_dma source(%dma_start3A_226 : memref<10016x128xf32, #tpu.memory_space<hbm>>) target(%arg20 : memref<128x128xf32, #tpu.memory_space<vmem>>) offsets(%dma_start3A_223 : memref<128xi32, #tpu.memory_space<vmem>>) semaphore(%arg23 : memref<!tpu.dma_semaphore, #tpu.memory_space<semaphore_mem>>)
        %run_scoped3A_227 = arith.constant 10 : i32
        "tpu.region"() ({
          %run_scoped3A_296 = tpu.sem_alloc : memref<!tpu.dma_semaphore, #tpu.memory_space<semaphore_mem>>
          %dma_start3A_297 = arith.constant 0 : i32
          %dma_start3A_298 = tpu.memref_slice %arg18[%run_scoped3A_227, %dma_start3A_297] : memref<16x128xi32, #tpu.memory_space<vmem>> -> memref<1x128xi32, #tpu.memory_space<vmem>>
          %dma_start3A_299 = tpu.memref_squeeze %dma_start3A_298 : memref<1x128xi32, #tpu.memory_space<vmem>> -> memref<128xi32, #tpu.memory_space<vmem>>
          %dma_start3A_300 = arith.constant 0 : i32
          %dma_start3A_301 = arith.constant 0 : i32
          %dma_start3A_302 = tpu.memref_slice %arg21[%dma_start3A_300, %dma_start3A_301] : memref<10032x128xf32, #tpu.memory_space<vmem_shared>> -> memref<10032x128xf32, #tpu.memory_space<vmem_shared>>
          tpu.enqueue_indirect_dma source(%arg19 : memref<128x128xf32, #tpu.memory_space<vmem>>) target(%dma_start3A_302 : memref<10032x128xf32, #tpu.memory_space<vmem_shared>>) offsets(%dma_start3A_299 : memref<128xi32, #tpu.memory_space<vmem>>) semaphore(%run_scoped3A_296 : memref<!tpu.dma_semaphore, #tpu.memory_space<semaphore_mem>>) {add = true}
          %dma_wait3A_303 = arith.constant 0 : i32
          %dma_wait3A_304 = tpu.memref_slice %arg18[%run_scoped3A_227, %dma_wait3A_303] : memref<16x128xi32, #tpu.memory_space<vmem>> -> memref<1x128xi32, #tpu.memory_space<vmem>>
          %dma_wait3A_305 = tpu.memref_squeeze %dma_wait3A_304 : memref<1x128xi32, #tpu.memory_space<vmem>> -> memref<128xi32, #tpu.memory_space<vmem>>
          %dma_wait3A_306 = arith.constant 0 : i32
          %dma_wait3A_307 = arith.constant 0 : i32
          %dma_wait3A_308 = tpu.memref_slice %arg21[%dma_wait3A_306, %dma_wait3A_307] : memref<10032x128xf32, #tpu.memory_space<vmem_shared>> -> memref<10032x128xf32, #tpu.memory_space<vmem_shared>>
          tpu.wait_indirect_dma semaphore(%run_scoped3A_296 : memref<!tpu.dma_semaphore, #tpu.memory_space<semaphore_mem>>) src(%arg19 : memref<128x128xf32, #tpu.memory_space<vmem>>) dst(%dma_wait3A_308 : memref<10032x128xf32, #tpu.memory_space<vmem_shared>>)
          tpu.yield
        }) : () -> ()
        %dma_wait3A_228 = arith.constant 11 : i32
        %dma_wait3A_229 = arith.constant 0 : i32
        %dma_wait3A_230 = tpu.memref_slice %arg17[%dma_wait3A_228, %dma_wait3A_229] : memref<16x128xi32, #tpu.memory_space<vmem>> -> memref<1x128xi32, #tpu.memory_space<vmem>>
        %dma_wait3A_231 = tpu.memref_squeeze %dma_wait3A_230 : memref<1x128xi32, #tpu.memory_space<vmem>> -> memref<128xi32, #tpu.memory_space<vmem>>
        %dma_wait3A_232 = arith.constant 0 : i32
        %dma_wait3A_233 = arith.constant 0 : i32
        %dma_wait3A_234 = tpu.memref_slice %arg2[%dma_wait3A_232, %dma_wait3A_233] : memref<10016x128xf32, #tpu.memory_space<hbm>> -> memref<10016x128xf32, #tpu.memory_space<hbm>>
        tpu.wait_indirect_dma semaphore(%arg23 : memref<!tpu.dma_semaphore, #tpu.memory_space<semaphore_mem>>) src(%dma_wait3A_234 : memref<10016x128xf32, #tpu.memory_space<hbm>>) dst(%arg20 : memref<128x128xf32, #tpu.memory_space<vmem>>)
        %dma_start3A_235 = arith.constant 12 : i32
        %dma_start3A_236 = arith.constant 0 : i32
        %dma_start3A_237 = tpu.memref_slice %arg17[%dma_start3A_235, %dma_start3A_236] : memref<16x128xi32, #tpu.memory_space<vmem>> -> memref<1x128xi32, #tpu.memory_space<vmem>>
        %dma_start3A_238 = tpu.memref_squeeze %dma_start3A_237 : memref<1x128xi32, #tpu.memory_space<vmem>> -> memref<128xi32, #tpu.memory_space<vmem>>
        %dma_start3A_239 = arith.constant 0 : i32
        %dma_start3A_240 = arith.constant 0 : i32
        %dma_start3A_241 = tpu.memref_slice %arg2[%dma_start3A_239, %dma_start3A_240] : memref<10016x128xf32, #tpu.memory_space<hbm>> -> memref<10016x128xf32, #tpu.memory_space<hbm>>
        tpu.enqueue_indirect_dma source(%dma_start3A_241 : memref<10016x128xf32, #tpu.memory_space<hbm>>) target(%arg19 : memref<128x128xf32, #tpu.memory_space<vmem>>) offsets(%dma_start3A_238 : memref<128xi32, #tpu.memory_space<vmem>>) semaphore(%arg22 : memref<!tpu.dma_semaphore, #tpu.memory_space<semaphore_mem>>)
        %run_scoped3A_242 = arith.constant 11 : i32
        "tpu.region"() ({
          %run_scoped3A_296 = tpu.sem_alloc : memref<!tpu.dma_semaphore, #tpu.memory_space<semaphore_mem>>
          %dma_start3A_297 = arith.constant 0 : i32
          %dma_start3A_298 = tpu.memref_slice %arg18[%run_scoped3A_242, %dma_start3A_297] : memref<16x128xi32, #tpu.memory_space<vmem>> -> memref<1x128xi32, #tpu.memory_space<vmem>>
          %dma_start3A_299 = tpu.memref_squeeze %dma_start3A_298 : memref<1x128xi32, #tpu.memory_space<vmem>> -> memref<128xi32, #tpu.memory_space<vmem>>
          %dma_start3A_300 = arith.constant 0 : i32
          %dma_start3A_301 = arith.constant 0 : i32
          %dma_start3A_302 = tpu.memref_slice %arg21[%dma_start3A_300, %dma_start3A_301] : memref<10032x128xf32, #tpu.memory_space<vmem_shared>> -> memref<10032x128xf32, #tpu.memory_space<vmem_shared>>
          tpu.enqueue_indirect_dma source(%arg20 : memref<128x128xf32, #tpu.memory_space<vmem>>) target(%dma_start3A_302 : memref<10032x128xf32, #tpu.memory_space<vmem_shared>>) offsets(%dma_start3A_299 : memref<128xi32, #tpu.memory_space<vmem>>) semaphore(%run_scoped3A_296 : memref<!tpu.dma_semaphore, #tpu.memory_space<semaphore_mem>>) {add = true}
          %dma_wait3A_303 = arith.constant 0 : i32
          %dma_wait3A_304 = tpu.memref_slice %arg18[%run_scoped3A_242, %dma_wait3A_303] : memref<16x128xi32, #tpu.memory_space<vmem>> -> memref<1x128xi32, #tpu.memory_space<vmem>>
          %dma_wait3A_305 = tpu.memref_squeeze %dma_wait3A_304 : memref<1x128xi32, #tpu.memory_space<vmem>> -> memref<128xi32, #tpu.memory_space<vmem>>
          %dma_wait3A_306 = arith.constant 0 : i32
          %dma_wait3A_307 = arith.constant 0 : i32
          %dma_wait3A_308 = tpu.memref_slice %arg21[%dma_wait3A_306, %dma_wait3A_307] : memref<10032x128xf32, #tpu.memory_space<vmem_shared>> -> memref<10032x128xf32, #tpu.memory_space<vmem_shared>>
          tpu.wait_indirect_dma semaphore(%run_scoped3A_296 : memref<!tpu.dma_semaphore, #tpu.memory_space<semaphore_mem>>) src(%arg20 : memref<128x128xf32, #tpu.memory_space<vmem>>) dst(%dma_wait3A_308 : memref<10032x128xf32, #tpu.memory_space<vmem_shared>>)
          tpu.yield
        }) : () -> ()
        %dma_wait3A_243 = arith.constant 12 : i32
        %dma_wait3A_244 = arith.constant 0 : i32
        %dma_wait3A_245 = tpu.memref_slice %arg17[%dma_wait3A_243, %dma_wait3A_244] : memref<16x128xi32, #tpu.memory_space<vmem>> -> memref<1x128xi32, #tpu.memory_space<vmem>>
        %dma_wait3A_246 = tpu.memref_squeeze %dma_wait3A_245 : memref<1x128xi32, #tpu.memory_space<vmem>> -> memref<128xi32, #tpu.memory_space<vmem>>
        %dma_wait3A_247 = arith.constant 0 : i32
        %dma_wait3A_248 = arith.constant 0 : i32
        %dma_wait3A_249 = tpu.memref_slice %arg2[%dma_wait3A_247, %dma_wait3A_248] : memref<10016x128xf32, #tpu.memory_space<hbm>> -> memref<10016x128xf32, #tpu.memory_space<hbm>>
        tpu.wait_indirect_dma semaphore(%arg22 : memref<!tpu.dma_semaphore, #tpu.memory_space<semaphore_mem>>) src(%dma_wait3A_249 : memref<10016x128xf32, #tpu.memory_space<hbm>>) dst(%arg19 : memref<128x128xf32, #tpu.memory_space<vmem>>)
        %dma_start3A_250 = arith.constant 13 : i32
        %dma_start3A_251 = arith.constant 0 : i32
        %dma_start3A_252 = tpu.memref_slice %arg17[%dma_start3A_250, %dma_start3A_251] : memref<16x128xi32, #tpu.memory_space<vmem>> -> memref<1x128xi32, #tpu.memory_space<vmem>>
        %dma_start3A_253 = tpu.memref_squeeze %dma_start3A_252 : memref<1x128xi32, #tpu.memory_space<vmem>> -> memref<128xi32, #tpu.memory_space<vmem>>
        %dma_start3A_254 = arith.constant 0 : i32
        %dma_start3A_255 = arith.constant 0 : i32
        %dma_start3A_256 = tpu.memref_slice %arg2[%dma_start3A_254, %dma_start3A_255] : memref<10016x128xf32, #tpu.memory_space<hbm>> -> memref<10016x128xf32, #tpu.memory_space<hbm>>
        tpu.enqueue_indirect_dma source(%dma_start3A_256 : memref<10016x128xf32, #tpu.memory_space<hbm>>) target(%arg20 : memref<128x128xf32, #tpu.memory_space<vmem>>) offsets(%dma_start3A_253 : memref<128xi32, #tpu.memory_space<vmem>>) semaphore(%arg23 : memref<!tpu.dma_semaphore, #tpu.memory_space<semaphore_mem>>)
        %run_scoped3A_257 = arith.constant 12 : i32
        "tpu.region"() ({
          %run_scoped3A_296 = tpu.sem_alloc : memref<!tpu.dma_semaphore, #tpu.memory_space<semaphore_mem>>
          %dma_start3A_297 = arith.constant 0 : i32
          %dma_start3A_298 = tpu.memref_slice %arg18[%run_scoped3A_257, %dma_start3A_297] : memref<16x128xi32, #tpu.memory_space<vmem>> -> memref<1x128xi32, #tpu.memory_space<vmem>>
          %dma_start3A_299 = tpu.memref_squeeze %dma_start3A_298 : memref<1x128xi32, #tpu.memory_space<vmem>> -> memref<128xi32, #tpu.memory_space<vmem>>
          %dma_start3A_300 = arith.constant 0 : i32
          %dma_start3A_301 = arith.constant 0 : i32
          %dma_start3A_302 = tpu.memref_slice %arg21[%dma_start3A_300, %dma_start3A_301] : memref<10032x128xf32, #tpu.memory_space<vmem_shared>> -> memref<10032x128xf32, #tpu.memory_space<vmem_shared>>
          tpu.enqueue_indirect_dma source(%arg19 : memref<128x128xf32, #tpu.memory_space<vmem>>) target(%dma_start3A_302 : memref<10032x128xf32, #tpu.memory_space<vmem_shared>>) offsets(%dma_start3A_299 : memref<128xi32, #tpu.memory_space<vmem>>) semaphore(%run_scoped3A_296 : memref<!tpu.dma_semaphore, #tpu.memory_space<semaphore_mem>>) {add = true}
          %dma_wait3A_303 = arith.constant 0 : i32
          %dma_wait3A_304 = tpu.memref_slice %arg18[%run_scoped3A_257, %dma_wait3A_303] : memref<16x128xi32, #tpu.memory_space<vmem>> -> memref<1x128xi32, #tpu.memory_space<vmem>>
          %dma_wait3A_305 = tpu.memref_squeeze %dma_wait3A_304 : memref<1x128xi32, #tpu.memory_space<vmem>> -> memref<128xi32, #tpu.memory_space<vmem>>
          %dma_wait3A_306 = arith.constant 0 : i32
          %dma_wait3A_307 = arith.constant 0 : i32
          %dma_wait3A_308 = tpu.memref_slice %arg21[%dma_wait3A_306, %dma_wait3A_307] : memref<10032x128xf32, #tpu.memory_space<vmem_shared>> -> memref<10032x128xf32, #tpu.memory_space<vmem_shared>>
          tpu.wait_indirect_dma semaphore(%run_scoped3A_296 : memref<!tpu.dma_semaphore, #tpu.memory_space<semaphore_mem>>) src(%arg19 : memref<128x128xf32, #tpu.memory_space<vmem>>) dst(%dma_wait3A_308 : memref<10032x128xf32, #tpu.memory_space<vmem_shared>>)
          tpu.yield
        }) : () -> ()
        %dma_wait3A_258 = arith.constant 13 : i32
        %dma_wait3A_259 = arith.constant 0 : i32
        %dma_wait3A_260 = tpu.memref_slice %arg17[%dma_wait3A_258, %dma_wait3A_259] : memref<16x128xi32, #tpu.memory_space<vmem>> -> memref<1x128xi32, #tpu.memory_space<vmem>>
        %dma_wait3A_261 = tpu.memref_squeeze %dma_wait3A_260 : memref<1x128xi32, #tpu.memory_space<vmem>> -> memref<128xi32, #tpu.memory_space<vmem>>
        %dma_wait3A_262 = arith.constant 0 : i32
        %dma_wait3A_263 = arith.constant 0 : i32
        %dma_wait3A_264 = tpu.memref_slice %arg2[%dma_wait3A_262, %dma_wait3A_263] : memref<10016x128xf32, #tpu.memory_space<hbm>> -> memref<10016x128xf32, #tpu.memory_space<hbm>>
        tpu.wait_indirect_dma semaphore(%arg23 : memref<!tpu.dma_semaphore, #tpu.memory_space<semaphore_mem>>) src(%dma_wait3A_264 : memref<10016x128xf32, #tpu.memory_space<hbm>>) dst(%arg20 : memref<128x128xf32, #tpu.memory_space<vmem>>)
        %dma_start3A_265 = arith.constant 14 : i32
        %dma_start3A_266 = arith.constant 0 : i32
        %dma_start3A_267 = tpu.memref_slice %arg17[%dma_start3A_265, %dma_start3A_266] : memref<16x128xi32, #tpu.memory_space<vmem>> -> memref<1x128xi32, #tpu.memory_space<vmem>>
        %dma_start3A_268 = tpu.memref_squeeze %dma_start3A_267 : memref<1x128xi32, #tpu.memory_space<vmem>> -> memref<128xi32, #tpu.memory_space<vmem>>
        %dma_start3A_269 = arith.constant 0 : i32
        %dma_start3A_270 = arith.constant 0 : i32
        %dma_start3A_271 = tpu.memref_slice %arg2[%dma_start3A_269, %dma_start3A_270] : memref<10016x128xf32, #tpu.memory_space<hbm>> -> memref<10016x128xf32, #tpu.memory_space<hbm>>
        tpu.enqueue_indirect_dma source(%dma_start3A_271 : memref<10016x128xf32, #tpu.memory_space<hbm>>) target(%arg19 : memref<128x128xf32, #tpu.memory_space<vmem>>) offsets(%dma_start3A_268 : memref<128xi32, #tpu.memory_space<vmem>>) semaphore(%arg22 : memref<!tpu.dma_semaphore, #tpu.memory_space<semaphore_mem>>)
        %run_scoped3A_272 = arith.constant 13 : i32
        "tpu.region"() ({
          %run_scoped3A_296 = tpu.sem_alloc : memref<!tpu.dma_semaphore, #tpu.memory_space<semaphore_mem>>
          %dma_start3A_297 = arith.constant 0 : i32
          %dma_start3A_298 = tpu.memref_slice %arg18[%run_scoped3A_272, %dma_start3A_297] : memref<16x128xi32, #tpu.memory_space<vmem>> -> memref<1x128xi32, #tpu.memory_space<vmem>>
          %dma_start3A_299 = tpu.memref_squeeze %dma_start3A_298 : memref<1x128xi32, #tpu.memory_space<vmem>> -> memref<128xi32, #tpu.memory_space<vmem>>
          %dma_start3A_300 = arith.constant 0 : i32
          %dma_start3A_301 = arith.constant 0 : i32
          %dma_start3A_302 = tpu.memref_slice %arg21[%dma_start3A_300, %dma_start3A_301] : memref<10032x128xf32, #tpu.memory_space<vmem_shared>> -> memref<10032x128xf32, #tpu.memory_space<vmem_shared>>
          tpu.enqueue_indirect_dma source(%arg20 : memref<128x128xf32, #tpu.memory_space<vmem>>) target(%dma_start3A_302 : memref<10032x128xf32, #tpu.memory_space<vmem_shared>>) offsets(%dma_start3A_299 : memref<128xi32, #tpu.memory_space<vmem>>) semaphore(%run_scoped3A_296 : memref<!tpu.dma_semaphore, #tpu.memory_space<semaphore_mem>>) {add = true}
          %dma_wait3A_303 = arith.constant 0 : i32
          %dma_wait3A_304 = tpu.memref_slice %arg18[%run_scoped3A_272, %dma_wait3A_303] : memref<16x128xi32, #tpu.memory_space<vmem>> -> memref<1x128xi32, #tpu.memory_space<vmem>>
          %dma_wait3A_305 = tpu.memref_squeeze %dma_wait3A_304 : memref<1x128xi32, #tpu.memory_space<vmem>> -> memref<128xi32, #tpu.memory_space<vmem>>
          %dma_wait3A_306 = arith.constant 0 : i32
          %dma_wait3A_307 = arith.constant 0 : i32
          %dma_wait3A_308 = tpu.memref_slice %arg21[%dma_wait3A_306, %dma_wait3A_307] : memref<10032x128xf32, #tpu.memory_space<vmem_shared>> -> memref<10032x128xf32, #tpu.memory_space<vmem_shared>>
          tpu.wait_indirect_dma semaphore(%run_scoped3A_296 : memref<!tpu.dma_semaphore, #tpu.memory_space<semaphore_mem>>) src(%arg20 : memref<128x128xf32, #tpu.memory_space<vmem>>) dst(%dma_wait3A_308 : memref<10032x128xf32, #tpu.memory_space<vmem_shared>>)
          tpu.yield
        }) : () -> ()
        %dma_wait3A_273 = arith.constant 14 : i32
        %dma_wait3A_274 = arith.constant 0 : i32
        %dma_wait3A_275 = tpu.memref_slice %arg17[%dma_wait3A_273, %dma_wait3A_274] : memref<16x128xi32, #tpu.memory_space<vmem>> -> memref<1x128xi32, #tpu.memory_space<vmem>>
        %dma_wait3A_276 = tpu.memref_squeeze %dma_wait3A_275 : memref<1x128xi32, #tpu.memory_space<vmem>> -> memref<128xi32, #tpu.memory_space<vmem>>
        %dma_wait3A_277 = arith.constant 0 : i32
        %dma_wait3A_278 = arith.constant 0 : i32
        %dma_wait3A_279 = tpu.memref_slice %arg2[%dma_wait3A_277, %dma_wait3A_278] : memref<10016x128xf32, #tpu.memory_space<hbm>> -> memref<10016x128xf32, #tpu.memory_space<hbm>>
        tpu.wait_indirect_dma semaphore(%arg22 : memref<!tpu.dma_semaphore, #tpu.memory_space<semaphore_mem>>) src(%dma_wait3A_279 : memref<10016x128xf32, #tpu.memory_space<hbm>>) dst(%arg19 : memref<128x128xf32, #tpu.memory_space<vmem>>)
        %dma_start3A_280 = arith.constant 15 : i32
        %dma_start3A_281 = arith.constant 0 : i32
        %dma_start3A_282 = tpu.memref_slice %arg17[%dma_start3A_280, %dma_start3A_281] : memref<16x128xi32, #tpu.memory_space<vmem>> -> memref<1x128xi32, #tpu.memory_space<vmem>>
        %dma_start3A_283 = tpu.memref_squeeze %dma_start3A_282 : memref<1x128xi32, #tpu.memory_space<vmem>> -> memref<128xi32, #tpu.memory_space<vmem>>
        %dma_start3A_284 = arith.constant 0 : i32
        %dma_start3A_285 = arith.constant 0 : i32
        %dma_start3A_286 = tpu.memref_slice %arg2[%dma_start3A_284, %dma_start3A_285] : memref<10016x128xf32, #tpu.memory_space<hbm>> -> memref<10016x128xf32, #tpu.memory_space<hbm>>
        tpu.enqueue_indirect_dma source(%dma_start3A_286 : memref<10016x128xf32, #tpu.memory_space<hbm>>) target(%arg20 : memref<128x128xf32, #tpu.memory_space<vmem>>) offsets(%dma_start3A_283 : memref<128xi32, #tpu.memory_space<vmem>>) semaphore(%arg23 : memref<!tpu.dma_semaphore, #tpu.memory_space<semaphore_mem>>)
        %run_scoped3A_287 = arith.constant 14 : i32
        "tpu.region"() ({
          %run_scoped3A_296 = tpu.sem_alloc : memref<!tpu.dma_semaphore, #tpu.memory_space<semaphore_mem>>
          %dma_start3A_297 = arith.constant 0 : i32
          %dma_start3A_298 = tpu.memref_slice %arg18[%run_scoped3A_287, %dma_start3A_297] : memref<16x128xi32, #tpu.memory_space<vmem>> -> memref<1x128xi32, #tpu.memory_space<vmem>>
          %dma_start3A_299 = tpu.memref_squeeze %dma_start3A_298 : memref<1x128xi32, #tpu.memory_space<vmem>> -> memref<128xi32, #tpu.memory_space<vmem>>
          %dma_start3A_300 = arith.constant 0 : i32
          %dma_start3A_301 = arith.constant 0 : i32
          %dma_start3A_302 = tpu.memref_slice %arg21[%dma_start3A_300, %dma_start3A_301] : memref<10032x128xf32, #tpu.memory_space<vmem_shared>> -> memref<10032x128xf32, #tpu.memory_space<vmem_shared>>
          tpu.enqueue_indirect_dma source(%arg19 : memref<128x128xf32, #tpu.memory_space<vmem>>) target(%dma_start3A_302 : memref<10032x128xf32, #tpu.memory_space<vmem_shared>>) offsets(%dma_start3A_299 : memref<128xi32, #tpu.memory_space<vmem>>) semaphore(%run_scoped3A_296 : memref<!tpu.dma_semaphore, #tpu.memory_space<semaphore_mem>>) {add = true}
          %dma_wait3A_303 = arith.constant 0 : i32
          %dma_wait3A_304 = tpu.memref_slice %arg18[%run_scoped3A_287, %dma_wait3A_303] : memref<16x128xi32, #tpu.memory_space<vmem>> -> memref<1x128xi32, #tpu.memory_space<vmem>>
          %dma_wait3A_305 = tpu.memref_squeeze %dma_wait3A_304 : memref<1x128xi32, #tpu.memory_space<vmem>> -> memref<128xi32, #tpu.memory_space<vmem>>
          %dma_wait3A_306 = arith.constant 0 : i32
          %dma_wait3A_307 = arith.constant 0 : i32
          %dma_wait3A_308 = tpu.memref_slice %arg21[%dma_wait3A_306, %dma_wait3A_307] : memref<10032x128xf32, #tpu.memory_space<vmem_shared>> -> memref<10032x128xf32, #tpu.memory_space<vmem_shared>>
          tpu.wait_indirect_dma semaphore(%run_scoped3A_296 : memref<!tpu.dma_semaphore, #tpu.memory_space<semaphore_mem>>) src(%arg19 : memref<128x128xf32, #tpu.memory_space<vmem>>) dst(%dma_wait3A_308 : memref<10032x128xf32, #tpu.memory_space<vmem_shared>>)
          tpu.yield
        }) : () -> ()
        %dma_wait3A_288 = arith.constant 15 : i32
        %dma_wait3A_289 = arith.constant 0 : i32
        %dma_wait3A_290 = tpu.memref_slice %arg17[%dma_wait3A_288, %dma_wait3A_289] : memref<16x128xi32, #tpu.memory_space<vmem>> -> memref<1x128xi32, #tpu.memory_space<vmem>>
        %dma_wait3A_291 = tpu.memref_squeeze %dma_wait3A_290 : memref<1x128xi32, #tpu.memory_space<vmem>> -> memref<128xi32, #tpu.memory_space<vmem>>
        %dma_wait3A_292 = arith.constant 0 : i32
        %dma_wait3A_293 = arith.constant 0 : i32
        %dma_wait3A_294 = tpu.memref_slice %arg2[%dma_wait3A_292, %dma_wait3A_293] : memref<10016x128xf32, #tpu.memory_space<hbm>> -> memref<10016x128xf32, #tpu.memory_space<hbm>>
        tpu.wait_indirect_dma semaphore(%arg23 : memref<!tpu.dma_semaphore, #tpu.memory_space<semaphore_mem>>) src(%dma_wait3A_294 : memref<10016x128xf32, #tpu.memory_space<hbm>>) dst(%arg20 : memref<128x128xf32, #tpu.memory_space<vmem>>)
        %run_scoped3A_295 = arith.constant 15 : i32
        "tpu.region"() ({
          %run_scoped3A_296 = tpu.sem_alloc : memref<!tpu.dma_semaphore, #tpu.memory_space<semaphore_mem>>
          %dma_start3A_297 = arith.constant 0 : i32
          %dma_start3A_298 = tpu.memref_slice %arg18[%run_scoped3A_295, %dma_start3A_297] : memref<16x128xi32, #tpu.memory_space<vmem>> -> memref<1x128xi32, #tpu.memory_space<vmem>>
          %dma_start3A_299 = tpu.memref_squeeze %dma_start3A_298 : memref<1x128xi32, #tpu.memory_space<vmem>> -> memref<128xi32, #tpu.memory_space<vmem>>
          %dma_start3A_300 = arith.constant 0 : i32
          %dma_start3A_301 = arith.constant 0 : i32
          %dma_start3A_302 = tpu.memref_slice %arg21[%dma_start3A_300, %dma_start3A_301] : memref<10032x128xf32, #tpu.memory_space<vmem_shared>> -> memref<10032x128xf32, #tpu.memory_space<vmem_shared>>
          tpu.enqueue_indirect_dma source(%arg20 : memref<128x128xf32, #tpu.memory_space<vmem>>) target(%dma_start3A_302 : memref<10032x128xf32, #tpu.memory_space<vmem_shared>>) offsets(%dma_start3A_299 : memref<128xi32, #tpu.memory_space<vmem>>) semaphore(%run_scoped3A_296 : memref<!tpu.dma_semaphore, #tpu.memory_space<semaphore_mem>>) {add = true}
          %dma_wait3A_303 = arith.constant 0 : i32
          %dma_wait3A_304 = tpu.memref_slice %arg18[%run_scoped3A_295, %dma_wait3A_303] : memref<16x128xi32, #tpu.memory_space<vmem>> -> memref<1x128xi32, #tpu.memory_space<vmem>>
          %dma_wait3A_305 = tpu.memref_squeeze %dma_wait3A_304 : memref<1x128xi32, #tpu.memory_space<vmem>> -> memref<128xi32, #tpu.memory_space<vmem>>
          %dma_wait3A_306 = arith.constant 0 : i32
          %dma_wait3A_307 = arith.constant 0 : i32
          %dma_wait3A_308 = tpu.memref_slice %arg21[%dma_wait3A_306, %dma_wait3A_307] : memref<10032x128xf32, #tpu.memory_space<vmem_shared>> -> memref<10032x128xf32, #tpu.memory_space<vmem_shared>>
          tpu.wait_indirect_dma semaphore(%run_scoped3A_296 : memref<!tpu.dma_semaphore, #tpu.memory_space<semaphore_mem>>) src(%arg20 : memref<128x128xf32, #tpu.memory_space<vmem>>) dst(%dma_wait3A_308 : memref<10032x128xf32, #tpu.memory_space<vmem_shared>>)
          tpu.yield
        }) : () -> ()
      }
      %scan3A_19 = arith.constant 10 : i32
      %barrier3A_20 = arith.constant 0 : index
      tpu.barrier barrier_id(%barrier3A_20)
      "tpu.region"() ({
        %run_scoped3A = tpu.sem_alloc : memref<!tpu.dma_semaphore, #tpu.memory_space<semaphore_mem>>
        %dma_start3A = arith.constant 0 : i32
        %dma_start3A_56 = tpu.memref_slice %arg14[%mul3A_0, %dma_start3A] : memref<10000x128xf32, #tpu.memory_space<hbm>> -> memref<624x128xf32, #tpu.memory_space<hbm>>
        %dma_start3A_57 = arith.constant 0 : i32
        %dma_start3A_58 = tpu.memref_slice %arg21[%mul3A_0, %dma_start3A_57] : memref<10032x128xf32, #tpu.memory_space<vmem_shared>> -> memref<624x128xf32, #tpu.memory_space<vmem_shared>>
        tpu.enqueue_dma source(%dma_start3A_58 : memref<624x128xf32, #tpu.memory_space<vmem_shared>>) target(%dma_start3A_56 : memref<624x128xf32, #tpu.memory_space<hbm>>) target_semaphore(%run_scoped3A : memref<!tpu.dma_semaphore, #tpu.memory_space<semaphore_mem>>)
        %dma_wait3A = arith.constant 0 : i32
        %dma_wait3A_59 = tpu.memref_slice %arg14[%mul3A_0, %dma_wait3A] : memref<10000x128xf32, #tpu.memory_space<hbm>> -> memref<624x128xf32, #tpu.memory_space<hbm>>
        %dma_wait3A_60 = arith.constant 0 : i32
        %dma_wait3A_61 = tpu.memref_slice %arg21[%mul3A_0, %dma_wait3A_60] : memref<10032x128xf32, #tpu.memory_space<vmem_shared>> -> memref<624x128xf32, #tpu.memory_space<vmem_shared>>
        tpu.wait_dma2 semaphore(%run_scoped3A : memref<!tpu.dma_semaphore, #tpu.memory_space<semaphore_mem>>) src(%dma_wait3A_61 : memref<624x128xf32, #tpu.memory_space<vmem_shared>>) dst(%dma_wait3A_59 : memref<624x128xf32, #tpu.memory_space<hbm>>)
        tpu.yield
      }) : () -> ()
      %eq3A_21 = arith.constant 15 : i32
      %eq3A_22 = arith.cmpi eq, %arg1, %eq3A_21 : i32
      %convert_element_type3A_23 = arith.extui %eq3A_22 : i1 to i32
      %cond3A_24 = arith.constant 0 : i32
      %cond3A_25 = arith.cmpi ne, %convert_element_type3A_23, %cond3A_24 : i32
      scf.if %cond3A_25 {
        "tpu.region"() ({
          %run_scoped3A = tpu.sem_alloc : memref<!tpu.dma_semaphore, #tpu.memory_space<semaphore_mem>>
          %dma_start3A = arith.constant 9984 : i32
          %dma_start3A_56 = arith.constant 0 : i32
          %dma_start3A_57 = tpu.memref_slice %arg14[%dma_start3A, %dma_start3A_56] : memref<10000x128xf32, #tpu.memory_space<hbm>> -> memref<16x128xf32, #tpu.memory_space<hbm>>
          %dma_start3A_58 = arith.constant 9984 : i32
          %dma_start3A_59 = arith.constant 0 : i32
          %dma_start3A_60 = tpu.memref_slice %arg21[%dma_start3A_58, %dma_start3A_59] : memref<10032x128xf32, #tpu.memory_space<vmem_shared>> -> memref<16x128xf32, #tpu.memory_space<vmem_shared>>
          tpu.enqueue_dma source(%dma_start3A_60 : memref<16x128xf32, #tpu.memory_space<vmem_shared>>) target(%dma_start3A_57 : memref<16x128xf32, #tpu.memory_space<hbm>>) target_semaphore(%run_scoped3A : memref<!tpu.dma_semaphore, #tpu.memory_space<semaphore_mem>>)
          %dma_wait3A = arith.constant 9984 : i32
          %dma_wait3A_61 = arith.constant 0 : i32
          %dma_wait3A_62 = tpu.memref_slice %arg14[%dma_wait3A, %dma_wait3A_61] : memref<10000x128xf32, #tpu.memory_space<hbm>> -> memref<16x128xf32, #tpu.memory_space<hbm>>
          %dma_wait3A_63 = arith.constant 9984 : i32
          %dma_wait3A_64 = arith.constant 0 : i32
          %dma_wait3A_65 = tpu.memref_slice %arg21[%dma_wait3A_63, %dma_wait3A_64] : memref<10032x128xf32, #tpu.memory_space<vmem_shared>> -> memref<16x128xf32, #tpu.memory_space<vmem_shared>>
          tpu.wait_dma2 semaphore(%run_scoped3A : memref<!tpu.dma_semaphore, #tpu.memory_space<semaphore_mem>>) src(%dma_wait3A_65 : memref<16x128xf32, #tpu.memory_space<vmem_shared>>) dst(%dma_wait3A_62 : memref<16x128xf32, #tpu.memory_space<hbm>>)
          tpu.yield
        }) : () -> ()
      } else {
      }
      %barrier3A_26 = arith.constant 0 : index
      tpu.barrier barrier_id(%barrier3A_26)
      "tpu.region"() ({
        %run_scoped3A = tpu.sem_alloc : memref<!tpu.dma_semaphore, #tpu.memory_space<semaphore_mem>>
        %dma_start3A = arith.constant 0 : i32
        %dma_start3A_56 = tpu.memref_slice %arg21[%mul3A_0, %dma_start3A] : memref<10032x128xf32, #tpu.memory_space<vmem_shared>> -> memref<624x128xf32, #tpu.memory_space<vmem_shared>>
        %dma_start3A_57 = arith.constant 0 : i32
        %dma_start3A_58 = tpu.memref_slice %arg7[%mul3A_0, %dma_start3A_57] : memref<10016x128xf32, #tpu.memory_space<hbm>> -> memref<624x128xf32, #tpu.memory_space<hbm>>
        tpu.enqueue_dma source(%dma_start3A_58 : memref<624x128xf32, #tpu.memory_space<hbm>>) target(%dma_start3A_56 : memref<624x128xf32, #tpu.memory_space<vmem_shared>>) target_semaphore(%run_scoped3A : memref<!tpu.dma_semaphore, #tpu.memory_space<semaphore_mem>>)
        %dma_wait3A = arith.constant 0 : i32
        %dma_wait3A_59 = tpu.memref_slice %arg21[%mul3A_0, %dma_wait3A] : memref<10032x128xf32, #tpu.memory_space<vmem_shared>> -> memref<624x128xf32, #tpu.memory_space<vmem_shared>>
        %dma_wait3A_60 = arith.constant 0 : i32
        %dma_wait3A_61 = tpu.memref_slice %arg7[%mul3A_0, %dma_wait3A_60] : memref<10016x128xf32, #tpu.memory_space<hbm>> -> memref<624x128xf32, #tpu.memory_space<hbm>>
        tpu.wait_dma2 semaphore(%run_scoped3A : memref<!tpu.dma_semaphore, #tpu.memory_space<semaphore_mem>>) src(%dma_wait3A_61 : memref<624x128xf32, #tpu.memory_space<hbm>>) dst(%dma_wait3A_59 : memref<624x128xf32, #tpu.memory_space<vmem_shared>>)
        tpu.yield
      }) : () -> ()
      %eq3A_27 = arith.constant 15 : i32
      %eq3A_28 = arith.cmpi eq, %arg1, %eq3A_27 : i32
      %convert_element_type3A_29 = arith.extui %eq3A_28 : i1 to i32
      %cond3A_30 = arith.constant 0 : i32
      %cond3A_31 = arith.cmpi ne, %convert_element_type3A_29, %cond3A_30 : i32
      scf.if %cond3A_31 {
        "tpu.region"() ({
          %run_scoped3A = tpu.sem_alloc : memref<!tpu.dma_semaphore, #tpu.memory_space<semaphore_mem>>
          %dma_start3A = arith.constant 9984 : i32
          %dma_start3A_56 = arith.constant 0 : i32
          %dma_start3A_57 = tpu.memref_slice %arg21[%dma_start3A, %dma_start3A_56] : memref<10032x128xf32, #tpu.memory_space<vmem_shared>> -> memref<16x128xf32, #tpu.memory_space<vmem_shared>>
          %dma_start3A_58 = arith.constant 9984 : i32
          %dma_start3A_59 = arith.constant 0 : i32
          %dma_start3A_60 = tpu.memref_slice %arg7[%dma_start3A_58, %dma_start3A_59] : memref<10016x128xf32, #tpu.memory_space<hbm>> -> memref<16x128xf32, #tpu.memory_space<hbm>>
          tpu.enqueue_dma source(%dma_start3A_60 : memref<16x128xf32, #tpu.memory_space<hbm>>) target(%dma_start3A_57 : memref<16x128xf32, #tpu.memory_space<vmem_shared>>) target_semaphore(%run_scoped3A : memref<!tpu.dma_semaphore, #tpu.memory_space<semaphore_mem>>)
          %dma_wait3A = arith.constant 9984 : i32
          %dma_wait3A_61 = arith.constant 0 : i32
          %dma_wait3A_62 = tpu.memref_slice %arg21[%dma_wait3A, %dma_wait3A_61] : memref<10032x128xf32, #tpu.memory_space<vmem_shared>> -> memref<16x128xf32, #tpu.memory_space<vmem_shared>>
          %dma_wait3A_63 = arith.constant 9984 : i32
          %dma_wait3A_64 = arith.constant 0 : i32
          %dma_wait3A_65 = tpu.memref_slice %arg7[%dma_wait3A_63, %dma_wait3A_64] : memref<10016x128xf32, #tpu.memory_space<hbm>> -> memref<16x128xf32, #tpu.memory_space<hbm>>
          tpu.wait_dma2 semaphore(%run_scoped3A : memref<!tpu.dma_semaphore, #tpu.memory_space<semaphore_mem>>) src(%dma_wait3A_65 : memref<16x128xf32, #tpu.memory_space<hbm>>) dst(%dma_wait3A_62 : memref<16x128xf32, #tpu.memory_space<vmem_shared>>)
          tpu.yield
        }) : () -> ()
      } else {
      }
      %barrier3A_32 = arith.constant 0 : index
      tpu.barrier barrier_id(%barrier3A_32)
      %mul3A_33 = arith.constant 32 : i32
      %mul3A_34 = arith.muli %arg1, %mul3A_33 : i32
      %scan3A_35 = arith.constant 0 : i32
      %scan3A_36 = arith.constant 0 : i32
      %scan3A_37 = arith.constant 2 : i32
      %scan3A_38 = arith.addi %scan3A_36, %scan3A_37 : i32
      %scan3A_39 = arith.constant 1 : i32
      scf.for %scan3A_56 = %scan3A_36 to %scan3A_38 step %scan3A_39  : i32 {
        %mul3A_57 = arith.constant 16 : i32
        %mul3A_58 = arith.muli %scan3A_56, %mul3A_57 : i32
        %add3A = arith.addi %mul3A_34, %mul3A_58 : i32
        "tpu.region"() ({
          %run_scoped3A_296 = tpu.sem_alloc : memref<!tpu.dma_semaphore, #tpu.memory_space<semaphore_mem>>
          %dma_start3A_297 = arith.constant 0 : i32
          %dma_start3A_298 = tpu.memref_slice %arg10[%add3A, %dma_start3A_297] : memref<2560x128xi32, #tpu.memory_space<hbm>> -> memref<16x128xi32, #tpu.memory_space<hbm>>
          %dma_start3A_299 = arith.constant 0 : i32
          %dma_start3A_300 = tpu.memref_slice %arg10[%add3A, %dma_start3A_299] : memref<2560x128xi32, #tpu.memory_space<hbm>> -> memref<16x128xi32, #tpu.memory_space<hbm>>
          tpu.enqueue_dma source(%dma_start3A_300 : memref<16x128xi32, #tpu.memory_space<hbm>>) target(%arg17 : memref<16x128xi32, #tpu.memory_space<vmem>>) target_semaphore(%run_scoped3A_296 : memref<!tpu.dma_semaphore, #tpu.memory_space<semaphore_mem>>)
          %dma_wait3A_301 = arith.constant 0 : i32
          %dma_wait3A_302 = tpu.memref_slice %arg10[%add3A, %dma_wait3A_301] : memref<2560x128xi32, #tpu.memory_space<hbm>> -> memref<16x128xi32, #tpu.memory_space<hbm>>
          %dma_wait3A_303 = arith.constant 0 : i32
          %dma_wait3A_304 = tpu.memref_slice %arg10[%add3A, %dma_wait3A_303] : memref<2560x128xi32, #tpu.memory_space<hbm>> -> memref<16x128xi32, #tpu.memory_space<hbm>>
          tpu.wait_dma2 semaphore(%run_scoped3A_296 : memref<!tpu.dma_semaphore, #tpu.memory_space<semaphore_mem>>) src(%dma_wait3A_304 : memref<16x128xi32, #tpu.memory_space<hbm>>) dst(%arg17 : memref<16x128xi32, #tpu.memory_space<vmem>>)
          tpu.yield
        }) : () -> ()
        "tpu.region"() ({
          %run_scoped3A_296 = tpu.sem_alloc : memref<!tpu.dma_semaphore, #tpu.memory_space<semaphore_mem>>
          %dma_start3A_297 = arith.constant 0 : i32
          %dma_start3A_298 = tpu.memref_slice %arg11[%add3A, %dma_start3A_297] : memref<2560x128xi32, #tpu.memory_space<hbm>> -> memref<16x128xi32, #tpu.memory_space<hbm>>
          %dma_start3A_299 = arith.constant 0 : i32
          %dma_start3A_300 = tpu.memref_slice %arg11[%add3A, %dma_start3A_299] : memref<2560x128xi32, #tpu.memory_space<hbm>> -> memref<16x128xi32, #tpu.memory_space<hbm>>
          tpu.enqueue_dma source(%dma_start3A_300 : memref<16x128xi32, #tpu.memory_space<hbm>>) target(%arg18 : memref<16x128xi32, #tpu.memory_space<vmem>>) target_semaphore(%run_scoped3A_296 : memref<!tpu.dma_semaphore, #tpu.memory_space<semaphore_mem>>)
          %dma_wait3A_301 = arith.constant 0 : i32
          %dma_wait3A_302 = tpu.memref_slice %arg11[%add3A, %dma_wait3A_301] : memref<2560x128xi32, #tpu.memory_space<hbm>> -> memref<16x128xi32, #tpu.memory_space<hbm>>
          %dma_wait3A_303 = arith.constant 0 : i32
          %dma_wait3A_304 = tpu.memref_slice %arg11[%add3A, %dma_wait3A_303] : memref<2560x128xi32, #tpu.memory_space<hbm>> -> memref<16x128xi32, #tpu.memory_space<hbm>>
          tpu.wait_dma2 semaphore(%run_scoped3A_296 : memref<!tpu.dma_semaphore, #tpu.memory_space<semaphore_mem>>) src(%dma_wait3A_304 : memref<16x128xi32, #tpu.memory_space<hbm>>) dst(%arg18 : memref<16x128xi32, #tpu.memory_space<vmem>>)
          tpu.yield
        }) : () -> ()
        %dma_start3A = arith.constant 0 : i32
        %dma_start3A_59 = arith.constant 0 : i32
        %dma_start3A_60 = tpu.memref_slice %arg17[%dma_start3A, %dma_start3A_59] : memref<16x128xi32, #tpu.memory_space<vmem>> -> memref<1x128xi32, #tpu.memory_space<vmem>>
        %dma_start3A_61 = tpu.memref_squeeze %dma_start3A_60 : memref<1x128xi32, #tpu.memory_space<vmem>> -> memref<128xi32, #tpu.memory_space<vmem>>
        %dma_start3A_62 = arith.constant 0 : i32
        %dma_start3A_63 = arith.constant 0 : i32
        %dma_start3A_64 = tpu.memref_slice %arg3[%dma_start3A_62, %dma_start3A_63] : memref<10016x128xf32, #tpu.memory_space<hbm>> -> memref<10016x128xf32, #tpu.memory_space<hbm>>
        tpu.enqueue_indirect_dma source(%dma_start3A_64 : memref<10016x128xf32, #tpu.memory_space<hbm>>) target(%arg19 : memref<128x128xf32, #tpu.memory_space<vmem>>) offsets(%dma_start3A_61 : memref<128xi32, #tpu.memory_space<vmem>>) semaphore(%arg22 : memref<!tpu.dma_semaphore, #tpu.memory_space<semaphore_mem>>)
        %dma_wait3A = arith.constant 0 : i32
        %dma_wait3A_65 = arith.constant 0 : i32
        %dma_wait3A_66 = tpu.memref_slice %arg17[%dma_wait3A, %dma_wait3A_65] : memref<16x128xi32, #tpu.memory_space<vmem>> -> memref<1x128xi32, #tpu.memory_space<vmem>>
        %dma_wait3A_67 = tpu.memref_squeeze %dma_wait3A_66 : memref<1x128xi32, #tpu.memory_space<vmem>> -> memref<128xi32, #tpu.memory_space<vmem>>
        %dma_wait3A_68 = arith.constant 0 : i32
        %dma_wait3A_69 = arith.constant 0 : i32
        %dma_wait3A_70 = tpu.memref_slice %arg3[%dma_wait3A_68, %dma_wait3A_69] : memref<10016x128xf32, #tpu.memory_space<hbm>> -> memref<10016x128xf32, #tpu.memory_space<hbm>>
        tpu.wait_indirect_dma semaphore(%arg22 : memref<!tpu.dma_semaphore, #tpu.memory_space<semaphore_mem>>) src(%dma_wait3A_70 : memref<10016x128xf32, #tpu.memory_space<hbm>>) dst(%arg19 : memref<128x128xf32, #tpu.memory_space<vmem>>)
        %dma_start3A_71 = arith.constant 1 : i32
        %dma_start3A_72 = arith.constant 0 : i32
        %dma_start3A_73 = tpu.memref_slice %arg17[%dma_start3A_71, %dma_start3A_72] : memref<16x128xi32, #tpu.memory_space<vmem>> -> memref<1x128xi32, #tpu.memory_space<vmem>>
        %dma_start3A_74 = tpu.memref_squeeze %dma_start3A_73 : memref<1x128xi32, #tpu.memory_space<vmem>> -> memref<128xi32, #tpu.memory_space<vmem>>
        %dma_start3A_75 = arith.constant 0 : i32
        %dma_start3A_76 = arith.constant 0 : i32
        %dma_start3A_77 = tpu.memref_slice %arg3[%dma_start3A_75, %dma_start3A_76] : memref<10016x128xf32, #tpu.memory_space<hbm>> -> memref<10016x128xf32, #tpu.memory_space<hbm>>
        tpu.enqueue_indirect_dma source(%dma_start3A_77 : memref<10016x128xf32, #tpu.memory_space<hbm>>) target(%arg20 : memref<128x128xf32, #tpu.memory_space<vmem>>) offsets(%dma_start3A_74 : memref<128xi32, #tpu.memory_space<vmem>>) semaphore(%arg23 : memref<!tpu.dma_semaphore, #tpu.memory_space<semaphore_mem>>)
        %run_scoped3A = arith.constant 0 : i32
        "tpu.region"() ({
          %run_scoped3A_296 = tpu.sem_alloc : memref<!tpu.dma_semaphore, #tpu.memory_space<semaphore_mem>>
          %dma_start3A_297 = arith.constant 0 : i32
          %dma_start3A_298 = tpu.memref_slice %arg18[%run_scoped3A, %dma_start3A_297] : memref<16x128xi32, #tpu.memory_space<vmem>> -> memref<1x128xi32, #tpu.memory_space<vmem>>
          %dma_start3A_299 = tpu.memref_squeeze %dma_start3A_298 : memref<1x128xi32, #tpu.memory_space<vmem>> -> memref<128xi32, #tpu.memory_space<vmem>>
          %dma_start3A_300 = arith.constant 0 : i32
          %dma_start3A_301 = arith.constant 0 : i32
          %dma_start3A_302 = tpu.memref_slice %arg21[%dma_start3A_300, %dma_start3A_301] : memref<10032x128xf32, #tpu.memory_space<vmem_shared>> -> memref<10032x128xf32, #tpu.memory_space<vmem_shared>>
          tpu.enqueue_indirect_dma source(%arg19 : memref<128x128xf32, #tpu.memory_space<vmem>>) target(%dma_start3A_302 : memref<10032x128xf32, #tpu.memory_space<vmem_shared>>) offsets(%dma_start3A_299 : memref<128xi32, #tpu.memory_space<vmem>>) semaphore(%run_scoped3A_296 : memref<!tpu.dma_semaphore, #tpu.memory_space<semaphore_mem>>) {add = true}
          %dma_wait3A_303 = arith.constant 0 : i32
          %dma_wait3A_304 = tpu.memref_slice %arg18[%run_scoped3A, %dma_wait3A_303] : memref<16x128xi32, #tpu.memory_space<vmem>> -> memref<1x128xi32, #tpu.memory_space<vmem>>
          %dma_wait3A_305 = tpu.memref_squeeze %dma_wait3A_304 : memref<1x128xi32, #tpu.memory_space<vmem>> -> memref<128xi32, #tpu.memory_space<vmem>>
          %dma_wait3A_306 = arith.constant 0 : i32
          %dma_wait3A_307 = arith.constant 0 : i32
          %dma_wait3A_308 = tpu.memref_slice %arg21[%dma_wait3A_306, %dma_wait3A_307] : memref<10032x128xf32, #tpu.memory_space<vmem_shared>> -> memref<10032x128xf32, #tpu.memory_space<vmem_shared>>
          tpu.wait_indirect_dma semaphore(%run_scoped3A_296 : memref<!tpu.dma_semaphore, #tpu.memory_space<semaphore_mem>>) src(%arg19 : memref<128x128xf32, #tpu.memory_space<vmem>>) dst(%dma_wait3A_308 : memref<10032x128xf32, #tpu.memory_space<vmem_shared>>)
          tpu.yield
        }) : () -> ()
        %dma_wait3A_78 = arith.constant 1 : i32
        %dma_wait3A_79 = arith.constant 0 : i32
        %dma_wait3A_80 = tpu.memref_slice %arg17[%dma_wait3A_78, %dma_wait3A_79] : memref<16x128xi32, #tpu.memory_space<vmem>> -> memref<1x128xi32, #tpu.memory_space<vmem>>
        %dma_wait3A_81 = tpu.memref_squeeze %dma_wait3A_80 : memref<1x128xi32, #tpu.memory_space<vmem>> -> memref<128xi32, #tpu.memory_space<vmem>>
        %dma_wait3A_82 = arith.constant 0 : i32
        %dma_wait3A_83 = arith.constant 0 : i32
        %dma_wait3A_84 = tpu.memref_slice %arg3[%dma_wait3A_82, %dma_wait3A_83] : memref<10016x128xf32, #tpu.memory_space<hbm>> -> memref<10016x128xf32, #tpu.memory_space<hbm>>
        tpu.wait_indirect_dma semaphore(%arg23 : memref<!tpu.dma_semaphore, #tpu.memory_space<semaphore_mem>>) src(%dma_wait3A_84 : memref<10016x128xf32, #tpu.memory_space<hbm>>) dst(%arg20 : memref<128x128xf32, #tpu.memory_space<vmem>>)
        %dma_start3A_85 = arith.constant 2 : i32
        %dma_start3A_86 = arith.constant 0 : i32
        %dma_start3A_87 = tpu.memref_slice %arg17[%dma_start3A_85, %dma_start3A_86] : memref<16x128xi32, #tpu.memory_space<vmem>> -> memref<1x128xi32, #tpu.memory_space<vmem>>
        %dma_start3A_88 = tpu.memref_squeeze %dma_start3A_87 : memref<1x128xi32, #tpu.memory_space<vmem>> -> memref<128xi32, #tpu.memory_space<vmem>>
        %dma_start3A_89 = arith.constant 0 : i32
        %dma_start3A_90 = arith.constant 0 : i32
        %dma_start3A_91 = tpu.memref_slice %arg3[%dma_start3A_89, %dma_start3A_90] : memref<10016x128xf32, #tpu.memory_space<hbm>> -> memref<10016x128xf32, #tpu.memory_space<hbm>>
        tpu.enqueue_indirect_dma source(%dma_start3A_91 : memref<10016x128xf32, #tpu.memory_space<hbm>>) target(%arg19 : memref<128x128xf32, #tpu.memory_space<vmem>>) offsets(%dma_start3A_88 : memref<128xi32, #tpu.memory_space<vmem>>) semaphore(%arg22 : memref<!tpu.dma_semaphore, #tpu.memory_space<semaphore_mem>>)
        %run_scoped3A_92 = arith.constant 1 : i32
        "tpu.region"() ({
          %run_scoped3A_296 = tpu.sem_alloc : memref<!tpu.dma_semaphore, #tpu.memory_space<semaphore_mem>>
          %dma_start3A_297 = arith.constant 0 : i32
          %dma_start3A_298 = tpu.memref_slice %arg18[%run_scoped3A_92, %dma_start3A_297] : memref<16x128xi32, #tpu.memory_space<vmem>> -> memref<1x128xi32, #tpu.memory_space<vmem>>
          %dma_start3A_299 = tpu.memref_squeeze %dma_start3A_298 : memref<1x128xi32, #tpu.memory_space<vmem>> -> memref<128xi32, #tpu.memory_space<vmem>>
          %dma_start3A_300 = arith.constant 0 : i32
          %dma_start3A_301 = arith.constant 0 : i32
          %dma_start3A_302 = tpu.memref_slice %arg21[%dma_start3A_300, %dma_start3A_301] : memref<10032x128xf32, #tpu.memory_space<vmem_shared>> -> memref<10032x128xf32, #tpu.memory_space<vmem_shared>>
          tpu.enqueue_indirect_dma source(%arg20 : memref<128x128xf32, #tpu.memory_space<vmem>>) target(%dma_start3A_302 : memref<10032x128xf32, #tpu.memory_space<vmem_shared>>) offsets(%dma_start3A_299 : memref<128xi32, #tpu.memory_space<vmem>>) semaphore(%run_scoped3A_296 : memref<!tpu.dma_semaphore, #tpu.memory_space<semaphore_mem>>) {add = true}
          %dma_wait3A_303 = arith.constant 0 : i32
          %dma_wait3A_304 = tpu.memref_slice %arg18[%run_scoped3A_92, %dma_wait3A_303] : memref<16x128xi32, #tpu.memory_space<vmem>> -> memref<1x128xi32, #tpu.memory_space<vmem>>
          %dma_wait3A_305 = tpu.memref_squeeze %dma_wait3A_304 : memref<1x128xi32, #tpu.memory_space<vmem>> -> memref<128xi32, #tpu.memory_space<vmem>>
          %dma_wait3A_306 = arith.constant 0 : i32
          %dma_wait3A_307 = arith.constant 0 : i32
          %dma_wait3A_308 = tpu.memref_slice %arg21[%dma_wait3A_306, %dma_wait3A_307] : memref<10032x128xf32, #tpu.memory_space<vmem_shared>> -> memref<10032x128xf32, #tpu.memory_space<vmem_shared>>
          tpu.wait_indirect_dma semaphore(%run_scoped3A_296 : memref<!tpu.dma_semaphore, #tpu.memory_space<semaphore_mem>>) src(%arg20 : memref<128x128xf32, #tpu.memory_space<vmem>>) dst(%dma_wait3A_308 : memref<10032x128xf32, #tpu.memory_space<vmem_shared>>)
          tpu.yield
        }) : () -> ()
        %dma_wait3A_93 = arith.constant 2 : i32
        %dma_wait3A_94 = arith.constant 0 : i32
        %dma_wait3A_95 = tpu.memref_slice %arg17[%dma_wait3A_93, %dma_wait3A_94] : memref<16x128xi32, #tpu.memory_space<vmem>> -> memref<1x128xi32, #tpu.memory_space<vmem>>
        %dma_wait3A_96 = tpu.memref_squeeze %dma_wait3A_95 : memref<1x128xi32, #tpu.memory_space<vmem>> -> memref<128xi32, #tpu.memory_space<vmem>>
        %dma_wait3A_97 = arith.constant 0 : i32
        %dma_wait3A_98 = arith.constant 0 : i32
        %dma_wait3A_99 = tpu.memref_slice %arg3[%dma_wait3A_97, %dma_wait3A_98] : memref<10016x128xf32, #tpu.memory_space<hbm>> -> memref<10016x128xf32, #tpu.memory_space<hbm>>
        tpu.wait_indirect_dma semaphore(%arg22 : memref<!tpu.dma_semaphore, #tpu.memory_space<semaphore_mem>>) src(%dma_wait3A_99 : memref<10016x128xf32, #tpu.memory_space<hbm>>) dst(%arg19 : memref<128x128xf32, #tpu.memory_space<vmem>>)
        %dma_start3A_100 = arith.constant 3 : i32
        %dma_start3A_101 = arith.constant 0 : i32
        %dma_start3A_102 = tpu.memref_slice %arg17[%dma_start3A_100, %dma_start3A_101] : memref<16x128xi32, #tpu.memory_space<vmem>> -> memref<1x128xi32, #tpu.memory_space<vmem>>
        %dma_start3A_103 = tpu.memref_squeeze %dma_start3A_102 : memref<1x128xi32, #tpu.memory_space<vmem>> -> memref<128xi32, #tpu.memory_space<vmem>>
        %dma_start3A_104 = arith.constant 0 : i32
        %dma_start3A_105 = arith.constant 0 : i32
        %dma_start3A_106 = tpu.memref_slice %arg3[%dma_start3A_104, %dma_start3A_105] : memref<10016x128xf32, #tpu.memory_space<hbm>> -> memref<10016x128xf32, #tpu.memory_space<hbm>>
        tpu.enqueue_indirect_dma source(%dma_start3A_106 : memref<10016x128xf32, #tpu.memory_space<hbm>>) target(%arg20 : memref<128x128xf32, #tpu.memory_space<vmem>>) offsets(%dma_start3A_103 : memref<128xi32, #tpu.memory_space<vmem>>) semaphore(%arg23 : memref<!tpu.dma_semaphore, #tpu.memory_space<semaphore_mem>>)
        %run_scoped3A_107 = arith.constant 2 : i32
        "tpu.region"() ({
          %run_scoped3A_296 = tpu.sem_alloc : memref<!tpu.dma_semaphore, #tpu.memory_space<semaphore_mem>>
          %dma_start3A_297 = arith.constant 0 : i32
          %dma_start3A_298 = tpu.memref_slice %arg18[%run_scoped3A_107, %dma_start3A_297] : memref<16x128xi32, #tpu.memory_space<vmem>> -> memref<1x128xi32, #tpu.memory_space<vmem>>
          %dma_start3A_299 = tpu.memref_squeeze %dma_start3A_298 : memref<1x128xi32, #tpu.memory_space<vmem>> -> memref<128xi32, #tpu.memory_space<vmem>>
          %dma_start3A_300 = arith.constant 0 : i32
          %dma_start3A_301 = arith.constant 0 : i32
          %dma_start3A_302 = tpu.memref_slice %arg21[%dma_start3A_300, %dma_start3A_301] : memref<10032x128xf32, #tpu.memory_space<vmem_shared>> -> memref<10032x128xf32, #tpu.memory_space<vmem_shared>>
          tpu.enqueue_indirect_dma source(%arg19 : memref<128x128xf32, #tpu.memory_space<vmem>>) target(%dma_start3A_302 : memref<10032x128xf32, #tpu.memory_space<vmem_shared>>) offsets(%dma_start3A_299 : memref<128xi32, #tpu.memory_space<vmem>>) semaphore(%run_scoped3A_296 : memref<!tpu.dma_semaphore, #tpu.memory_space<semaphore_mem>>) {add = true}
          %dma_wait3A_303 = arith.constant 0 : i32
          %dma_wait3A_304 = tpu.memref_slice %arg18[%run_scoped3A_107, %dma_wait3A_303] : memref<16x128xi32, #tpu.memory_space<vmem>> -> memref<1x128xi32, #tpu.memory_space<vmem>>
          %dma_wait3A_305 = tpu.memref_squeeze %dma_wait3A_304 : memref<1x128xi32, #tpu.memory_space<vmem>> -> memref<128xi32, #tpu.memory_space<vmem>>
          %dma_wait3A_306 = arith.constant 0 : i32
          %dma_wait3A_307 = arith.constant 0 : i32
          %dma_wait3A_308 = tpu.memref_slice %arg21[%dma_wait3A_306, %dma_wait3A_307] : memref<10032x128xf32, #tpu.memory_space<vmem_shared>> -> memref<10032x128xf32, #tpu.memory_space<vmem_shared>>
          tpu.wait_indirect_dma semaphore(%run_scoped3A_296 : memref<!tpu.dma_semaphore, #tpu.memory_space<semaphore_mem>>) src(%arg19 : memref<128x128xf32, #tpu.memory_space<vmem>>) dst(%dma_wait3A_308 : memref<10032x128xf32, #tpu.memory_space<vmem_shared>>)
          tpu.yield
        }) : () -> ()
        %dma_wait3A_108 = arith.constant 3 : i32
        %dma_wait3A_109 = arith.constant 0 : i32
        %dma_wait3A_110 = tpu.memref_slice %arg17[%dma_wait3A_108, %dma_wait3A_109] : memref<16x128xi32, #tpu.memory_space<vmem>> -> memref<1x128xi32, #tpu.memory_space<vmem>>
        %dma_wait3A_111 = tpu.memref_squeeze %dma_wait3A_110 : memref<1x128xi32, #tpu.memory_space<vmem>> -> memref<128xi32, #tpu.memory_space<vmem>>
        %dma_wait3A_112 = arith.constant 0 : i32
        %dma_wait3A_113 = arith.constant 0 : i32
        %dma_wait3A_114 = tpu.memref_slice %arg3[%dma_wait3A_112, %dma_wait3A_113] : memref<10016x128xf32, #tpu.memory_space<hbm>> -> memref<10016x128xf32, #tpu.memory_space<hbm>>
        tpu.wait_indirect_dma semaphore(%arg23 : memref<!tpu.dma_semaphore, #tpu.memory_space<semaphore_mem>>) src(%dma_wait3A_114 : memref<10016x128xf32, #tpu.memory_space<hbm>>) dst(%arg20 : memref<128x128xf32, #tpu.memory_space<vmem>>)
        %dma_start3A_115 = arith.constant 4 : i32
        %dma_start3A_116 = arith.constant 0 : i32
        %dma_start3A_117 = tpu.memref_slice %arg17[%dma_start3A_115, %dma_start3A_116] : memref<16x128xi32, #tpu.memory_space<vmem>> -> memref<1x128xi32, #tpu.memory_space<vmem>>
        %dma_start3A_118 = tpu.memref_squeeze %dma_start3A_117 : memref<1x128xi32, #tpu.memory_space<vmem>> -> memref<128xi32, #tpu.memory_space<vmem>>
        %dma_start3A_119 = arith.constant 0 : i32
        %dma_start3A_120 = arith.constant 0 : i32
        %dma_start3A_121 = tpu.memref_slice %arg3[%dma_start3A_119, %dma_start3A_120] : memref<10016x128xf32, #tpu.memory_space<hbm>> -> memref<10016x128xf32, #tpu.memory_space<hbm>>
        tpu.enqueue_indirect_dma source(%dma_start3A_121 : memref<10016x128xf32, #tpu.memory_space<hbm>>) target(%arg19 : memref<128x128xf32, #tpu.memory_space<vmem>>) offsets(%dma_start3A_118 : memref<128xi32, #tpu.memory_space<vmem>>) semaphore(%arg22 : memref<!tpu.dma_semaphore, #tpu.memory_space<semaphore_mem>>)
        %run_scoped3A_122 = arith.constant 3 : i32
        "tpu.region"() ({
          %run_scoped3A_296 = tpu.sem_alloc : memref<!tpu.dma_semaphore, #tpu.memory_space<semaphore_mem>>
          %dma_start3A_297 = arith.constant 0 : i32
          %dma_start3A_298 = tpu.memref_slice %arg18[%run_scoped3A_122, %dma_start3A_297] : memref<16x128xi32, #tpu.memory_space<vmem>> -> memref<1x128xi32, #tpu.memory_space<vmem>>
          %dma_start3A_299 = tpu.memref_squeeze %dma_start3A_298 : memref<1x128xi32, #tpu.memory_space<vmem>> -> memref<128xi32, #tpu.memory_space<vmem>>
          %dma_start3A_300 = arith.constant 0 : i32
          %dma_start3A_301 = arith.constant 0 : i32
          %dma_start3A_302 = tpu.memref_slice %arg21[%dma_start3A_300, %dma_start3A_301] : memref<10032x128xf32, #tpu.memory_space<vmem_shared>> -> memref<10032x128xf32, #tpu.memory_space<vmem_shared>>
          tpu.enqueue_indirect_dma source(%arg20 : memref<128x128xf32, #tpu.memory_space<vmem>>) target(%dma_start3A_302 : memref<10032x128xf32, #tpu.memory_space<vmem_shared>>) offsets(%dma_start3A_299 : memref<128xi32, #tpu.memory_space<vmem>>) semaphore(%run_scoped3A_296 : memref<!tpu.dma_semaphore, #tpu.memory_space<semaphore_mem>>) {add = true}
          %dma_wait3A_303 = arith.constant 0 : i32
          %dma_wait3A_304 = tpu.memref_slice %arg18[%run_scoped3A_122, %dma_wait3A_303] : memref<16x128xi32, #tpu.memory_space<vmem>> -> memref<1x128xi32, #tpu.memory_space<vmem>>
          %dma_wait3A_305 = tpu.memref_squeeze %dma_wait3A_304 : memref<1x128xi32, #tpu.memory_space<vmem>> -> memref<128xi32, #tpu.memory_space<vmem>>
          %dma_wait3A_306 = arith.constant 0 : i32
          %dma_wait3A_307 = arith.constant 0 : i32
          %dma_wait3A_308 = tpu.memref_slice %arg21[%dma_wait3A_306, %dma_wait3A_307] : memref<10032x128xf32, #tpu.memory_space<vmem_shared>> -> memref<10032x128xf32, #tpu.memory_space<vmem_shared>>
          tpu.wait_indirect_dma semaphore(%run_scoped3A_296 : memref<!tpu.dma_semaphore, #tpu.memory_space<semaphore_mem>>) src(%arg20 : memref<128x128xf32, #tpu.memory_space<vmem>>) dst(%dma_wait3A_308 : memref<10032x128xf32, #tpu.memory_space<vmem_shared>>)
          tpu.yield
        }) : () -> ()
        %dma_wait3A_123 = arith.constant 4 : i32
        %dma_wait3A_124 = arith.constant 0 : i32
        %dma_wait3A_125 = tpu.memref_slice %arg17[%dma_wait3A_123, %dma_wait3A_124] : memref<16x128xi32, #tpu.memory_space<vmem>> -> memref<1x128xi32, #tpu.memory_space<vmem>>
        %dma_wait3A_126 = tpu.memref_squeeze %dma_wait3A_125 : memref<1x128xi32, #tpu.memory_space<vmem>> -> memref<128xi32, #tpu.memory_space<vmem>>
        %dma_wait3A_127 = arith.constant 0 : i32
        %dma_wait3A_128 = arith.constant 0 : i32
        %dma_wait3A_129 = tpu.memref_slice %arg3[%dma_wait3A_127, %dma_wait3A_128] : memref<10016x128xf32, #tpu.memory_space<hbm>> -> memref<10016x128xf32, #tpu.memory_space<hbm>>
        tpu.wait_indirect_dma semaphore(%arg22 : memref<!tpu.dma_semaphore, #tpu.memory_space<semaphore_mem>>) src(%dma_wait3A_129 : memref<10016x128xf32, #tpu.memory_space<hbm>>) dst(%arg19 : memref<128x128xf32, #tpu.memory_space<vmem>>)
        %dma_start3A_130 = arith.constant 5 : i32
        %dma_start3A_131 = arith.constant 0 : i32
        %dma_start3A_132 = tpu.memref_slice %arg17[%dma_start3A_130, %dma_start3A_131] : memref<16x128xi32, #tpu.memory_space<vmem>> -> memref<1x128xi32, #tpu.memory_space<vmem>>
        %dma_start3A_133 = tpu.memref_squeeze %dma_start3A_132 : memref<1x128xi32, #tpu.memory_space<vmem>> -> memref<128xi32, #tpu.memory_space<vmem>>
        %dma_start3A_134 = arith.constant 0 : i32
        %dma_start3A_135 = arith.constant 0 : i32
        %dma_start3A_136 = tpu.memref_slice %arg3[%dma_start3A_134, %dma_start3A_135] : memref<10016x128xf32, #tpu.memory_space<hbm>> -> memref<10016x128xf32, #tpu.memory_space<hbm>>
        tpu.enqueue_indirect_dma source(%dma_start3A_136 : memref<10016x128xf32, #tpu.memory_space<hbm>>) target(%arg20 : memref<128x128xf32, #tpu.memory_space<vmem>>) offsets(%dma_start3A_133 : memref<128xi32, #tpu.memory_space<vmem>>) semaphore(%arg23 : memref<!tpu.dma_semaphore, #tpu.memory_space<semaphore_mem>>)
        %run_scoped3A_137 = arith.constant 4 : i32
        "tpu.region"() ({
          %run_scoped3A_296 = tpu.sem_alloc : memref<!tpu.dma_semaphore, #tpu.memory_space<semaphore_mem>>
          %dma_start3A_297 = arith.constant 0 : i32
          %dma_start3A_298 = tpu.memref_slice %arg18[%run_scoped3A_137, %dma_start3A_297] : memref<16x128xi32, #tpu.memory_space<vmem>> -> memref<1x128xi32, #tpu.memory_space<vmem>>
          %dma_start3A_299 = tpu.memref_squeeze %dma_start3A_298 : memref<1x128xi32, #tpu.memory_space<vmem>> -> memref<128xi32, #tpu.memory_space<vmem>>
          %dma_start3A_300 = arith.constant 0 : i32
          %dma_start3A_301 = arith.constant 0 : i32
          %dma_start3A_302 = tpu.memref_slice %arg21[%dma_start3A_300, %dma_start3A_301] : memref<10032x128xf32, #tpu.memory_space<vmem_shared>> -> memref<10032x128xf32, #tpu.memory_space<vmem_shared>>
          tpu.enqueue_indirect_dma source(%arg19 : memref<128x128xf32, #tpu.memory_space<vmem>>) target(%dma_start3A_302 : memref<10032x128xf32, #tpu.memory_space<vmem_shared>>) offsets(%dma_start3A_299 : memref<128xi32, #tpu.memory_space<vmem>>) semaphore(%run_scoped3A_296 : memref<!tpu.dma_semaphore, #tpu.memory_space<semaphore_mem>>) {add = true}
          %dma_wait3A_303 = arith.constant 0 : i32
          %dma_wait3A_304 = tpu.memref_slice %arg18[%run_scoped3A_137, %dma_wait3A_303] : memref<16x128xi32, #tpu.memory_space<vmem>> -> memref<1x128xi32, #tpu.memory_space<vmem>>
          %dma_wait3A_305 = tpu.memref_squeeze %dma_wait3A_304 : memref<1x128xi32, #tpu.memory_space<vmem>> -> memref<128xi32, #tpu.memory_space<vmem>>
          %dma_wait3A_306 = arith.constant 0 : i32
          %dma_wait3A_307 = arith.constant 0 : i32
          %dma_wait3A_308 = tpu.memref_slice %arg21[%dma_wait3A_306, %dma_wait3A_307] : memref<10032x128xf32, #tpu.memory_space<vmem_shared>> -> memref<10032x128xf32, #tpu.memory_space<vmem_shared>>
          tpu.wait_indirect_dma semaphore(%run_scoped3A_296 : memref<!tpu.dma_semaphore, #tpu.memory_space<semaphore_mem>>) src(%arg19 : memref<128x128xf32, #tpu.memory_space<vmem>>) dst(%dma_wait3A_308 : memref<10032x128xf32, #tpu.memory_space<vmem_shared>>)
          tpu.yield
        }) : () -> ()
        %dma_wait3A_138 = arith.constant 5 : i32
        %dma_wait3A_139 = arith.constant 0 : i32
        %dma_wait3A_140 = tpu.memref_slice %arg17[%dma_wait3A_138, %dma_wait3A_139] : memref<16x128xi32, #tpu.memory_space<vmem>> -> memref<1x128xi32, #tpu.memory_space<vmem>>
        %dma_wait3A_141 = tpu.memref_squeeze %dma_wait3A_140 : memref<1x128xi32, #tpu.memory_space<vmem>> -> memref<128xi32, #tpu.memory_space<vmem>>
        %dma_wait3A_142 = arith.constant 0 : i32
        %dma_wait3A_143 = arith.constant 0 : i32
        %dma_wait3A_144 = tpu.memref_slice %arg3[%dma_wait3A_142, %dma_wait3A_143] : memref<10016x128xf32, #tpu.memory_space<hbm>> -> memref<10016x128xf32, #tpu.memory_space<hbm>>
        tpu.wait_indirect_dma semaphore(%arg23 : memref<!tpu.dma_semaphore, #tpu.memory_space<semaphore_mem>>) src(%dma_wait3A_144 : memref<10016x128xf32, #tpu.memory_space<hbm>>) dst(%arg20 : memref<128x128xf32, #tpu.memory_space<vmem>>)
        %dma_start3A_145 = arith.constant 6 : i32
        %dma_start3A_146 = arith.constant 0 : i32
        %dma_start3A_147 = tpu.memref_slice %arg17[%dma_start3A_145, %dma_start3A_146] : memref<16x128xi32, #tpu.memory_space<vmem>> -> memref<1x128xi32, #tpu.memory_space<vmem>>
        %dma_start3A_148 = tpu.memref_squeeze %dma_start3A_147 : memref<1x128xi32, #tpu.memory_space<vmem>> -> memref<128xi32, #tpu.memory_space<vmem>>
        %dma_start3A_149 = arith.constant 0 : i32
        %dma_start3A_150 = arith.constant 0 : i32
        %dma_start3A_151 = tpu.memref_slice %arg3[%dma_start3A_149, %dma_start3A_150] : memref<10016x128xf32, #tpu.memory_space<hbm>> -> memref<10016x128xf32, #tpu.memory_space<hbm>>
        tpu.enqueue_indirect_dma source(%dma_start3A_151 : memref<10016x128xf32, #tpu.memory_space<hbm>>) target(%arg19 : memref<128x128xf32, #tpu.memory_space<vmem>>) offsets(%dma_start3A_148 : memref<128xi32, #tpu.memory_space<vmem>>) semaphore(%arg22 : memref<!tpu.dma_semaphore, #tpu.memory_space<semaphore_mem>>)
        %run_scoped3A_152 = arith.constant 5 : i32
        "tpu.region"() ({
          %run_scoped3A_296 = tpu.sem_alloc : memref<!tpu.dma_semaphore, #tpu.memory_space<semaphore_mem>>
          %dma_start3A_297 = arith.constant 0 : i32
          %dma_start3A_298 = tpu.memref_slice %arg18[%run_scoped3A_152, %dma_start3A_297] : memref<16x128xi32, #tpu.memory_space<vmem>> -> memref<1x128xi32, #tpu.memory_space<vmem>>
          %dma_start3A_299 = tpu.memref_squeeze %dma_start3A_298 : memref<1x128xi32, #tpu.memory_space<vmem>> -> memref<128xi32, #tpu.memory_space<vmem>>
          %dma_start3A_300 = arith.constant 0 : i32
          %dma_start3A_301 = arith.constant 0 : i32
          %dma_start3A_302 = tpu.memref_slice %arg21[%dma_start3A_300, %dma_start3A_301] : memref<10032x128xf32, #tpu.memory_space<vmem_shared>> -> memref<10032x128xf32, #tpu.memory_space<vmem_shared>>
          tpu.enqueue_indirect_dma source(%arg20 : memref<128x128xf32, #tpu.memory_space<vmem>>) target(%dma_start3A_302 : memref<10032x128xf32, #tpu.memory_space<vmem_shared>>) offsets(%dma_start3A_299 : memref<128xi32, #tpu.memory_space<vmem>>) semaphore(%run_scoped3A_296 : memref<!tpu.dma_semaphore, #tpu.memory_space<semaphore_mem>>) {add = true}
          %dma_wait3A_303 = arith.constant 0 : i32
          %dma_wait3A_304 = tpu.memref_slice %arg18[%run_scoped3A_152, %dma_wait3A_303] : memref<16x128xi32, #tpu.memory_space<vmem>> -> memref<1x128xi32, #tpu.memory_space<vmem>>
          %dma_wait3A_305 = tpu.memref_squeeze %dma_wait3A_304 : memref<1x128xi32, #tpu.memory_space<vmem>> -> memref<128xi32, #tpu.memory_space<vmem>>
          %dma_wait3A_306 = arith.constant 0 : i32
          %dma_wait3A_307 = arith.constant 0 : i32
          %dma_wait3A_308 = tpu.memref_slice %arg21[%dma_wait3A_306, %dma_wait3A_307] : memref<10032x128xf32, #tpu.memory_space<vmem_shared>> -> memref<10032x128xf32, #tpu.memory_space<vmem_shared>>
          tpu.wait_indirect_dma semaphore(%run_scoped3A_296 : memref<!tpu.dma_semaphore, #tpu.memory_space<semaphore_mem>>) src(%arg20 : memref<128x128xf32, #tpu.memory_space<vmem>>) dst(%dma_wait3A_308 : memref<10032x128xf32, #tpu.memory_space<vmem_shared>>)
          tpu.yield
        }) : () -> ()
        %dma_wait3A_153 = arith.constant 6 : i32
        %dma_wait3A_154 = arith.constant 0 : i32
        %dma_wait3A_155 = tpu.memref_slice %arg17[%dma_wait3A_153, %dma_wait3A_154] : memref<16x128xi32, #tpu.memory_space<vmem>> -> memref<1x128xi32, #tpu.memory_space<vmem>>
        %dma_wait3A_156 = tpu.memref_squeeze %dma_wait3A_155 : memref<1x128xi32, #tpu.memory_space<vmem>> -> memref<128xi32, #tpu.memory_space<vmem>>
        %dma_wait3A_157 = arith.constant 0 : i32
        %dma_wait3A_158 = arith.constant 0 : i32
        %dma_wait3A_159 = tpu.memref_slice %arg3[%dma_wait3A_157, %dma_wait3A_158] : memref<10016x128xf32, #tpu.memory_space<hbm>> -> memref<10016x128xf32, #tpu.memory_space<hbm>>
        tpu.wait_indirect_dma semaphore(%arg22 : memref<!tpu.dma_semaphore, #tpu.memory_space<semaphore_mem>>) src(%dma_wait3A_159 : memref<10016x128xf32, #tpu.memory_space<hbm>>) dst(%arg19 : memref<128x128xf32, #tpu.memory_space<vmem>>)
        %dma_start3A_160 = arith.constant 7 : i32
        %dma_start3A_161 = arith.constant 0 : i32
        %dma_start3A_162 = tpu.memref_slice %arg17[%dma_start3A_160, %dma_start3A_161] : memref<16x128xi32, #tpu.memory_space<vmem>> -> memref<1x128xi32, #tpu.memory_space<vmem>>
        %dma_start3A_163 = tpu.memref_squeeze %dma_start3A_162 : memref<1x128xi32, #tpu.memory_space<vmem>> -> memref<128xi32, #tpu.memory_space<vmem>>
        %dma_start3A_164 = arith.constant 0 : i32
        %dma_start3A_165 = arith.constant 0 : i32
        %dma_start3A_166 = tpu.memref_slice %arg3[%dma_start3A_164, %dma_start3A_165] : memref<10016x128xf32, #tpu.memory_space<hbm>> -> memref<10016x128xf32, #tpu.memory_space<hbm>>
        tpu.enqueue_indirect_dma source(%dma_start3A_166 : memref<10016x128xf32, #tpu.memory_space<hbm>>) target(%arg20 : memref<128x128xf32, #tpu.memory_space<vmem>>) offsets(%dma_start3A_163 : memref<128xi32, #tpu.memory_space<vmem>>) semaphore(%arg23 : memref<!tpu.dma_semaphore, #tpu.memory_space<semaphore_mem>>)
        %run_scoped3A_167 = arith.constant 6 : i32
        "tpu.region"() ({
          %run_scoped3A_296 = tpu.sem_alloc : memref<!tpu.dma_semaphore, #tpu.memory_space<semaphore_mem>>
          %dma_start3A_297 = arith.constant 0 : i32
          %dma_start3A_298 = tpu.memref_slice %arg18[%run_scoped3A_167, %dma_start3A_297] : memref<16x128xi32, #tpu.memory_space<vmem>> -> memref<1x128xi32, #tpu.memory_space<vmem>>
          %dma_start3A_299 = tpu.memref_squeeze %dma_start3A_298 : memref<1x128xi32, #tpu.memory_space<vmem>> -> memref<128xi32, #tpu.memory_space<vmem>>
          %dma_start3A_300 = arith.constant 0 : i32
          %dma_start3A_301 = arith.constant 0 : i32
          %dma_start3A_302 = tpu.memref_slice %arg21[%dma_start3A_300, %dma_start3A_301] : memref<10032x128xf32, #tpu.memory_space<vmem_shared>> -> memref<10032x128xf32, #tpu.memory_space<vmem_shared>>
          tpu.enqueue_indirect_dma source(%arg19 : memref<128x128xf32, #tpu.memory_space<vmem>>) target(%dma_start3A_302 : memref<10032x128xf32, #tpu.memory_space<vmem_shared>>) offsets(%dma_start3A_299 : memref<128xi32, #tpu.memory_space<vmem>>) semaphore(%run_scoped3A_296 : memref<!tpu.dma_semaphore, #tpu.memory_space<semaphore_mem>>) {add = true}
          %dma_wait3A_303 = arith.constant 0 : i32
          %dma_wait3A_304 = tpu.memref_slice %arg18[%run_scoped3A_167, %dma_wait3A_303] : memref<16x128xi32, #tpu.memory_space<vmem>> -> memref<1x128xi32, #tpu.memory_space<vmem>>
          %dma_wait3A_305 = tpu.memref_squeeze %dma_wait3A_304 : memref<1x128xi32, #tpu.memory_space<vmem>> -> memref<128xi32, #tpu.memory_space<vmem>>
          %dma_wait3A_306 = arith.constant 0 : i32
          %dma_wait3A_307 = arith.constant 0 : i32
          %dma_wait3A_308 = tpu.memref_slice %arg21[%dma_wait3A_306, %dma_wait3A_307] : memref<10032x128xf32, #tpu.memory_space<vmem_shared>> -> memref<10032x128xf32, #tpu.memory_space<vmem_shared>>
          tpu.wait_indirect_dma semaphore(%run_scoped3A_296 : memref<!tpu.dma_semaphore, #tpu.memory_space<semaphore_mem>>) src(%arg19 : memref<128x128xf32, #tpu.memory_space<vmem>>) dst(%dma_wait3A_308 : memref<10032x128xf32, #tpu.memory_space<vmem_shared>>)
          tpu.yield
        }) : () -> ()
        %dma_wait3A_168 = arith.constant 7 : i32
        %dma_wait3A_169 = arith.constant 0 : i32
        %dma_wait3A_170 = tpu.memref_slice %arg17[%dma_wait3A_168, %dma_wait3A_169] : memref<16x128xi32, #tpu.memory_space<vmem>> -> memref<1x128xi32, #tpu.memory_space<vmem>>
        %dma_wait3A_171 = tpu.memref_squeeze %dma_wait3A_170 : memref<1x128xi32, #tpu.memory_space<vmem>> -> memref<128xi32, #tpu.memory_space<vmem>>
        %dma_wait3A_172 = arith.constant 0 : i32
        %dma_wait3A_173 = arith.constant 0 : i32
        %dma_wait3A_174 = tpu.memref_slice %arg3[%dma_wait3A_172, %dma_wait3A_173] : memref<10016x128xf32, #tpu.memory_space<hbm>> -> memref<10016x128xf32, #tpu.memory_space<hbm>>
        tpu.wait_indirect_dma semaphore(%arg23 : memref<!tpu.dma_semaphore, #tpu.memory_space<semaphore_mem>>) src(%dma_wait3A_174 : memref<10016x128xf32, #tpu.memory_space<hbm>>) dst(%arg20 : memref<128x128xf32, #tpu.memory_space<vmem>>)
        %dma_start3A_175 = arith.constant 8 : i32
        %dma_start3A_176 = arith.constant 0 : i32
        %dma_start3A_177 = tpu.memref_slice %arg17[%dma_start3A_175, %dma_start3A_176] : memref<16x128xi32, #tpu.memory_space<vmem>> -> memref<1x128xi32, #tpu.memory_space<vmem>>
        %dma_start3A_178 = tpu.memref_squeeze %dma_start3A_177 : memref<1x128xi32, #tpu.memory_space<vmem>> -> memref<128xi32, #tpu.memory_space<vmem>>
        %dma_start3A_179 = arith.constant 0 : i32
        %dma_start3A_180 = arith.constant 0 : i32
        %dma_start3A_181 = tpu.memref_slice %arg3[%dma_start3A_179, %dma_start3A_180] : memref<10016x128xf32, #tpu.memory_space<hbm>> -> memref<10016x128xf32, #tpu.memory_space<hbm>>
        tpu.enqueue_indirect_dma source(%dma_start3A_181 : memref<10016x128xf32, #tpu.memory_space<hbm>>) target(%arg19 : memref<128x128xf32, #tpu.memory_space<vmem>>) offsets(%dma_start3A_178 : memref<128xi32, #tpu.memory_space<vmem>>) semaphore(%arg22 : memref<!tpu.dma_semaphore, #tpu.memory_space<semaphore_mem>>)
        %run_scoped3A_182 = arith.constant 7 : i32
        "tpu.region"() ({
          %run_scoped3A_296 = tpu.sem_alloc : memref<!tpu.dma_semaphore, #tpu.memory_space<semaphore_mem>>
          %dma_start3A_297 = arith.constant 0 : i32
          %dma_start3A_298 = tpu.memref_slice %arg18[%run_scoped3A_182, %dma_start3A_297] : memref<16x128xi32, #tpu.memory_space<vmem>> -> memref<1x128xi32, #tpu.memory_space<vmem>>
          %dma_start3A_299 = tpu.memref_squeeze %dma_start3A_298 : memref<1x128xi32, #tpu.memory_space<vmem>> -> memref<128xi32, #tpu.memory_space<vmem>>
          %dma_start3A_300 = arith.constant 0 : i32
          %dma_start3A_301 = arith.constant 0 : i32
          %dma_start3A_302 = tpu.memref_slice %arg21[%dma_start3A_300, %dma_start3A_301] : memref<10032x128xf32, #tpu.memory_space<vmem_shared>> -> memref<10032x128xf32, #tpu.memory_space<vmem_shared>>
          tpu.enqueue_indirect_dma source(%arg20 : memref<128x128xf32, #tpu.memory_space<vmem>>) target(%dma_start3A_302 : memref<10032x128xf32, #tpu.memory_space<vmem_shared>>) offsets(%dma_start3A_299 : memref<128xi32, #tpu.memory_space<vmem>>) semaphore(%run_scoped3A_296 : memref<!tpu.dma_semaphore, #tpu.memory_space<semaphore_mem>>) {add = true}
          %dma_wait3A_303 = arith.constant 0 : i32
          %dma_wait3A_304 = tpu.memref_slice %arg18[%run_scoped3A_182, %dma_wait3A_303] : memref<16x128xi32, #tpu.memory_space<vmem>> -> memref<1x128xi32, #tpu.memory_space<vmem>>
          %dma_wait3A_305 = tpu.memref_squeeze %dma_wait3A_304 : memref<1x128xi32, #tpu.memory_space<vmem>> -> memref<128xi32, #tpu.memory_space<vmem>>
          %dma_wait3A_306 = arith.constant 0 : i32
          %dma_wait3A_307 = arith.constant 0 : i32
          %dma_wait3A_308 = tpu.memref_slice %arg21[%dma_wait3A_306, %dma_wait3A_307] : memref<10032x128xf32, #tpu.memory_space<vmem_shared>> -> memref<10032x128xf32, #tpu.memory_space<vmem_shared>>
          tpu.wait_indirect_dma semaphore(%run_scoped3A_296 : memref<!tpu.dma_semaphore, #tpu.memory_space<semaphore_mem>>) src(%arg20 : memref<128x128xf32, #tpu.memory_space<vmem>>) dst(%dma_wait3A_308 : memref<10032x128xf32, #tpu.memory_space<vmem_shared>>)
          tpu.yield
        }) : () -> ()
        %dma_wait3A_183 = arith.constant 8 : i32
        %dma_wait3A_184 = arith.constant 0 : i32
        %dma_wait3A_185 = tpu.memref_slice %arg17[%dma_wait3A_183, %dma_wait3A_184] : memref<16x128xi32, #tpu.memory_space<vmem>> -> memref<1x128xi32, #tpu.memory_space<vmem>>
        %dma_wait3A_186 = tpu.memref_squeeze %dma_wait3A_185 : memref<1x128xi32, #tpu.memory_space<vmem>> -> memref<128xi32, #tpu.memory_space<vmem>>
        %dma_wait3A_187 = arith.constant 0 : i32
        %dma_wait3A_188 = arith.constant 0 : i32
        %dma_wait3A_189 = tpu.memref_slice %arg3[%dma_wait3A_187, %dma_wait3A_188] : memref<10016x128xf32, #tpu.memory_space<hbm>> -> memref<10016x128xf32, #tpu.memory_space<hbm>>
        tpu.wait_indirect_dma semaphore(%arg22 : memref<!tpu.dma_semaphore, #tpu.memory_space<semaphore_mem>>) src(%dma_wait3A_189 : memref<10016x128xf32, #tpu.memory_space<hbm>>) dst(%arg19 : memref<128x128xf32, #tpu.memory_space<vmem>>)
        %dma_start3A_190 = arith.constant 9 : i32
        %dma_start3A_191 = arith.constant 0 : i32
        %dma_start3A_192 = tpu.memref_slice %arg17[%dma_start3A_190, %dma_start3A_191] : memref<16x128xi32, #tpu.memory_space<vmem>> -> memref<1x128xi32, #tpu.memory_space<vmem>>
        %dma_start3A_193 = tpu.memref_squeeze %dma_start3A_192 : memref<1x128xi32, #tpu.memory_space<vmem>> -> memref<128xi32, #tpu.memory_space<vmem>>
        %dma_start3A_194 = arith.constant 0 : i32
        %dma_start3A_195 = arith.constant 0 : i32
        %dma_start3A_196 = tpu.memref_slice %arg3[%dma_start3A_194, %dma_start3A_195] : memref<10016x128xf32, #tpu.memory_space<hbm>> -> memref<10016x128xf32, #tpu.memory_space<hbm>>
        tpu.enqueue_indirect_dma source(%dma_start3A_196 : memref<10016x128xf32, #tpu.memory_space<hbm>>) target(%arg20 : memref<128x128xf32, #tpu.memory_space<vmem>>) offsets(%dma_start3A_193 : memref<128xi32, #tpu.memory_space<vmem>>) semaphore(%arg23 : memref<!tpu.dma_semaphore, #tpu.memory_space<semaphore_mem>>)
        %run_scoped3A_197 = arith.constant 8 : i32
        "tpu.region"() ({
          %run_scoped3A_296 = tpu.sem_alloc : memref<!tpu.dma_semaphore, #tpu.memory_space<semaphore_mem>>
          %dma_start3A_297 = arith.constant 0 : i32
          %dma_start3A_298 = tpu.memref_slice %arg18[%run_scoped3A_197, %dma_start3A_297] : memref<16x128xi32, #tpu.memory_space<vmem>> -> memref<1x128xi32, #tpu.memory_space<vmem>>
          %dma_start3A_299 = tpu.memref_squeeze %dma_start3A_298 : memref<1x128xi32, #tpu.memory_space<vmem>> -> memref<128xi32, #tpu.memory_space<vmem>>
          %dma_start3A_300 = arith.constant 0 : i32
          %dma_start3A_301 = arith.constant 0 : i32
          %dma_start3A_302 = tpu.memref_slice %arg21[%dma_start3A_300, %dma_start3A_301] : memref<10032x128xf32, #tpu.memory_space<vmem_shared>> -> memref<10032x128xf32, #tpu.memory_space<vmem_shared>>
          tpu.enqueue_indirect_dma source(%arg19 : memref<128x128xf32, #tpu.memory_space<vmem>>) target(%dma_start3A_302 : memref<10032x128xf32, #tpu.memory_space<vmem_shared>>) offsets(%dma_start3A_299 : memref<128xi32, #tpu.memory_space<vmem>>) semaphore(%run_scoped3A_296 : memref<!tpu.dma_semaphore, #tpu.memory_space<semaphore_mem>>) {add = true}
          %dma_wait3A_303 = arith.constant 0 : i32
          %dma_wait3A_304 = tpu.memref_slice %arg18[%run_scoped3A_197, %dma_wait3A_303] : memref<16x128xi32, #tpu.memory_space<vmem>> -> memref<1x128xi32, #tpu.memory_space<vmem>>
          %dma_wait3A_305 = tpu.memref_squeeze %dma_wait3A_304 : memref<1x128xi32, #tpu.memory_space<vmem>> -> memref<128xi32, #tpu.memory_space<vmem>>
          %dma_wait3A_306 = arith.constant 0 : i32
          %dma_wait3A_307 = arith.constant 0 : i32
          %dma_wait3A_308 = tpu.memref_slice %arg21[%dma_wait3A_306, %dma_wait3A_307] : memref<10032x128xf32, #tpu.memory_space<vmem_shared>> -> memref<10032x128xf32, #tpu.memory_space<vmem_shared>>
          tpu.wait_indirect_dma semaphore(%run_scoped3A_296 : memref<!tpu.dma_semaphore, #tpu.memory_space<semaphore_mem>>) src(%arg19 : memref<128x128xf32, #tpu.memory_space<vmem>>) dst(%dma_wait3A_308 : memref<10032x128xf32, #tpu.memory_space<vmem_shared>>)
          tpu.yield
        }) : () -> ()
        %dma_wait3A_198 = arith.constant 9 : i32
        %dma_wait3A_199 = arith.constant 0 : i32
        %dma_wait3A_200 = tpu.memref_slice %arg17[%dma_wait3A_198, %dma_wait3A_199] : memref<16x128xi32, #tpu.memory_space<vmem>> -> memref<1x128xi32, #tpu.memory_space<vmem>>
        %dma_wait3A_201 = tpu.memref_squeeze %dma_wait3A_200 : memref<1x128xi32, #tpu.memory_space<vmem>> -> memref<128xi32, #tpu.memory_space<vmem>>
        %dma_wait3A_202 = arith.constant 0 : i32
        %dma_wait3A_203 = arith.constant 0 : i32
        %dma_wait3A_204 = tpu.memref_slice %arg3[%dma_wait3A_202, %dma_wait3A_203] : memref<10016x128xf32, #tpu.memory_space<hbm>> -> memref<10016x128xf32, #tpu.memory_space<hbm>>
        tpu.wait_indirect_dma semaphore(%arg23 : memref<!tpu.dma_semaphore, #tpu.memory_space<semaphore_mem>>) src(%dma_wait3A_204 : memref<10016x128xf32, #tpu.memory_space<hbm>>) dst(%arg20 : memref<128x128xf32, #tpu.memory_space<vmem>>)
        %dma_start3A_205 = arith.constant 10 : i32
        %dma_start3A_206 = arith.constant 0 : i32
        %dma_start3A_207 = tpu.memref_slice %arg17[%dma_start3A_205, %dma_start3A_206] : memref<16x128xi32, #tpu.memory_space<vmem>> -> memref<1x128xi32, #tpu.memory_space<vmem>>
        %dma_start3A_208 = tpu.memref_squeeze %dma_start3A_207 : memref<1x128xi32, #tpu.memory_space<vmem>> -> memref<128xi32, #tpu.memory_space<vmem>>
        %dma_start3A_209 = arith.constant 0 : i32
        %dma_start3A_210 = arith.constant 0 : i32
        %dma_start3A_211 = tpu.memref_slice %arg3[%dma_start3A_209, %dma_start3A_210] : memref<10016x128xf32, #tpu.memory_space<hbm>> -> memref<10016x128xf32, #tpu.memory_space<hbm>>
        tpu.enqueue_indirect_dma source(%dma_start3A_211 : memref<10016x128xf32, #tpu.memory_space<hbm>>) target(%arg19 : memref<128x128xf32, #tpu.memory_space<vmem>>) offsets(%dma_start3A_208 : memref<128xi32, #tpu.memory_space<vmem>>) semaphore(%arg22 : memref<!tpu.dma_semaphore, #tpu.memory_space<semaphore_mem>>)
        %run_scoped3A_212 = arith.constant 9 : i32
        "tpu.region"() ({
          %run_scoped3A_296 = tpu.sem_alloc : memref<!tpu.dma_semaphore, #tpu.memory_space<semaphore_mem>>
          %dma_start3A_297 = arith.constant 0 : i32
          %dma_start3A_298 = tpu.memref_slice %arg18[%run_scoped3A_212, %dma_start3A_297] : memref<16x128xi32, #tpu.memory_space<vmem>> -> memref<1x128xi32, #tpu.memory_space<vmem>>
          %dma_start3A_299 = tpu.memref_squeeze %dma_start3A_298 : memref<1x128xi32, #tpu.memory_space<vmem>> -> memref<128xi32, #tpu.memory_space<vmem>>
          %dma_start3A_300 = arith.constant 0 : i32
          %dma_start3A_301 = arith.constant 0 : i32
          %dma_start3A_302 = tpu.memref_slice %arg21[%dma_start3A_300, %dma_start3A_301] : memref<10032x128xf32, #tpu.memory_space<vmem_shared>> -> memref<10032x128xf32, #tpu.memory_space<vmem_shared>>
          tpu.enqueue_indirect_dma source(%arg20 : memref<128x128xf32, #tpu.memory_space<vmem>>) target(%dma_start3A_302 : memref<10032x128xf32, #tpu.memory_space<vmem_shared>>) offsets(%dma_start3A_299 : memref<128xi32, #tpu.memory_space<vmem>>) semaphore(%run_scoped3A_296 : memref<!tpu.dma_semaphore, #tpu.memory_space<semaphore_mem>>) {add = true}
          %dma_wait3A_303 = arith.constant 0 : i32
          %dma_wait3A_304 = tpu.memref_slice %arg18[%run_scoped3A_212, %dma_wait3A_303] : memref<16x128xi32, #tpu.memory_space<vmem>> -> memref<1x128xi32, #tpu.memory_space<vmem>>
          %dma_wait3A_305 = tpu.memref_squeeze %dma_wait3A_304 : memref<1x128xi32, #tpu.memory_space<vmem>> -> memref<128xi32, #tpu.memory_space<vmem>>
          %dma_wait3A_306 = arith.constant 0 : i32
          %dma_wait3A_307 = arith.constant 0 : i32
          %dma_wait3A_308 = tpu.memref_slice %arg21[%dma_wait3A_306, %dma_wait3A_307] : memref<10032x128xf32, #tpu.memory_space<vmem_shared>> -> memref<10032x128xf32, #tpu.memory_space<vmem_shared>>
          tpu.wait_indirect_dma semaphore(%run_scoped3A_296 : memref<!tpu.dma_semaphore, #tpu.memory_space<semaphore_mem>>) src(%arg20 : memref<128x128xf32, #tpu.memory_space<vmem>>) dst(%dma_wait3A_308 : memref<10032x128xf32, #tpu.memory_space<vmem_shared>>)
          tpu.yield
        }) : () -> ()
        %dma_wait3A_213 = arith.constant 10 : i32
        %dma_wait3A_214 = arith.constant 0 : i32
        %dma_wait3A_215 = tpu.memref_slice %arg17[%dma_wait3A_213, %dma_wait3A_214] : memref<16x128xi32, #tpu.memory_space<vmem>> -> memref<1x128xi32, #tpu.memory_space<vmem>>
        %dma_wait3A_216 = tpu.memref_squeeze %dma_wait3A_215 : memref<1x128xi32, #tpu.memory_space<vmem>> -> memref<128xi32, #tpu.memory_space<vmem>>
        %dma_wait3A_217 = arith.constant 0 : i32
        %dma_wait3A_218 = arith.constant 0 : i32
        %dma_wait3A_219 = tpu.memref_slice %arg3[%dma_wait3A_217, %dma_wait3A_218] : memref<10016x128xf32, #tpu.memory_space<hbm>> -> memref<10016x128xf32, #tpu.memory_space<hbm>>
        tpu.wait_indirect_dma semaphore(%arg22 : memref<!tpu.dma_semaphore, #tpu.memory_space<semaphore_mem>>) src(%dma_wait3A_219 : memref<10016x128xf32, #tpu.memory_space<hbm>>) dst(%arg19 : memref<128x128xf32, #tpu.memory_space<vmem>>)
        %dma_start3A_220 = arith.constant 11 : i32
        %dma_start3A_221 = arith.constant 0 : i32
        %dma_start3A_222 = tpu.memref_slice %arg17[%dma_start3A_220, %dma_start3A_221] : memref<16x128xi32, #tpu.memory_space<vmem>> -> memref<1x128xi32, #tpu.memory_space<vmem>>
        %dma_start3A_223 = tpu.memref_squeeze %dma_start3A_222 : memref<1x128xi32, #tpu.memory_space<vmem>> -> memref<128xi32, #tpu.memory_space<vmem>>
        %dma_start3A_224 = arith.constant 0 : i32
        %dma_start3A_225 = arith.constant 0 : i32
        %dma_start3A_226 = tpu.memref_slice %arg3[%dma_start3A_224, %dma_start3A_225] : memref<10016x128xf32, #tpu.memory_space<hbm>> -> memref<10016x128xf32, #tpu.memory_space<hbm>>
        tpu.enqueue_indirect_dma source(%dma_start3A_226 : memref<10016x128xf32, #tpu.memory_space<hbm>>) target(%arg20 : memref<128x128xf32, #tpu.memory_space<vmem>>) offsets(%dma_start3A_223 : memref<128xi32, #tpu.memory_space<vmem>>) semaphore(%arg23 : memref<!tpu.dma_semaphore, #tpu.memory_space<semaphore_mem>>)
        %run_scoped3A_227 = arith.constant 10 : i32
        "tpu.region"() ({
          %run_scoped3A_296 = tpu.sem_alloc : memref<!tpu.dma_semaphore, #tpu.memory_space<semaphore_mem>>
          %dma_start3A_297 = arith.constant 0 : i32
          %dma_start3A_298 = tpu.memref_slice %arg18[%run_scoped3A_227, %dma_start3A_297] : memref<16x128xi32, #tpu.memory_space<vmem>> -> memref<1x128xi32, #tpu.memory_space<vmem>>
          %dma_start3A_299 = tpu.memref_squeeze %dma_start3A_298 : memref<1x128xi32, #tpu.memory_space<vmem>> -> memref<128xi32, #tpu.memory_space<vmem>>
          %dma_start3A_300 = arith.constant 0 : i32
          %dma_start3A_301 = arith.constant 0 : i32
          %dma_start3A_302 = tpu.memref_slice %arg21[%dma_start3A_300, %dma_start3A_301] : memref<10032x128xf32, #tpu.memory_space<vmem_shared>> -> memref<10032x128xf32, #tpu.memory_space<vmem_shared>>
          tpu.enqueue_indirect_dma source(%arg19 : memref<128x128xf32, #tpu.memory_space<vmem>>) target(%dma_start3A_302 : memref<10032x128xf32, #tpu.memory_space<vmem_shared>>) offsets(%dma_start3A_299 : memref<128xi32, #tpu.memory_space<vmem>>) semaphore(%run_scoped3A_296 : memref<!tpu.dma_semaphore, #tpu.memory_space<semaphore_mem>>) {add = true}
          %dma_wait3A_303 = arith.constant 0 : i32
          %dma_wait3A_304 = tpu.memref_slice %arg18[%run_scoped3A_227, %dma_wait3A_303] : memref<16x128xi32, #tpu.memory_space<vmem>> -> memref<1x128xi32, #tpu.memory_space<vmem>>
          %dma_wait3A_305 = tpu.memref_squeeze %dma_wait3A_304 : memref<1x128xi32, #tpu.memory_space<vmem>> -> memref<128xi32, #tpu.memory_space<vmem>>
          %dma_wait3A_306 = arith.constant 0 : i32
          %dma_wait3A_307 = arith.constant 0 : i32
          %dma_wait3A_308 = tpu.memref_slice %arg21[%dma_wait3A_306, %dma_wait3A_307] : memref<10032x128xf32, #tpu.memory_space<vmem_shared>> -> memref<10032x128xf32, #tpu.memory_space<vmem_shared>>
          tpu.wait_indirect_dma semaphore(%run_scoped3A_296 : memref<!tpu.dma_semaphore, #tpu.memory_space<semaphore_mem>>) src(%arg19 : memref<128x128xf32, #tpu.memory_space<vmem>>) dst(%dma_wait3A_308 : memref<10032x128xf32, #tpu.memory_space<vmem_shared>>)
          tpu.yield
        }) : () -> ()
        %dma_wait3A_228 = arith.constant 11 : i32
        %dma_wait3A_229 = arith.constant 0 : i32
        %dma_wait3A_230 = tpu.memref_slice %arg17[%dma_wait3A_228, %dma_wait3A_229] : memref<16x128xi32, #tpu.memory_space<vmem>> -> memref<1x128xi32, #tpu.memory_space<vmem>>
        %dma_wait3A_231 = tpu.memref_squeeze %dma_wait3A_230 : memref<1x128xi32, #tpu.memory_space<vmem>> -> memref<128xi32, #tpu.memory_space<vmem>>
        %dma_wait3A_232 = arith.constant 0 : i32
        %dma_wait3A_233 = arith.constant 0 : i32
        %dma_wait3A_234 = tpu.memref_slice %arg3[%dma_wait3A_232, %dma_wait3A_233] : memref<10016x128xf32, #tpu.memory_space<hbm>> -> memref<10016x128xf32, #tpu.memory_space<hbm>>
        tpu.wait_indirect_dma semaphore(%arg23 : memref<!tpu.dma_semaphore, #tpu.memory_space<semaphore_mem>>) src(%dma_wait3A_234 : memref<10016x128xf32, #tpu.memory_space<hbm>>) dst(%arg20 : memref<128x128xf32, #tpu.memory_space<vmem>>)
        %dma_start3A_235 = arith.constant 12 : i32
        %dma_start3A_236 = arith.constant 0 : i32
        %dma_start3A_237 = tpu.memref_slice %arg17[%dma_start3A_235, %dma_start3A_236] : memref<16x128xi32, #tpu.memory_space<vmem>> -> memref<1x128xi32, #tpu.memory_space<vmem>>
        %dma_start3A_238 = tpu.memref_squeeze %dma_start3A_237 : memref<1x128xi32, #tpu.memory_space<vmem>> -> memref<128xi32, #tpu.memory_space<vmem>>
        %dma_start3A_239 = arith.constant 0 : i32
        %dma_start3A_240 = arith.constant 0 : i32
        %dma_start3A_241 = tpu.memref_slice %arg3[%dma_start3A_239, %dma_start3A_240] : memref<10016x128xf32, #tpu.memory_space<hbm>> -> memref<10016x128xf32, #tpu.memory_space<hbm>>
        tpu.enqueue_indirect_dma source(%dma_start3A_241 : memref<10016x128xf32, #tpu.memory_space<hbm>>) target(%arg19 : memref<128x128xf32, #tpu.memory_space<vmem>>) offsets(%dma_start3A_238 : memref<128xi32, #tpu.memory_space<vmem>>) semaphore(%arg22 : memref<!tpu.dma_semaphore, #tpu.memory_space<semaphore_mem>>)
        %run_scoped3A_242 = arith.constant 11 : i32
        "tpu.region"() ({
          %run_scoped3A_296 = tpu.sem_alloc : memref<!tpu.dma_semaphore, #tpu.memory_space<semaphore_mem>>
          %dma_start3A_297 = arith.constant 0 : i32
          %dma_start3A_298 = tpu.memref_slice %arg18[%run_scoped3A_242, %dma_start3A_297] : memref<16x128xi32, #tpu.memory_space<vmem>> -> memref<1x128xi32, #tpu.memory_space<vmem>>
          %dma_start3A_299 = tpu.memref_squeeze %dma_start3A_298 : memref<1x128xi32, #tpu.memory_space<vmem>> -> memref<128xi32, #tpu.memory_space<vmem>>
          %dma_start3A_300 = arith.constant 0 : i32
          %dma_start3A_301 = arith.constant 0 : i32
          %dma_start3A_302 = tpu.memref_slice %arg21[%dma_start3A_300, %dma_start3A_301] : memref<10032x128xf32, #tpu.memory_space<vmem_shared>> -> memref<10032x128xf32, #tpu.memory_space<vmem_shared>>
          tpu.enqueue_indirect_dma source(%arg20 : memref<128x128xf32, #tpu.memory_space<vmem>>) target(%dma_start3A_302 : memref<10032x128xf32, #tpu.memory_space<vmem_shared>>) offsets(%dma_start3A_299 : memref<128xi32, #tpu.memory_space<vmem>>) semaphore(%run_scoped3A_296 : memref<!tpu.dma_semaphore, #tpu.memory_space<semaphore_mem>>) {add = true}
          %dma_wait3A_303 = arith.constant 0 : i32
          %dma_wait3A_304 = tpu.memref_slice %arg18[%run_scoped3A_242, %dma_wait3A_303] : memref<16x128xi32, #tpu.memory_space<vmem>> -> memref<1x128xi32, #tpu.memory_space<vmem>>
          %dma_wait3A_305 = tpu.memref_squeeze %dma_wait3A_304 : memref<1x128xi32, #tpu.memory_space<vmem>> -> memref<128xi32, #tpu.memory_space<vmem>>
          %dma_wait3A_306 = arith.constant 0 : i32
          %dma_wait3A_307 = arith.constant 0 : i32
          %dma_wait3A_308 = tpu.memref_slice %arg21[%dma_wait3A_306, %dma_wait3A_307] : memref<10032x128xf32, #tpu.memory_space<vmem_shared>> -> memref<10032x128xf32, #tpu.memory_space<vmem_shared>>
          tpu.wait_indirect_dma semaphore(%run_scoped3A_296 : memref<!tpu.dma_semaphore, #tpu.memory_space<semaphore_mem>>) src(%arg20 : memref<128x128xf32, #tpu.memory_space<vmem>>) dst(%dma_wait3A_308 : memref<10032x128xf32, #tpu.memory_space<vmem_shared>>)
          tpu.yield
        }) : () -> ()
        %dma_wait3A_243 = arith.constant 12 : i32
        %dma_wait3A_244 = arith.constant 0 : i32
        %dma_wait3A_245 = tpu.memref_slice %arg17[%dma_wait3A_243, %dma_wait3A_244] : memref<16x128xi32, #tpu.memory_space<vmem>> -> memref<1x128xi32, #tpu.memory_space<vmem>>
        %dma_wait3A_246 = tpu.memref_squeeze %dma_wait3A_245 : memref<1x128xi32, #tpu.memory_space<vmem>> -> memref<128xi32, #tpu.memory_space<vmem>>
        %dma_wait3A_247 = arith.constant 0 : i32
        %dma_wait3A_248 = arith.constant 0 : i32
        %dma_wait3A_249 = tpu.memref_slice %arg3[%dma_wait3A_247, %dma_wait3A_248] : memref<10016x128xf32, #tpu.memory_space<hbm>> -> memref<10016x128xf32, #tpu.memory_space<hbm>>
        tpu.wait_indirect_dma semaphore(%arg22 : memref<!tpu.dma_semaphore, #tpu.memory_space<semaphore_mem>>) src(%dma_wait3A_249 : memref<10016x128xf32, #tpu.memory_space<hbm>>) dst(%arg19 : memref<128x128xf32, #tpu.memory_space<vmem>>)
        %dma_start3A_250 = arith.constant 13 : i32
        %dma_start3A_251 = arith.constant 0 : i32
        %dma_start3A_252 = tpu.memref_slice %arg17[%dma_start3A_250, %dma_start3A_251] : memref<16x128xi32, #tpu.memory_space<vmem>> -> memref<1x128xi32, #tpu.memory_space<vmem>>
        %dma_start3A_253 = tpu.memref_squeeze %dma_start3A_252 : memref<1x128xi32, #tpu.memory_space<vmem>> -> memref<128xi32, #tpu.memory_space<vmem>>
        %dma_start3A_254 = arith.constant 0 : i32
        %dma_start3A_255 = arith.constant 0 : i32
        %dma_start3A_256 = tpu.memref_slice %arg3[%dma_start3A_254, %dma_start3A_255] : memref<10016x128xf32, #tpu.memory_space<hbm>> -> memref<10016x128xf32, #tpu.memory_space<hbm>>
        tpu.enqueue_indirect_dma source(%dma_start3A_256 : memref<10016x128xf32, #tpu.memory_space<hbm>>) target(%arg20 : memref<128x128xf32, #tpu.memory_space<vmem>>) offsets(%dma_start3A_253 : memref<128xi32, #tpu.memory_space<vmem>>) semaphore(%arg23 : memref<!tpu.dma_semaphore, #tpu.memory_space<semaphore_mem>>)
        %run_scoped3A_257 = arith.constant 12 : i32
        "tpu.region"() ({
          %run_scoped3A_296 = tpu.sem_alloc : memref<!tpu.dma_semaphore, #tpu.memory_space<semaphore_mem>>
          %dma_start3A_297 = arith.constant 0 : i32
          %dma_start3A_298 = tpu.memref_slice %arg18[%run_scoped3A_257, %dma_start3A_297] : memref<16x128xi32, #tpu.memory_space<vmem>> -> memref<1x128xi32, #tpu.memory_space<vmem>>
          %dma_start3A_299 = tpu.memref_squeeze %dma_start3A_298 : memref<1x128xi32, #tpu.memory_space<vmem>> -> memref<128xi32, #tpu.memory_space<vmem>>
          %dma_start3A_300 = arith.constant 0 : i32
          %dma_start3A_301 = arith.constant 0 : i32
          %dma_start3A_302 = tpu.memref_slice %arg21[%dma_start3A_300, %dma_start3A_301] : memref<10032x128xf32, #tpu.memory_space<vmem_shared>> -> memref<10032x128xf32, #tpu.memory_space<vmem_shared>>
          tpu.enqueue_indirect_dma source(%arg19 : memref<128x128xf32, #tpu.memory_space<vmem>>) target(%dma_start3A_302 : memref<10032x128xf32, #tpu.memory_space<vmem_shared>>) offsets(%dma_start3A_299 : memref<128xi32, #tpu.memory_space<vmem>>) semaphore(%run_scoped3A_296 : memref<!tpu.dma_semaphore, #tpu.memory_space<semaphore_mem>>) {add = true}
          %dma_wait3A_303 = arith.constant 0 : i32
          %dma_wait3A_304 = tpu.memref_slice %arg18[%run_scoped3A_257, %dma_wait3A_303] : memref<16x128xi32, #tpu.memory_space<vmem>> -> memref<1x128xi32, #tpu.memory_space<vmem>>
          %dma_wait3A_305 = tpu.memref_squeeze %dma_wait3A_304 : memref<1x128xi32, #tpu.memory_space<vmem>> -> memref<128xi32, #tpu.memory_space<vmem>>
          %dma_wait3A_306 = arith.constant 0 : i32
          %dma_wait3A_307 = arith.constant 0 : i32
          %dma_wait3A_308 = tpu.memref_slice %arg21[%dma_wait3A_306, %dma_wait3A_307] : memref<10032x128xf32, #tpu.memory_space<vmem_shared>> -> memref<10032x128xf32, #tpu.memory_space<vmem_shared>>
          tpu.wait_indirect_dma semaphore(%run_scoped3A_296 : memref<!tpu.dma_semaphore, #tpu.memory_space<semaphore_mem>>) src(%arg19 : memref<128x128xf32, #tpu.memory_space<vmem>>) dst(%dma_wait3A_308 : memref<10032x128xf32, #tpu.memory_space<vmem_shared>>)
          tpu.yield
        }) : () -> ()
        %dma_wait3A_258 = arith.constant 13 : i32
        %dma_wait3A_259 = arith.constant 0 : i32
        %dma_wait3A_260 = tpu.memref_slice %arg17[%dma_wait3A_258, %dma_wait3A_259] : memref<16x128xi32, #tpu.memory_space<vmem>> -> memref<1x128xi32, #tpu.memory_space<vmem>>
        %dma_wait3A_261 = tpu.memref_squeeze %dma_wait3A_260 : memref<1x128xi32, #tpu.memory_space<vmem>> -> memref<128xi32, #tpu.memory_space<vmem>>
        %dma_wait3A_262 = arith.constant 0 : i32
        %dma_wait3A_263 = arith.constant 0 : i32
        %dma_wait3A_264 = tpu.memref_slice %arg3[%dma_wait3A_262, %dma_wait3A_263] : memref<10016x128xf32, #tpu.memory_space<hbm>> -> memref<10016x128xf32, #tpu.memory_space<hbm>>
        tpu.wait_indirect_dma semaphore(%arg23 : memref<!tpu.dma_semaphore, #tpu.memory_space<semaphore_mem>>) src(%dma_wait3A_264 : memref<10016x128xf32, #tpu.memory_space<hbm>>) dst(%arg20 : memref<128x128xf32, #tpu.memory_space<vmem>>)
        %dma_start3A_265 = arith.constant 14 : i32
        %dma_start3A_266 = arith.constant 0 : i32
        %dma_start3A_267 = tpu.memref_slice %arg17[%dma_start3A_265, %dma_start3A_266] : memref<16x128xi32, #tpu.memory_space<vmem>> -> memref<1x128xi32, #tpu.memory_space<vmem>>
        %dma_start3A_268 = tpu.memref_squeeze %dma_start3A_267 : memref<1x128xi32, #tpu.memory_space<vmem>> -> memref<128xi32, #tpu.memory_space<vmem>>
        %dma_start3A_269 = arith.constant 0 : i32
        %dma_start3A_270 = arith.constant 0 : i32
        %dma_start3A_271 = tpu.memref_slice %arg3[%dma_start3A_269, %dma_start3A_270] : memref<10016x128xf32, #tpu.memory_space<hbm>> -> memref<10016x128xf32, #tpu.memory_space<hbm>>
        tpu.enqueue_indirect_dma source(%dma_start3A_271 : memref<10016x128xf32, #tpu.memory_space<hbm>>) target(%arg19 : memref<128x128xf32, #tpu.memory_space<vmem>>) offsets(%dma_start3A_268 : memref<128xi32, #tpu.memory_space<vmem>>) semaphore(%arg22 : memref<!tpu.dma_semaphore, #tpu.memory_space<semaphore_mem>>)
        %run_scoped3A_272 = arith.constant 13 : i32
        "tpu.region"() ({
          %run_scoped3A_296 = tpu.sem_alloc : memref<!tpu.dma_semaphore, #tpu.memory_space<semaphore_mem>>
          %dma_start3A_297 = arith.constant 0 : i32
          %dma_start3A_298 = tpu.memref_slice %arg18[%run_scoped3A_272, %dma_start3A_297] : memref<16x128xi32, #tpu.memory_space<vmem>> -> memref<1x128xi32, #tpu.memory_space<vmem>>
          %dma_start3A_299 = tpu.memref_squeeze %dma_start3A_298 : memref<1x128xi32, #tpu.memory_space<vmem>> -> memref<128xi32, #tpu.memory_space<vmem>>
          %dma_start3A_300 = arith.constant 0 : i32
          %dma_start3A_301 = arith.constant 0 : i32
          %dma_start3A_302 = tpu.memref_slice %arg21[%dma_start3A_300, %dma_start3A_301] : memref<10032x128xf32, #tpu.memory_space<vmem_shared>> -> memref<10032x128xf32, #tpu.memory_space<vmem_shared>>
          tpu.enqueue_indirect_dma source(%arg20 : memref<128x128xf32, #tpu.memory_space<vmem>>) target(%dma_start3A_302 : memref<10032x128xf32, #tpu.memory_space<vmem_shared>>) offsets(%dma_start3A_299 : memref<128xi32, #tpu.memory_space<vmem>>) semaphore(%run_scoped3A_296 : memref<!tpu.dma_semaphore, #tpu.memory_space<semaphore_mem>>) {add = true}
          %dma_wait3A_303 = arith.constant 0 : i32
          %dma_wait3A_304 = tpu.memref_slice %arg18[%run_scoped3A_272, %dma_wait3A_303] : memref<16x128xi32, #tpu.memory_space<vmem>> -> memref<1x128xi32, #tpu.memory_space<vmem>>
          %dma_wait3A_305 = tpu.memref_squeeze %dma_wait3A_304 : memref<1x128xi32, #tpu.memory_space<vmem>> -> memref<128xi32, #tpu.memory_space<vmem>>
          %dma_wait3A_306 = arith.constant 0 : i32
          %dma_wait3A_307 = arith.constant 0 : i32
          %dma_wait3A_308 = tpu.memref_slice %arg21[%dma_wait3A_306, %dma_wait3A_307] : memref<10032x128xf32, #tpu.memory_space<vmem_shared>> -> memref<10032x128xf32, #tpu.memory_space<vmem_shared>>
          tpu.wait_indirect_dma semaphore(%run_scoped3A_296 : memref<!tpu.dma_semaphore, #tpu.memory_space<semaphore_mem>>) src(%arg20 : memref<128x128xf32, #tpu.memory_space<vmem>>) dst(%dma_wait3A_308 : memref<10032x128xf32, #tpu.memory_space<vmem_shared>>)
          tpu.yield
        }) : () -> ()
        %dma_wait3A_273 = arith.constant 14 : i32
        %dma_wait3A_274 = arith.constant 0 : i32
        %dma_wait3A_275 = tpu.memref_slice %arg17[%dma_wait3A_273, %dma_wait3A_274] : memref<16x128xi32, #tpu.memory_space<vmem>> -> memref<1x128xi32, #tpu.memory_space<vmem>>
        %dma_wait3A_276 = tpu.memref_squeeze %dma_wait3A_275 : memref<1x128xi32, #tpu.memory_space<vmem>> -> memref<128xi32, #tpu.memory_space<vmem>>
        %dma_wait3A_277 = arith.constant 0 : i32
        %dma_wait3A_278 = arith.constant 0 : i32
        %dma_wait3A_279 = tpu.memref_slice %arg3[%dma_wait3A_277, %dma_wait3A_278] : memref<10016x128xf32, #tpu.memory_space<hbm>> -> memref<10016x128xf32, #tpu.memory_space<hbm>>
        tpu.wait_indirect_dma semaphore(%arg22 : memref<!tpu.dma_semaphore, #tpu.memory_space<semaphore_mem>>) src(%dma_wait3A_279 : memref<10016x128xf32, #tpu.memory_space<hbm>>) dst(%arg19 : memref<128x128xf32, #tpu.memory_space<vmem>>)
        %dma_start3A_280 = arith.constant 15 : i32
        %dma_start3A_281 = arith.constant 0 : i32
        %dma_start3A_282 = tpu.memref_slice %arg17[%dma_start3A_280, %dma_start3A_281] : memref<16x128xi32, #tpu.memory_space<vmem>> -> memref<1x128xi32, #tpu.memory_space<vmem>>
        %dma_start3A_283 = tpu.memref_squeeze %dma_start3A_282 : memref<1x128xi32, #tpu.memory_space<vmem>> -> memref<128xi32, #tpu.memory_space<vmem>>
        %dma_start3A_284 = arith.constant 0 : i32
        %dma_start3A_285 = arith.constant 0 : i32
        %dma_start3A_286 = tpu.memref_slice %arg3[%dma_start3A_284, %dma_start3A_285] : memref<10016x128xf32, #tpu.memory_space<hbm>> -> memref<10016x128xf32, #tpu.memory_space<hbm>>
        tpu.enqueue_indirect_dma source(%dma_start3A_286 : memref<10016x128xf32, #tpu.memory_space<hbm>>) target(%arg20 : memref<128x128xf32, #tpu.memory_space<vmem>>) offsets(%dma_start3A_283 : memref<128xi32, #tpu.memory_space<vmem>>) semaphore(%arg23 : memref<!tpu.dma_semaphore, #tpu.memory_space<semaphore_mem>>)
        %run_scoped3A_287 = arith.constant 14 : i32
        "tpu.region"() ({
          %run_scoped3A_296 = tpu.sem_alloc : memref<!tpu.dma_semaphore, #tpu.memory_space<semaphore_mem>>
          %dma_start3A_297 = arith.constant 0 : i32
          %dma_start3A_298 = tpu.memref_slice %arg18[%run_scoped3A_287, %dma_start3A_297] : memref<16x128xi32, #tpu.memory_space<vmem>> -> memref<1x128xi32, #tpu.memory_space<vmem>>
          %dma_start3A_299 = tpu.memref_squeeze %dma_start3A_298 : memref<1x128xi32, #tpu.memory_space<vmem>> -> memref<128xi32, #tpu.memory_space<vmem>>
          %dma_start3A_300 = arith.constant 0 : i32
          %dma_start3A_301 = arith.constant 0 : i32
          %dma_start3A_302 = tpu.memref_slice %arg21[%dma_start3A_300, %dma_start3A_301] : memref<10032x128xf32, #tpu.memory_space<vmem_shared>> -> memref<10032x128xf32, #tpu.memory_space<vmem_shared>>
          tpu.enqueue_indirect_dma source(%arg19 : memref<128x128xf32, #tpu.memory_space<vmem>>) target(%dma_start3A_302 : memref<10032x128xf32, #tpu.memory_space<vmem_shared>>) offsets(%dma_start3A_299 : memref<128xi32, #tpu.memory_space<vmem>>) semaphore(%run_scoped3A_296 : memref<!tpu.dma_semaphore, #tpu.memory_space<semaphore_mem>>) {add = true}
          %dma_wait3A_303 = arith.constant 0 : i32
          %dma_wait3A_304 = tpu.memref_slice %arg18[%run_scoped3A_287, %dma_wait3A_303] : memref<16x128xi32, #tpu.memory_space<vmem>> -> memref<1x128xi32, #tpu.memory_space<vmem>>
          %dma_wait3A_305 = tpu.memref_squeeze %dma_wait3A_304 : memref<1x128xi32, #tpu.memory_space<vmem>> -> memref<128xi32, #tpu.memory_space<vmem>>
          %dma_wait3A_306 = arith.constant 0 : i32
          %dma_wait3A_307 = arith.constant 0 : i32
          %dma_wait3A_308 = tpu.memref_slice %arg21[%dma_wait3A_306, %dma_wait3A_307] : memref<10032x128xf32, #tpu.memory_space<vmem_shared>> -> memref<10032x128xf32, #tpu.memory_space<vmem_shared>>
          tpu.wait_indirect_dma semaphore(%run_scoped3A_296 : memref<!tpu.dma_semaphore, #tpu.memory_space<semaphore_mem>>) src(%arg19 : memref<128x128xf32, #tpu.memory_space<vmem>>) dst(%dma_wait3A_308 : memref<10032x128xf32, #tpu.memory_space<vmem_shared>>)
          tpu.yield
        }) : () -> ()
        %dma_wait3A_288 = arith.constant 15 : i32
        %dma_wait3A_289 = arith.constant 0 : i32
        %dma_wait3A_290 = tpu.memref_slice %arg17[%dma_wait3A_288, %dma_wait3A_289] : memref<16x128xi32, #tpu.memory_space<vmem>> -> memref<1x128xi32, #tpu.memory_space<vmem>>
        %dma_wait3A_291 = tpu.memref_squeeze %dma_wait3A_290 : memref<1x128xi32, #tpu.memory_space<vmem>> -> memref<128xi32, #tpu.memory_space<vmem>>
        %dma_wait3A_292 = arith.constant 0 : i32
        %dma_wait3A_293 = arith.constant 0 : i32
        %dma_wait3A_294 = tpu.memref_slice %arg3[%dma_wait3A_292, %dma_wait3A_293] : memref<10016x128xf32, #tpu.memory_space<hbm>> -> memref<10016x128xf32, #tpu.memory_space<hbm>>
        tpu.wait_indirect_dma semaphore(%arg23 : memref<!tpu.dma_semaphore, #tpu.memory_space<semaphore_mem>>) src(%dma_wait3A_294 : memref<10016x128xf32, #tpu.memory_space<hbm>>) dst(%arg20 : memref<128x128xf32, #tpu.memory_space<vmem>>)
        %run_scoped3A_295 = arith.constant 15 : i32
        "tpu.region"() ({
          %run_scoped3A_296 = tpu.sem_alloc : memref<!tpu.dma_semaphore, #tpu.memory_space<semaphore_mem>>
          %dma_start3A_297 = arith.constant 0 : i32
          %dma_start3A_298 = tpu.memref_slice %arg18[%run_scoped3A_295, %dma_start3A_297] : memref<16x128xi32, #tpu.memory_space<vmem>> -> memref<1x128xi32, #tpu.memory_space<vmem>>
          %dma_start3A_299 = tpu.memref_squeeze %dma_start3A_298 : memref<1x128xi32, #tpu.memory_space<vmem>> -> memref<128xi32, #tpu.memory_space<vmem>>
          %dma_start3A_300 = arith.constant 0 : i32
          %dma_start3A_301 = arith.constant 0 : i32
          %dma_start3A_302 = tpu.memref_slice %arg21[%dma_start3A_300, %dma_start3A_301] : memref<10032x128xf32, #tpu.memory_space<vmem_shared>> -> memref<10032x128xf32, #tpu.memory_space<vmem_shared>>
          tpu.enqueue_indirect_dma source(%arg20 : memref<128x128xf32, #tpu.memory_space<vmem>>) target(%dma_start3A_302 : memref<10032x128xf32, #tpu.memory_space<vmem_shared>>) offsets(%dma_start3A_299 : memref<128xi32, #tpu.memory_space<vmem>>) semaphore(%run_scoped3A_296 : memref<!tpu.dma_semaphore, #tpu.memory_space<semaphore_mem>>) {add = true}
          %dma_wait3A_303 = arith.constant 0 : i32
          %dma_wait3A_304 = tpu.memref_slice %arg18[%run_scoped3A_295, %dma_wait3A_303] : memref<16x128xi32, #tpu.memory_space<vmem>> -> memref<1x128xi32, #tpu.memory_space<vmem>>
          %dma_wait3A_305 = tpu.memref_squeeze %dma_wait3A_304 : memref<1x128xi32, #tpu.memory_space<vmem>> -> memref<128xi32, #tpu.memory_space<vmem>>
          %dma_wait3A_306 = arith.constant 0 : i32
          %dma_wait3A_307 = arith.constant 0 : i32
          %dma_wait3A_308 = tpu.memref_slice %arg21[%dma_wait3A_306, %dma_wait3A_307] : memref<10032x128xf32, #tpu.memory_space<vmem_shared>> -> memref<10032x128xf32, #tpu.memory_space<vmem_shared>>
          tpu.wait_indirect_dma semaphore(%run_scoped3A_296 : memref<!tpu.dma_semaphore, #tpu.memory_space<semaphore_mem>>) src(%arg20 : memref<128x128xf32, #tpu.memory_space<vmem>>) dst(%dma_wait3A_308 : memref<10032x128xf32, #tpu.memory_space<vmem_shared>>)
          tpu.yield
        }) : () -> ()
      }
      %scan3A_40 = arith.constant 2 : i32
      %mul3A_41 = arith.constant 32 : i32
      %mul3A_42 = arith.muli %arg1, %mul3A_41 : i32
      %scan3A_43 = arith.constant 0 : i32
      %scan3A_44 = arith.constant 0 : i32
      %scan3A_45 = arith.constant 2 : i32
      %scan3A_46 = arith.addi %scan3A_44, %scan3A_45 : i32
      %scan3A_47 = arith.constant 1 : i32
      scf.for %scan3A_56 = %scan3A_44 to %scan3A_46 step %scan3A_47  : i32 {
        %mul3A_57 = arith.constant 16 : i32
        %mul3A_58 = arith.muli %scan3A_56, %mul3A_57 : i32
        %add3A = arith.addi %mul3A_42, %mul3A_58 : i32
        "tpu.region"() ({
          %run_scoped3A_296 = tpu.sem_alloc : memref<!tpu.dma_semaphore, #tpu.memory_space<semaphore_mem>>
          %dma_start3A_297 = arith.constant 0 : i32
          %dma_start3A_298 = tpu.memref_slice %arg12[%add3A, %dma_start3A_297] : memref<2560x128xi32, #tpu.memory_space<hbm>> -> memref<16x128xi32, #tpu.memory_space<hbm>>
          %dma_start3A_299 = arith.constant 0 : i32
          %dma_start3A_300 = tpu.memref_slice %arg12[%add3A, %dma_start3A_299] : memref<2560x128xi32, #tpu.memory_space<hbm>> -> memref<16x128xi32, #tpu.memory_space<hbm>>
          tpu.enqueue_dma source(%dma_start3A_300 : memref<16x128xi32, #tpu.memory_space<hbm>>) target(%arg17 : memref<16x128xi32, #tpu.memory_space<vmem>>) target_semaphore(%run_scoped3A_296 : memref<!tpu.dma_semaphore, #tpu.memory_space<semaphore_mem>>)
          %dma_wait3A_301 = arith.constant 0 : i32
          %dma_wait3A_302 = tpu.memref_slice %arg12[%add3A, %dma_wait3A_301] : memref<2560x128xi32, #tpu.memory_space<hbm>> -> memref<16x128xi32, #tpu.memory_space<hbm>>
          %dma_wait3A_303 = arith.constant 0 : i32
          %dma_wait3A_304 = tpu.memref_slice %arg12[%add3A, %dma_wait3A_303] : memref<2560x128xi32, #tpu.memory_space<hbm>> -> memref<16x128xi32, #tpu.memory_space<hbm>>
          tpu.wait_dma2 semaphore(%run_scoped3A_296 : memref<!tpu.dma_semaphore, #tpu.memory_space<semaphore_mem>>) src(%dma_wait3A_304 : memref<16x128xi32, #tpu.memory_space<hbm>>) dst(%arg17 : memref<16x128xi32, #tpu.memory_space<vmem>>)
          tpu.yield
        }) : () -> ()
        "tpu.region"() ({
          %run_scoped3A_296 = tpu.sem_alloc : memref<!tpu.dma_semaphore, #tpu.memory_space<semaphore_mem>>
          %dma_start3A_297 = arith.constant 0 : i32
          %dma_start3A_298 = tpu.memref_slice %arg13[%add3A, %dma_start3A_297] : memref<2560x128xi32, #tpu.memory_space<hbm>> -> memref<16x128xi32, #tpu.memory_space<hbm>>
          %dma_start3A_299 = arith.constant 0 : i32
          %dma_start3A_300 = tpu.memref_slice %arg13[%add3A, %dma_start3A_299] : memref<2560x128xi32, #tpu.memory_space<hbm>> -> memref<16x128xi32, #tpu.memory_space<hbm>>
          tpu.enqueue_dma source(%dma_start3A_300 : memref<16x128xi32, #tpu.memory_space<hbm>>) target(%arg18 : memref<16x128xi32, #tpu.memory_space<vmem>>) target_semaphore(%run_scoped3A_296 : memref<!tpu.dma_semaphore, #tpu.memory_space<semaphore_mem>>)
          %dma_wait3A_301 = arith.constant 0 : i32
          %dma_wait3A_302 = tpu.memref_slice %arg13[%add3A, %dma_wait3A_301] : memref<2560x128xi32, #tpu.memory_space<hbm>> -> memref<16x128xi32, #tpu.memory_space<hbm>>
          %dma_wait3A_303 = arith.constant 0 : i32
          %dma_wait3A_304 = tpu.memref_slice %arg13[%add3A, %dma_wait3A_303] : memref<2560x128xi32, #tpu.memory_space<hbm>> -> memref<16x128xi32, #tpu.memory_space<hbm>>
          tpu.wait_dma2 semaphore(%run_scoped3A_296 : memref<!tpu.dma_semaphore, #tpu.memory_space<semaphore_mem>>) src(%dma_wait3A_304 : memref<16x128xi32, #tpu.memory_space<hbm>>) dst(%arg18 : memref<16x128xi32, #tpu.memory_space<vmem>>)
          tpu.yield
        }) : () -> ()
        %dma_start3A = arith.constant 0 : i32
        %dma_start3A_59 = arith.constant 0 : i32
        %dma_start3A_60 = tpu.memref_slice %arg17[%dma_start3A, %dma_start3A_59] : memref<16x128xi32, #tpu.memory_space<vmem>> -> memref<1x128xi32, #tpu.memory_space<vmem>>
        %dma_start3A_61 = tpu.memref_squeeze %dma_start3A_60 : memref<1x128xi32, #tpu.memory_space<vmem>> -> memref<128xi32, #tpu.memory_space<vmem>>
        %dma_start3A_62 = arith.constant 0 : i32
        %dma_start3A_63 = arith.constant 0 : i32
        %dma_start3A_64 = tpu.memref_slice %arg4[%dma_start3A_62, %dma_start3A_63] : memref<10016x128xf32, #tpu.memory_space<hbm>> -> memref<10016x128xf32, #tpu.memory_space<hbm>>
        tpu.enqueue_indirect_dma source(%dma_start3A_64 : memref<10016x128xf32, #tpu.memory_space<hbm>>) target(%arg19 : memref<128x128xf32, #tpu.memory_space<vmem>>) offsets(%dma_start3A_61 : memref<128xi32, #tpu.memory_space<vmem>>) semaphore(%arg22 : memref<!tpu.dma_semaphore, #tpu.memory_space<semaphore_mem>>)
        %dma_wait3A = arith.constant 0 : i32
        %dma_wait3A_65 = arith.constant 0 : i32
        %dma_wait3A_66 = tpu.memref_slice %arg17[%dma_wait3A, %dma_wait3A_65] : memref<16x128xi32, #tpu.memory_space<vmem>> -> memref<1x128xi32, #tpu.memory_space<vmem>>
        %dma_wait3A_67 = tpu.memref_squeeze %dma_wait3A_66 : memref<1x128xi32, #tpu.memory_space<vmem>> -> memref<128xi32, #tpu.memory_space<vmem>>
        %dma_wait3A_68 = arith.constant 0 : i32
        %dma_wait3A_69 = arith.constant 0 : i32
        %dma_wait3A_70 = tpu.memref_slice %arg4[%dma_wait3A_68, %dma_wait3A_69] : memref<10016x128xf32, #tpu.memory_space<hbm>> -> memref<10016x128xf32, #tpu.memory_space<hbm>>
        tpu.wait_indirect_dma semaphore(%arg22 : memref<!tpu.dma_semaphore, #tpu.memory_space<semaphore_mem>>) src(%dma_wait3A_70 : memref<10016x128xf32, #tpu.memory_space<hbm>>) dst(%arg19 : memref<128x128xf32, #tpu.memory_space<vmem>>)
        %dma_start3A_71 = arith.constant 1 : i32
        %dma_start3A_72 = arith.constant 0 : i32
        %dma_start3A_73 = tpu.memref_slice %arg17[%dma_start3A_71, %dma_start3A_72] : memref<16x128xi32, #tpu.memory_space<vmem>> -> memref<1x128xi32, #tpu.memory_space<vmem>>
        %dma_start3A_74 = tpu.memref_squeeze %dma_start3A_73 : memref<1x128xi32, #tpu.memory_space<vmem>> -> memref<128xi32, #tpu.memory_space<vmem>>
        %dma_start3A_75 = arith.constant 0 : i32
        %dma_start3A_76 = arith.constant 0 : i32
        %dma_start3A_77 = tpu.memref_slice %arg4[%dma_start3A_75, %dma_start3A_76] : memref<10016x128xf32, #tpu.memory_space<hbm>> -> memref<10016x128xf32, #tpu.memory_space<hbm>>
        tpu.enqueue_indirect_dma source(%dma_start3A_77 : memref<10016x128xf32, #tpu.memory_space<hbm>>) target(%arg20 : memref<128x128xf32, #tpu.memory_space<vmem>>) offsets(%dma_start3A_74 : memref<128xi32, #tpu.memory_space<vmem>>) semaphore(%arg23 : memref<!tpu.dma_semaphore, #tpu.memory_space<semaphore_mem>>)
        %run_scoped3A = arith.constant 0 : i32
        "tpu.region"() ({
          %run_scoped3A_296 = tpu.sem_alloc : memref<!tpu.dma_semaphore, #tpu.memory_space<semaphore_mem>>
          %dma_start3A_297 = arith.constant 0 : i32
          %dma_start3A_298 = tpu.memref_slice %arg18[%run_scoped3A, %dma_start3A_297] : memref<16x128xi32, #tpu.memory_space<vmem>> -> memref<1x128xi32, #tpu.memory_space<vmem>>
          %dma_start3A_299 = tpu.memref_squeeze %dma_start3A_298 : memref<1x128xi32, #tpu.memory_space<vmem>> -> memref<128xi32, #tpu.memory_space<vmem>>
          %dma_start3A_300 = arith.constant 0 : i32
          %dma_start3A_301 = arith.constant 0 : i32
          %dma_start3A_302 = tpu.memref_slice %arg21[%dma_start3A_300, %dma_start3A_301] : memref<10032x128xf32, #tpu.memory_space<vmem_shared>> -> memref<10032x128xf32, #tpu.memory_space<vmem_shared>>
          tpu.enqueue_indirect_dma source(%arg19 : memref<128x128xf32, #tpu.memory_space<vmem>>) target(%dma_start3A_302 : memref<10032x128xf32, #tpu.memory_space<vmem_shared>>) offsets(%dma_start3A_299 : memref<128xi32, #tpu.memory_space<vmem>>) semaphore(%run_scoped3A_296 : memref<!tpu.dma_semaphore, #tpu.memory_space<semaphore_mem>>) {add = true}
          %dma_wait3A_303 = arith.constant 0 : i32
          %dma_wait3A_304 = tpu.memref_slice %arg18[%run_scoped3A, %dma_wait3A_303] : memref<16x128xi32, #tpu.memory_space<vmem>> -> memref<1x128xi32, #tpu.memory_space<vmem>>
          %dma_wait3A_305 = tpu.memref_squeeze %dma_wait3A_304 : memref<1x128xi32, #tpu.memory_space<vmem>> -> memref<128xi32, #tpu.memory_space<vmem>>
          %dma_wait3A_306 = arith.constant 0 : i32
          %dma_wait3A_307 = arith.constant 0 : i32
          %dma_wait3A_308 = tpu.memref_slice %arg21[%dma_wait3A_306, %dma_wait3A_307] : memref<10032x128xf32, #tpu.memory_space<vmem_shared>> -> memref<10032x128xf32, #tpu.memory_space<vmem_shared>>
          tpu.wait_indirect_dma semaphore(%run_scoped3A_296 : memref<!tpu.dma_semaphore, #tpu.memory_space<semaphore_mem>>) src(%arg19 : memref<128x128xf32, #tpu.memory_space<vmem>>) dst(%dma_wait3A_308 : memref<10032x128xf32, #tpu.memory_space<vmem_shared>>)
          tpu.yield
        }) : () -> ()
        %dma_wait3A_78 = arith.constant 1 : i32
        %dma_wait3A_79 = arith.constant 0 : i32
        %dma_wait3A_80 = tpu.memref_slice %arg17[%dma_wait3A_78, %dma_wait3A_79] : memref<16x128xi32, #tpu.memory_space<vmem>> -> memref<1x128xi32, #tpu.memory_space<vmem>>
        %dma_wait3A_81 = tpu.memref_squeeze %dma_wait3A_80 : memref<1x128xi32, #tpu.memory_space<vmem>> -> memref<128xi32, #tpu.memory_space<vmem>>
        %dma_wait3A_82 = arith.constant 0 : i32
        %dma_wait3A_83 = arith.constant 0 : i32
        %dma_wait3A_84 = tpu.memref_slice %arg4[%dma_wait3A_82, %dma_wait3A_83] : memref<10016x128xf32, #tpu.memory_space<hbm>> -> memref<10016x128xf32, #tpu.memory_space<hbm>>
        tpu.wait_indirect_dma semaphore(%arg23 : memref<!tpu.dma_semaphore, #tpu.memory_space<semaphore_mem>>) src(%dma_wait3A_84 : memref<10016x128xf32, #tpu.memory_space<hbm>>) dst(%arg20 : memref<128x128xf32, #tpu.memory_space<vmem>>)
        %dma_start3A_85 = arith.constant 2 : i32
        %dma_start3A_86 = arith.constant 0 : i32
        %dma_start3A_87 = tpu.memref_slice %arg17[%dma_start3A_85, %dma_start3A_86] : memref<16x128xi32, #tpu.memory_space<vmem>> -> memref<1x128xi32, #tpu.memory_space<vmem>>
        %dma_start3A_88 = tpu.memref_squeeze %dma_start3A_87 : memref<1x128xi32, #tpu.memory_space<vmem>> -> memref<128xi32, #tpu.memory_space<vmem>>
        %dma_start3A_89 = arith.constant 0 : i32
        %dma_start3A_90 = arith.constant 0 : i32
        %dma_start3A_91 = tpu.memref_slice %arg4[%dma_start3A_89, %dma_start3A_90] : memref<10016x128xf32, #tpu.memory_space<hbm>> -> memref<10016x128xf32, #tpu.memory_space<hbm>>
        tpu.enqueue_indirect_dma source(%dma_start3A_91 : memref<10016x128xf32, #tpu.memory_space<hbm>>) target(%arg19 : memref<128x128xf32, #tpu.memory_space<vmem>>) offsets(%dma_start3A_88 : memref<128xi32, #tpu.memory_space<vmem>>) semaphore(%arg22 : memref<!tpu.dma_semaphore, #tpu.memory_space<semaphore_mem>>)
        %run_scoped3A_92 = arith.constant 1 : i32
        "tpu.region"() ({
          %run_scoped3A_296 = tpu.sem_alloc : memref<!tpu.dma_semaphore, #tpu.memory_space<semaphore_mem>>
          %dma_start3A_297 = arith.constant 0 : i32
          %dma_start3A_298 = tpu.memref_slice %arg18[%run_scoped3A_92, %dma_start3A_297] : memref<16x128xi32, #tpu.memory_space<vmem>> -> memref<1x128xi32, #tpu.memory_space<vmem>>
          %dma_start3A_299 = tpu.memref_squeeze %dma_start3A_298 : memref<1x128xi32, #tpu.memory_space<vmem>> -> memref<128xi32, #tpu.memory_space<vmem>>
          %dma_start3A_300 = arith.constant 0 : i32
          %dma_start3A_301 = arith.constant 0 : i32
          %dma_start3A_302 = tpu.memref_slice %arg21[%dma_start3A_300, %dma_start3A_301] : memref<10032x128xf32, #tpu.memory_space<vmem_shared>> -> memref<10032x128xf32, #tpu.memory_space<vmem_shared>>
          tpu.enqueue_indirect_dma source(%arg20 : memref<128x128xf32, #tpu.memory_space<vmem>>) target(%dma_start3A_302 : memref<10032x128xf32, #tpu.memory_space<vmem_shared>>) offsets(%dma_start3A_299 : memref<128xi32, #tpu.memory_space<vmem>>) semaphore(%run_scoped3A_296 : memref<!tpu.dma_semaphore, #tpu.memory_space<semaphore_mem>>) {add = true}
          %dma_wait3A_303 = arith.constant 0 : i32
          %dma_wait3A_304 = tpu.memref_slice %arg18[%run_scoped3A_92, %dma_wait3A_303] : memref<16x128xi32, #tpu.memory_space<vmem>> -> memref<1x128xi32, #tpu.memory_space<vmem>>
          %dma_wait3A_305 = tpu.memref_squeeze %dma_wait3A_304 : memref<1x128xi32, #tpu.memory_space<vmem>> -> memref<128xi32, #tpu.memory_space<vmem>>
          %dma_wait3A_306 = arith.constant 0 : i32
          %dma_wait3A_307 = arith.constant 0 : i32
          %dma_wait3A_308 = tpu.memref_slice %arg21[%dma_wait3A_306, %dma_wait3A_307] : memref<10032x128xf32, #tpu.memory_space<vmem_shared>> -> memref<10032x128xf32, #tpu.memory_space<vmem_shared>>
          tpu.wait_indirect_dma semaphore(%run_scoped3A_296 : memref<!tpu.dma_semaphore, #tpu.memory_space<semaphore_mem>>) src(%arg20 : memref<128x128xf32, #tpu.memory_space<vmem>>) dst(%dma_wait3A_308 : memref<10032x128xf32, #tpu.memory_space<vmem_shared>>)
          tpu.yield
        }) : () -> ()
        %dma_wait3A_93 = arith.constant 2 : i32
        %dma_wait3A_94 = arith.constant 0 : i32
        %dma_wait3A_95 = tpu.memref_slice %arg17[%dma_wait3A_93, %dma_wait3A_94] : memref<16x128xi32, #tpu.memory_space<vmem>> -> memref<1x128xi32, #tpu.memory_space<vmem>>
        %dma_wait3A_96 = tpu.memref_squeeze %dma_wait3A_95 : memref<1x128xi32, #tpu.memory_space<vmem>> -> memref<128xi32, #tpu.memory_space<vmem>>
        %dma_wait3A_97 = arith.constant 0 : i32
        %dma_wait3A_98 = arith.constant 0 : i32
        %dma_wait3A_99 = tpu.memref_slice %arg4[%dma_wait3A_97, %dma_wait3A_98] : memref<10016x128xf32, #tpu.memory_space<hbm>> -> memref<10016x128xf32, #tpu.memory_space<hbm>>
        tpu.wait_indirect_dma semaphore(%arg22 : memref<!tpu.dma_semaphore, #tpu.memory_space<semaphore_mem>>) src(%dma_wait3A_99 : memref<10016x128xf32, #tpu.memory_space<hbm>>) dst(%arg19 : memref<128x128xf32, #tpu.memory_space<vmem>>)
        %dma_start3A_100 = arith.constant 3 : i32
        %dma_start3A_101 = arith.constant 0 : i32
        %dma_start3A_102 = tpu.memref_slice %arg17[%dma_start3A_100, %dma_start3A_101] : memref<16x128xi32, #tpu.memory_space<vmem>> -> memref<1x128xi32, #tpu.memory_space<vmem>>
        %dma_start3A_103 = tpu.memref_squeeze %dma_start3A_102 : memref<1x128xi32, #tpu.memory_space<vmem>> -> memref<128xi32, #tpu.memory_space<vmem>>
        %dma_start3A_104 = arith.constant 0 : i32
        %dma_start3A_105 = arith.constant 0 : i32
        %dma_start3A_106 = tpu.memref_slice %arg4[%dma_start3A_104, %dma_start3A_105] : memref<10016x128xf32, #tpu.memory_space<hbm>> -> memref<10016x128xf32, #tpu.memory_space<hbm>>
        tpu.enqueue_indirect_dma source(%dma_start3A_106 : memref<10016x128xf32, #tpu.memory_space<hbm>>) target(%arg20 : memref<128x128xf32, #tpu.memory_space<vmem>>) offsets(%dma_start3A_103 : memref<128xi32, #tpu.memory_space<vmem>>) semaphore(%arg23 : memref<!tpu.dma_semaphore, #tpu.memory_space<semaphore_mem>>)
        %run_scoped3A_107 = arith.constant 2 : i32
        "tpu.region"() ({
          %run_scoped3A_296 = tpu.sem_alloc : memref<!tpu.dma_semaphore, #tpu.memory_space<semaphore_mem>>
          %dma_start3A_297 = arith.constant 0 : i32
          %dma_start3A_298 = tpu.memref_slice %arg18[%run_scoped3A_107, %dma_start3A_297] : memref<16x128xi32, #tpu.memory_space<vmem>> -> memref<1x128xi32, #tpu.memory_space<vmem>>
          %dma_start3A_299 = tpu.memref_squeeze %dma_start3A_298 : memref<1x128xi32, #tpu.memory_space<vmem>> -> memref<128xi32, #tpu.memory_space<vmem>>
          %dma_start3A_300 = arith.constant 0 : i32
          %dma_start3A_301 = arith.constant 0 : i32
          %dma_start3A_302 = tpu.memref_slice %arg21[%dma_start3A_300, %dma_start3A_301] : memref<10032x128xf32, #tpu.memory_space<vmem_shared>> -> memref<10032x128xf32, #tpu.memory_space<vmem_shared>>
          tpu.enqueue_indirect_dma source(%arg19 : memref<128x128xf32, #tpu.memory_space<vmem>>) target(%dma_start3A_302 : memref<10032x128xf32, #tpu.memory_space<vmem_shared>>) offsets(%dma_start3A_299 : memref<128xi32, #tpu.memory_space<vmem>>) semaphore(%run_scoped3A_296 : memref<!tpu.dma_semaphore, #tpu.memory_space<semaphore_mem>>) {add = true}
          %dma_wait3A_303 = arith.constant 0 : i32
          %dma_wait3A_304 = tpu.memref_slice %arg18[%run_scoped3A_107, %dma_wait3A_303] : memref<16x128xi32, #tpu.memory_space<vmem>> -> memref<1x128xi32, #tpu.memory_space<vmem>>
          %dma_wait3A_305 = tpu.memref_squeeze %dma_wait3A_304 : memref<1x128xi32, #tpu.memory_space<vmem>> -> memref<128xi32, #tpu.memory_space<vmem>>
          %dma_wait3A_306 = arith.constant 0 : i32
          %dma_wait3A_307 = arith.constant 0 : i32
          %dma_wait3A_308 = tpu.memref_slice %arg21[%dma_wait3A_306, %dma_wait3A_307] : memref<10032x128xf32, #tpu.memory_space<vmem_shared>> -> memref<10032x128xf32, #tpu.memory_space<vmem_shared>>
          tpu.wait_indirect_dma semaphore(%run_scoped3A_296 : memref<!tpu.dma_semaphore, #tpu.memory_space<semaphore_mem>>) src(%arg19 : memref<128x128xf32, #tpu.memory_space<vmem>>) dst(%dma_wait3A_308 : memref<10032x128xf32, #tpu.memory_space<vmem_shared>>)
          tpu.yield
        }) : () -> ()
        %dma_wait3A_108 = arith.constant 3 : i32
        %dma_wait3A_109 = arith.constant 0 : i32
        %dma_wait3A_110 = tpu.memref_slice %arg17[%dma_wait3A_108, %dma_wait3A_109] : memref<16x128xi32, #tpu.memory_space<vmem>> -> memref<1x128xi32, #tpu.memory_space<vmem>>
        %dma_wait3A_111 = tpu.memref_squeeze %dma_wait3A_110 : memref<1x128xi32, #tpu.memory_space<vmem>> -> memref<128xi32, #tpu.memory_space<vmem>>
        %dma_wait3A_112 = arith.constant 0 : i32
        %dma_wait3A_113 = arith.constant 0 : i32
        %dma_wait3A_114 = tpu.memref_slice %arg4[%dma_wait3A_112, %dma_wait3A_113] : memref<10016x128xf32, #tpu.memory_space<hbm>> -> memref<10016x128xf32, #tpu.memory_space<hbm>>
        tpu.wait_indirect_dma semaphore(%arg23 : memref<!tpu.dma_semaphore, #tpu.memory_space<semaphore_mem>>) src(%dma_wait3A_114 : memref<10016x128xf32, #tpu.memory_space<hbm>>) dst(%arg20 : memref<128x128xf32, #tpu.memory_space<vmem>>)
        %dma_start3A_115 = arith.constant 4 : i32
        %dma_start3A_116 = arith.constant 0 : i32
        %dma_start3A_117 = tpu.memref_slice %arg17[%dma_start3A_115, %dma_start3A_116] : memref<16x128xi32, #tpu.memory_space<vmem>> -> memref<1x128xi32, #tpu.memory_space<vmem>>
        %dma_start3A_118 = tpu.memref_squeeze %dma_start3A_117 : memref<1x128xi32, #tpu.memory_space<vmem>> -> memref<128xi32, #tpu.memory_space<vmem>>
        %dma_start3A_119 = arith.constant 0 : i32
        %dma_start3A_120 = arith.constant 0 : i32
        %dma_start3A_121 = tpu.memref_slice %arg4[%dma_start3A_119, %dma_start3A_120] : memref<10016x128xf32, #tpu.memory_space<hbm>> -> memref<10016x128xf32, #tpu.memory_space<hbm>>
        tpu.enqueue_indirect_dma source(%dma_start3A_121 : memref<10016x128xf32, #tpu.memory_space<hbm>>) target(%arg19 : memref<128x128xf32, #tpu.memory_space<vmem>>) offsets(%dma_start3A_118 : memref<128xi32, #tpu.memory_space<vmem>>) semaphore(%arg22 : memref<!tpu.dma_semaphore, #tpu.memory_space<semaphore_mem>>)
        %run_scoped3A_122 = arith.constant 3 : i32
        "tpu.region"() ({
          %run_scoped3A_296 = tpu.sem_alloc : memref<!tpu.dma_semaphore, #tpu.memory_space<semaphore_mem>>
          %dma_start3A_297 = arith.constant 0 : i32
          %dma_start3A_298 = tpu.memref_slice %arg18[%run_scoped3A_122, %dma_start3A_297] : memref<16x128xi32, #tpu.memory_space<vmem>> -> memref<1x128xi32, #tpu.memory_space<vmem>>
          %dma_start3A_299 = tpu.memref_squeeze %dma_start3A_298 : memref<1x128xi32, #tpu.memory_space<vmem>> -> memref<128xi32, #tpu.memory_space<vmem>>
          %dma_start3A_300 = arith.constant 0 : i32
          %dma_start3A_301 = arith.constant 0 : i32
          %dma_start3A_302 = tpu.memref_slice %arg21[%dma_start3A_300, %dma_start3A_301] : memref<10032x128xf32, #tpu.memory_space<vmem_shared>> -> memref<10032x128xf32, #tpu.memory_space<vmem_shared>>
          tpu.enqueue_indirect_dma source(%arg20 : memref<128x128xf32, #tpu.memory_space<vmem>>) target(%dma_start3A_302 : memref<10032x128xf32, #tpu.memory_space<vmem_shared>>) offsets(%dma_start3A_299 : memref<128xi32, #tpu.memory_space<vmem>>) semaphore(%run_scoped3A_296 : memref<!tpu.dma_semaphore, #tpu.memory_space<semaphore_mem>>) {add = true}
          %dma_wait3A_303 = arith.constant 0 : i32
          %dma_wait3A_304 = tpu.memref_slice %arg18[%run_scoped3A_122, %dma_wait3A_303] : memref<16x128xi32, #tpu.memory_space<vmem>> -> memref<1x128xi32, #tpu.memory_space<vmem>>
          %dma_wait3A_305 = tpu.memref_squeeze %dma_wait3A_304 : memref<1x128xi32, #tpu.memory_space<vmem>> -> memref<128xi32, #tpu.memory_space<vmem>>
          %dma_wait3A_306 = arith.constant 0 : i32
          %dma_wait3A_307 = arith.constant 0 : i32
          %dma_wait3A_308 = tpu.memref_slice %arg21[%dma_wait3A_306, %dma_wait3A_307] : memref<10032x128xf32, #tpu.memory_space<vmem_shared>> -> memref<10032x128xf32, #tpu.memory_space<vmem_shared>>
          tpu.wait_indirect_dma semaphore(%run_scoped3A_296 : memref<!tpu.dma_semaphore, #tpu.memory_space<semaphore_mem>>) src(%arg20 : memref<128x128xf32, #tpu.memory_space<vmem>>) dst(%dma_wait3A_308 : memref<10032x128xf32, #tpu.memory_space<vmem_shared>>)
          tpu.yield
        }) : () -> ()
        %dma_wait3A_123 = arith.constant 4 : i32
        %dma_wait3A_124 = arith.constant 0 : i32
        %dma_wait3A_125 = tpu.memref_slice %arg17[%dma_wait3A_123, %dma_wait3A_124] : memref<16x128xi32, #tpu.memory_space<vmem>> -> memref<1x128xi32, #tpu.memory_space<vmem>>
        %dma_wait3A_126 = tpu.memref_squeeze %dma_wait3A_125 : memref<1x128xi32, #tpu.memory_space<vmem>> -> memref<128xi32, #tpu.memory_space<vmem>>
        %dma_wait3A_127 = arith.constant 0 : i32
        %dma_wait3A_128 = arith.constant 0 : i32
        %dma_wait3A_129 = tpu.memref_slice %arg4[%dma_wait3A_127, %dma_wait3A_128] : memref<10016x128xf32, #tpu.memory_space<hbm>> -> memref<10016x128xf32, #tpu.memory_space<hbm>>
        tpu.wait_indirect_dma semaphore(%arg22 : memref<!tpu.dma_semaphore, #tpu.memory_space<semaphore_mem>>) src(%dma_wait3A_129 : memref<10016x128xf32, #tpu.memory_space<hbm>>) dst(%arg19 : memref<128x128xf32, #tpu.memory_space<vmem>>)
        %dma_start3A_130 = arith.constant 5 : i32
        %dma_start3A_131 = arith.constant 0 : i32
        %dma_start3A_132 = tpu.memref_slice %arg17[%dma_start3A_130, %dma_start3A_131] : memref<16x128xi32, #tpu.memory_space<vmem>> -> memref<1x128xi32, #tpu.memory_space<vmem>>
        %dma_start3A_133 = tpu.memref_squeeze %dma_start3A_132 : memref<1x128xi32, #tpu.memory_space<vmem>> -> memref<128xi32, #tpu.memory_space<vmem>>
        %dma_start3A_134 = arith.constant 0 : i32
        %dma_start3A_135 = arith.constant 0 : i32
        %dma_start3A_136 = tpu.memref_slice %arg4[%dma_start3A_134, %dma_start3A_135] : memref<10016x128xf32, #tpu.memory_space<hbm>> -> memref<10016x128xf32, #tpu.memory_space<hbm>>
        tpu.enqueue_indirect_dma source(%dma_start3A_136 : memref<10016x128xf32, #tpu.memory_space<hbm>>) target(%arg20 : memref<128x128xf32, #tpu.memory_space<vmem>>) offsets(%dma_start3A_133 : memref<128xi32, #tpu.memory_space<vmem>>) semaphore(%arg23 : memref<!tpu.dma_semaphore, #tpu.memory_space<semaphore_mem>>)
        %run_scoped3A_137 = arith.constant 4 : i32
        "tpu.region"() ({
          %run_scoped3A_296 = tpu.sem_alloc : memref<!tpu.dma_semaphore, #tpu.memory_space<semaphore_mem>>
          %dma_start3A_297 = arith.constant 0 : i32
          %dma_start3A_298 = tpu.memref_slice %arg18[%run_scoped3A_137, %dma_start3A_297] : memref<16x128xi32, #tpu.memory_space<vmem>> -> memref<1x128xi32, #tpu.memory_space<vmem>>
          %dma_start3A_299 = tpu.memref_squeeze %dma_start3A_298 : memref<1x128xi32, #tpu.memory_space<vmem>> -> memref<128xi32, #tpu.memory_space<vmem>>
          %dma_start3A_300 = arith.constant 0 : i32
          %dma_start3A_301 = arith.constant 0 : i32
          %dma_start3A_302 = tpu.memref_slice %arg21[%dma_start3A_300, %dma_start3A_301] : memref<10032x128xf32, #tpu.memory_space<vmem_shared>> -> memref<10032x128xf32, #tpu.memory_space<vmem_shared>>
          tpu.enqueue_indirect_dma source(%arg19 : memref<128x128xf32, #tpu.memory_space<vmem>>) target(%dma_start3A_302 : memref<10032x128xf32, #tpu.memory_space<vmem_shared>>) offsets(%dma_start3A_299 : memref<128xi32, #tpu.memory_space<vmem>>) semaphore(%run_scoped3A_296 : memref<!tpu.dma_semaphore, #tpu.memory_space<semaphore_mem>>) {add = true}
          %dma_wait3A_303 = arith.constant 0 : i32
          %dma_wait3A_304 = tpu.memref_slice %arg18[%run_scoped3A_137, %dma_wait3A_303] : memref<16x128xi32, #tpu.memory_space<vmem>> -> memref<1x128xi32, #tpu.memory_space<vmem>>
          %dma_wait3A_305 = tpu.memref_squeeze %dma_wait3A_304 : memref<1x128xi32, #tpu.memory_space<vmem>> -> memref<128xi32, #tpu.memory_space<vmem>>
          %dma_wait3A_306 = arith.constant 0 : i32
          %dma_wait3A_307 = arith.constant 0 : i32
          %dma_wait3A_308 = tpu.memref_slice %arg21[%dma_wait3A_306, %dma_wait3A_307] : memref<10032x128xf32, #tpu.memory_space<vmem_shared>> -> memref<10032x128xf32, #tpu.memory_space<vmem_shared>>
          tpu.wait_indirect_dma semaphore(%run_scoped3A_296 : memref<!tpu.dma_semaphore, #tpu.memory_space<semaphore_mem>>) src(%arg19 : memref<128x128xf32, #tpu.memory_space<vmem>>) dst(%dma_wait3A_308 : memref<10032x128xf32, #tpu.memory_space<vmem_shared>>)
          tpu.yield
        }) : () -> ()
        %dma_wait3A_138 = arith.constant 5 : i32
        %dma_wait3A_139 = arith.constant 0 : i32
        %dma_wait3A_140 = tpu.memref_slice %arg17[%dma_wait3A_138, %dma_wait3A_139] : memref<16x128xi32, #tpu.memory_space<vmem>> -> memref<1x128xi32, #tpu.memory_space<vmem>>
        %dma_wait3A_141 = tpu.memref_squeeze %dma_wait3A_140 : memref<1x128xi32, #tpu.memory_space<vmem>> -> memref<128xi32, #tpu.memory_space<vmem>>
        %dma_wait3A_142 = arith.constant 0 : i32
        %dma_wait3A_143 = arith.constant 0 : i32
        %dma_wait3A_144 = tpu.memref_slice %arg4[%dma_wait3A_142, %dma_wait3A_143] : memref<10016x128xf32, #tpu.memory_space<hbm>> -> memref<10016x128xf32, #tpu.memory_space<hbm>>
        tpu.wait_indirect_dma semaphore(%arg23 : memref<!tpu.dma_semaphore, #tpu.memory_space<semaphore_mem>>) src(%dma_wait3A_144 : memref<10016x128xf32, #tpu.memory_space<hbm>>) dst(%arg20 : memref<128x128xf32, #tpu.memory_space<vmem>>)
        %dma_start3A_145 = arith.constant 6 : i32
        %dma_start3A_146 = arith.constant 0 : i32
        %dma_start3A_147 = tpu.memref_slice %arg17[%dma_start3A_145, %dma_start3A_146] : memref<16x128xi32, #tpu.memory_space<vmem>> -> memref<1x128xi32, #tpu.memory_space<vmem>>
        %dma_start3A_148 = tpu.memref_squeeze %dma_start3A_147 : memref<1x128xi32, #tpu.memory_space<vmem>> -> memref<128xi32, #tpu.memory_space<vmem>>
        %dma_start3A_149 = arith.constant 0 : i32
        %dma_start3A_150 = arith.constant 0 : i32
        %dma_start3A_151 = tpu.memref_slice %arg4[%dma_start3A_149, %dma_start3A_150] : memref<10016x128xf32, #tpu.memory_space<hbm>> -> memref<10016x128xf32, #tpu.memory_space<hbm>>
        tpu.enqueue_indirect_dma source(%dma_start3A_151 : memref<10016x128xf32, #tpu.memory_space<hbm>>) target(%arg19 : memref<128x128xf32, #tpu.memory_space<vmem>>) offsets(%dma_start3A_148 : memref<128xi32, #tpu.memory_space<vmem>>) semaphore(%arg22 : memref<!tpu.dma_semaphore, #tpu.memory_space<semaphore_mem>>)
        %run_scoped3A_152 = arith.constant 5 : i32
        "tpu.region"() ({
          %run_scoped3A_296 = tpu.sem_alloc : memref<!tpu.dma_semaphore, #tpu.memory_space<semaphore_mem>>
          %dma_start3A_297 = arith.constant 0 : i32
          %dma_start3A_298 = tpu.memref_slice %arg18[%run_scoped3A_152, %dma_start3A_297] : memref<16x128xi32, #tpu.memory_space<vmem>> -> memref<1x128xi32, #tpu.memory_space<vmem>>
          %dma_start3A_299 = tpu.memref_squeeze %dma_start3A_298 : memref<1x128xi32, #tpu.memory_space<vmem>> -> memref<128xi32, #tpu.memory_space<vmem>>
          %dma_start3A_300 = arith.constant 0 : i32
          %dma_start3A_301 = arith.constant 0 : i32
          %dma_start3A_302 = tpu.memref_slice %arg21[%dma_start3A_300, %dma_start3A_301] : memref<10032x128xf32, #tpu.memory_space<vmem_shared>> -> memref<10032x128xf32, #tpu.memory_space<vmem_shared>>
          tpu.enqueue_indirect_dma source(%arg20 : memref<128x128xf32, #tpu.memory_space<vmem>>) target(%dma_start3A_302 : memref<10032x128xf32, #tpu.memory_space<vmem_shared>>) offsets(%dma_start3A_299 : memref<128xi32, #tpu.memory_space<vmem>>) semaphore(%run_scoped3A_296 : memref<!tpu.dma_semaphore, #tpu.memory_space<semaphore_mem>>) {add = true}
          %dma_wait3A_303 = arith.constant 0 : i32
          %dma_wait3A_304 = tpu.memref_slice %arg18[%run_scoped3A_152, %dma_wait3A_303] : memref<16x128xi32, #tpu.memory_space<vmem>> -> memref<1x128xi32, #tpu.memory_space<vmem>>
          %dma_wait3A_305 = tpu.memref_squeeze %dma_wait3A_304 : memref<1x128xi32, #tpu.memory_space<vmem>> -> memref<128xi32, #tpu.memory_space<vmem>>
          %dma_wait3A_306 = arith.constant 0 : i32
          %dma_wait3A_307 = arith.constant 0 : i32
          %dma_wait3A_308 = tpu.memref_slice %arg21[%dma_wait3A_306, %dma_wait3A_307] : memref<10032x128xf32, #tpu.memory_space<vmem_shared>> -> memref<10032x128xf32, #tpu.memory_space<vmem_shared>>
          tpu.wait_indirect_dma semaphore(%run_scoped3A_296 : memref<!tpu.dma_semaphore, #tpu.memory_space<semaphore_mem>>) src(%arg20 : memref<128x128xf32, #tpu.memory_space<vmem>>) dst(%dma_wait3A_308 : memref<10032x128xf32, #tpu.memory_space<vmem_shared>>)
          tpu.yield
        }) : () -> ()
        %dma_wait3A_153 = arith.constant 6 : i32
        %dma_wait3A_154 = arith.constant 0 : i32
        %dma_wait3A_155 = tpu.memref_slice %arg17[%dma_wait3A_153, %dma_wait3A_154] : memref<16x128xi32, #tpu.memory_space<vmem>> -> memref<1x128xi32, #tpu.memory_space<vmem>>
        %dma_wait3A_156 = tpu.memref_squeeze %dma_wait3A_155 : memref<1x128xi32, #tpu.memory_space<vmem>> -> memref<128xi32, #tpu.memory_space<vmem>>
        %dma_wait3A_157 = arith.constant 0 : i32
        %dma_wait3A_158 = arith.constant 0 : i32
        %dma_wait3A_159 = tpu.memref_slice %arg4[%dma_wait3A_157, %dma_wait3A_158] : memref<10016x128xf32, #tpu.memory_space<hbm>> -> memref<10016x128xf32, #tpu.memory_space<hbm>>
        tpu.wait_indirect_dma semaphore(%arg22 : memref<!tpu.dma_semaphore, #tpu.memory_space<semaphore_mem>>) src(%dma_wait3A_159 : memref<10016x128xf32, #tpu.memory_space<hbm>>) dst(%arg19 : memref<128x128xf32, #tpu.memory_space<vmem>>)
        %dma_start3A_160 = arith.constant 7 : i32
        %dma_start3A_161 = arith.constant 0 : i32
        %dma_start3A_162 = tpu.memref_slice %arg17[%dma_start3A_160, %dma_start3A_161] : memref<16x128xi32, #tpu.memory_space<vmem>> -> memref<1x128xi32, #tpu.memory_space<vmem>>
        %dma_start3A_163 = tpu.memref_squeeze %dma_start3A_162 : memref<1x128xi32, #tpu.memory_space<vmem>> -> memref<128xi32, #tpu.memory_space<vmem>>
        %dma_start3A_164 = arith.constant 0 : i32
        %dma_start3A_165 = arith.constant 0 : i32
        %dma_start3A_166 = tpu.memref_slice %arg4[%dma_start3A_164, %dma_start3A_165] : memref<10016x128xf32, #tpu.memory_space<hbm>> -> memref<10016x128xf32, #tpu.memory_space<hbm>>
        tpu.enqueue_indirect_dma source(%dma_start3A_166 : memref<10016x128xf32, #tpu.memory_space<hbm>>) target(%arg20 : memref<128x128xf32, #tpu.memory_space<vmem>>) offsets(%dma_start3A_163 : memref<128xi32, #tpu.memory_space<vmem>>) semaphore(%arg23 : memref<!tpu.dma_semaphore, #tpu.memory_space<semaphore_mem>>)
        %run_scoped3A_167 = arith.constant 6 : i32
        "tpu.region"() ({
          %run_scoped3A_296 = tpu.sem_alloc : memref<!tpu.dma_semaphore, #tpu.memory_space<semaphore_mem>>
          %dma_start3A_297 = arith.constant 0 : i32
          %dma_start3A_298 = tpu.memref_slice %arg18[%run_scoped3A_167, %dma_start3A_297] : memref<16x128xi32, #tpu.memory_space<vmem>> -> memref<1x128xi32, #tpu.memory_space<vmem>>
          %dma_start3A_299 = tpu.memref_squeeze %dma_start3A_298 : memref<1x128xi32, #tpu.memory_space<vmem>> -> memref<128xi32, #tpu.memory_space<vmem>>
          %dma_start3A_300 = arith.constant 0 : i32
          %dma_start3A_301 = arith.constant 0 : i32
          %dma_start3A_302 = tpu.memref_slice %arg21[%dma_start3A_300, %dma_start3A_301] : memref<10032x128xf32, #tpu.memory_space<vmem_shared>> -> memref<10032x128xf32, #tpu.memory_space<vmem_shared>>
          tpu.enqueue_indirect_dma source(%arg19 : memref<128x128xf32, #tpu.memory_space<vmem>>) target(%dma_start3A_302 : memref<10032x128xf32, #tpu.memory_space<vmem_shared>>) offsets(%dma_start3A_299 : memref<128xi32, #tpu.memory_space<vmem>>) semaphore(%run_scoped3A_296 : memref<!tpu.dma_semaphore, #tpu.memory_space<semaphore_mem>>) {add = true}
          %dma_wait3A_303 = arith.constant 0 : i32
          %dma_wait3A_304 = tpu.memref_slice %arg18[%run_scoped3A_167, %dma_wait3A_303] : memref<16x128xi32, #tpu.memory_space<vmem>> -> memref<1x128xi32, #tpu.memory_space<vmem>>
          %dma_wait3A_305 = tpu.memref_squeeze %dma_wait3A_304 : memref<1x128xi32, #tpu.memory_space<vmem>> -> memref<128xi32, #tpu.memory_space<vmem>>
          %dma_wait3A_306 = arith.constant 0 : i32
          %dma_wait3A_307 = arith.constant 0 : i32
          %dma_wait3A_308 = tpu.memref_slice %arg21[%dma_wait3A_306, %dma_wait3A_307] : memref<10032x128xf32, #tpu.memory_space<vmem_shared>> -> memref<10032x128xf32, #tpu.memory_space<vmem_shared>>
          tpu.wait_indirect_dma semaphore(%run_scoped3A_296 : memref<!tpu.dma_semaphore, #tpu.memory_space<semaphore_mem>>) src(%arg19 : memref<128x128xf32, #tpu.memory_space<vmem>>) dst(%dma_wait3A_308 : memref<10032x128xf32, #tpu.memory_space<vmem_shared>>)
          tpu.yield
        }) : () -> ()
        %dma_wait3A_168 = arith.constant 7 : i32
        %dma_wait3A_169 = arith.constant 0 : i32
        %dma_wait3A_170 = tpu.memref_slice %arg17[%dma_wait3A_168, %dma_wait3A_169] : memref<16x128xi32, #tpu.memory_space<vmem>> -> memref<1x128xi32, #tpu.memory_space<vmem>>
        %dma_wait3A_171 = tpu.memref_squeeze %dma_wait3A_170 : memref<1x128xi32, #tpu.memory_space<vmem>> -> memref<128xi32, #tpu.memory_space<vmem>>
        %dma_wait3A_172 = arith.constant 0 : i32
        %dma_wait3A_173 = arith.constant 0 : i32
        %dma_wait3A_174 = tpu.memref_slice %arg4[%dma_wait3A_172, %dma_wait3A_173] : memref<10016x128xf32, #tpu.memory_space<hbm>> -> memref<10016x128xf32, #tpu.memory_space<hbm>>
        tpu.wait_indirect_dma semaphore(%arg23 : memref<!tpu.dma_semaphore, #tpu.memory_space<semaphore_mem>>) src(%dma_wait3A_174 : memref<10016x128xf32, #tpu.memory_space<hbm>>) dst(%arg20 : memref<128x128xf32, #tpu.memory_space<vmem>>)
        %dma_start3A_175 = arith.constant 8 : i32
        %dma_start3A_176 = arith.constant 0 : i32
        %dma_start3A_177 = tpu.memref_slice %arg17[%dma_start3A_175, %dma_start3A_176] : memref<16x128xi32, #tpu.memory_space<vmem>> -> memref<1x128xi32, #tpu.memory_space<vmem>>
        %dma_start3A_178 = tpu.memref_squeeze %dma_start3A_177 : memref<1x128xi32, #tpu.memory_space<vmem>> -> memref<128xi32, #tpu.memory_space<vmem>>
        %dma_start3A_179 = arith.constant 0 : i32
        %dma_start3A_180 = arith.constant 0 : i32
        %dma_start3A_181 = tpu.memref_slice %arg4[%dma_start3A_179, %dma_start3A_180] : memref<10016x128xf32, #tpu.memory_space<hbm>> -> memref<10016x128xf32, #tpu.memory_space<hbm>>
        tpu.enqueue_indirect_dma source(%dma_start3A_181 : memref<10016x128xf32, #tpu.memory_space<hbm>>) target(%arg19 : memref<128x128xf32, #tpu.memory_space<vmem>>) offsets(%dma_start3A_178 : memref<128xi32, #tpu.memory_space<vmem>>) semaphore(%arg22 : memref<!tpu.dma_semaphore, #tpu.memory_space<semaphore_mem>>)
        %run_scoped3A_182 = arith.constant 7 : i32
        "tpu.region"() ({
          %run_scoped3A_296 = tpu.sem_alloc : memref<!tpu.dma_semaphore, #tpu.memory_space<semaphore_mem>>
          %dma_start3A_297 = arith.constant 0 : i32
          %dma_start3A_298 = tpu.memref_slice %arg18[%run_scoped3A_182, %dma_start3A_297] : memref<16x128xi32, #tpu.memory_space<vmem>> -> memref<1x128xi32, #tpu.memory_space<vmem>>
          %dma_start3A_299 = tpu.memref_squeeze %dma_start3A_298 : memref<1x128xi32, #tpu.memory_space<vmem>> -> memref<128xi32, #tpu.memory_space<vmem>>
          %dma_start3A_300 = arith.constant 0 : i32
          %dma_start3A_301 = arith.constant 0 : i32
          %dma_start3A_302 = tpu.memref_slice %arg21[%dma_start3A_300, %dma_start3A_301] : memref<10032x128xf32, #tpu.memory_space<vmem_shared>> -> memref<10032x128xf32, #tpu.memory_space<vmem_shared>>
          tpu.enqueue_indirect_dma source(%arg20 : memref<128x128xf32, #tpu.memory_space<vmem>>) target(%dma_start3A_302 : memref<10032x128xf32, #tpu.memory_space<vmem_shared>>) offsets(%dma_start3A_299 : memref<128xi32, #tpu.memory_space<vmem>>) semaphore(%run_scoped3A_296 : memref<!tpu.dma_semaphore, #tpu.memory_space<semaphore_mem>>) {add = true}
          %dma_wait3A_303 = arith.constant 0 : i32
          %dma_wait3A_304 = tpu.memref_slice %arg18[%run_scoped3A_182, %dma_wait3A_303] : memref<16x128xi32, #tpu.memory_space<vmem>> -> memref<1x128xi32, #tpu.memory_space<vmem>>
          %dma_wait3A_305 = tpu.memref_squeeze %dma_wait3A_304 : memref<1x128xi32, #tpu.memory_space<vmem>> -> memref<128xi32, #tpu.memory_space<vmem>>
          %dma_wait3A_306 = arith.constant 0 : i32
          %dma_wait3A_307 = arith.constant 0 : i32
          %dma_wait3A_308 = tpu.memref_slice %arg21[%dma_wait3A_306, %dma_wait3A_307] : memref<10032x128xf32, #tpu.memory_space<vmem_shared>> -> memref<10032x128xf32, #tpu.memory_space<vmem_shared>>
          tpu.wait_indirect_dma semaphore(%run_scoped3A_296 : memref<!tpu.dma_semaphore, #tpu.memory_space<semaphore_mem>>) src(%arg20 : memref<128x128xf32, #tpu.memory_space<vmem>>) dst(%dma_wait3A_308 : memref<10032x128xf32, #tpu.memory_space<vmem_shared>>)
          tpu.yield
        }) : () -> ()
        %dma_wait3A_183 = arith.constant 8 : i32
        %dma_wait3A_184 = arith.constant 0 : i32
        %dma_wait3A_185 = tpu.memref_slice %arg17[%dma_wait3A_183, %dma_wait3A_184] : memref<16x128xi32, #tpu.memory_space<vmem>> -> memref<1x128xi32, #tpu.memory_space<vmem>>
        %dma_wait3A_186 = tpu.memref_squeeze %dma_wait3A_185 : memref<1x128xi32, #tpu.memory_space<vmem>> -> memref<128xi32, #tpu.memory_space<vmem>>
        %dma_wait3A_187 = arith.constant 0 : i32
        %dma_wait3A_188 = arith.constant 0 : i32
        %dma_wait3A_189 = tpu.memref_slice %arg4[%dma_wait3A_187, %dma_wait3A_188] : memref<10016x128xf32, #tpu.memory_space<hbm>> -> memref<10016x128xf32, #tpu.memory_space<hbm>>
        tpu.wait_indirect_dma semaphore(%arg22 : memref<!tpu.dma_semaphore, #tpu.memory_space<semaphore_mem>>) src(%dma_wait3A_189 : memref<10016x128xf32, #tpu.memory_space<hbm>>) dst(%arg19 : memref<128x128xf32, #tpu.memory_space<vmem>>)
        %dma_start3A_190 = arith.constant 9 : i32
        %dma_start3A_191 = arith.constant 0 : i32
        %dma_start3A_192 = tpu.memref_slice %arg17[%dma_start3A_190, %dma_start3A_191] : memref<16x128xi32, #tpu.memory_space<vmem>> -> memref<1x128xi32, #tpu.memory_space<vmem>>
        %dma_start3A_193 = tpu.memref_squeeze %dma_start3A_192 : memref<1x128xi32, #tpu.memory_space<vmem>> -> memref<128xi32, #tpu.memory_space<vmem>>
        %dma_start3A_194 = arith.constant 0 : i32
        %dma_start3A_195 = arith.constant 0 : i32
        %dma_start3A_196 = tpu.memref_slice %arg4[%dma_start3A_194, %dma_start3A_195] : memref<10016x128xf32, #tpu.memory_space<hbm>> -> memref<10016x128xf32, #tpu.memory_space<hbm>>
        tpu.enqueue_indirect_dma source(%dma_start3A_196 : memref<10016x128xf32, #tpu.memory_space<hbm>>) target(%arg20 : memref<128x128xf32, #tpu.memory_space<vmem>>) offsets(%dma_start3A_193 : memref<128xi32, #tpu.memory_space<vmem>>) semaphore(%arg23 : memref<!tpu.dma_semaphore, #tpu.memory_space<semaphore_mem>>)
        %run_scoped3A_197 = arith.constant 8 : i32
        "tpu.region"() ({
          %run_scoped3A_296 = tpu.sem_alloc : memref<!tpu.dma_semaphore, #tpu.memory_space<semaphore_mem>>
          %dma_start3A_297 = arith.constant 0 : i32
          %dma_start3A_298 = tpu.memref_slice %arg18[%run_scoped3A_197, %dma_start3A_297] : memref<16x128xi32, #tpu.memory_space<vmem>> -> memref<1x128xi32, #tpu.memory_space<vmem>>
          %dma_start3A_299 = tpu.memref_squeeze %dma_start3A_298 : memref<1x128xi32, #tpu.memory_space<vmem>> -> memref<128xi32, #tpu.memory_space<vmem>>
          %dma_start3A_300 = arith.constant 0 : i32
          %dma_start3A_301 = arith.constant 0 : i32
          %dma_start3A_302 = tpu.memref_slice %arg21[%dma_start3A_300, %dma_start3A_301] : memref<10032x128xf32, #tpu.memory_space<vmem_shared>> -> memref<10032x128xf32, #tpu.memory_space<vmem_shared>>
          tpu.enqueue_indirect_dma source(%arg19 : memref<128x128xf32, #tpu.memory_space<vmem>>) target(%dma_start3A_302 : memref<10032x128xf32, #tpu.memory_space<vmem_shared>>) offsets(%dma_start3A_299 : memref<128xi32, #tpu.memory_space<vmem>>) semaphore(%run_scoped3A_296 : memref<!tpu.dma_semaphore, #tpu.memory_space<semaphore_mem>>) {add = true}
          %dma_wait3A_303 = arith.constant 0 : i32
          %dma_wait3A_304 = tpu.memref_slice %arg18[%run_scoped3A_197, %dma_wait3A_303] : memref<16x128xi32, #tpu.memory_space<vmem>> -> memref<1x128xi32, #tpu.memory_space<vmem>>
          %dma_wait3A_305 = tpu.memref_squeeze %dma_wait3A_304 : memref<1x128xi32, #tpu.memory_space<vmem>> -> memref<128xi32, #tpu.memory_space<vmem>>
          %dma_wait3A_306 = arith.constant 0 : i32
          %dma_wait3A_307 = arith.constant 0 : i32
          %dma_wait3A_308 = tpu.memref_slice %arg21[%dma_wait3A_306, %dma_wait3A_307] : memref<10032x128xf32, #tpu.memory_space<vmem_shared>> -> memref<10032x128xf32, #tpu.memory_space<vmem_shared>>
          tpu.wait_indirect_dma semaphore(%run_scoped3A_296 : memref<!tpu.dma_semaphore, #tpu.memory_space<semaphore_mem>>) src(%arg19 : memref<128x128xf32, #tpu.memory_space<vmem>>) dst(%dma_wait3A_308 : memref<10032x128xf32, #tpu.memory_space<vmem_shared>>)
          tpu.yield
        }) : () -> ()
        %dma_wait3A_198 = arith.constant 9 : i32
        %dma_wait3A_199 = arith.constant 0 : i32
        %dma_wait3A_200 = tpu.memref_slice %arg17[%dma_wait3A_198, %dma_wait3A_199] : memref<16x128xi32, #tpu.memory_space<vmem>> -> memref<1x128xi32, #tpu.memory_space<vmem>>
        %dma_wait3A_201 = tpu.memref_squeeze %dma_wait3A_200 : memref<1x128xi32, #tpu.memory_space<vmem>> -> memref<128xi32, #tpu.memory_space<vmem>>
        %dma_wait3A_202 = arith.constant 0 : i32
        %dma_wait3A_203 = arith.constant 0 : i32
        %dma_wait3A_204 = tpu.memref_slice %arg4[%dma_wait3A_202, %dma_wait3A_203] : memref<10016x128xf32, #tpu.memory_space<hbm>> -> memref<10016x128xf32, #tpu.memory_space<hbm>>
        tpu.wait_indirect_dma semaphore(%arg23 : memref<!tpu.dma_semaphore, #tpu.memory_space<semaphore_mem>>) src(%dma_wait3A_204 : memref<10016x128xf32, #tpu.memory_space<hbm>>) dst(%arg20 : memref<128x128xf32, #tpu.memory_space<vmem>>)
        %dma_start3A_205 = arith.constant 10 : i32
        %dma_start3A_206 = arith.constant 0 : i32
        %dma_start3A_207 = tpu.memref_slice %arg17[%dma_start3A_205, %dma_start3A_206] : memref<16x128xi32, #tpu.memory_space<vmem>> -> memref<1x128xi32, #tpu.memory_space<vmem>>
        %dma_start3A_208 = tpu.memref_squeeze %dma_start3A_207 : memref<1x128xi32, #tpu.memory_space<vmem>> -> memref<128xi32, #tpu.memory_space<vmem>>
        %dma_start3A_209 = arith.constant 0 : i32
        %dma_start3A_210 = arith.constant 0 : i32
        %dma_start3A_211 = tpu.memref_slice %arg4[%dma_start3A_209, %dma_start3A_210] : memref<10016x128xf32, #tpu.memory_space<hbm>> -> memref<10016x128xf32, #tpu.memory_space<hbm>>
        tpu.enqueue_indirect_dma source(%dma_start3A_211 : memref<10016x128xf32, #tpu.memory_space<hbm>>) target(%arg19 : memref<128x128xf32, #tpu.memory_space<vmem>>) offsets(%dma_start3A_208 : memref<128xi32, #tpu.memory_space<vmem>>) semaphore(%arg22 : memref<!tpu.dma_semaphore, #tpu.memory_space<semaphore_mem>>)
        %run_scoped3A_212 = arith.constant 9 : i32
        "tpu.region"() ({
          %run_scoped3A_296 = tpu.sem_alloc : memref<!tpu.dma_semaphore, #tpu.memory_space<semaphore_mem>>
          %dma_start3A_297 = arith.constant 0 : i32
          %dma_start3A_298 = tpu.memref_slice %arg18[%run_scoped3A_212, %dma_start3A_297] : memref<16x128xi32, #tpu.memory_space<vmem>> -> memref<1x128xi32, #tpu.memory_space<vmem>>
          %dma_start3A_299 = tpu.memref_squeeze %dma_start3A_298 : memref<1x128xi32, #tpu.memory_space<vmem>> -> memref<128xi32, #tpu.memory_space<vmem>>
          %dma_start3A_300 = arith.constant 0 : i32
          %dma_start3A_301 = arith.constant 0 : i32
          %dma_start3A_302 = tpu.memref_slice %arg21[%dma_start3A_300, %dma_start3A_301] : memref<10032x128xf32, #tpu.memory_space<vmem_shared>> -> memref<10032x128xf32, #tpu.memory_space<vmem_shared>>
          tpu.enqueue_indirect_dma source(%arg20 : memref<128x128xf32, #tpu.memory_space<vmem>>) target(%dma_start3A_302 : memref<10032x128xf32, #tpu.memory_space<vmem_shared>>) offsets(%dma_start3A_299 : memref<128xi32, #tpu.memory_space<vmem>>) semaphore(%run_scoped3A_296 : memref<!tpu.dma_semaphore, #tpu.memory_space<semaphore_mem>>) {add = true}
          %dma_wait3A_303 = arith.constant 0 : i32
          %dma_wait3A_304 = tpu.memref_slice %arg18[%run_scoped3A_212, %dma_wait3A_303] : memref<16x128xi32, #tpu.memory_space<vmem>> -> memref<1x128xi32, #tpu.memory_space<vmem>>
          %dma_wait3A_305 = tpu.memref_squeeze %dma_wait3A_304 : memref<1x128xi32, #tpu.memory_space<vmem>> -> memref<128xi32, #tpu.memory_space<vmem>>
          %dma_wait3A_306 = arith.constant 0 : i32
          %dma_wait3A_307 = arith.constant 0 : i32
          %dma_wait3A_308 = tpu.memref_slice %arg21[%dma_wait3A_306, %dma_wait3A_307] : memref<10032x128xf32, #tpu.memory_space<vmem_shared>> -> memref<10032x128xf32, #tpu.memory_space<vmem_shared>>
          tpu.wait_indirect_dma semaphore(%run_scoped3A_296 : memref<!tpu.dma_semaphore, #tpu.memory_space<semaphore_mem>>) src(%arg20 : memref<128x128xf32, #tpu.memory_space<vmem>>) dst(%dma_wait3A_308 : memref<10032x128xf32, #tpu.memory_space<vmem_shared>>)
          tpu.yield
        }) : () -> ()
        %dma_wait3A_213 = arith.constant 10 : i32
        %dma_wait3A_214 = arith.constant 0 : i32
        %dma_wait3A_215 = tpu.memref_slice %arg17[%dma_wait3A_213, %dma_wait3A_214] : memref<16x128xi32, #tpu.memory_space<vmem>> -> memref<1x128xi32, #tpu.memory_space<vmem>>
        %dma_wait3A_216 = tpu.memref_squeeze %dma_wait3A_215 : memref<1x128xi32, #tpu.memory_space<vmem>> -> memref<128xi32, #tpu.memory_space<vmem>>
        %dma_wait3A_217 = arith.constant 0 : i32
        %dma_wait3A_218 = arith.constant 0 : i32
        %dma_wait3A_219 = tpu.memref_slice %arg4[%dma_wait3A_217, %dma_wait3A_218] : memref<10016x128xf32, #tpu.memory_space<hbm>> -> memref<10016x128xf32, #tpu.memory_space<hbm>>
        tpu.wait_indirect_dma semaphore(%arg22 : memref<!tpu.dma_semaphore, #tpu.memory_space<semaphore_mem>>) src(%dma_wait3A_219 : memref<10016x128xf32, #tpu.memory_space<hbm>>) dst(%arg19 : memref<128x128xf32, #tpu.memory_space<vmem>>)
        %dma_start3A_220 = arith.constant 11 : i32
        %dma_start3A_221 = arith.constant 0 : i32
        %dma_start3A_222 = tpu.memref_slice %arg17[%dma_start3A_220, %dma_start3A_221] : memref<16x128xi32, #tpu.memory_space<vmem>> -> memref<1x128xi32, #tpu.memory_space<vmem>>
        %dma_start3A_223 = tpu.memref_squeeze %dma_start3A_222 : memref<1x128xi32, #tpu.memory_space<vmem>> -> memref<128xi32, #tpu.memory_space<vmem>>
        %dma_start3A_224 = arith.constant 0 : i32
        %dma_start3A_225 = arith.constant 0 : i32
        %dma_start3A_226 = tpu.memref_slice %arg4[%dma_start3A_224, %dma_start3A_225] : memref<10016x128xf32, #tpu.memory_space<hbm>> -> memref<10016x128xf32, #tpu.memory_space<hbm>>
        tpu.enqueue_indirect_dma source(%dma_start3A_226 : memref<10016x128xf32, #tpu.memory_space<hbm>>) target(%arg20 : memref<128x128xf32, #tpu.memory_space<vmem>>) offsets(%dma_start3A_223 : memref<128xi32, #tpu.memory_space<vmem>>) semaphore(%arg23 : memref<!tpu.dma_semaphore, #tpu.memory_space<semaphore_mem>>)
        %run_scoped3A_227 = arith.constant 10 : i32
        "tpu.region"() ({
          %run_scoped3A_296 = tpu.sem_alloc : memref<!tpu.dma_semaphore, #tpu.memory_space<semaphore_mem>>
          %dma_start3A_297 = arith.constant 0 : i32
          %dma_start3A_298 = tpu.memref_slice %arg18[%run_scoped3A_227, %dma_start3A_297] : memref<16x128xi32, #tpu.memory_space<vmem>> -> memref<1x128xi32, #tpu.memory_space<vmem>>
          %dma_start3A_299 = tpu.memref_squeeze %dma_start3A_298 : memref<1x128xi32, #tpu.memory_space<vmem>> -> memref<128xi32, #tpu.memory_space<vmem>>
          %dma_start3A_300 = arith.constant 0 : i32
          %dma_start3A_301 = arith.constant 0 : i32
          %dma_start3A_302 = tpu.memref_slice %arg21[%dma_start3A_300, %dma_start3A_301] : memref<10032x128xf32, #tpu.memory_space<vmem_shared>> -> memref<10032x128xf32, #tpu.memory_space<vmem_shared>>
          tpu.enqueue_indirect_dma source(%arg19 : memref<128x128xf32, #tpu.memory_space<vmem>>) target(%dma_start3A_302 : memref<10032x128xf32, #tpu.memory_space<vmem_shared>>) offsets(%dma_start3A_299 : memref<128xi32, #tpu.memory_space<vmem>>) semaphore(%run_scoped3A_296 : memref<!tpu.dma_semaphore, #tpu.memory_space<semaphore_mem>>) {add = true}
          %dma_wait3A_303 = arith.constant 0 : i32
          %dma_wait3A_304 = tpu.memref_slice %arg18[%run_scoped3A_227, %dma_wait3A_303] : memref<16x128xi32, #tpu.memory_space<vmem>> -> memref<1x128xi32, #tpu.memory_space<vmem>>
          %dma_wait3A_305 = tpu.memref_squeeze %dma_wait3A_304 : memref<1x128xi32, #tpu.memory_space<vmem>> -> memref<128xi32, #tpu.memory_space<vmem>>
          %dma_wait3A_306 = arith.constant 0 : i32
          %dma_wait3A_307 = arith.constant 0 : i32
          %dma_wait3A_308 = tpu.memref_slice %arg21[%dma_wait3A_306, %dma_wait3A_307] : memref<10032x128xf32, #tpu.memory_space<vmem_shared>> -> memref<10032x128xf32, #tpu.memory_space<vmem_shared>>
          tpu.wait_indirect_dma semaphore(%run_scoped3A_296 : memref<!tpu.dma_semaphore, #tpu.memory_space<semaphore_mem>>) src(%arg19 : memref<128x128xf32, #tpu.memory_space<vmem>>) dst(%dma_wait3A_308 : memref<10032x128xf32, #tpu.memory_space<vmem_shared>>)
          tpu.yield
        }) : () -> ()
        %dma_wait3A_228 = arith.constant 11 : i32
        %dma_wait3A_229 = arith.constant 0 : i32
        %dma_wait3A_230 = tpu.memref_slice %arg17[%dma_wait3A_228, %dma_wait3A_229] : memref<16x128xi32, #tpu.memory_space<vmem>> -> memref<1x128xi32, #tpu.memory_space<vmem>>
        %dma_wait3A_231 = tpu.memref_squeeze %dma_wait3A_230 : memref<1x128xi32, #tpu.memory_space<vmem>> -> memref<128xi32, #tpu.memory_space<vmem>>
        %dma_wait3A_232 = arith.constant 0 : i32
        %dma_wait3A_233 = arith.constant 0 : i32
        %dma_wait3A_234 = tpu.memref_slice %arg4[%dma_wait3A_232, %dma_wait3A_233] : memref<10016x128xf32, #tpu.memory_space<hbm>> -> memref<10016x128xf32, #tpu.memory_space<hbm>>
        tpu.wait_indirect_dma semaphore(%arg23 : memref<!tpu.dma_semaphore, #tpu.memory_space<semaphore_mem>>) src(%dma_wait3A_234 : memref<10016x128xf32, #tpu.memory_space<hbm>>) dst(%arg20 : memref<128x128xf32, #tpu.memory_space<vmem>>)
        %dma_start3A_235 = arith.constant 12 : i32
        %dma_start3A_236 = arith.constant 0 : i32
        %dma_start3A_237 = tpu.memref_slice %arg17[%dma_start3A_235, %dma_start3A_236] : memref<16x128xi32, #tpu.memory_space<vmem>> -> memref<1x128xi32, #tpu.memory_space<vmem>>
        %dma_start3A_238 = tpu.memref_squeeze %dma_start3A_237 : memref<1x128xi32, #tpu.memory_space<vmem>> -> memref<128xi32, #tpu.memory_space<vmem>>
        %dma_start3A_239 = arith.constant 0 : i32
        %dma_start3A_240 = arith.constant 0 : i32
        %dma_start3A_241 = tpu.memref_slice %arg4[%dma_start3A_239, %dma_start3A_240] : memref<10016x128xf32, #tpu.memory_space<hbm>> -> memref<10016x128xf32, #tpu.memory_space<hbm>>
        tpu.enqueue_indirect_dma source(%dma_start3A_241 : memref<10016x128xf32, #tpu.memory_space<hbm>>) target(%arg19 : memref<128x128xf32, #tpu.memory_space<vmem>>) offsets(%dma_start3A_238 : memref<128xi32, #tpu.memory_space<vmem>>) semaphore(%arg22 : memref<!tpu.dma_semaphore, #tpu.memory_space<semaphore_mem>>)
        %run_scoped3A_242 = arith.constant 11 : i32
        "tpu.region"() ({
          %run_scoped3A_296 = tpu.sem_alloc : memref<!tpu.dma_semaphore, #tpu.memory_space<semaphore_mem>>
          %dma_start3A_297 = arith.constant 0 : i32
          %dma_start3A_298 = tpu.memref_slice %arg18[%run_scoped3A_242, %dma_start3A_297] : memref<16x128xi32, #tpu.memory_space<vmem>> -> memref<1x128xi32, #tpu.memory_space<vmem>>
          %dma_start3A_299 = tpu.memref_squeeze %dma_start3A_298 : memref<1x128xi32, #tpu.memory_space<vmem>> -> memref<128xi32, #tpu.memory_space<vmem>>
          %dma_start3A_300 = arith.constant 0 : i32
          %dma_start3A_301 = arith.constant 0 : i32
          %dma_start3A_302 = tpu.memref_slice %arg21[%dma_start3A_300, %dma_start3A_301] : memref<10032x128xf32, #tpu.memory_space<vmem_shared>> -> memref<10032x128xf32, #tpu.memory_space<vmem_shared>>
          tpu.enqueue_indirect_dma source(%arg20 : memref<128x128xf32, #tpu.memory_space<vmem>>) target(%dma_start3A_302 : memref<10032x128xf32, #tpu.memory_space<vmem_shared>>) offsets(%dma_start3A_299 : memref<128xi32, #tpu.memory_space<vmem>>) semaphore(%run_scoped3A_296 : memref<!tpu.dma_semaphore, #tpu.memory_space<semaphore_mem>>) {add = true}
          %dma_wait3A_303 = arith.constant 0 : i32
          %dma_wait3A_304 = tpu.memref_slice %arg18[%run_scoped3A_242, %dma_wait3A_303] : memref<16x128xi32, #tpu.memory_space<vmem>> -> memref<1x128xi32, #tpu.memory_space<vmem>>
          %dma_wait3A_305 = tpu.memref_squeeze %dma_wait3A_304 : memref<1x128xi32, #tpu.memory_space<vmem>> -> memref<128xi32, #tpu.memory_space<vmem>>
          %dma_wait3A_306 = arith.constant 0 : i32
          %dma_wait3A_307 = arith.constant 0 : i32
          %dma_wait3A_308 = tpu.memref_slice %arg21[%dma_wait3A_306, %dma_wait3A_307] : memref<10032x128xf32, #tpu.memory_space<vmem_shared>> -> memref<10032x128xf32, #tpu.memory_space<vmem_shared>>
          tpu.wait_indirect_dma semaphore(%run_scoped3A_296 : memref<!tpu.dma_semaphore, #tpu.memory_space<semaphore_mem>>) src(%arg20 : memref<128x128xf32, #tpu.memory_space<vmem>>) dst(%dma_wait3A_308 : memref<10032x128xf32, #tpu.memory_space<vmem_shared>>)
          tpu.yield
        }) : () -> ()
        %dma_wait3A_243 = arith.constant 12 : i32
        %dma_wait3A_244 = arith.constant 0 : i32
        %dma_wait3A_245 = tpu.memref_slice %arg17[%dma_wait3A_243, %dma_wait3A_244] : memref<16x128xi32, #tpu.memory_space<vmem>> -> memref<1x128xi32, #tpu.memory_space<vmem>>
        %dma_wait3A_246 = tpu.memref_squeeze %dma_wait3A_245 : memref<1x128xi32, #tpu.memory_space<vmem>> -> memref<128xi32, #tpu.memory_space<vmem>>
        %dma_wait3A_247 = arith.constant 0 : i32
        %dma_wait3A_248 = arith.constant 0 : i32
        %dma_wait3A_249 = tpu.memref_slice %arg4[%dma_wait3A_247, %dma_wait3A_248] : memref<10016x128xf32, #tpu.memory_space<hbm>> -> memref<10016x128xf32, #tpu.memory_space<hbm>>
        tpu.wait_indirect_dma semaphore(%arg22 : memref<!tpu.dma_semaphore, #tpu.memory_space<semaphore_mem>>) src(%dma_wait3A_249 : memref<10016x128xf32, #tpu.memory_space<hbm>>) dst(%arg19 : memref<128x128xf32, #tpu.memory_space<vmem>>)
        %dma_start3A_250 = arith.constant 13 : i32
        %dma_start3A_251 = arith.constant 0 : i32
        %dma_start3A_252 = tpu.memref_slice %arg17[%dma_start3A_250, %dma_start3A_251] : memref<16x128xi32, #tpu.memory_space<vmem>> -> memref<1x128xi32, #tpu.memory_space<vmem>>
        %dma_start3A_253 = tpu.memref_squeeze %dma_start3A_252 : memref<1x128xi32, #tpu.memory_space<vmem>> -> memref<128xi32, #tpu.memory_space<vmem>>
        %dma_start3A_254 = arith.constant 0 : i32
        %dma_start3A_255 = arith.constant 0 : i32
        %dma_start3A_256 = tpu.memref_slice %arg4[%dma_start3A_254, %dma_start3A_255] : memref<10016x128xf32, #tpu.memory_space<hbm>> -> memref<10016x128xf32, #tpu.memory_space<hbm>>
        tpu.enqueue_indirect_dma source(%dma_start3A_256 : memref<10016x128xf32, #tpu.memory_space<hbm>>) target(%arg20 : memref<128x128xf32, #tpu.memory_space<vmem>>) offsets(%dma_start3A_253 : memref<128xi32, #tpu.memory_space<vmem>>) semaphore(%arg23 : memref<!tpu.dma_semaphore, #tpu.memory_space<semaphore_mem>>)
        %run_scoped3A_257 = arith.constant 12 : i32
        "tpu.region"() ({
          %run_scoped3A_296 = tpu.sem_alloc : memref<!tpu.dma_semaphore, #tpu.memory_space<semaphore_mem>>
          %dma_start3A_297 = arith.constant 0 : i32
          %dma_start3A_298 = tpu.memref_slice %arg18[%run_scoped3A_257, %dma_start3A_297] : memref<16x128xi32, #tpu.memory_space<vmem>> -> memref<1x128xi32, #tpu.memory_space<vmem>>
          %dma_start3A_299 = tpu.memref_squeeze %dma_start3A_298 : memref<1x128xi32, #tpu.memory_space<vmem>> -> memref<128xi32, #tpu.memory_space<vmem>>
          %dma_start3A_300 = arith.constant 0 : i32
          %dma_start3A_301 = arith.constant 0 : i32
          %dma_start3A_302 = tpu.memref_slice %arg21[%dma_start3A_300, %dma_start3A_301] : memref<10032x128xf32, #tpu.memory_space<vmem_shared>> -> memref<10032x128xf32, #tpu.memory_space<vmem_shared>>
          tpu.enqueue_indirect_dma source(%arg19 : memref<128x128xf32, #tpu.memory_space<vmem>>) target(%dma_start3A_302 : memref<10032x128xf32, #tpu.memory_space<vmem_shared>>) offsets(%dma_start3A_299 : memref<128xi32, #tpu.memory_space<vmem>>) semaphore(%run_scoped3A_296 : memref<!tpu.dma_semaphore, #tpu.memory_space<semaphore_mem>>) {add = true}
          %dma_wait3A_303 = arith.constant 0 : i32
          %dma_wait3A_304 = tpu.memref_slice %arg18[%run_scoped3A_257, %dma_wait3A_303] : memref<16x128xi32, #tpu.memory_space<vmem>> -> memref<1x128xi32, #tpu.memory_space<vmem>>
          %dma_wait3A_305 = tpu.memref_squeeze %dma_wait3A_304 : memref<1x128xi32, #tpu.memory_space<vmem>> -> memref<128xi32, #tpu.memory_space<vmem>>
          %dma_wait3A_306 = arith.constant 0 : i32
          %dma_wait3A_307 = arith.constant 0 : i32
          %dma_wait3A_308 = tpu.memref_slice %arg21[%dma_wait3A_306, %dma_wait3A_307] : memref<10032x128xf32, #tpu.memory_space<vmem_shared>> -> memref<10032x128xf32, #tpu.memory_space<vmem_shared>>
          tpu.wait_indirect_dma semaphore(%run_scoped3A_296 : memref<!tpu.dma_semaphore, #tpu.memory_space<semaphore_mem>>) src(%arg19 : memref<128x128xf32, #tpu.memory_space<vmem>>) dst(%dma_wait3A_308 : memref<10032x128xf32, #tpu.memory_space<vmem_shared>>)
          tpu.yield
        }) : () -> ()
        %dma_wait3A_258 = arith.constant 13 : i32
        %dma_wait3A_259 = arith.constant 0 : i32
        %dma_wait3A_260 = tpu.memref_slice %arg17[%dma_wait3A_258, %dma_wait3A_259] : memref<16x128xi32, #tpu.memory_space<vmem>> -> memref<1x128xi32, #tpu.memory_space<vmem>>
        %dma_wait3A_261 = tpu.memref_squeeze %dma_wait3A_260 : memref<1x128xi32, #tpu.memory_space<vmem>> -> memref<128xi32, #tpu.memory_space<vmem>>
        %dma_wait3A_262 = arith.constant 0 : i32
        %dma_wait3A_263 = arith.constant 0 : i32
        %dma_wait3A_264 = tpu.memref_slice %arg4[%dma_wait3A_262, %dma_wait3A_263] : memref<10016x128xf32, #tpu.memory_space<hbm>> -> memref<10016x128xf32, #tpu.memory_space<hbm>>
        tpu.wait_indirect_dma semaphore(%arg23 : memref<!tpu.dma_semaphore, #tpu.memory_space<semaphore_mem>>) src(%dma_wait3A_264 : memref<10016x128xf32, #tpu.memory_space<hbm>>) dst(%arg20 : memref<128x128xf32, #tpu.memory_space<vmem>>)
        %dma_start3A_265 = arith.constant 14 : i32
        %dma_start3A_266 = arith.constant 0 : i32
        %dma_start3A_267 = tpu.memref_slice %arg17[%dma_start3A_265, %dma_start3A_266] : memref<16x128xi32, #tpu.memory_space<vmem>> -> memref<1x128xi32, #tpu.memory_space<vmem>>
        %dma_start3A_268 = tpu.memref_squeeze %dma_start3A_267 : memref<1x128xi32, #tpu.memory_space<vmem>> -> memref<128xi32, #tpu.memory_space<vmem>>
        %dma_start3A_269 = arith.constant 0 : i32
        %dma_start3A_270 = arith.constant 0 : i32
        %dma_start3A_271 = tpu.memref_slice %arg4[%dma_start3A_269, %dma_start3A_270] : memref<10016x128xf32, #tpu.memory_space<hbm>> -> memref<10016x128xf32, #tpu.memory_space<hbm>>
        tpu.enqueue_indirect_dma source(%dma_start3A_271 : memref<10016x128xf32, #tpu.memory_space<hbm>>) target(%arg19 : memref<128x128xf32, #tpu.memory_space<vmem>>) offsets(%dma_start3A_268 : memref<128xi32, #tpu.memory_space<vmem>>) semaphore(%arg22 : memref<!tpu.dma_semaphore, #tpu.memory_space<semaphore_mem>>)
        %run_scoped3A_272 = arith.constant 13 : i32
        "tpu.region"() ({
          %run_scoped3A_296 = tpu.sem_alloc : memref<!tpu.dma_semaphore, #tpu.memory_space<semaphore_mem>>
          %dma_start3A_297 = arith.constant 0 : i32
          %dma_start3A_298 = tpu.memref_slice %arg18[%run_scoped3A_272, %dma_start3A_297] : memref<16x128xi32, #tpu.memory_space<vmem>> -> memref<1x128xi32, #tpu.memory_space<vmem>>
          %dma_start3A_299 = tpu.memref_squeeze %dma_start3A_298 : memref<1x128xi32, #tpu.memory_space<vmem>> -> memref<128xi32, #tpu.memory_space<vmem>>
          %dma_start3A_300 = arith.constant 0 : i32
          %dma_start3A_301 = arith.constant 0 : i32
          %dma_start3A_302 = tpu.memref_slice %arg21[%dma_start3A_300, %dma_start3A_301] : memref<10032x128xf32, #tpu.memory_space<vmem_shared>> -> memref<10032x128xf32, #tpu.memory_space<vmem_shared>>
          tpu.enqueue_indirect_dma source(%arg20 : memref<128x128xf32, #tpu.memory_space<vmem>>) target(%dma_start3A_302 : memref<10032x128xf32, #tpu.memory_space<vmem_shared>>) offsets(%dma_start3A_299 : memref<128xi32, #tpu.memory_space<vmem>>) semaphore(%run_scoped3A_296 : memref<!tpu.dma_semaphore, #tpu.memory_space<semaphore_mem>>) {add = true}
          %dma_wait3A_303 = arith.constant 0 : i32
          %dma_wait3A_304 = tpu.memref_slice %arg18[%run_scoped3A_272, %dma_wait3A_303] : memref<16x128xi32, #tpu.memory_space<vmem>> -> memref<1x128xi32, #tpu.memory_space<vmem>>
          %dma_wait3A_305 = tpu.memref_squeeze %dma_wait3A_304 : memref<1x128xi32, #tpu.memory_space<vmem>> -> memref<128xi32, #tpu.memory_space<vmem>>
          %dma_wait3A_306 = arith.constant 0 : i32
          %dma_wait3A_307 = arith.constant 0 : i32
          %dma_wait3A_308 = tpu.memref_slice %arg21[%dma_wait3A_306, %dma_wait3A_307] : memref<10032x128xf32, #tpu.memory_space<vmem_shared>> -> memref<10032x128xf32, #tpu.memory_space<vmem_shared>>
          tpu.wait_indirect_dma semaphore(%run_scoped3A_296 : memref<!tpu.dma_semaphore, #tpu.memory_space<semaphore_mem>>) src(%arg20 : memref<128x128xf32, #tpu.memory_space<vmem>>) dst(%dma_wait3A_308 : memref<10032x128xf32, #tpu.memory_space<vmem_shared>>)
          tpu.yield
        }) : () -> ()
        %dma_wait3A_273 = arith.constant 14 : i32
        %dma_wait3A_274 = arith.constant 0 : i32
        %dma_wait3A_275 = tpu.memref_slice %arg17[%dma_wait3A_273, %dma_wait3A_274] : memref<16x128xi32, #tpu.memory_space<vmem>> -> memref<1x128xi32, #tpu.memory_space<vmem>>
        %dma_wait3A_276 = tpu.memref_squeeze %dma_wait3A_275 : memref<1x128xi32, #tpu.memory_space<vmem>> -> memref<128xi32, #tpu.memory_space<vmem>>
        %dma_wait3A_277 = arith.constant 0 : i32
        %dma_wait3A_278 = arith.constant 0 : i32
        %dma_wait3A_279 = tpu.memref_slice %arg4[%dma_wait3A_277, %dma_wait3A_278] : memref<10016x128xf32, #tpu.memory_space<hbm>> -> memref<10016x128xf32, #tpu.memory_space<hbm>>
        tpu.wait_indirect_dma semaphore(%arg22 : memref<!tpu.dma_semaphore, #tpu.memory_space<semaphore_mem>>) src(%dma_wait3A_279 : memref<10016x128xf32, #tpu.memory_space<hbm>>) dst(%arg19 : memref<128x128xf32, #tpu.memory_space<vmem>>)
        %dma_start3A_280 = arith.constant 15 : i32
        %dma_start3A_281 = arith.constant 0 : i32
        %dma_start3A_282 = tpu.memref_slice %arg17[%dma_start3A_280, %dma_start3A_281] : memref<16x128xi32, #tpu.memory_space<vmem>> -> memref<1x128xi32, #tpu.memory_space<vmem>>
        %dma_start3A_283 = tpu.memref_squeeze %dma_start3A_282 : memref<1x128xi32, #tpu.memory_space<vmem>> -> memref<128xi32, #tpu.memory_space<vmem>>
        %dma_start3A_284 = arith.constant 0 : i32
        %dma_start3A_285 = arith.constant 0 : i32
        %dma_start3A_286 = tpu.memref_slice %arg4[%dma_start3A_284, %dma_start3A_285] : memref<10016x128xf32, #tpu.memory_space<hbm>> -> memref<10016x128xf32, #tpu.memory_space<hbm>>
        tpu.enqueue_indirect_dma source(%dma_start3A_286 : memref<10016x128xf32, #tpu.memory_space<hbm>>) target(%arg20 : memref<128x128xf32, #tpu.memory_space<vmem>>) offsets(%dma_start3A_283 : memref<128xi32, #tpu.memory_space<vmem>>) semaphore(%arg23 : memref<!tpu.dma_semaphore, #tpu.memory_space<semaphore_mem>>)
        %run_scoped3A_287 = arith.constant 14 : i32
        "tpu.region"() ({
          %run_scoped3A_296 = tpu.sem_alloc : memref<!tpu.dma_semaphore, #tpu.memory_space<semaphore_mem>>
          %dma_start3A_297 = arith.constant 0 : i32
          %dma_start3A_298 = tpu.memref_slice %arg18[%run_scoped3A_287, %dma_start3A_297] : memref<16x128xi32, #tpu.memory_space<vmem>> -> memref<1x128xi32, #tpu.memory_space<vmem>>
          %dma_start3A_299 = tpu.memref_squeeze %dma_start3A_298 : memref<1x128xi32, #tpu.memory_space<vmem>> -> memref<128xi32, #tpu.memory_space<vmem>>
          %dma_start3A_300 = arith.constant 0 : i32
          %dma_start3A_301 = arith.constant 0 : i32
          %dma_start3A_302 = tpu.memref_slice %arg21[%dma_start3A_300, %dma_start3A_301] : memref<10032x128xf32, #tpu.memory_space<vmem_shared>> -> memref<10032x128xf32, #tpu.memory_space<vmem_shared>>
          tpu.enqueue_indirect_dma source(%arg19 : memref<128x128xf32, #tpu.memory_space<vmem>>) target(%dma_start3A_302 : memref<10032x128xf32, #tpu.memory_space<vmem_shared>>) offsets(%dma_start3A_299 : memref<128xi32, #tpu.memory_space<vmem>>) semaphore(%run_scoped3A_296 : memref<!tpu.dma_semaphore, #tpu.memory_space<semaphore_mem>>) {add = true}
          %dma_wait3A_303 = arith.constant 0 : i32
          %dma_wait3A_304 = tpu.memref_slice %arg18[%run_scoped3A_287, %dma_wait3A_303] : memref<16x128xi32, #tpu.memory_space<vmem>> -> memref<1x128xi32, #tpu.memory_space<vmem>>
          %dma_wait3A_305 = tpu.memref_squeeze %dma_wait3A_304 : memref<1x128xi32, #tpu.memory_space<vmem>> -> memref<128xi32, #tpu.memory_space<vmem>>
          %dma_wait3A_306 = arith.constant 0 : i32
          %dma_wait3A_307 = arith.constant 0 : i32
          %dma_wait3A_308 = tpu.memref_slice %arg21[%dma_wait3A_306, %dma_wait3A_307] : memref<10032x128xf32, #tpu.memory_space<vmem_shared>> -> memref<10032x128xf32, #tpu.memory_space<vmem_shared>>
          tpu.wait_indirect_dma semaphore(%run_scoped3A_296 : memref<!tpu.dma_semaphore, #tpu.memory_space<semaphore_mem>>) src(%arg19 : memref<128x128xf32, #tpu.memory_space<vmem>>) dst(%dma_wait3A_308 : memref<10032x128xf32, #tpu.memory_space<vmem_shared>>)
          tpu.yield
        }) : () -> ()
        %dma_wait3A_288 = arith.constant 15 : i32
        %dma_wait3A_289 = arith.constant 0 : i32
        %dma_wait3A_290 = tpu.memref_slice %arg17[%dma_wait3A_288, %dma_wait3A_289] : memref<16x128xi32, #tpu.memory_space<vmem>> -> memref<1x128xi32, #tpu.memory_space<vmem>>
        %dma_wait3A_291 = tpu.memref_squeeze %dma_wait3A_290 : memref<1x128xi32, #tpu.memory_space<vmem>> -> memref<128xi32, #tpu.memory_space<vmem>>
        %dma_wait3A_292 = arith.constant 0 : i32
        %dma_wait3A_293 = arith.constant 0 : i32
        %dma_wait3A_294 = tpu.memref_slice %arg4[%dma_wait3A_292, %dma_wait3A_293] : memref<10016x128xf32, #tpu.memory_space<hbm>> -> memref<10016x128xf32, #tpu.memory_space<hbm>>
        tpu.wait_indirect_dma semaphore(%arg23 : memref<!tpu.dma_semaphore, #tpu.memory_space<semaphore_mem>>) src(%dma_wait3A_294 : memref<10016x128xf32, #tpu.memory_space<hbm>>) dst(%arg20 : memref<128x128xf32, #tpu.memory_space<vmem>>)
        %run_scoped3A_295 = arith.constant 15 : i32
        "tpu.region"() ({
          %run_scoped3A_296 = tpu.sem_alloc : memref<!tpu.dma_semaphore, #tpu.memory_space<semaphore_mem>>
          %dma_start3A_297 = arith.constant 0 : i32
          %dma_start3A_298 = tpu.memref_slice %arg18[%run_scoped3A_295, %dma_start3A_297] : memref<16x128xi32, #tpu.memory_space<vmem>> -> memref<1x128xi32, #tpu.memory_space<vmem>>
          %dma_start3A_299 = tpu.memref_squeeze %dma_start3A_298 : memref<1x128xi32, #tpu.memory_space<vmem>> -> memref<128xi32, #tpu.memory_space<vmem>>
          %dma_start3A_300 = arith.constant 0 : i32
          %dma_start3A_301 = arith.constant 0 : i32
          %dma_start3A_302 = tpu.memref_slice %arg21[%dma_start3A_300, %dma_start3A_301] : memref<10032x128xf32, #tpu.memory_space<vmem_shared>> -> memref<10032x128xf32, #tpu.memory_space<vmem_shared>>
          tpu.enqueue_indirect_dma source(%arg20 : memref<128x128xf32, #tpu.memory_space<vmem>>) target(%dma_start3A_302 : memref<10032x128xf32, #tpu.memory_space<vmem_shared>>) offsets(%dma_start3A_299 : memref<128xi32, #tpu.memory_space<vmem>>) semaphore(%run_scoped3A_296 : memref<!tpu.dma_semaphore, #tpu.memory_space<semaphore_mem>>) {add = true}
          %dma_wait3A_303 = arith.constant 0 : i32
          %dma_wait3A_304 = tpu.memref_slice %arg18[%run_scoped3A_295, %dma_wait3A_303] : memref<16x128xi32, #tpu.memory_space<vmem>> -> memref<1x128xi32, #tpu.memory_space<vmem>>
          %dma_wait3A_305 = tpu.memref_squeeze %dma_wait3A_304 : memref<1x128xi32, #tpu.memory_space<vmem>> -> memref<128xi32, #tpu.memory_space<vmem>>
          %dma_wait3A_306 = arith.constant 0 : i32
          %dma_wait3A_307 = arith.constant 0 : i32
          %dma_wait3A_308 = tpu.memref_slice %arg21[%dma_wait3A_306, %dma_wait3A_307] : memref<10032x128xf32, #tpu.memory_space<vmem_shared>> -> memref<10032x128xf32, #tpu.memory_space<vmem_shared>>
          tpu.wait_indirect_dma semaphore(%run_scoped3A_296 : memref<!tpu.dma_semaphore, #tpu.memory_space<semaphore_mem>>) src(%arg20 : memref<128x128xf32, #tpu.memory_space<vmem>>) dst(%dma_wait3A_308 : memref<10032x128xf32, #tpu.memory_space<vmem_shared>>)
          tpu.yield
        }) : () -> ()
      }
      %scan3A_48 = arith.constant 2 : i32
      %barrier3A_49 = arith.constant 0 : index
      tpu.barrier barrier_id(%barrier3A_49)
      "tpu.region"() ({
        %run_scoped3A = tpu.sem_alloc : memref<!tpu.dma_semaphore, #tpu.memory_space<semaphore_mem>>
        %dma_start3A = arith.constant 0 : i32
        %dma_start3A_56 = tpu.memref_slice %arg15[%mul3A_0, %dma_start3A] : memref<10000x128xf32, #tpu.memory_space<hbm>> -> memref<624x128xf32, #tpu.memory_space<hbm>>
        %dma_start3A_57 = arith.constant 0 : i32
        %dma_start3A_58 = tpu.memref_slice %arg21[%mul3A_0, %dma_start3A_57] : memref<10032x128xf32, #tpu.memory_space<vmem_shared>> -> memref<624x128xf32, #tpu.memory_space<vmem_shared>>
        tpu.enqueue_dma source(%dma_start3A_58 : memref<624x128xf32, #tpu.memory_space<vmem_shared>>) target(%dma_start3A_56 : memref<624x128xf32, #tpu.memory_space<hbm>>) target_semaphore(%run_scoped3A : memref<!tpu.dma_semaphore, #tpu.memory_space<semaphore_mem>>)
        %dma_wait3A = arith.constant 0 : i32
        %dma_wait3A_59 = tpu.memref_slice %arg15[%mul3A_0, %dma_wait3A] : memref<10000x128xf32, #tpu.memory_space<hbm>> -> memref<624x128xf32, #tpu.memory_space<hbm>>
        %dma_wait3A_60 = arith.constant 0 : i32
        %dma_wait3A_61 = tpu.memref_slice %arg21[%mul3A_0, %dma_wait3A_60] : memref<10032x128xf32, #tpu.memory_space<vmem_shared>> -> memref<624x128xf32, #tpu.memory_space<vmem_shared>>
        tpu.wait_dma2 semaphore(%run_scoped3A : memref<!tpu.dma_semaphore, #tpu.memory_space<semaphore_mem>>) src(%dma_wait3A_61 : memref<624x128xf32, #tpu.memory_space<vmem_shared>>) dst(%dma_wait3A_59 : memref<624x128xf32, #tpu.memory_space<hbm>>)
        tpu.yield
      }) : () -> ()
      %eq3A_50 = arith.constant 15 : i32
      %eq3A_51 = arith.cmpi eq, %arg1, %eq3A_50 : i32
      %convert_element_type3A_52 = arith.extui %eq3A_51 : i1 to i32
      %cond3A_53 = arith.constant 0 : i32
      %cond3A_54 = arith.cmpi ne, %convert_element_type3A_52, %cond3A_53 : i32
      scf.if %cond3A_54 {
        "tpu.region"() ({
          %run_scoped3A = tpu.sem_alloc : memref<!tpu.dma_semaphore, #tpu.memory_space<semaphore_mem>>
          %dma_start3A = arith.constant 9984 : i32
          %dma_start3A_56 = arith.constant 0 : i32
          %dma_start3A_57 = tpu.memref_slice %arg15[%dma_start3A, %dma_start3A_56] : memref<10000x128xf32, #tpu.memory_space<hbm>> -> memref<16x128xf32, #tpu.memory_space<hbm>>
          %dma_start3A_58 = arith.constant 9984 : i32
          %dma_start3A_59 = arith.constant 0 : i32
          %dma_start3A_60 = tpu.memref_slice %arg21[%dma_start3A_58, %dma_start3A_59] : memref<10032x128xf32, #tpu.memory_space<vmem_shared>> -> memref<16x128xf32, #tpu.memory_space<vmem_shared>>
          tpu.enqueue_dma source(%dma_start3A_60 : memref<16x128xf32, #tpu.memory_space<vmem_shared>>) target(%dma_start3A_57 : memref<16x128xf32, #tpu.memory_space<hbm>>) target_semaphore(%run_scoped3A : memref<!tpu.dma_semaphore, #tpu.memory_space<semaphore_mem>>)
          %dma_wait3A = arith.constant 9984 : i32
          %dma_wait3A_61 = arith.constant 0 : i32
          %dma_wait3A_62 = tpu.memref_slice %arg15[%dma_wait3A, %dma_wait3A_61] : memref<10000x128xf32, #tpu.memory_space<hbm>> -> memref<16x128xf32, #tpu.memory_space<hbm>>
          %dma_wait3A_63 = arith.constant 9984 : i32
          %dma_wait3A_64 = arith.constant 0 : i32
          %dma_wait3A_65 = tpu.memref_slice %arg21[%dma_wait3A_63, %dma_wait3A_64] : memref<10032x128xf32, #tpu.memory_space<vmem_shared>> -> memref<16x128xf32, #tpu.memory_space<vmem_shared>>
          tpu.wait_dma2 semaphore(%run_scoped3A : memref<!tpu.dma_semaphore, #tpu.memory_space<semaphore_mem>>) src(%dma_wait3A_65 : memref<16x128xf32, #tpu.memory_space<vmem_shared>>) dst(%dma_wait3A_62 : memref<16x128xf32, #tpu.memory_space<hbm>>)
          tpu.yield
        }) : () -> ()
      } else {
      }
      %barrier3A_55 = arith.constant 0 : index
      tpu.barrier barrier_id(%barrier3A_55)
    } else {
    }
    %eq3A_3 = arith.constant 0 : i32
    %eq3A_4 = arith.cmpi eq, %arg0, %eq3A_3 : i32
    %convert_element_type3A_5 = arith.extui %eq3A_4 : i1 to i32
    %cond3A_6 = arith.constant 0 : i32
    %cond3A_7 = arith.cmpi ne, %convert_element_type3A_5, %cond3A_6 : i32
    scf.if %cond3A_7 {
      "tpu.region"() ({
        %run_scoped3A = tpu.sem_alloc : memref<!tpu.dma_semaphore, #tpu.memory_space<semaphore_mem>>
        %dma_start3A = arith.constant 0 : i32
        %dma_start3A_38 = tpu.memref_slice %arg21[%mul3A_0, %dma_start3A] : memref<10032x128xf32, #tpu.memory_space<vmem_shared>> -> memref<624x128xf32, #tpu.memory_space<vmem_shared>>
        %dma_start3A_39 = arith.constant 0 : i32
        %dma_start3A_40 = tpu.memref_slice %arg6[%mul3A_0, %dma_start3A_39] : memref<10016x128xf32, #tpu.memory_space<hbm>> -> memref<624x128xf32, #tpu.memory_space<hbm>>
        tpu.enqueue_dma source(%dma_start3A_40 : memref<624x128xf32, #tpu.memory_space<hbm>>) target(%dma_start3A_38 : memref<624x128xf32, #tpu.memory_space<vmem_shared>>) target_semaphore(%run_scoped3A : memref<!tpu.dma_semaphore, #tpu.memory_space<semaphore_mem>>)
        %dma_wait3A = arith.constant 0 : i32
        %dma_wait3A_41 = tpu.memref_slice %arg21[%mul3A_0, %dma_wait3A] : memref<10032x128xf32, #tpu.memory_space<vmem_shared>> -> memref<624x128xf32, #tpu.memory_space<vmem_shared>>
        %dma_wait3A_42 = arith.constant 0 : i32
        %dma_wait3A_43 = tpu.memref_slice %arg6[%mul3A_0, %dma_wait3A_42] : memref<10016x128xf32, #tpu.memory_space<hbm>> -> memref<624x128xf32, #tpu.memory_space<hbm>>
        tpu.wait_dma2 semaphore(%run_scoped3A : memref<!tpu.dma_semaphore, #tpu.memory_space<semaphore_mem>>) src(%dma_wait3A_43 : memref<624x128xf32, #tpu.memory_space<hbm>>) dst(%dma_wait3A_41 : memref<624x128xf32, #tpu.memory_space<vmem_shared>>)
        tpu.yield
      }) : () -> ()
      %eq3A_8 = arith.constant 15 : i32
      %eq3A_9 = arith.cmpi eq, %arg1, %eq3A_8 : i32
      %convert_element_type3A_10 = arith.extui %eq3A_9 : i1 to i32
      %cond3A_11 = arith.constant 0 : i32
      %cond3A_12 = arith.cmpi ne, %convert_element_type3A_10, %cond3A_11 : i32
      scf.if %cond3A_12 {
        "tpu.region"() ({
          %run_scoped3A = tpu.sem_alloc : memref<!tpu.dma_semaphore, #tpu.memory_space<semaphore_mem>>
          %dma_start3A = arith.constant 9984 : i32
          %dma_start3A_38 = arith.constant 0 : i32
          %dma_start3A_39 = tpu.memref_slice %arg21[%dma_start3A, %dma_start3A_38] : memref<10032x128xf32, #tpu.memory_space<vmem_shared>> -> memref<16x128xf32, #tpu.memory_space<vmem_shared>>
          %dma_start3A_40 = arith.constant 9984 : i32
          %dma_start3A_41 = arith.constant 0 : i32
          %dma_start3A_42 = tpu.memref_slice %arg6[%dma_start3A_40, %dma_start3A_41] : memref<10016x128xf32, #tpu.memory_space<hbm>> -> memref<16x128xf32, #tpu.memory_space<hbm>>
          tpu.enqueue_dma source(%dma_start3A_42 : memref<16x128xf32, #tpu.memory_space<hbm>>) target(%dma_start3A_39 : memref<16x128xf32, #tpu.memory_space<vmem_shared>>) target_semaphore(%run_scoped3A : memref<!tpu.dma_semaphore, #tpu.memory_space<semaphore_mem>>)
          %dma_wait3A = arith.constant 9984 : i32
          %dma_wait3A_43 = arith.constant 0 : i32
          %dma_wait3A_44 = tpu.memref_slice %arg21[%dma_wait3A, %dma_wait3A_43] : memref<10032x128xf32, #tpu.memory_space<vmem_shared>> -> memref<16x128xf32, #tpu.memory_space<vmem_shared>>
          %dma_wait3A_45 = arith.constant 9984 : i32
          %dma_wait3A_46 = arith.constant 0 : i32
          %dma_wait3A_47 = tpu.memref_slice %arg6[%dma_wait3A_45, %dma_wait3A_46] : memref<10016x128xf32, #tpu.memory_space<hbm>> -> memref<16x128xf32, #tpu.memory_space<hbm>>
          tpu.wait_dma2 semaphore(%run_scoped3A : memref<!tpu.dma_semaphore, #tpu.memory_space<semaphore_mem>>) src(%dma_wait3A_47 : memref<16x128xf32, #tpu.memory_space<hbm>>) dst(%dma_wait3A_44 : memref<16x128xf32, #tpu.memory_space<vmem_shared>>)
          tpu.yield
        }) : () -> ()
      } else {
      }
      %barrier3A = arith.constant 0 : index
      tpu.barrier barrier_id(%barrier3A)
      %mul3A_13 = arith.constant 128 : i32
      %mul3A_14 = arith.muli %arg1, %mul3A_13 : i32
      %add3A = arith.constant 512 : i32
      %add3A_15 = arith.addi %add3A, %mul3A_14 : i32
      %scan3A = arith.constant 0 : i32
      %scan3A_16 = arith.constant 0 : i32
      %scan3A_17 = arith.constant 8 : i32
      %scan3A_18 = arith.addi %scan3A_16, %scan3A_17 : i32
      %scan3A_19 = arith.constant 1 : i32
      scf.for %scan3A_38 = %scan3A_16 to %scan3A_18 step %scan3A_19  : i32 {
        %mul3A_39 = arith.constant 16 : i32
        %mul3A_40 = arith.muli %scan3A_38, %mul3A_39 : i32
        %add3A_41 = arith.addi %add3A_15, %mul3A_40 : i32
        "tpu.region"() ({
          %run_scoped3A_279 = tpu.sem_alloc : memref<!tpu.dma_semaphore, #tpu.memory_space<semaphore_mem>>
          %dma_start3A_280 = arith.constant 0 : i32
          %dma_start3A_281 = tpu.memref_slice %arg10[%add3A_41, %dma_start3A_280] : memref<2560x128xi32, #tpu.memory_space<hbm>> -> memref<16x128xi32, #tpu.memory_space<hbm>>
          %dma_start3A_282 = arith.constant 0 : i32
          %dma_start3A_283 = tpu.memref_slice %arg10[%add3A_41, %dma_start3A_282] : memref<2560x128xi32, #tpu.memory_space<hbm>> -> memref<16x128xi32, #tpu.memory_space<hbm>>
          tpu.enqueue_dma source(%dma_start3A_283 : memref<16x128xi32, #tpu.memory_space<hbm>>) target(%arg17 : memref<16x128xi32, #tpu.memory_space<vmem>>) target_semaphore(%run_scoped3A_279 : memref<!tpu.dma_semaphore, #tpu.memory_space<semaphore_mem>>)
          %dma_wait3A_284 = arith.constant 0 : i32
          %dma_wait3A_285 = tpu.memref_slice %arg10[%add3A_41, %dma_wait3A_284] : memref<2560x128xi32, #tpu.memory_space<hbm>> -> memref<16x128xi32, #tpu.memory_space<hbm>>
          %dma_wait3A_286 = arith.constant 0 : i32
          %dma_wait3A_287 = tpu.memref_slice %arg10[%add3A_41, %dma_wait3A_286] : memref<2560x128xi32, #tpu.memory_space<hbm>> -> memref<16x128xi32, #tpu.memory_space<hbm>>
          tpu.wait_dma2 semaphore(%run_scoped3A_279 : memref<!tpu.dma_semaphore, #tpu.memory_space<semaphore_mem>>) src(%dma_wait3A_287 : memref<16x128xi32, #tpu.memory_space<hbm>>) dst(%arg17 : memref<16x128xi32, #tpu.memory_space<vmem>>)
          tpu.yield
        }) : () -> ()
        "tpu.region"() ({
          %run_scoped3A_279 = tpu.sem_alloc : memref<!tpu.dma_semaphore, #tpu.memory_space<semaphore_mem>>
          %dma_start3A_280 = arith.constant 0 : i32
          %dma_start3A_281 = tpu.memref_slice %arg11[%add3A_41, %dma_start3A_280] : memref<2560x128xi32, #tpu.memory_space<hbm>> -> memref<16x128xi32, #tpu.memory_space<hbm>>
          %dma_start3A_282 = arith.constant 0 : i32
          %dma_start3A_283 = tpu.memref_slice %arg11[%add3A_41, %dma_start3A_282] : memref<2560x128xi32, #tpu.memory_space<hbm>> -> memref<16x128xi32, #tpu.memory_space<hbm>>
          tpu.enqueue_dma source(%dma_start3A_283 : memref<16x128xi32, #tpu.memory_space<hbm>>) target(%arg18 : memref<16x128xi32, #tpu.memory_space<vmem>>) target_semaphore(%run_scoped3A_279 : memref<!tpu.dma_semaphore, #tpu.memory_space<semaphore_mem>>)
          %dma_wait3A_284 = arith.constant 0 : i32
          %dma_wait3A_285 = tpu.memref_slice %arg11[%add3A_41, %dma_wait3A_284] : memref<2560x128xi32, #tpu.memory_space<hbm>> -> memref<16x128xi32, #tpu.memory_space<hbm>>
          %dma_wait3A_286 = arith.constant 0 : i32
          %dma_wait3A_287 = tpu.memref_slice %arg11[%add3A_41, %dma_wait3A_286] : memref<2560x128xi32, #tpu.memory_space<hbm>> -> memref<16x128xi32, #tpu.memory_space<hbm>>
          tpu.wait_dma2 semaphore(%run_scoped3A_279 : memref<!tpu.dma_semaphore, #tpu.memory_space<semaphore_mem>>) src(%dma_wait3A_287 : memref<16x128xi32, #tpu.memory_space<hbm>>) dst(%arg18 : memref<16x128xi32, #tpu.memory_space<vmem>>)
          tpu.yield
        }) : () -> ()
        %dma_start3A = arith.constant 0 : i32
        %dma_start3A_42 = arith.constant 0 : i32
        %dma_start3A_43 = tpu.memref_slice %arg17[%dma_start3A, %dma_start3A_42] : memref<16x128xi32, #tpu.memory_space<vmem>> -> memref<1x128xi32, #tpu.memory_space<vmem>>
        %dma_start3A_44 = tpu.memref_squeeze %dma_start3A_43 : memref<1x128xi32, #tpu.memory_space<vmem>> -> memref<128xi32, #tpu.memory_space<vmem>>
        %dma_start3A_45 = arith.constant 0 : i32
        %dma_start3A_46 = arith.constant 0 : i32
        %dma_start3A_47 = tpu.memref_slice %arg3[%dma_start3A_45, %dma_start3A_46] : memref<10016x128xf32, #tpu.memory_space<hbm>> -> memref<10016x128xf32, #tpu.memory_space<hbm>>
        tpu.enqueue_indirect_dma source(%dma_start3A_47 : memref<10016x128xf32, #tpu.memory_space<hbm>>) target(%arg19 : memref<128x128xf32, #tpu.memory_space<vmem>>) offsets(%dma_start3A_44 : memref<128xi32, #tpu.memory_space<vmem>>) semaphore(%arg22 : memref<!tpu.dma_semaphore, #tpu.memory_space<semaphore_mem>>)
        %dma_wait3A = arith.constant 0 : i32
        %dma_wait3A_48 = arith.constant 0 : i32
        %dma_wait3A_49 = tpu.memref_slice %arg17[%dma_wait3A, %dma_wait3A_48] : memref<16x128xi32, #tpu.memory_space<vmem>> -> memref<1x128xi32, #tpu.memory_space<vmem>>
        %dma_wait3A_50 = tpu.memref_squeeze %dma_wait3A_49 : memref<1x128xi32, #tpu.memory_space<vmem>> -> memref<128xi32, #tpu.memory_space<vmem>>
        %dma_wait3A_51 = arith.constant 0 : i32
        %dma_wait3A_52 = arith.constant 0 : i32
        %dma_wait3A_53 = tpu.memref_slice %arg3[%dma_wait3A_51, %dma_wait3A_52] : memref<10016x128xf32, #tpu.memory_space<hbm>> -> memref<10016x128xf32, #tpu.memory_space<hbm>>
        tpu.wait_indirect_dma semaphore(%arg22 : memref<!tpu.dma_semaphore, #tpu.memory_space<semaphore_mem>>) src(%dma_wait3A_53 : memref<10016x128xf32, #tpu.memory_space<hbm>>) dst(%arg19 : memref<128x128xf32, #tpu.memory_space<vmem>>)
        %dma_start3A_54 = arith.constant 1 : i32
        %dma_start3A_55 = arith.constant 0 : i32
        %dma_start3A_56 = tpu.memref_slice %arg17[%dma_start3A_54, %dma_start3A_55] : memref<16x128xi32, #tpu.memory_space<vmem>> -> memref<1x128xi32, #tpu.memory_space<vmem>>
        %dma_start3A_57 = tpu.memref_squeeze %dma_start3A_56 : memref<1x128xi32, #tpu.memory_space<vmem>> -> memref<128xi32, #tpu.memory_space<vmem>>
        %dma_start3A_58 = arith.constant 0 : i32
        %dma_start3A_59 = arith.constant 0 : i32
        %dma_start3A_60 = tpu.memref_slice %arg3[%dma_start3A_58, %dma_start3A_59] : memref<10016x128xf32, #tpu.memory_space<hbm>> -> memref<10016x128xf32, #tpu.memory_space<hbm>>
        tpu.enqueue_indirect_dma source(%dma_start3A_60 : memref<10016x128xf32, #tpu.memory_space<hbm>>) target(%arg20 : memref<128x128xf32, #tpu.memory_space<vmem>>) offsets(%dma_start3A_57 : memref<128xi32, #tpu.memory_space<vmem>>) semaphore(%arg23 : memref<!tpu.dma_semaphore, #tpu.memory_space<semaphore_mem>>)
        %run_scoped3A = arith.constant 0 : i32
        "tpu.region"() ({
          %run_scoped3A_279 = tpu.sem_alloc : memref<!tpu.dma_semaphore, #tpu.memory_space<semaphore_mem>>
          %dma_start3A_280 = arith.constant 0 : i32
          %dma_start3A_281 = tpu.memref_slice %arg18[%run_scoped3A, %dma_start3A_280] : memref<16x128xi32, #tpu.memory_space<vmem>> -> memref<1x128xi32, #tpu.memory_space<vmem>>
          %dma_start3A_282 = tpu.memref_squeeze %dma_start3A_281 : memref<1x128xi32, #tpu.memory_space<vmem>> -> memref<128xi32, #tpu.memory_space<vmem>>
          %dma_start3A_283 = arith.constant 0 : i32
          %dma_start3A_284 = arith.constant 0 : i32
          %dma_start3A_285 = tpu.memref_slice %arg21[%dma_start3A_283, %dma_start3A_284] : memref<10032x128xf32, #tpu.memory_space<vmem_shared>> -> memref<10032x128xf32, #tpu.memory_space<vmem_shared>>
          tpu.enqueue_indirect_dma source(%arg19 : memref<128x128xf32, #tpu.memory_space<vmem>>) target(%dma_start3A_285 : memref<10032x128xf32, #tpu.memory_space<vmem_shared>>) offsets(%dma_start3A_282 : memref<128xi32, #tpu.memory_space<vmem>>) semaphore(%run_scoped3A_279 : memref<!tpu.dma_semaphore, #tpu.memory_space<semaphore_mem>>) {add = true}
          %dma_wait3A_286 = arith.constant 0 : i32
          %dma_wait3A_287 = tpu.memref_slice %arg18[%run_scoped3A, %dma_wait3A_286] : memref<16x128xi32, #tpu.memory_space<vmem>> -> memref<1x128xi32, #tpu.memory_space<vmem>>
          %dma_wait3A_288 = tpu.memref_squeeze %dma_wait3A_287 : memref<1x128xi32, #tpu.memory_space<vmem>> -> memref<128xi32, #tpu.memory_space<vmem>>
          %dma_wait3A_289 = arith.constant 0 : i32
          %dma_wait3A_290 = arith.constant 0 : i32
          %dma_wait3A_291 = tpu.memref_slice %arg21[%dma_wait3A_289, %dma_wait3A_290] : memref<10032x128xf32, #tpu.memory_space<vmem_shared>> -> memref<10032x128xf32, #tpu.memory_space<vmem_shared>>
          tpu.wait_indirect_dma semaphore(%run_scoped3A_279 : memref<!tpu.dma_semaphore, #tpu.memory_space<semaphore_mem>>) src(%arg19 : memref<128x128xf32, #tpu.memory_space<vmem>>) dst(%dma_wait3A_291 : memref<10032x128xf32, #tpu.memory_space<vmem_shared>>)
          tpu.yield
        }) : () -> ()
        %dma_wait3A_61 = arith.constant 1 : i32
        %dma_wait3A_62 = arith.constant 0 : i32
        %dma_wait3A_63 = tpu.memref_slice %arg17[%dma_wait3A_61, %dma_wait3A_62] : memref<16x128xi32, #tpu.memory_space<vmem>> -> memref<1x128xi32, #tpu.memory_space<vmem>>
        %dma_wait3A_64 = tpu.memref_squeeze %dma_wait3A_63 : memref<1x128xi32, #tpu.memory_space<vmem>> -> memref<128xi32, #tpu.memory_space<vmem>>
        %dma_wait3A_65 = arith.constant 0 : i32
        %dma_wait3A_66 = arith.constant 0 : i32
        %dma_wait3A_67 = tpu.memref_slice %arg3[%dma_wait3A_65, %dma_wait3A_66] : memref<10016x128xf32, #tpu.memory_space<hbm>> -> memref<10016x128xf32, #tpu.memory_space<hbm>>
        tpu.wait_indirect_dma semaphore(%arg23 : memref<!tpu.dma_semaphore, #tpu.memory_space<semaphore_mem>>) src(%dma_wait3A_67 : memref<10016x128xf32, #tpu.memory_space<hbm>>) dst(%arg20 : memref<128x128xf32, #tpu.memory_space<vmem>>)
        %dma_start3A_68 = arith.constant 2 : i32
        %dma_start3A_69 = arith.constant 0 : i32
        %dma_start3A_70 = tpu.memref_slice %arg17[%dma_start3A_68, %dma_start3A_69] : memref<16x128xi32, #tpu.memory_space<vmem>> -> memref<1x128xi32, #tpu.memory_space<vmem>>
        %dma_start3A_71 = tpu.memref_squeeze %dma_start3A_70 : memref<1x128xi32, #tpu.memory_space<vmem>> -> memref<128xi32, #tpu.memory_space<vmem>>
        %dma_start3A_72 = arith.constant 0 : i32
        %dma_start3A_73 = arith.constant 0 : i32
        %dma_start3A_74 = tpu.memref_slice %arg3[%dma_start3A_72, %dma_start3A_73] : memref<10016x128xf32, #tpu.memory_space<hbm>> -> memref<10016x128xf32, #tpu.memory_space<hbm>>
        tpu.enqueue_indirect_dma source(%dma_start3A_74 : memref<10016x128xf32, #tpu.memory_space<hbm>>) target(%arg19 : memref<128x128xf32, #tpu.memory_space<vmem>>) offsets(%dma_start3A_71 : memref<128xi32, #tpu.memory_space<vmem>>) semaphore(%arg22 : memref<!tpu.dma_semaphore, #tpu.memory_space<semaphore_mem>>)
        %run_scoped3A_75 = arith.constant 1 : i32
        "tpu.region"() ({
          %run_scoped3A_279 = tpu.sem_alloc : memref<!tpu.dma_semaphore, #tpu.memory_space<semaphore_mem>>
          %dma_start3A_280 = arith.constant 0 : i32
          %dma_start3A_281 = tpu.memref_slice %arg18[%run_scoped3A_75, %dma_start3A_280] : memref<16x128xi32, #tpu.memory_space<vmem>> -> memref<1x128xi32, #tpu.memory_space<vmem>>
          %dma_start3A_282 = tpu.memref_squeeze %dma_start3A_281 : memref<1x128xi32, #tpu.memory_space<vmem>> -> memref<128xi32, #tpu.memory_space<vmem>>
          %dma_start3A_283 = arith.constant 0 : i32
          %dma_start3A_284 = arith.constant 0 : i32
          %dma_start3A_285 = tpu.memref_slice %arg21[%dma_start3A_283, %dma_start3A_284] : memref<10032x128xf32, #tpu.memory_space<vmem_shared>> -> memref<10032x128xf32, #tpu.memory_space<vmem_shared>>
          tpu.enqueue_indirect_dma source(%arg20 : memref<128x128xf32, #tpu.memory_space<vmem>>) target(%dma_start3A_285 : memref<10032x128xf32, #tpu.memory_space<vmem_shared>>) offsets(%dma_start3A_282 : memref<128xi32, #tpu.memory_space<vmem>>) semaphore(%run_scoped3A_279 : memref<!tpu.dma_semaphore, #tpu.memory_space<semaphore_mem>>) {add = true}
          %dma_wait3A_286 = arith.constant 0 : i32
          %dma_wait3A_287 = tpu.memref_slice %arg18[%run_scoped3A_75, %dma_wait3A_286] : memref<16x128xi32, #tpu.memory_space<vmem>> -> memref<1x128xi32, #tpu.memory_space<vmem>>
          %dma_wait3A_288 = tpu.memref_squeeze %dma_wait3A_287 : memref<1x128xi32, #tpu.memory_space<vmem>> -> memref<128xi32, #tpu.memory_space<vmem>>
          %dma_wait3A_289 = arith.constant 0 : i32
          %dma_wait3A_290 = arith.constant 0 : i32
          %dma_wait3A_291 = tpu.memref_slice %arg21[%dma_wait3A_289, %dma_wait3A_290] : memref<10032x128xf32, #tpu.memory_space<vmem_shared>> -> memref<10032x128xf32, #tpu.memory_space<vmem_shared>>
          tpu.wait_indirect_dma semaphore(%run_scoped3A_279 : memref<!tpu.dma_semaphore, #tpu.memory_space<semaphore_mem>>) src(%arg20 : memref<128x128xf32, #tpu.memory_space<vmem>>) dst(%dma_wait3A_291 : memref<10032x128xf32, #tpu.memory_space<vmem_shared>>)
          tpu.yield
        }) : () -> ()
        %dma_wait3A_76 = arith.constant 2 : i32
        %dma_wait3A_77 = arith.constant 0 : i32
        %dma_wait3A_78 = tpu.memref_slice %arg17[%dma_wait3A_76, %dma_wait3A_77] : memref<16x128xi32, #tpu.memory_space<vmem>> -> memref<1x128xi32, #tpu.memory_space<vmem>>
        %dma_wait3A_79 = tpu.memref_squeeze %dma_wait3A_78 : memref<1x128xi32, #tpu.memory_space<vmem>> -> memref<128xi32, #tpu.memory_space<vmem>>
        %dma_wait3A_80 = arith.constant 0 : i32
        %dma_wait3A_81 = arith.constant 0 : i32
        %dma_wait3A_82 = tpu.memref_slice %arg3[%dma_wait3A_80, %dma_wait3A_81] : memref<10016x128xf32, #tpu.memory_space<hbm>> -> memref<10016x128xf32, #tpu.memory_space<hbm>>
        tpu.wait_indirect_dma semaphore(%arg22 : memref<!tpu.dma_semaphore, #tpu.memory_space<semaphore_mem>>) src(%dma_wait3A_82 : memref<10016x128xf32, #tpu.memory_space<hbm>>) dst(%arg19 : memref<128x128xf32, #tpu.memory_space<vmem>>)
        %dma_start3A_83 = arith.constant 3 : i32
        %dma_start3A_84 = arith.constant 0 : i32
        %dma_start3A_85 = tpu.memref_slice %arg17[%dma_start3A_83, %dma_start3A_84] : memref<16x128xi32, #tpu.memory_space<vmem>> -> memref<1x128xi32, #tpu.memory_space<vmem>>
        %dma_start3A_86 = tpu.memref_squeeze %dma_start3A_85 : memref<1x128xi32, #tpu.memory_space<vmem>> -> memref<128xi32, #tpu.memory_space<vmem>>
        %dma_start3A_87 = arith.constant 0 : i32
        %dma_start3A_88 = arith.constant 0 : i32
        %dma_start3A_89 = tpu.memref_slice %arg3[%dma_start3A_87, %dma_start3A_88] : memref<10016x128xf32, #tpu.memory_space<hbm>> -> memref<10016x128xf32, #tpu.memory_space<hbm>>
        tpu.enqueue_indirect_dma source(%dma_start3A_89 : memref<10016x128xf32, #tpu.memory_space<hbm>>) target(%arg20 : memref<128x128xf32, #tpu.memory_space<vmem>>) offsets(%dma_start3A_86 : memref<128xi32, #tpu.memory_space<vmem>>) semaphore(%arg23 : memref<!tpu.dma_semaphore, #tpu.memory_space<semaphore_mem>>)
        %run_scoped3A_90 = arith.constant 2 : i32
        "tpu.region"() ({
          %run_scoped3A_279 = tpu.sem_alloc : memref<!tpu.dma_semaphore, #tpu.memory_space<semaphore_mem>>
          %dma_start3A_280 = arith.constant 0 : i32
          %dma_start3A_281 = tpu.memref_slice %arg18[%run_scoped3A_90, %dma_start3A_280] : memref<16x128xi32, #tpu.memory_space<vmem>> -> memref<1x128xi32, #tpu.memory_space<vmem>>
          %dma_start3A_282 = tpu.memref_squeeze %dma_start3A_281 : memref<1x128xi32, #tpu.memory_space<vmem>> -> memref<128xi32, #tpu.memory_space<vmem>>
          %dma_start3A_283 = arith.constant 0 : i32
          %dma_start3A_284 = arith.constant 0 : i32
          %dma_start3A_285 = tpu.memref_slice %arg21[%dma_start3A_283, %dma_start3A_284] : memref<10032x128xf32, #tpu.memory_space<vmem_shared>> -> memref<10032x128xf32, #tpu.memory_space<vmem_shared>>
          tpu.enqueue_indirect_dma source(%arg19 : memref<128x128xf32, #tpu.memory_space<vmem>>) target(%dma_start3A_285 : memref<10032x128xf32, #tpu.memory_space<vmem_shared>>) offsets(%dma_start3A_282 : memref<128xi32, #tpu.memory_space<vmem>>) semaphore(%run_scoped3A_279 : memref<!tpu.dma_semaphore, #tpu.memory_space<semaphore_mem>>) {add = true}
          %dma_wait3A_286 = arith.constant 0 : i32
          %dma_wait3A_287 = tpu.memref_slice %arg18[%run_scoped3A_90, %dma_wait3A_286] : memref<16x128xi32, #tpu.memory_space<vmem>> -> memref<1x128xi32, #tpu.memory_space<vmem>>
          %dma_wait3A_288 = tpu.memref_squeeze %dma_wait3A_287 : memref<1x128xi32, #tpu.memory_space<vmem>> -> memref<128xi32, #tpu.memory_space<vmem>>
          %dma_wait3A_289 = arith.constant 0 : i32
          %dma_wait3A_290 = arith.constant 0 : i32
          %dma_wait3A_291 = tpu.memref_slice %arg21[%dma_wait3A_289, %dma_wait3A_290] : memref<10032x128xf32, #tpu.memory_space<vmem_shared>> -> memref<10032x128xf32, #tpu.memory_space<vmem_shared>>
          tpu.wait_indirect_dma semaphore(%run_scoped3A_279 : memref<!tpu.dma_semaphore, #tpu.memory_space<semaphore_mem>>) src(%arg19 : memref<128x128xf32, #tpu.memory_space<vmem>>) dst(%dma_wait3A_291 : memref<10032x128xf32, #tpu.memory_space<vmem_shared>>)
          tpu.yield
        }) : () -> ()
        %dma_wait3A_91 = arith.constant 3 : i32
        %dma_wait3A_92 = arith.constant 0 : i32
        %dma_wait3A_93 = tpu.memref_slice %arg17[%dma_wait3A_91, %dma_wait3A_92] : memref<16x128xi32, #tpu.memory_space<vmem>> -> memref<1x128xi32, #tpu.memory_space<vmem>>
        %dma_wait3A_94 = tpu.memref_squeeze %dma_wait3A_93 : memref<1x128xi32, #tpu.memory_space<vmem>> -> memref<128xi32, #tpu.memory_space<vmem>>
        %dma_wait3A_95 = arith.constant 0 : i32
        %dma_wait3A_96 = arith.constant 0 : i32
        %dma_wait3A_97 = tpu.memref_slice %arg3[%dma_wait3A_95, %dma_wait3A_96] : memref<10016x128xf32, #tpu.memory_space<hbm>> -> memref<10016x128xf32, #tpu.memory_space<hbm>>
        tpu.wait_indirect_dma semaphore(%arg23 : memref<!tpu.dma_semaphore, #tpu.memory_space<semaphore_mem>>) src(%dma_wait3A_97 : memref<10016x128xf32, #tpu.memory_space<hbm>>) dst(%arg20 : memref<128x128xf32, #tpu.memory_space<vmem>>)
        %dma_start3A_98 = arith.constant 4 : i32
        %dma_start3A_99 = arith.constant 0 : i32
        %dma_start3A_100 = tpu.memref_slice %arg17[%dma_start3A_98, %dma_start3A_99] : memref<16x128xi32, #tpu.memory_space<vmem>> -> memref<1x128xi32, #tpu.memory_space<vmem>>
        %dma_start3A_101 = tpu.memref_squeeze %dma_start3A_100 : memref<1x128xi32, #tpu.memory_space<vmem>> -> memref<128xi32, #tpu.memory_space<vmem>>
        %dma_start3A_102 = arith.constant 0 : i32
        %dma_start3A_103 = arith.constant 0 : i32
        %dma_start3A_104 = tpu.memref_slice %arg3[%dma_start3A_102, %dma_start3A_103] : memref<10016x128xf32, #tpu.memory_space<hbm>> -> memref<10016x128xf32, #tpu.memory_space<hbm>>
        tpu.enqueue_indirect_dma source(%dma_start3A_104 : memref<10016x128xf32, #tpu.memory_space<hbm>>) target(%arg19 : memref<128x128xf32, #tpu.memory_space<vmem>>) offsets(%dma_start3A_101 : memref<128xi32, #tpu.memory_space<vmem>>) semaphore(%arg22 : memref<!tpu.dma_semaphore, #tpu.memory_space<semaphore_mem>>)
        %run_scoped3A_105 = arith.constant 3 : i32
        "tpu.region"() ({
          %run_scoped3A_279 = tpu.sem_alloc : memref<!tpu.dma_semaphore, #tpu.memory_space<semaphore_mem>>
          %dma_start3A_280 = arith.constant 0 : i32
          %dma_start3A_281 = tpu.memref_slice %arg18[%run_scoped3A_105, %dma_start3A_280] : memref<16x128xi32, #tpu.memory_space<vmem>> -> memref<1x128xi32, #tpu.memory_space<vmem>>
          %dma_start3A_282 = tpu.memref_squeeze %dma_start3A_281 : memref<1x128xi32, #tpu.memory_space<vmem>> -> memref<128xi32, #tpu.memory_space<vmem>>
          %dma_start3A_283 = arith.constant 0 : i32
          %dma_start3A_284 = arith.constant 0 : i32
          %dma_start3A_285 = tpu.memref_slice %arg21[%dma_start3A_283, %dma_start3A_284] : memref<10032x128xf32, #tpu.memory_space<vmem_shared>> -> memref<10032x128xf32, #tpu.memory_space<vmem_shared>>
          tpu.enqueue_indirect_dma source(%arg20 : memref<128x128xf32, #tpu.memory_space<vmem>>) target(%dma_start3A_285 : memref<10032x128xf32, #tpu.memory_space<vmem_shared>>) offsets(%dma_start3A_282 : memref<128xi32, #tpu.memory_space<vmem>>) semaphore(%run_scoped3A_279 : memref<!tpu.dma_semaphore, #tpu.memory_space<semaphore_mem>>) {add = true}
          %dma_wait3A_286 = arith.constant 0 : i32
          %dma_wait3A_287 = tpu.memref_slice %arg18[%run_scoped3A_105, %dma_wait3A_286] : memref<16x128xi32, #tpu.memory_space<vmem>> -> memref<1x128xi32, #tpu.memory_space<vmem>>
          %dma_wait3A_288 = tpu.memref_squeeze %dma_wait3A_287 : memref<1x128xi32, #tpu.memory_space<vmem>> -> memref<128xi32, #tpu.memory_space<vmem>>
          %dma_wait3A_289 = arith.constant 0 : i32
          %dma_wait3A_290 = arith.constant 0 : i32
          %dma_wait3A_291 = tpu.memref_slice %arg21[%dma_wait3A_289, %dma_wait3A_290] : memref<10032x128xf32, #tpu.memory_space<vmem_shared>> -> memref<10032x128xf32, #tpu.memory_space<vmem_shared>>
          tpu.wait_indirect_dma semaphore(%run_scoped3A_279 : memref<!tpu.dma_semaphore, #tpu.memory_space<semaphore_mem>>) src(%arg20 : memref<128x128xf32, #tpu.memory_space<vmem>>) dst(%dma_wait3A_291 : memref<10032x128xf32, #tpu.memory_space<vmem_shared>>)
          tpu.yield
        }) : () -> ()
        %dma_wait3A_106 = arith.constant 4 : i32
        %dma_wait3A_107 = arith.constant 0 : i32
        %dma_wait3A_108 = tpu.memref_slice %arg17[%dma_wait3A_106, %dma_wait3A_107] : memref<16x128xi32, #tpu.memory_space<vmem>> -> memref<1x128xi32, #tpu.memory_space<vmem>>
        %dma_wait3A_109 = tpu.memref_squeeze %dma_wait3A_108 : memref<1x128xi32, #tpu.memory_space<vmem>> -> memref<128xi32, #tpu.memory_space<vmem>>
        %dma_wait3A_110 = arith.constant 0 : i32
        %dma_wait3A_111 = arith.constant 0 : i32
        %dma_wait3A_112 = tpu.memref_slice %arg3[%dma_wait3A_110, %dma_wait3A_111] : memref<10016x128xf32, #tpu.memory_space<hbm>> -> memref<10016x128xf32, #tpu.memory_space<hbm>>
        tpu.wait_indirect_dma semaphore(%arg22 : memref<!tpu.dma_semaphore, #tpu.memory_space<semaphore_mem>>) src(%dma_wait3A_112 : memref<10016x128xf32, #tpu.memory_space<hbm>>) dst(%arg19 : memref<128x128xf32, #tpu.memory_space<vmem>>)
        %dma_start3A_113 = arith.constant 5 : i32
        %dma_start3A_114 = arith.constant 0 : i32
        %dma_start3A_115 = tpu.memref_slice %arg17[%dma_start3A_113, %dma_start3A_114] : memref<16x128xi32, #tpu.memory_space<vmem>> -> memref<1x128xi32, #tpu.memory_space<vmem>>
        %dma_start3A_116 = tpu.memref_squeeze %dma_start3A_115 : memref<1x128xi32, #tpu.memory_space<vmem>> -> memref<128xi32, #tpu.memory_space<vmem>>
        %dma_start3A_117 = arith.constant 0 : i32
        %dma_start3A_118 = arith.constant 0 : i32
        %dma_start3A_119 = tpu.memref_slice %arg3[%dma_start3A_117, %dma_start3A_118] : memref<10016x128xf32, #tpu.memory_space<hbm>> -> memref<10016x128xf32, #tpu.memory_space<hbm>>
        tpu.enqueue_indirect_dma source(%dma_start3A_119 : memref<10016x128xf32, #tpu.memory_space<hbm>>) target(%arg20 : memref<128x128xf32, #tpu.memory_space<vmem>>) offsets(%dma_start3A_116 : memref<128xi32, #tpu.memory_space<vmem>>) semaphore(%arg23 : memref<!tpu.dma_semaphore, #tpu.memory_space<semaphore_mem>>)
        %run_scoped3A_120 = arith.constant 4 : i32
        "tpu.region"() ({
          %run_scoped3A_279 = tpu.sem_alloc : memref<!tpu.dma_semaphore, #tpu.memory_space<semaphore_mem>>
          %dma_start3A_280 = arith.constant 0 : i32
          %dma_start3A_281 = tpu.memref_slice %arg18[%run_scoped3A_120, %dma_start3A_280] : memref<16x128xi32, #tpu.memory_space<vmem>> -> memref<1x128xi32, #tpu.memory_space<vmem>>
          %dma_start3A_282 = tpu.memref_squeeze %dma_start3A_281 : memref<1x128xi32, #tpu.memory_space<vmem>> -> memref<128xi32, #tpu.memory_space<vmem>>
          %dma_start3A_283 = arith.constant 0 : i32
          %dma_start3A_284 = arith.constant 0 : i32
          %dma_start3A_285 = tpu.memref_slice %arg21[%dma_start3A_283, %dma_start3A_284] : memref<10032x128xf32, #tpu.memory_space<vmem_shared>> -> memref<10032x128xf32, #tpu.memory_space<vmem_shared>>
          tpu.enqueue_indirect_dma source(%arg19 : memref<128x128xf32, #tpu.memory_space<vmem>>) target(%dma_start3A_285 : memref<10032x128xf32, #tpu.memory_space<vmem_shared>>) offsets(%dma_start3A_282 : memref<128xi32, #tpu.memory_space<vmem>>) semaphore(%run_scoped3A_279 : memref<!tpu.dma_semaphore, #tpu.memory_space<semaphore_mem>>) {add = true}
          %dma_wait3A_286 = arith.constant 0 : i32
          %dma_wait3A_287 = tpu.memref_slice %arg18[%run_scoped3A_120, %dma_wait3A_286] : memref<16x128xi32, #tpu.memory_space<vmem>> -> memref<1x128xi32, #tpu.memory_space<vmem>>
          %dma_wait3A_288 = tpu.memref_squeeze %dma_wait3A_287 : memref<1x128xi32, #tpu.memory_space<vmem>> -> memref<128xi32, #tpu.memory_space<vmem>>
          %dma_wait3A_289 = arith.constant 0 : i32
          %dma_wait3A_290 = arith.constant 0 : i32
          %dma_wait3A_291 = tpu.memref_slice %arg21[%dma_wait3A_289, %dma_wait3A_290] : memref<10032x128xf32, #tpu.memory_space<vmem_shared>> -> memref<10032x128xf32, #tpu.memory_space<vmem_shared>>
          tpu.wait_indirect_dma semaphore(%run_scoped3A_279 : memref<!tpu.dma_semaphore, #tpu.memory_space<semaphore_mem>>) src(%arg19 : memref<128x128xf32, #tpu.memory_space<vmem>>) dst(%dma_wait3A_291 : memref<10032x128xf32, #tpu.memory_space<vmem_shared>>)
          tpu.yield
        }) : () -> ()
        %dma_wait3A_121 = arith.constant 5 : i32
        %dma_wait3A_122 = arith.constant 0 : i32
        %dma_wait3A_123 = tpu.memref_slice %arg17[%dma_wait3A_121, %dma_wait3A_122] : memref<16x128xi32, #tpu.memory_space<vmem>> -> memref<1x128xi32, #tpu.memory_space<vmem>>
        %dma_wait3A_124 = tpu.memref_squeeze %dma_wait3A_123 : memref<1x128xi32, #tpu.memory_space<vmem>> -> memref<128xi32, #tpu.memory_space<vmem>>
        %dma_wait3A_125 = arith.constant 0 : i32
        %dma_wait3A_126 = arith.constant 0 : i32
        %dma_wait3A_127 = tpu.memref_slice %arg3[%dma_wait3A_125, %dma_wait3A_126] : memref<10016x128xf32, #tpu.memory_space<hbm>> -> memref<10016x128xf32, #tpu.memory_space<hbm>>
        tpu.wait_indirect_dma semaphore(%arg23 : memref<!tpu.dma_semaphore, #tpu.memory_space<semaphore_mem>>) src(%dma_wait3A_127 : memref<10016x128xf32, #tpu.memory_space<hbm>>) dst(%arg20 : memref<128x128xf32, #tpu.memory_space<vmem>>)
        %dma_start3A_128 = arith.constant 6 : i32
        %dma_start3A_129 = arith.constant 0 : i32
        %dma_start3A_130 = tpu.memref_slice %arg17[%dma_start3A_128, %dma_start3A_129] : memref<16x128xi32, #tpu.memory_space<vmem>> -> memref<1x128xi32, #tpu.memory_space<vmem>>
        %dma_start3A_131 = tpu.memref_squeeze %dma_start3A_130 : memref<1x128xi32, #tpu.memory_space<vmem>> -> memref<128xi32, #tpu.memory_space<vmem>>
        %dma_start3A_132 = arith.constant 0 : i32
        %dma_start3A_133 = arith.constant 0 : i32
        %dma_start3A_134 = tpu.memref_slice %arg3[%dma_start3A_132, %dma_start3A_133] : memref<10016x128xf32, #tpu.memory_space<hbm>> -> memref<10016x128xf32, #tpu.memory_space<hbm>>
        tpu.enqueue_indirect_dma source(%dma_start3A_134 : memref<10016x128xf32, #tpu.memory_space<hbm>>) target(%arg19 : memref<128x128xf32, #tpu.memory_space<vmem>>) offsets(%dma_start3A_131 : memref<128xi32, #tpu.memory_space<vmem>>) semaphore(%arg22 : memref<!tpu.dma_semaphore, #tpu.memory_space<semaphore_mem>>)
        %run_scoped3A_135 = arith.constant 5 : i32
        "tpu.region"() ({
          %run_scoped3A_279 = tpu.sem_alloc : memref<!tpu.dma_semaphore, #tpu.memory_space<semaphore_mem>>
          %dma_start3A_280 = arith.constant 0 : i32
          %dma_start3A_281 = tpu.memref_slice %arg18[%run_scoped3A_135, %dma_start3A_280] : memref<16x128xi32, #tpu.memory_space<vmem>> -> memref<1x128xi32, #tpu.memory_space<vmem>>
          %dma_start3A_282 = tpu.memref_squeeze %dma_start3A_281 : memref<1x128xi32, #tpu.memory_space<vmem>> -> memref<128xi32, #tpu.memory_space<vmem>>
          %dma_start3A_283 = arith.constant 0 : i32
          %dma_start3A_284 = arith.constant 0 : i32
          %dma_start3A_285 = tpu.memref_slice %arg21[%dma_start3A_283, %dma_start3A_284] : memref<10032x128xf32, #tpu.memory_space<vmem_shared>> -> memref<10032x128xf32, #tpu.memory_space<vmem_shared>>
          tpu.enqueue_indirect_dma source(%arg20 : memref<128x128xf32, #tpu.memory_space<vmem>>) target(%dma_start3A_285 : memref<10032x128xf32, #tpu.memory_space<vmem_shared>>) offsets(%dma_start3A_282 : memref<128xi32, #tpu.memory_space<vmem>>) semaphore(%run_scoped3A_279 : memref<!tpu.dma_semaphore, #tpu.memory_space<semaphore_mem>>) {add = true}
          %dma_wait3A_286 = arith.constant 0 : i32
          %dma_wait3A_287 = tpu.memref_slice %arg18[%run_scoped3A_135, %dma_wait3A_286] : memref<16x128xi32, #tpu.memory_space<vmem>> -> memref<1x128xi32, #tpu.memory_space<vmem>>
          %dma_wait3A_288 = tpu.memref_squeeze %dma_wait3A_287 : memref<1x128xi32, #tpu.memory_space<vmem>> -> memref<128xi32, #tpu.memory_space<vmem>>
          %dma_wait3A_289 = arith.constant 0 : i32
          %dma_wait3A_290 = arith.constant 0 : i32
          %dma_wait3A_291 = tpu.memref_slice %arg21[%dma_wait3A_289, %dma_wait3A_290] : memref<10032x128xf32, #tpu.memory_space<vmem_shared>> -> memref<10032x128xf32, #tpu.memory_space<vmem_shared>>
          tpu.wait_indirect_dma semaphore(%run_scoped3A_279 : memref<!tpu.dma_semaphore, #tpu.memory_space<semaphore_mem>>) src(%arg20 : memref<128x128xf32, #tpu.memory_space<vmem>>) dst(%dma_wait3A_291 : memref<10032x128xf32, #tpu.memory_space<vmem_shared>>)
          tpu.yield
        }) : () -> ()
        %dma_wait3A_136 = arith.constant 6 : i32
        %dma_wait3A_137 = arith.constant 0 : i32
        %dma_wait3A_138 = tpu.memref_slice %arg17[%dma_wait3A_136, %dma_wait3A_137] : memref<16x128xi32, #tpu.memory_space<vmem>> -> memref<1x128xi32, #tpu.memory_space<vmem>>
        %dma_wait3A_139 = tpu.memref_squeeze %dma_wait3A_138 : memref<1x128xi32, #tpu.memory_space<vmem>> -> memref<128xi32, #tpu.memory_space<vmem>>
        %dma_wait3A_140 = arith.constant 0 : i32
        %dma_wait3A_141 = arith.constant 0 : i32
        %dma_wait3A_142 = tpu.memref_slice %arg3[%dma_wait3A_140, %dma_wait3A_141] : memref<10016x128xf32, #tpu.memory_space<hbm>> -> memref<10016x128xf32, #tpu.memory_space<hbm>>
        tpu.wait_indirect_dma semaphore(%arg22 : memref<!tpu.dma_semaphore, #tpu.memory_space<semaphore_mem>>) src(%dma_wait3A_142 : memref<10016x128xf32, #tpu.memory_space<hbm>>) dst(%arg19 : memref<128x128xf32, #tpu.memory_space<vmem>>)
        %dma_start3A_143 = arith.constant 7 : i32
        %dma_start3A_144 = arith.constant 0 : i32
        %dma_start3A_145 = tpu.memref_slice %arg17[%dma_start3A_143, %dma_start3A_144] : memref<16x128xi32, #tpu.memory_space<vmem>> -> memref<1x128xi32, #tpu.memory_space<vmem>>
        %dma_start3A_146 = tpu.memref_squeeze %dma_start3A_145 : memref<1x128xi32, #tpu.memory_space<vmem>> -> memref<128xi32, #tpu.memory_space<vmem>>
        %dma_start3A_147 = arith.constant 0 : i32
        %dma_start3A_148 = arith.constant 0 : i32
        %dma_start3A_149 = tpu.memref_slice %arg3[%dma_start3A_147, %dma_start3A_148] : memref<10016x128xf32, #tpu.memory_space<hbm>> -> memref<10016x128xf32, #tpu.memory_space<hbm>>
        tpu.enqueue_indirect_dma source(%dma_start3A_149 : memref<10016x128xf32, #tpu.memory_space<hbm>>) target(%arg20 : memref<128x128xf32, #tpu.memory_space<vmem>>) offsets(%dma_start3A_146 : memref<128xi32, #tpu.memory_space<vmem>>) semaphore(%arg23 : memref<!tpu.dma_semaphore, #tpu.memory_space<semaphore_mem>>)
        %run_scoped3A_150 = arith.constant 6 : i32
        "tpu.region"() ({
          %run_scoped3A_279 = tpu.sem_alloc : memref<!tpu.dma_semaphore, #tpu.memory_space<semaphore_mem>>
          %dma_start3A_280 = arith.constant 0 : i32
          %dma_start3A_281 = tpu.memref_slice %arg18[%run_scoped3A_150, %dma_start3A_280] : memref<16x128xi32, #tpu.memory_space<vmem>> -> memref<1x128xi32, #tpu.memory_space<vmem>>
          %dma_start3A_282 = tpu.memref_squeeze %dma_start3A_281 : memref<1x128xi32, #tpu.memory_space<vmem>> -> memref<128xi32, #tpu.memory_space<vmem>>
          %dma_start3A_283 = arith.constant 0 : i32
          %dma_start3A_284 = arith.constant 0 : i32
          %dma_start3A_285 = tpu.memref_slice %arg21[%dma_start3A_283, %dma_start3A_284] : memref<10032x128xf32, #tpu.memory_space<vmem_shared>> -> memref<10032x128xf32, #tpu.memory_space<vmem_shared>>
          tpu.enqueue_indirect_dma source(%arg19 : memref<128x128xf32, #tpu.memory_space<vmem>>) target(%dma_start3A_285 : memref<10032x128xf32, #tpu.memory_space<vmem_shared>>) offsets(%dma_start3A_282 : memref<128xi32, #tpu.memory_space<vmem>>) semaphore(%run_scoped3A_279 : memref<!tpu.dma_semaphore, #tpu.memory_space<semaphore_mem>>) {add = true}
          %dma_wait3A_286 = arith.constant 0 : i32
          %dma_wait3A_287 = tpu.memref_slice %arg18[%run_scoped3A_150, %dma_wait3A_286] : memref<16x128xi32, #tpu.memory_space<vmem>> -> memref<1x128xi32, #tpu.memory_space<vmem>>
          %dma_wait3A_288 = tpu.memref_squeeze %dma_wait3A_287 : memref<1x128xi32, #tpu.memory_space<vmem>> -> memref<128xi32, #tpu.memory_space<vmem>>
          %dma_wait3A_289 = arith.constant 0 : i32
          %dma_wait3A_290 = arith.constant 0 : i32
          %dma_wait3A_291 = tpu.memref_slice %arg21[%dma_wait3A_289, %dma_wait3A_290] : memref<10032x128xf32, #tpu.memory_space<vmem_shared>> -> memref<10032x128xf32, #tpu.memory_space<vmem_shared>>
          tpu.wait_indirect_dma semaphore(%run_scoped3A_279 : memref<!tpu.dma_semaphore, #tpu.memory_space<semaphore_mem>>) src(%arg19 : memref<128x128xf32, #tpu.memory_space<vmem>>) dst(%dma_wait3A_291 : memref<10032x128xf32, #tpu.memory_space<vmem_shared>>)
          tpu.yield
        }) : () -> ()
        %dma_wait3A_151 = arith.constant 7 : i32
        %dma_wait3A_152 = arith.constant 0 : i32
        %dma_wait3A_153 = tpu.memref_slice %arg17[%dma_wait3A_151, %dma_wait3A_152] : memref<16x128xi32, #tpu.memory_space<vmem>> -> memref<1x128xi32, #tpu.memory_space<vmem>>
        %dma_wait3A_154 = tpu.memref_squeeze %dma_wait3A_153 : memref<1x128xi32, #tpu.memory_space<vmem>> -> memref<128xi32, #tpu.memory_space<vmem>>
        %dma_wait3A_155 = arith.constant 0 : i32
        %dma_wait3A_156 = arith.constant 0 : i32
        %dma_wait3A_157 = tpu.memref_slice %arg3[%dma_wait3A_155, %dma_wait3A_156] : memref<10016x128xf32, #tpu.memory_space<hbm>> -> memref<10016x128xf32, #tpu.memory_space<hbm>>
        tpu.wait_indirect_dma semaphore(%arg23 : memref<!tpu.dma_semaphore, #tpu.memory_space<semaphore_mem>>) src(%dma_wait3A_157 : memref<10016x128xf32, #tpu.memory_space<hbm>>) dst(%arg20 : memref<128x128xf32, #tpu.memory_space<vmem>>)
        %dma_start3A_158 = arith.constant 8 : i32
        %dma_start3A_159 = arith.constant 0 : i32
        %dma_start3A_160 = tpu.memref_slice %arg17[%dma_start3A_158, %dma_start3A_159] : memref<16x128xi32, #tpu.memory_space<vmem>> -> memref<1x128xi32, #tpu.memory_space<vmem>>
        %dma_start3A_161 = tpu.memref_squeeze %dma_start3A_160 : memref<1x128xi32, #tpu.memory_space<vmem>> -> memref<128xi32, #tpu.memory_space<vmem>>
        %dma_start3A_162 = arith.constant 0 : i32
        %dma_start3A_163 = arith.constant 0 : i32
        %dma_start3A_164 = tpu.memref_slice %arg3[%dma_start3A_162, %dma_start3A_163] : memref<10016x128xf32, #tpu.memory_space<hbm>> -> memref<10016x128xf32, #tpu.memory_space<hbm>>
        tpu.enqueue_indirect_dma source(%dma_start3A_164 : memref<10016x128xf32, #tpu.memory_space<hbm>>) target(%arg19 : memref<128x128xf32, #tpu.memory_space<vmem>>) offsets(%dma_start3A_161 : memref<128xi32, #tpu.memory_space<vmem>>) semaphore(%arg22 : memref<!tpu.dma_semaphore, #tpu.memory_space<semaphore_mem>>)
        %run_scoped3A_165 = arith.constant 7 : i32
        "tpu.region"() ({
          %run_scoped3A_279 = tpu.sem_alloc : memref<!tpu.dma_semaphore, #tpu.memory_space<semaphore_mem>>
          %dma_start3A_280 = arith.constant 0 : i32
          %dma_start3A_281 = tpu.memref_slice %arg18[%run_scoped3A_165, %dma_start3A_280] : memref<16x128xi32, #tpu.memory_space<vmem>> -> memref<1x128xi32, #tpu.memory_space<vmem>>
          %dma_start3A_282 = tpu.memref_squeeze %dma_start3A_281 : memref<1x128xi32, #tpu.memory_space<vmem>> -> memref<128xi32, #tpu.memory_space<vmem>>
          %dma_start3A_283 = arith.constant 0 : i32
          %dma_start3A_284 = arith.constant 0 : i32
          %dma_start3A_285 = tpu.memref_slice %arg21[%dma_start3A_283, %dma_start3A_284] : memref<10032x128xf32, #tpu.memory_space<vmem_shared>> -> memref<10032x128xf32, #tpu.memory_space<vmem_shared>>
          tpu.enqueue_indirect_dma source(%arg20 : memref<128x128xf32, #tpu.memory_space<vmem>>) target(%dma_start3A_285 : memref<10032x128xf32, #tpu.memory_space<vmem_shared>>) offsets(%dma_start3A_282 : memref<128xi32, #tpu.memory_space<vmem>>) semaphore(%run_scoped3A_279 : memref<!tpu.dma_semaphore, #tpu.memory_space<semaphore_mem>>) {add = true}
          %dma_wait3A_286 = arith.constant 0 : i32
          %dma_wait3A_287 = tpu.memref_slice %arg18[%run_scoped3A_165, %dma_wait3A_286] : memref<16x128xi32, #tpu.memory_space<vmem>> -> memref<1x128xi32, #tpu.memory_space<vmem>>
          %dma_wait3A_288 = tpu.memref_squeeze %dma_wait3A_287 : memref<1x128xi32, #tpu.memory_space<vmem>> -> memref<128xi32, #tpu.memory_space<vmem>>
          %dma_wait3A_289 = arith.constant 0 : i32
          %dma_wait3A_290 = arith.constant 0 : i32
          %dma_wait3A_291 = tpu.memref_slice %arg21[%dma_wait3A_289, %dma_wait3A_290] : memref<10032x128xf32, #tpu.memory_space<vmem_shared>> -> memref<10032x128xf32, #tpu.memory_space<vmem_shared>>
          tpu.wait_indirect_dma semaphore(%run_scoped3A_279 : memref<!tpu.dma_semaphore, #tpu.memory_space<semaphore_mem>>) src(%arg20 : memref<128x128xf32, #tpu.memory_space<vmem>>) dst(%dma_wait3A_291 : memref<10032x128xf32, #tpu.memory_space<vmem_shared>>)
          tpu.yield
        }) : () -> ()
        %dma_wait3A_166 = arith.constant 8 : i32
        %dma_wait3A_167 = arith.constant 0 : i32
        %dma_wait3A_168 = tpu.memref_slice %arg17[%dma_wait3A_166, %dma_wait3A_167] : memref<16x128xi32, #tpu.memory_space<vmem>> -> memref<1x128xi32, #tpu.memory_space<vmem>>
        %dma_wait3A_169 = tpu.memref_squeeze %dma_wait3A_168 : memref<1x128xi32, #tpu.memory_space<vmem>> -> memref<128xi32, #tpu.memory_space<vmem>>
        %dma_wait3A_170 = arith.constant 0 : i32
        %dma_wait3A_171 = arith.constant 0 : i32
        %dma_wait3A_172 = tpu.memref_slice %arg3[%dma_wait3A_170, %dma_wait3A_171] : memref<10016x128xf32, #tpu.memory_space<hbm>> -> memref<10016x128xf32, #tpu.memory_space<hbm>>
        tpu.wait_indirect_dma semaphore(%arg22 : memref<!tpu.dma_semaphore, #tpu.memory_space<semaphore_mem>>) src(%dma_wait3A_172 : memref<10016x128xf32, #tpu.memory_space<hbm>>) dst(%arg19 : memref<128x128xf32, #tpu.memory_space<vmem>>)
        %dma_start3A_173 = arith.constant 9 : i32
        %dma_start3A_174 = arith.constant 0 : i32
        %dma_start3A_175 = tpu.memref_slice %arg17[%dma_start3A_173, %dma_start3A_174] : memref<16x128xi32, #tpu.memory_space<vmem>> -> memref<1x128xi32, #tpu.memory_space<vmem>>
        %dma_start3A_176 = tpu.memref_squeeze %dma_start3A_175 : memref<1x128xi32, #tpu.memory_space<vmem>> -> memref<128xi32, #tpu.memory_space<vmem>>
        %dma_start3A_177 = arith.constant 0 : i32
        %dma_start3A_178 = arith.constant 0 : i32
        %dma_start3A_179 = tpu.memref_slice %arg3[%dma_start3A_177, %dma_start3A_178] : memref<10016x128xf32, #tpu.memory_space<hbm>> -> memref<10016x128xf32, #tpu.memory_space<hbm>>
        tpu.enqueue_indirect_dma source(%dma_start3A_179 : memref<10016x128xf32, #tpu.memory_space<hbm>>) target(%arg20 : memref<128x128xf32, #tpu.memory_space<vmem>>) offsets(%dma_start3A_176 : memref<128xi32, #tpu.memory_space<vmem>>) semaphore(%arg23 : memref<!tpu.dma_semaphore, #tpu.memory_space<semaphore_mem>>)
        %run_scoped3A_180 = arith.constant 8 : i32
        "tpu.region"() ({
          %run_scoped3A_279 = tpu.sem_alloc : memref<!tpu.dma_semaphore, #tpu.memory_space<semaphore_mem>>
          %dma_start3A_280 = arith.constant 0 : i32
          %dma_start3A_281 = tpu.memref_slice %arg18[%run_scoped3A_180, %dma_start3A_280] : memref<16x128xi32, #tpu.memory_space<vmem>> -> memref<1x128xi32, #tpu.memory_space<vmem>>
          %dma_start3A_282 = tpu.memref_squeeze %dma_start3A_281 : memref<1x128xi32, #tpu.memory_space<vmem>> -> memref<128xi32, #tpu.memory_space<vmem>>
          %dma_start3A_283 = arith.constant 0 : i32
          %dma_start3A_284 = arith.constant 0 : i32
          %dma_start3A_285 = tpu.memref_slice %arg21[%dma_start3A_283, %dma_start3A_284] : memref<10032x128xf32, #tpu.memory_space<vmem_shared>> -> memref<10032x128xf32, #tpu.memory_space<vmem_shared>>
          tpu.enqueue_indirect_dma source(%arg19 : memref<128x128xf32, #tpu.memory_space<vmem>>) target(%dma_start3A_285 : memref<10032x128xf32, #tpu.memory_space<vmem_shared>>) offsets(%dma_start3A_282 : memref<128xi32, #tpu.memory_space<vmem>>) semaphore(%run_scoped3A_279 : memref<!tpu.dma_semaphore, #tpu.memory_space<semaphore_mem>>) {add = true}
          %dma_wait3A_286 = arith.constant 0 : i32
          %dma_wait3A_287 = tpu.memref_slice %arg18[%run_scoped3A_180, %dma_wait3A_286] : memref<16x128xi32, #tpu.memory_space<vmem>> -> memref<1x128xi32, #tpu.memory_space<vmem>>
          %dma_wait3A_288 = tpu.memref_squeeze %dma_wait3A_287 : memref<1x128xi32, #tpu.memory_space<vmem>> -> memref<128xi32, #tpu.memory_space<vmem>>
          %dma_wait3A_289 = arith.constant 0 : i32
          %dma_wait3A_290 = arith.constant 0 : i32
          %dma_wait3A_291 = tpu.memref_slice %arg21[%dma_wait3A_289, %dma_wait3A_290] : memref<10032x128xf32, #tpu.memory_space<vmem_shared>> -> memref<10032x128xf32, #tpu.memory_space<vmem_shared>>
          tpu.wait_indirect_dma semaphore(%run_scoped3A_279 : memref<!tpu.dma_semaphore, #tpu.memory_space<semaphore_mem>>) src(%arg19 : memref<128x128xf32, #tpu.memory_space<vmem>>) dst(%dma_wait3A_291 : memref<10032x128xf32, #tpu.memory_space<vmem_shared>>)
          tpu.yield
        }) : () -> ()
        %dma_wait3A_181 = arith.constant 9 : i32
        %dma_wait3A_182 = arith.constant 0 : i32
        %dma_wait3A_183 = tpu.memref_slice %arg17[%dma_wait3A_181, %dma_wait3A_182] : memref<16x128xi32, #tpu.memory_space<vmem>> -> memref<1x128xi32, #tpu.memory_space<vmem>>
        %dma_wait3A_184 = tpu.memref_squeeze %dma_wait3A_183 : memref<1x128xi32, #tpu.memory_space<vmem>> -> memref<128xi32, #tpu.memory_space<vmem>>
        %dma_wait3A_185 = arith.constant 0 : i32
        %dma_wait3A_186 = arith.constant 0 : i32
        %dma_wait3A_187 = tpu.memref_slice %arg3[%dma_wait3A_185, %dma_wait3A_186] : memref<10016x128xf32, #tpu.memory_space<hbm>> -> memref<10016x128xf32, #tpu.memory_space<hbm>>
        tpu.wait_indirect_dma semaphore(%arg23 : memref<!tpu.dma_semaphore, #tpu.memory_space<semaphore_mem>>) src(%dma_wait3A_187 : memref<10016x128xf32, #tpu.memory_space<hbm>>) dst(%arg20 : memref<128x128xf32, #tpu.memory_space<vmem>>)
        %dma_start3A_188 = arith.constant 10 : i32
        %dma_start3A_189 = arith.constant 0 : i32
        %dma_start3A_190 = tpu.memref_slice %arg17[%dma_start3A_188, %dma_start3A_189] : memref<16x128xi32, #tpu.memory_space<vmem>> -> memref<1x128xi32, #tpu.memory_space<vmem>>
        %dma_start3A_191 = tpu.memref_squeeze %dma_start3A_190 : memref<1x128xi32, #tpu.memory_space<vmem>> -> memref<128xi32, #tpu.memory_space<vmem>>
        %dma_start3A_192 = arith.constant 0 : i32
        %dma_start3A_193 = arith.constant 0 : i32
        %dma_start3A_194 = tpu.memref_slice %arg3[%dma_start3A_192, %dma_start3A_193] : memref<10016x128xf32, #tpu.memory_space<hbm>> -> memref<10016x128xf32, #tpu.memory_space<hbm>>
        tpu.enqueue_indirect_dma source(%dma_start3A_194 : memref<10016x128xf32, #tpu.memory_space<hbm>>) target(%arg19 : memref<128x128xf32, #tpu.memory_space<vmem>>) offsets(%dma_start3A_191 : memref<128xi32, #tpu.memory_space<vmem>>) semaphore(%arg22 : memref<!tpu.dma_semaphore, #tpu.memory_space<semaphore_mem>>)
        %run_scoped3A_195 = arith.constant 9 : i32
        "tpu.region"() ({
          %run_scoped3A_279 = tpu.sem_alloc : memref<!tpu.dma_semaphore, #tpu.memory_space<semaphore_mem>>
          %dma_start3A_280 = arith.constant 0 : i32
          %dma_start3A_281 = tpu.memref_slice %arg18[%run_scoped3A_195, %dma_start3A_280] : memref<16x128xi32, #tpu.memory_space<vmem>> -> memref<1x128xi32, #tpu.memory_space<vmem>>
          %dma_start3A_282 = tpu.memref_squeeze %dma_start3A_281 : memref<1x128xi32, #tpu.memory_space<vmem>> -> memref<128xi32, #tpu.memory_space<vmem>>
          %dma_start3A_283 = arith.constant 0 : i32
          %dma_start3A_284 = arith.constant 0 : i32
          %dma_start3A_285 = tpu.memref_slice %arg21[%dma_start3A_283, %dma_start3A_284] : memref<10032x128xf32, #tpu.memory_space<vmem_shared>> -> memref<10032x128xf32, #tpu.memory_space<vmem_shared>>
          tpu.enqueue_indirect_dma source(%arg20 : memref<128x128xf32, #tpu.memory_space<vmem>>) target(%dma_start3A_285 : memref<10032x128xf32, #tpu.memory_space<vmem_shared>>) offsets(%dma_start3A_282 : memref<128xi32, #tpu.memory_space<vmem>>) semaphore(%run_scoped3A_279 : memref<!tpu.dma_semaphore, #tpu.memory_space<semaphore_mem>>) {add = true}
          %dma_wait3A_286 = arith.constant 0 : i32
          %dma_wait3A_287 = tpu.memref_slice %arg18[%run_scoped3A_195, %dma_wait3A_286] : memref<16x128xi32, #tpu.memory_space<vmem>> -> memref<1x128xi32, #tpu.memory_space<vmem>>
          %dma_wait3A_288 = tpu.memref_squeeze %dma_wait3A_287 : memref<1x128xi32, #tpu.memory_space<vmem>> -> memref<128xi32, #tpu.memory_space<vmem>>
          %dma_wait3A_289 = arith.constant 0 : i32
          %dma_wait3A_290 = arith.constant 0 : i32
          %dma_wait3A_291 = tpu.memref_slice %arg21[%dma_wait3A_289, %dma_wait3A_290] : memref<10032x128xf32, #tpu.memory_space<vmem_shared>> -> memref<10032x128xf32, #tpu.memory_space<vmem_shared>>
          tpu.wait_indirect_dma semaphore(%run_scoped3A_279 : memref<!tpu.dma_semaphore, #tpu.memory_space<semaphore_mem>>) src(%arg20 : memref<128x128xf32, #tpu.memory_space<vmem>>) dst(%dma_wait3A_291 : memref<10032x128xf32, #tpu.memory_space<vmem_shared>>)
          tpu.yield
        }) : () -> ()
        %dma_wait3A_196 = arith.constant 10 : i32
        %dma_wait3A_197 = arith.constant 0 : i32
        %dma_wait3A_198 = tpu.memref_slice %arg17[%dma_wait3A_196, %dma_wait3A_197] : memref<16x128xi32, #tpu.memory_space<vmem>> -> memref<1x128xi32, #tpu.memory_space<vmem>>
        %dma_wait3A_199 = tpu.memref_squeeze %dma_wait3A_198 : memref<1x128xi32, #tpu.memory_space<vmem>> -> memref<128xi32, #tpu.memory_space<vmem>>
        %dma_wait3A_200 = arith.constant 0 : i32
        %dma_wait3A_201 = arith.constant 0 : i32
        %dma_wait3A_202 = tpu.memref_slice %arg3[%dma_wait3A_200, %dma_wait3A_201] : memref<10016x128xf32, #tpu.memory_space<hbm>> -> memref<10016x128xf32, #tpu.memory_space<hbm>>
        tpu.wait_indirect_dma semaphore(%arg22 : memref<!tpu.dma_semaphore, #tpu.memory_space<semaphore_mem>>) src(%dma_wait3A_202 : memref<10016x128xf32, #tpu.memory_space<hbm>>) dst(%arg19 : memref<128x128xf32, #tpu.memory_space<vmem>>)
        %dma_start3A_203 = arith.constant 11 : i32
        %dma_start3A_204 = arith.constant 0 : i32
        %dma_start3A_205 = tpu.memref_slice %arg17[%dma_start3A_203, %dma_start3A_204] : memref<16x128xi32, #tpu.memory_space<vmem>> -> memref<1x128xi32, #tpu.memory_space<vmem>>
        %dma_start3A_206 = tpu.memref_squeeze %dma_start3A_205 : memref<1x128xi32, #tpu.memory_space<vmem>> -> memref<128xi32, #tpu.memory_space<vmem>>
        %dma_start3A_207 = arith.constant 0 : i32
        %dma_start3A_208 = arith.constant 0 : i32
        %dma_start3A_209 = tpu.memref_slice %arg3[%dma_start3A_207, %dma_start3A_208] : memref<10016x128xf32, #tpu.memory_space<hbm>> -> memref<10016x128xf32, #tpu.memory_space<hbm>>
        tpu.enqueue_indirect_dma source(%dma_start3A_209 : memref<10016x128xf32, #tpu.memory_space<hbm>>) target(%arg20 : memref<128x128xf32, #tpu.memory_space<vmem>>) offsets(%dma_start3A_206 : memref<128xi32, #tpu.memory_space<vmem>>) semaphore(%arg23 : memref<!tpu.dma_semaphore, #tpu.memory_space<semaphore_mem>>)
        %run_scoped3A_210 = arith.constant 10 : i32
        "tpu.region"() ({
          %run_scoped3A_279 = tpu.sem_alloc : memref<!tpu.dma_semaphore, #tpu.memory_space<semaphore_mem>>
          %dma_start3A_280 = arith.constant 0 : i32
          %dma_start3A_281 = tpu.memref_slice %arg18[%run_scoped3A_210, %dma_start3A_280] : memref<16x128xi32, #tpu.memory_space<vmem>> -> memref<1x128xi32, #tpu.memory_space<vmem>>
          %dma_start3A_282 = tpu.memref_squeeze %dma_start3A_281 : memref<1x128xi32, #tpu.memory_space<vmem>> -> memref<128xi32, #tpu.memory_space<vmem>>
          %dma_start3A_283 = arith.constant 0 : i32
          %dma_start3A_284 = arith.constant 0 : i32
          %dma_start3A_285 = tpu.memref_slice %arg21[%dma_start3A_283, %dma_start3A_284] : memref<10032x128xf32, #tpu.memory_space<vmem_shared>> -> memref<10032x128xf32, #tpu.memory_space<vmem_shared>>
          tpu.enqueue_indirect_dma source(%arg19 : memref<128x128xf32, #tpu.memory_space<vmem>>) target(%dma_start3A_285 : memref<10032x128xf32, #tpu.memory_space<vmem_shared>>) offsets(%dma_start3A_282 : memref<128xi32, #tpu.memory_space<vmem>>) semaphore(%run_scoped3A_279 : memref<!tpu.dma_semaphore, #tpu.memory_space<semaphore_mem>>) {add = true}
          %dma_wait3A_286 = arith.constant 0 : i32
          %dma_wait3A_287 = tpu.memref_slice %arg18[%run_scoped3A_210, %dma_wait3A_286] : memref<16x128xi32, #tpu.memory_space<vmem>> -> memref<1x128xi32, #tpu.memory_space<vmem>>
          %dma_wait3A_288 = tpu.memref_squeeze %dma_wait3A_287 : memref<1x128xi32, #tpu.memory_space<vmem>> -> memref<128xi32, #tpu.memory_space<vmem>>
          %dma_wait3A_289 = arith.constant 0 : i32
          %dma_wait3A_290 = arith.constant 0 : i32
          %dma_wait3A_291 = tpu.memref_slice %arg21[%dma_wait3A_289, %dma_wait3A_290] : memref<10032x128xf32, #tpu.memory_space<vmem_shared>> -> memref<10032x128xf32, #tpu.memory_space<vmem_shared>>
          tpu.wait_indirect_dma semaphore(%run_scoped3A_279 : memref<!tpu.dma_semaphore, #tpu.memory_space<semaphore_mem>>) src(%arg19 : memref<128x128xf32, #tpu.memory_space<vmem>>) dst(%dma_wait3A_291 : memref<10032x128xf32, #tpu.memory_space<vmem_shared>>)
          tpu.yield
        }) : () -> ()
        %dma_wait3A_211 = arith.constant 11 : i32
        %dma_wait3A_212 = arith.constant 0 : i32
        %dma_wait3A_213 = tpu.memref_slice %arg17[%dma_wait3A_211, %dma_wait3A_212] : memref<16x128xi32, #tpu.memory_space<vmem>> -> memref<1x128xi32, #tpu.memory_space<vmem>>
        %dma_wait3A_214 = tpu.memref_squeeze %dma_wait3A_213 : memref<1x128xi32, #tpu.memory_space<vmem>> -> memref<128xi32, #tpu.memory_space<vmem>>
        %dma_wait3A_215 = arith.constant 0 : i32
        %dma_wait3A_216 = arith.constant 0 : i32
        %dma_wait3A_217 = tpu.memref_slice %arg3[%dma_wait3A_215, %dma_wait3A_216] : memref<10016x128xf32, #tpu.memory_space<hbm>> -> memref<10016x128xf32, #tpu.memory_space<hbm>>
        tpu.wait_indirect_dma semaphore(%arg23 : memref<!tpu.dma_semaphore, #tpu.memory_space<semaphore_mem>>) src(%dma_wait3A_217 : memref<10016x128xf32, #tpu.memory_space<hbm>>) dst(%arg20 : memref<128x128xf32, #tpu.memory_space<vmem>>)
        %dma_start3A_218 = arith.constant 12 : i32
        %dma_start3A_219 = arith.constant 0 : i32
        %dma_start3A_220 = tpu.memref_slice %arg17[%dma_start3A_218, %dma_start3A_219] : memref<16x128xi32, #tpu.memory_space<vmem>> -> memref<1x128xi32, #tpu.memory_space<vmem>>
        %dma_start3A_221 = tpu.memref_squeeze %dma_start3A_220 : memref<1x128xi32, #tpu.memory_space<vmem>> -> memref<128xi32, #tpu.memory_space<vmem>>
        %dma_start3A_222 = arith.constant 0 : i32
        %dma_start3A_223 = arith.constant 0 : i32
        %dma_start3A_224 = tpu.memref_slice %arg3[%dma_start3A_222, %dma_start3A_223] : memref<10016x128xf32, #tpu.memory_space<hbm>> -> memref<10016x128xf32, #tpu.memory_space<hbm>>
        tpu.enqueue_indirect_dma source(%dma_start3A_224 : memref<10016x128xf32, #tpu.memory_space<hbm>>) target(%arg19 : memref<128x128xf32, #tpu.memory_space<vmem>>) offsets(%dma_start3A_221 : memref<128xi32, #tpu.memory_space<vmem>>) semaphore(%arg22 : memref<!tpu.dma_semaphore, #tpu.memory_space<semaphore_mem>>)
        %run_scoped3A_225 = arith.constant 11 : i32
        "tpu.region"() ({
          %run_scoped3A_279 = tpu.sem_alloc : memref<!tpu.dma_semaphore, #tpu.memory_space<semaphore_mem>>
          %dma_start3A_280 = arith.constant 0 : i32
          %dma_start3A_281 = tpu.memref_slice %arg18[%run_scoped3A_225, %dma_start3A_280] : memref<16x128xi32, #tpu.memory_space<vmem>> -> memref<1x128xi32, #tpu.memory_space<vmem>>
          %dma_start3A_282 = tpu.memref_squeeze %dma_start3A_281 : memref<1x128xi32, #tpu.memory_space<vmem>> -> memref<128xi32, #tpu.memory_space<vmem>>
          %dma_start3A_283 = arith.constant 0 : i32
          %dma_start3A_284 = arith.constant 0 : i32
          %dma_start3A_285 = tpu.memref_slice %arg21[%dma_start3A_283, %dma_start3A_284] : memref<10032x128xf32, #tpu.memory_space<vmem_shared>> -> memref<10032x128xf32, #tpu.memory_space<vmem_shared>>
          tpu.enqueue_indirect_dma source(%arg20 : memref<128x128xf32, #tpu.memory_space<vmem>>) target(%dma_start3A_285 : memref<10032x128xf32, #tpu.memory_space<vmem_shared>>) offsets(%dma_start3A_282 : memref<128xi32, #tpu.memory_space<vmem>>) semaphore(%run_scoped3A_279 : memref<!tpu.dma_semaphore, #tpu.memory_space<semaphore_mem>>) {add = true}
          %dma_wait3A_286 = arith.constant 0 : i32
          %dma_wait3A_287 = tpu.memref_slice %arg18[%run_scoped3A_225, %dma_wait3A_286] : memref<16x128xi32, #tpu.memory_space<vmem>> -> memref<1x128xi32, #tpu.memory_space<vmem>>
          %dma_wait3A_288 = tpu.memref_squeeze %dma_wait3A_287 : memref<1x128xi32, #tpu.memory_space<vmem>> -> memref<128xi32, #tpu.memory_space<vmem>>
          %dma_wait3A_289 = arith.constant 0 : i32
          %dma_wait3A_290 = arith.constant 0 : i32
          %dma_wait3A_291 = tpu.memref_slice %arg21[%dma_wait3A_289, %dma_wait3A_290] : memref<10032x128xf32, #tpu.memory_space<vmem_shared>> -> memref<10032x128xf32, #tpu.memory_space<vmem_shared>>
          tpu.wait_indirect_dma semaphore(%run_scoped3A_279 : memref<!tpu.dma_semaphore, #tpu.memory_space<semaphore_mem>>) src(%arg20 : memref<128x128xf32, #tpu.memory_space<vmem>>) dst(%dma_wait3A_291 : memref<10032x128xf32, #tpu.memory_space<vmem_shared>>)
          tpu.yield
        }) : () -> ()
        %dma_wait3A_226 = arith.constant 12 : i32
        %dma_wait3A_227 = arith.constant 0 : i32
        %dma_wait3A_228 = tpu.memref_slice %arg17[%dma_wait3A_226, %dma_wait3A_227] : memref<16x128xi32, #tpu.memory_space<vmem>> -> memref<1x128xi32, #tpu.memory_space<vmem>>
        %dma_wait3A_229 = tpu.memref_squeeze %dma_wait3A_228 : memref<1x128xi32, #tpu.memory_space<vmem>> -> memref<128xi32, #tpu.memory_space<vmem>>
        %dma_wait3A_230 = arith.constant 0 : i32
        %dma_wait3A_231 = arith.constant 0 : i32
        %dma_wait3A_232 = tpu.memref_slice %arg3[%dma_wait3A_230, %dma_wait3A_231] : memref<10016x128xf32, #tpu.memory_space<hbm>> -> memref<10016x128xf32, #tpu.memory_space<hbm>>
        tpu.wait_indirect_dma semaphore(%arg22 : memref<!tpu.dma_semaphore, #tpu.memory_space<semaphore_mem>>) src(%dma_wait3A_232 : memref<10016x128xf32, #tpu.memory_space<hbm>>) dst(%arg19 : memref<128x128xf32, #tpu.memory_space<vmem>>)
        %dma_start3A_233 = arith.constant 13 : i32
        %dma_start3A_234 = arith.constant 0 : i32
        %dma_start3A_235 = tpu.memref_slice %arg17[%dma_start3A_233, %dma_start3A_234] : memref<16x128xi32, #tpu.memory_space<vmem>> -> memref<1x128xi32, #tpu.memory_space<vmem>>
        %dma_start3A_236 = tpu.memref_squeeze %dma_start3A_235 : memref<1x128xi32, #tpu.memory_space<vmem>> -> memref<128xi32, #tpu.memory_space<vmem>>
        %dma_start3A_237 = arith.constant 0 : i32
        %dma_start3A_238 = arith.constant 0 : i32
        %dma_start3A_239 = tpu.memref_slice %arg3[%dma_start3A_237, %dma_start3A_238] : memref<10016x128xf32, #tpu.memory_space<hbm>> -> memref<10016x128xf32, #tpu.memory_space<hbm>>
        tpu.enqueue_indirect_dma source(%dma_start3A_239 : memref<10016x128xf32, #tpu.memory_space<hbm>>) target(%arg20 : memref<128x128xf32, #tpu.memory_space<vmem>>) offsets(%dma_start3A_236 : memref<128xi32, #tpu.memory_space<vmem>>) semaphore(%arg23 : memref<!tpu.dma_semaphore, #tpu.memory_space<semaphore_mem>>)
        %run_scoped3A_240 = arith.constant 12 : i32
        "tpu.region"() ({
          %run_scoped3A_279 = tpu.sem_alloc : memref<!tpu.dma_semaphore, #tpu.memory_space<semaphore_mem>>
          %dma_start3A_280 = arith.constant 0 : i32
          %dma_start3A_281 = tpu.memref_slice %arg18[%run_scoped3A_240, %dma_start3A_280] : memref<16x128xi32, #tpu.memory_space<vmem>> -> memref<1x128xi32, #tpu.memory_space<vmem>>
          %dma_start3A_282 = tpu.memref_squeeze %dma_start3A_281 : memref<1x128xi32, #tpu.memory_space<vmem>> -> memref<128xi32, #tpu.memory_space<vmem>>
          %dma_start3A_283 = arith.constant 0 : i32
          %dma_start3A_284 = arith.constant 0 : i32
          %dma_start3A_285 = tpu.memref_slice %arg21[%dma_start3A_283, %dma_start3A_284] : memref<10032x128xf32, #tpu.memory_space<vmem_shared>> -> memref<10032x128xf32, #tpu.memory_space<vmem_shared>>
          tpu.enqueue_indirect_dma source(%arg19 : memref<128x128xf32, #tpu.memory_space<vmem>>) target(%dma_start3A_285 : memref<10032x128xf32, #tpu.memory_space<vmem_shared>>) offsets(%dma_start3A_282 : memref<128xi32, #tpu.memory_space<vmem>>) semaphore(%run_scoped3A_279 : memref<!tpu.dma_semaphore, #tpu.memory_space<semaphore_mem>>) {add = true}
          %dma_wait3A_286 = arith.constant 0 : i32
          %dma_wait3A_287 = tpu.memref_slice %arg18[%run_scoped3A_240, %dma_wait3A_286] : memref<16x128xi32, #tpu.memory_space<vmem>> -> memref<1x128xi32, #tpu.memory_space<vmem>>
          %dma_wait3A_288 = tpu.memref_squeeze %dma_wait3A_287 : memref<1x128xi32, #tpu.memory_space<vmem>> -> memref<128xi32, #tpu.memory_space<vmem>>
          %dma_wait3A_289 = arith.constant 0 : i32
          %dma_wait3A_290 = arith.constant 0 : i32
          %dma_wait3A_291 = tpu.memref_slice %arg21[%dma_wait3A_289, %dma_wait3A_290] : memref<10032x128xf32, #tpu.memory_space<vmem_shared>> -> memref<10032x128xf32, #tpu.memory_space<vmem_shared>>
          tpu.wait_indirect_dma semaphore(%run_scoped3A_279 : memref<!tpu.dma_semaphore, #tpu.memory_space<semaphore_mem>>) src(%arg19 : memref<128x128xf32, #tpu.memory_space<vmem>>) dst(%dma_wait3A_291 : memref<10032x128xf32, #tpu.memory_space<vmem_shared>>)
          tpu.yield
        }) : () -> ()
        %dma_wait3A_241 = arith.constant 13 : i32
        %dma_wait3A_242 = arith.constant 0 : i32
        %dma_wait3A_243 = tpu.memref_slice %arg17[%dma_wait3A_241, %dma_wait3A_242] : memref<16x128xi32, #tpu.memory_space<vmem>> -> memref<1x128xi32, #tpu.memory_space<vmem>>
        %dma_wait3A_244 = tpu.memref_squeeze %dma_wait3A_243 : memref<1x128xi32, #tpu.memory_space<vmem>> -> memref<128xi32, #tpu.memory_space<vmem>>
        %dma_wait3A_245 = arith.constant 0 : i32
        %dma_wait3A_246 = arith.constant 0 : i32
        %dma_wait3A_247 = tpu.memref_slice %arg3[%dma_wait3A_245, %dma_wait3A_246] : memref<10016x128xf32, #tpu.memory_space<hbm>> -> memref<10016x128xf32, #tpu.memory_space<hbm>>
        tpu.wait_indirect_dma semaphore(%arg23 : memref<!tpu.dma_semaphore, #tpu.memory_space<semaphore_mem>>) src(%dma_wait3A_247 : memref<10016x128xf32, #tpu.memory_space<hbm>>) dst(%arg20 : memref<128x128xf32, #tpu.memory_space<vmem>>)
        %dma_start3A_248 = arith.constant 14 : i32
        %dma_start3A_249 = arith.constant 0 : i32
        %dma_start3A_250 = tpu.memref_slice %arg17[%dma_start3A_248, %dma_start3A_249] : memref<16x128xi32, #tpu.memory_space<vmem>> -> memref<1x128xi32, #tpu.memory_space<vmem>>
        %dma_start3A_251 = tpu.memref_squeeze %dma_start3A_250 : memref<1x128xi32, #tpu.memory_space<vmem>> -> memref<128xi32, #tpu.memory_space<vmem>>
        %dma_start3A_252 = arith.constant 0 : i32
        %dma_start3A_253 = arith.constant 0 : i32
        %dma_start3A_254 = tpu.memref_slice %arg3[%dma_start3A_252, %dma_start3A_253] : memref<10016x128xf32, #tpu.memory_space<hbm>> -> memref<10016x128xf32, #tpu.memory_space<hbm>>
        tpu.enqueue_indirect_dma source(%dma_start3A_254 : memref<10016x128xf32, #tpu.memory_space<hbm>>) target(%arg19 : memref<128x128xf32, #tpu.memory_space<vmem>>) offsets(%dma_start3A_251 : memref<128xi32, #tpu.memory_space<vmem>>) semaphore(%arg22 : memref<!tpu.dma_semaphore, #tpu.memory_space<semaphore_mem>>)
        %run_scoped3A_255 = arith.constant 13 : i32
        "tpu.region"() ({
          %run_scoped3A_279 = tpu.sem_alloc : memref<!tpu.dma_semaphore, #tpu.memory_space<semaphore_mem>>
          %dma_start3A_280 = arith.constant 0 : i32
          %dma_start3A_281 = tpu.memref_slice %arg18[%run_scoped3A_255, %dma_start3A_280] : memref<16x128xi32, #tpu.memory_space<vmem>> -> memref<1x128xi32, #tpu.memory_space<vmem>>
          %dma_start3A_282 = tpu.memref_squeeze %dma_start3A_281 : memref<1x128xi32, #tpu.memory_space<vmem>> -> memref<128xi32, #tpu.memory_space<vmem>>
          %dma_start3A_283 = arith.constant 0 : i32
          %dma_start3A_284 = arith.constant 0 : i32
          %dma_start3A_285 = tpu.memref_slice %arg21[%dma_start3A_283, %dma_start3A_284] : memref<10032x128xf32, #tpu.memory_space<vmem_shared>> -> memref<10032x128xf32, #tpu.memory_space<vmem_shared>>
          tpu.enqueue_indirect_dma source(%arg20 : memref<128x128xf32, #tpu.memory_space<vmem>>) target(%dma_start3A_285 : memref<10032x128xf32, #tpu.memory_space<vmem_shared>>) offsets(%dma_start3A_282 : memref<128xi32, #tpu.memory_space<vmem>>) semaphore(%run_scoped3A_279 : memref<!tpu.dma_semaphore, #tpu.memory_space<semaphore_mem>>) {add = true}
          %dma_wait3A_286 = arith.constant 0 : i32
          %dma_wait3A_287 = tpu.memref_slice %arg18[%run_scoped3A_255, %dma_wait3A_286] : memref<16x128xi32, #tpu.memory_space<vmem>> -> memref<1x128xi32, #tpu.memory_space<vmem>>
          %dma_wait3A_288 = tpu.memref_squeeze %dma_wait3A_287 : memref<1x128xi32, #tpu.memory_space<vmem>> -> memref<128xi32, #tpu.memory_space<vmem>>
          %dma_wait3A_289 = arith.constant 0 : i32
          %dma_wait3A_290 = arith.constant 0 : i32
          %dma_wait3A_291 = tpu.memref_slice %arg21[%dma_wait3A_289, %dma_wait3A_290] : memref<10032x128xf32, #tpu.memory_space<vmem_shared>> -> memref<10032x128xf32, #tpu.memory_space<vmem_shared>>
          tpu.wait_indirect_dma semaphore(%run_scoped3A_279 : memref<!tpu.dma_semaphore, #tpu.memory_space<semaphore_mem>>) src(%arg20 : memref<128x128xf32, #tpu.memory_space<vmem>>) dst(%dma_wait3A_291 : memref<10032x128xf32, #tpu.memory_space<vmem_shared>>)
          tpu.yield
        }) : () -> ()
        %dma_wait3A_256 = arith.constant 14 : i32
        %dma_wait3A_257 = arith.constant 0 : i32
        %dma_wait3A_258 = tpu.memref_slice %arg17[%dma_wait3A_256, %dma_wait3A_257] : memref<16x128xi32, #tpu.memory_space<vmem>> -> memref<1x128xi32, #tpu.memory_space<vmem>>
        %dma_wait3A_259 = tpu.memref_squeeze %dma_wait3A_258 : memref<1x128xi32, #tpu.memory_space<vmem>> -> memref<128xi32, #tpu.memory_space<vmem>>
        %dma_wait3A_260 = arith.constant 0 : i32
        %dma_wait3A_261 = arith.constant 0 : i32
        %dma_wait3A_262 = tpu.memref_slice %arg3[%dma_wait3A_260, %dma_wait3A_261] : memref<10016x128xf32, #tpu.memory_space<hbm>> -> memref<10016x128xf32, #tpu.memory_space<hbm>>
        tpu.wait_indirect_dma semaphore(%arg22 : memref<!tpu.dma_semaphore, #tpu.memory_space<semaphore_mem>>) src(%dma_wait3A_262 : memref<10016x128xf32, #tpu.memory_space<hbm>>) dst(%arg19 : memref<128x128xf32, #tpu.memory_space<vmem>>)
        %dma_start3A_263 = arith.constant 15 : i32
        %dma_start3A_264 = arith.constant 0 : i32
        %dma_start3A_265 = tpu.memref_slice %arg17[%dma_start3A_263, %dma_start3A_264] : memref<16x128xi32, #tpu.memory_space<vmem>> -> memref<1x128xi32, #tpu.memory_space<vmem>>
        %dma_start3A_266 = tpu.memref_squeeze %dma_start3A_265 : memref<1x128xi32, #tpu.memory_space<vmem>> -> memref<128xi32, #tpu.memory_space<vmem>>
        %dma_start3A_267 = arith.constant 0 : i32
        %dma_start3A_268 = arith.constant 0 : i32
        %dma_start3A_269 = tpu.memref_slice %arg3[%dma_start3A_267, %dma_start3A_268] : memref<10016x128xf32, #tpu.memory_space<hbm>> -> memref<10016x128xf32, #tpu.memory_space<hbm>>
        tpu.enqueue_indirect_dma source(%dma_start3A_269 : memref<10016x128xf32, #tpu.memory_space<hbm>>) target(%arg20 : memref<128x128xf32, #tpu.memory_space<vmem>>) offsets(%dma_start3A_266 : memref<128xi32, #tpu.memory_space<vmem>>) semaphore(%arg23 : memref<!tpu.dma_semaphore, #tpu.memory_space<semaphore_mem>>)
        %run_scoped3A_270 = arith.constant 14 : i32
        "tpu.region"() ({
          %run_scoped3A_279 = tpu.sem_alloc : memref<!tpu.dma_semaphore, #tpu.memory_space<semaphore_mem>>
          %dma_start3A_280 = arith.constant 0 : i32
          %dma_start3A_281 = tpu.memref_slice %arg18[%run_scoped3A_270, %dma_start3A_280] : memref<16x128xi32, #tpu.memory_space<vmem>> -> memref<1x128xi32, #tpu.memory_space<vmem>>
          %dma_start3A_282 = tpu.memref_squeeze %dma_start3A_281 : memref<1x128xi32, #tpu.memory_space<vmem>> -> memref<128xi32, #tpu.memory_space<vmem>>
          %dma_start3A_283 = arith.constant 0 : i32
          %dma_start3A_284 = arith.constant 0 : i32
          %dma_start3A_285 = tpu.memref_slice %arg21[%dma_start3A_283, %dma_start3A_284] : memref<10032x128xf32, #tpu.memory_space<vmem_shared>> -> memref<10032x128xf32, #tpu.memory_space<vmem_shared>>
          tpu.enqueue_indirect_dma source(%arg19 : memref<128x128xf32, #tpu.memory_space<vmem>>) target(%dma_start3A_285 : memref<10032x128xf32, #tpu.memory_space<vmem_shared>>) offsets(%dma_start3A_282 : memref<128xi32, #tpu.memory_space<vmem>>) semaphore(%run_scoped3A_279 : memref<!tpu.dma_semaphore, #tpu.memory_space<semaphore_mem>>) {add = true}
          %dma_wait3A_286 = arith.constant 0 : i32
          %dma_wait3A_287 = tpu.memref_slice %arg18[%run_scoped3A_270, %dma_wait3A_286] : memref<16x128xi32, #tpu.memory_space<vmem>> -> memref<1x128xi32, #tpu.memory_space<vmem>>
          %dma_wait3A_288 = tpu.memref_squeeze %dma_wait3A_287 : memref<1x128xi32, #tpu.memory_space<vmem>> -> memref<128xi32, #tpu.memory_space<vmem>>
          %dma_wait3A_289 = arith.constant 0 : i32
          %dma_wait3A_290 = arith.constant 0 : i32
          %dma_wait3A_291 = tpu.memref_slice %arg21[%dma_wait3A_289, %dma_wait3A_290] : memref<10032x128xf32, #tpu.memory_space<vmem_shared>> -> memref<10032x128xf32, #tpu.memory_space<vmem_shared>>
          tpu.wait_indirect_dma semaphore(%run_scoped3A_279 : memref<!tpu.dma_semaphore, #tpu.memory_space<semaphore_mem>>) src(%arg19 : memref<128x128xf32, #tpu.memory_space<vmem>>) dst(%dma_wait3A_291 : memref<10032x128xf32, #tpu.memory_space<vmem_shared>>)
          tpu.yield
        }) : () -> ()
        %dma_wait3A_271 = arith.constant 15 : i32
        %dma_wait3A_272 = arith.constant 0 : i32
        %dma_wait3A_273 = tpu.memref_slice %arg17[%dma_wait3A_271, %dma_wait3A_272] : memref<16x128xi32, #tpu.memory_space<vmem>> -> memref<1x128xi32, #tpu.memory_space<vmem>>
        %dma_wait3A_274 = tpu.memref_squeeze %dma_wait3A_273 : memref<1x128xi32, #tpu.memory_space<vmem>> -> memref<128xi32, #tpu.memory_space<vmem>>
        %dma_wait3A_275 = arith.constant 0 : i32
        %dma_wait3A_276 = arith.constant 0 : i32
        %dma_wait3A_277 = tpu.memref_slice %arg3[%dma_wait3A_275, %dma_wait3A_276] : memref<10016x128xf32, #tpu.memory_space<hbm>> -> memref<10016x128xf32, #tpu.memory_space<hbm>>
        tpu.wait_indirect_dma semaphore(%arg23 : memref<!tpu.dma_semaphore, #tpu.memory_space<semaphore_mem>>) src(%dma_wait3A_277 : memref<10016x128xf32, #tpu.memory_space<hbm>>) dst(%arg20 : memref<128x128xf32, #tpu.memory_space<vmem>>)
        %run_scoped3A_278 = arith.constant 15 : i32
        "tpu.region"() ({
          %run_scoped3A_279 = tpu.sem_alloc : memref<!tpu.dma_semaphore, #tpu.memory_space<semaphore_mem>>
          %dma_start3A_280 = arith.constant 0 : i32
          %dma_start3A_281 = tpu.memref_slice %arg18[%run_scoped3A_278, %dma_start3A_280] : memref<16x128xi32, #tpu.memory_space<vmem>> -> memref<1x128xi32, #tpu.memory_space<vmem>>
          %dma_start3A_282 = tpu.memref_squeeze %dma_start3A_281 : memref<1x128xi32, #tpu.memory_space<vmem>> -> memref<128xi32, #tpu.memory_space<vmem>>
          %dma_start3A_283 = arith.constant 0 : i32
          %dma_start3A_284 = arith.constant 0 : i32
          %dma_start3A_285 = tpu.memref_slice %arg21[%dma_start3A_283, %dma_start3A_284] : memref<10032x128xf32, #tpu.memory_space<vmem_shared>> -> memref<10032x128xf32, #tpu.memory_space<vmem_shared>>
          tpu.enqueue_indirect_dma source(%arg20 : memref<128x128xf32, #tpu.memory_space<vmem>>) target(%dma_start3A_285 : memref<10032x128xf32, #tpu.memory_space<vmem_shared>>) offsets(%dma_start3A_282 : memref<128xi32, #tpu.memory_space<vmem>>) semaphore(%run_scoped3A_279 : memref<!tpu.dma_semaphore, #tpu.memory_space<semaphore_mem>>) {add = true}
          %dma_wait3A_286 = arith.constant 0 : i32
          %dma_wait3A_287 = tpu.memref_slice %arg18[%run_scoped3A_278, %dma_wait3A_286] : memref<16x128xi32, #tpu.memory_space<vmem>> -> memref<1x128xi32, #tpu.memory_space<vmem>>
          %dma_wait3A_288 = tpu.memref_squeeze %dma_wait3A_287 : memref<1x128xi32, #tpu.memory_space<vmem>> -> memref<128xi32, #tpu.memory_space<vmem>>
          %dma_wait3A_289 = arith.constant 0 : i32
          %dma_wait3A_290 = arith.constant 0 : i32
          %dma_wait3A_291 = tpu.memref_slice %arg21[%dma_wait3A_289, %dma_wait3A_290] : memref<10032x128xf32, #tpu.memory_space<vmem_shared>> -> memref<10032x128xf32, #tpu.memory_space<vmem_shared>>
          tpu.wait_indirect_dma semaphore(%run_scoped3A_279 : memref<!tpu.dma_semaphore, #tpu.memory_space<semaphore_mem>>) src(%arg20 : memref<128x128xf32, #tpu.memory_space<vmem>>) dst(%dma_wait3A_291 : memref<10032x128xf32, #tpu.memory_space<vmem_shared>>)
          tpu.yield
        }) : () -> ()
      }
      %scan3A_20 = arith.constant 8 : i32
      %mul3A_21 = arith.constant 128 : i32
      %mul3A_22 = arith.muli %arg1, %mul3A_21 : i32
      %add3A_23 = arith.constant 512 : i32
      %add3A_24 = arith.addi %add3A_23, %mul3A_22 : i32
      %scan3A_25 = arith.constant 0 : i32
      %scan3A_26 = arith.constant 0 : i32
      %scan3A_27 = arith.constant 8 : i32
      %scan3A_28 = arith.addi %scan3A_26, %scan3A_27 : i32
      %scan3A_29 = arith.constant 1 : i32
      scf.for %scan3A_38 = %scan3A_26 to %scan3A_28 step %scan3A_29  : i32 {
        %mul3A_39 = arith.constant 16 : i32
        %mul3A_40 = arith.muli %scan3A_38, %mul3A_39 : i32
        %add3A_41 = arith.addi %add3A_24, %mul3A_40 : i32
        "tpu.region"() ({
          %run_scoped3A_279 = tpu.sem_alloc : memref<!tpu.dma_semaphore, #tpu.memory_space<semaphore_mem>>
          %dma_start3A_280 = arith.constant 0 : i32
          %dma_start3A_281 = tpu.memref_slice %arg12[%add3A_41, %dma_start3A_280] : memref<2560x128xi32, #tpu.memory_space<hbm>> -> memref<16x128xi32, #tpu.memory_space<hbm>>
          %dma_start3A_282 = arith.constant 0 : i32
          %dma_start3A_283 = tpu.memref_slice %arg12[%add3A_41, %dma_start3A_282] : memref<2560x128xi32, #tpu.memory_space<hbm>> -> memref<16x128xi32, #tpu.memory_space<hbm>>
          tpu.enqueue_dma source(%dma_start3A_283 : memref<16x128xi32, #tpu.memory_space<hbm>>) target(%arg17 : memref<16x128xi32, #tpu.memory_space<vmem>>) target_semaphore(%run_scoped3A_279 : memref<!tpu.dma_semaphore, #tpu.memory_space<semaphore_mem>>)
          %dma_wait3A_284 = arith.constant 0 : i32
          %dma_wait3A_285 = tpu.memref_slice %arg12[%add3A_41, %dma_wait3A_284] : memref<2560x128xi32, #tpu.memory_space<hbm>> -> memref<16x128xi32, #tpu.memory_space<hbm>>
          %dma_wait3A_286 = arith.constant 0 : i32
          %dma_wait3A_287 = tpu.memref_slice %arg12[%add3A_41, %dma_wait3A_286] : memref<2560x128xi32, #tpu.memory_space<hbm>> -> memref<16x128xi32, #tpu.memory_space<hbm>>
          tpu.wait_dma2 semaphore(%run_scoped3A_279 : memref<!tpu.dma_semaphore, #tpu.memory_space<semaphore_mem>>) src(%dma_wait3A_287 : memref<16x128xi32, #tpu.memory_space<hbm>>) dst(%arg17 : memref<16x128xi32, #tpu.memory_space<vmem>>)
          tpu.yield
        }) : () -> ()
        "tpu.region"() ({
          %run_scoped3A_279 = tpu.sem_alloc : memref<!tpu.dma_semaphore, #tpu.memory_space<semaphore_mem>>
          %dma_start3A_280 = arith.constant 0 : i32
          %dma_start3A_281 = tpu.memref_slice %arg13[%add3A_41, %dma_start3A_280] : memref<2560x128xi32, #tpu.memory_space<hbm>> -> memref<16x128xi32, #tpu.memory_space<hbm>>
          %dma_start3A_282 = arith.constant 0 : i32
          %dma_start3A_283 = tpu.memref_slice %arg13[%add3A_41, %dma_start3A_282] : memref<2560x128xi32, #tpu.memory_space<hbm>> -> memref<16x128xi32, #tpu.memory_space<hbm>>
          tpu.enqueue_dma source(%dma_start3A_283 : memref<16x128xi32, #tpu.memory_space<hbm>>) target(%arg18 : memref<16x128xi32, #tpu.memory_space<vmem>>) target_semaphore(%run_scoped3A_279 : memref<!tpu.dma_semaphore, #tpu.memory_space<semaphore_mem>>)
          %dma_wait3A_284 = arith.constant 0 : i32
          %dma_wait3A_285 = tpu.memref_slice %arg13[%add3A_41, %dma_wait3A_284] : memref<2560x128xi32, #tpu.memory_space<hbm>> -> memref<16x128xi32, #tpu.memory_space<hbm>>
          %dma_wait3A_286 = arith.constant 0 : i32
          %dma_wait3A_287 = tpu.memref_slice %arg13[%add3A_41, %dma_wait3A_286] : memref<2560x128xi32, #tpu.memory_space<hbm>> -> memref<16x128xi32, #tpu.memory_space<hbm>>
          tpu.wait_dma2 semaphore(%run_scoped3A_279 : memref<!tpu.dma_semaphore, #tpu.memory_space<semaphore_mem>>) src(%dma_wait3A_287 : memref<16x128xi32, #tpu.memory_space<hbm>>) dst(%arg18 : memref<16x128xi32, #tpu.memory_space<vmem>>)
          tpu.yield
        }) : () -> ()
        %dma_start3A = arith.constant 0 : i32
        %dma_start3A_42 = arith.constant 0 : i32
        %dma_start3A_43 = tpu.memref_slice %arg17[%dma_start3A, %dma_start3A_42] : memref<16x128xi32, #tpu.memory_space<vmem>> -> memref<1x128xi32, #tpu.memory_space<vmem>>
        %dma_start3A_44 = tpu.memref_squeeze %dma_start3A_43 : memref<1x128xi32, #tpu.memory_space<vmem>> -> memref<128xi32, #tpu.memory_space<vmem>>
        %dma_start3A_45 = arith.constant 0 : i32
        %dma_start3A_46 = arith.constant 0 : i32
        %dma_start3A_47 = tpu.memref_slice %arg4[%dma_start3A_45, %dma_start3A_46] : memref<10016x128xf32, #tpu.memory_space<hbm>> -> memref<10016x128xf32, #tpu.memory_space<hbm>>
        tpu.enqueue_indirect_dma source(%dma_start3A_47 : memref<10016x128xf32, #tpu.memory_space<hbm>>) target(%arg19 : memref<128x128xf32, #tpu.memory_space<vmem>>) offsets(%dma_start3A_44 : memref<128xi32, #tpu.memory_space<vmem>>) semaphore(%arg22 : memref<!tpu.dma_semaphore, #tpu.memory_space<semaphore_mem>>)
        %dma_wait3A = arith.constant 0 : i32
        %dma_wait3A_48 = arith.constant 0 : i32
        %dma_wait3A_49 = tpu.memref_slice %arg17[%dma_wait3A, %dma_wait3A_48] : memref<16x128xi32, #tpu.memory_space<vmem>> -> memref<1x128xi32, #tpu.memory_space<vmem>>
        %dma_wait3A_50 = tpu.memref_squeeze %dma_wait3A_49 : memref<1x128xi32, #tpu.memory_space<vmem>> -> memref<128xi32, #tpu.memory_space<vmem>>
        %dma_wait3A_51 = arith.constant 0 : i32
        %dma_wait3A_52 = arith.constant 0 : i32
        %dma_wait3A_53 = tpu.memref_slice %arg4[%dma_wait3A_51, %dma_wait3A_52] : memref<10016x128xf32, #tpu.memory_space<hbm>> -> memref<10016x128xf32, #tpu.memory_space<hbm>>
        tpu.wait_indirect_dma semaphore(%arg22 : memref<!tpu.dma_semaphore, #tpu.memory_space<semaphore_mem>>) src(%dma_wait3A_53 : memref<10016x128xf32, #tpu.memory_space<hbm>>) dst(%arg19 : memref<128x128xf32, #tpu.memory_space<vmem>>)
        %dma_start3A_54 = arith.constant 1 : i32
        %dma_start3A_55 = arith.constant 0 : i32
        %dma_start3A_56 = tpu.memref_slice %arg17[%dma_start3A_54, %dma_start3A_55] : memref<16x128xi32, #tpu.memory_space<vmem>> -> memref<1x128xi32, #tpu.memory_space<vmem>>
        %dma_start3A_57 = tpu.memref_squeeze %dma_start3A_56 : memref<1x128xi32, #tpu.memory_space<vmem>> -> memref<128xi32, #tpu.memory_space<vmem>>
        %dma_start3A_58 = arith.constant 0 : i32
        %dma_start3A_59 = arith.constant 0 : i32
        %dma_start3A_60 = tpu.memref_slice %arg4[%dma_start3A_58, %dma_start3A_59] : memref<10016x128xf32, #tpu.memory_space<hbm>> -> memref<10016x128xf32, #tpu.memory_space<hbm>>
        tpu.enqueue_indirect_dma source(%dma_start3A_60 : memref<10016x128xf32, #tpu.memory_space<hbm>>) target(%arg20 : memref<128x128xf32, #tpu.memory_space<vmem>>) offsets(%dma_start3A_57 : memref<128xi32, #tpu.memory_space<vmem>>) semaphore(%arg23 : memref<!tpu.dma_semaphore, #tpu.memory_space<semaphore_mem>>)
        %run_scoped3A = arith.constant 0 : i32
        "tpu.region"() ({
          %run_scoped3A_279 = tpu.sem_alloc : memref<!tpu.dma_semaphore, #tpu.memory_space<semaphore_mem>>
          %dma_start3A_280 = arith.constant 0 : i32
          %dma_start3A_281 = tpu.memref_slice %arg18[%run_scoped3A, %dma_start3A_280] : memref<16x128xi32, #tpu.memory_space<vmem>> -> memref<1x128xi32, #tpu.memory_space<vmem>>
          %dma_start3A_282 = tpu.memref_squeeze %dma_start3A_281 : memref<1x128xi32, #tpu.memory_space<vmem>> -> memref<128xi32, #tpu.memory_space<vmem>>
          %dma_start3A_283 = arith.constant 0 : i32
          %dma_start3A_284 = arith.constant 0 : i32
          %dma_start3A_285 = tpu.memref_slice %arg21[%dma_start3A_283, %dma_start3A_284] : memref<10032x128xf32, #tpu.memory_space<vmem_shared>> -> memref<10032x128xf32, #tpu.memory_space<vmem_shared>>
          tpu.enqueue_indirect_dma source(%arg19 : memref<128x128xf32, #tpu.memory_space<vmem>>) target(%dma_start3A_285 : memref<10032x128xf32, #tpu.memory_space<vmem_shared>>) offsets(%dma_start3A_282 : memref<128xi32, #tpu.memory_space<vmem>>) semaphore(%run_scoped3A_279 : memref<!tpu.dma_semaphore, #tpu.memory_space<semaphore_mem>>) {add = true}
          %dma_wait3A_286 = arith.constant 0 : i32
          %dma_wait3A_287 = tpu.memref_slice %arg18[%run_scoped3A, %dma_wait3A_286] : memref<16x128xi32, #tpu.memory_space<vmem>> -> memref<1x128xi32, #tpu.memory_space<vmem>>
          %dma_wait3A_288 = tpu.memref_squeeze %dma_wait3A_287 : memref<1x128xi32, #tpu.memory_space<vmem>> -> memref<128xi32, #tpu.memory_space<vmem>>
          %dma_wait3A_289 = arith.constant 0 : i32
          %dma_wait3A_290 = arith.constant 0 : i32
          %dma_wait3A_291 = tpu.memref_slice %arg21[%dma_wait3A_289, %dma_wait3A_290] : memref<10032x128xf32, #tpu.memory_space<vmem_shared>> -> memref<10032x128xf32, #tpu.memory_space<vmem_shared>>
          tpu.wait_indirect_dma semaphore(%run_scoped3A_279 : memref<!tpu.dma_semaphore, #tpu.memory_space<semaphore_mem>>) src(%arg19 : memref<128x128xf32, #tpu.memory_space<vmem>>) dst(%dma_wait3A_291 : memref<10032x128xf32, #tpu.memory_space<vmem_shared>>)
          tpu.yield
        }) : () -> ()
        %dma_wait3A_61 = arith.constant 1 : i32
        %dma_wait3A_62 = arith.constant 0 : i32
        %dma_wait3A_63 = tpu.memref_slice %arg17[%dma_wait3A_61, %dma_wait3A_62] : memref<16x128xi32, #tpu.memory_space<vmem>> -> memref<1x128xi32, #tpu.memory_space<vmem>>
        %dma_wait3A_64 = tpu.memref_squeeze %dma_wait3A_63 : memref<1x128xi32, #tpu.memory_space<vmem>> -> memref<128xi32, #tpu.memory_space<vmem>>
        %dma_wait3A_65 = arith.constant 0 : i32
        %dma_wait3A_66 = arith.constant 0 : i32
        %dma_wait3A_67 = tpu.memref_slice %arg4[%dma_wait3A_65, %dma_wait3A_66] : memref<10016x128xf32, #tpu.memory_space<hbm>> -> memref<10016x128xf32, #tpu.memory_space<hbm>>
        tpu.wait_indirect_dma semaphore(%arg23 : memref<!tpu.dma_semaphore, #tpu.memory_space<semaphore_mem>>) src(%dma_wait3A_67 : memref<10016x128xf32, #tpu.memory_space<hbm>>) dst(%arg20 : memref<128x128xf32, #tpu.memory_space<vmem>>)
        %dma_start3A_68 = arith.constant 2 : i32
        %dma_start3A_69 = arith.constant 0 : i32
        %dma_start3A_70 = tpu.memref_slice %arg17[%dma_start3A_68, %dma_start3A_69] : memref<16x128xi32, #tpu.memory_space<vmem>> -> memref<1x128xi32, #tpu.memory_space<vmem>>
        %dma_start3A_71 = tpu.memref_squeeze %dma_start3A_70 : memref<1x128xi32, #tpu.memory_space<vmem>> -> memref<128xi32, #tpu.memory_space<vmem>>
        %dma_start3A_72 = arith.constant 0 : i32
        %dma_start3A_73 = arith.constant 0 : i32
        %dma_start3A_74 = tpu.memref_slice %arg4[%dma_start3A_72, %dma_start3A_73] : memref<10016x128xf32, #tpu.memory_space<hbm>> -> memref<10016x128xf32, #tpu.memory_space<hbm>>
        tpu.enqueue_indirect_dma source(%dma_start3A_74 : memref<10016x128xf32, #tpu.memory_space<hbm>>) target(%arg19 : memref<128x128xf32, #tpu.memory_space<vmem>>) offsets(%dma_start3A_71 : memref<128xi32, #tpu.memory_space<vmem>>) semaphore(%arg22 : memref<!tpu.dma_semaphore, #tpu.memory_space<semaphore_mem>>)
        %run_scoped3A_75 = arith.constant 1 : i32
        "tpu.region"() ({
          %run_scoped3A_279 = tpu.sem_alloc : memref<!tpu.dma_semaphore, #tpu.memory_space<semaphore_mem>>
          %dma_start3A_280 = arith.constant 0 : i32
          %dma_start3A_281 = tpu.memref_slice %arg18[%run_scoped3A_75, %dma_start3A_280] : memref<16x128xi32, #tpu.memory_space<vmem>> -> memref<1x128xi32, #tpu.memory_space<vmem>>
          %dma_start3A_282 = tpu.memref_squeeze %dma_start3A_281 : memref<1x128xi32, #tpu.memory_space<vmem>> -> memref<128xi32, #tpu.memory_space<vmem>>
          %dma_start3A_283 = arith.constant 0 : i32
          %dma_start3A_284 = arith.constant 0 : i32
          %dma_start3A_285 = tpu.memref_slice %arg21[%dma_start3A_283, %dma_start3A_284] : memref<10032x128xf32, #tpu.memory_space<vmem_shared>> -> memref<10032x128xf32, #tpu.memory_space<vmem_shared>>
          tpu.enqueue_indirect_dma source(%arg20 : memref<128x128xf32, #tpu.memory_space<vmem>>) target(%dma_start3A_285 : memref<10032x128xf32, #tpu.memory_space<vmem_shared>>) offsets(%dma_start3A_282 : memref<128xi32, #tpu.memory_space<vmem>>) semaphore(%run_scoped3A_279 : memref<!tpu.dma_semaphore, #tpu.memory_space<semaphore_mem>>) {add = true}
          %dma_wait3A_286 = arith.constant 0 : i32
          %dma_wait3A_287 = tpu.memref_slice %arg18[%run_scoped3A_75, %dma_wait3A_286] : memref<16x128xi32, #tpu.memory_space<vmem>> -> memref<1x128xi32, #tpu.memory_space<vmem>>
          %dma_wait3A_288 = tpu.memref_squeeze %dma_wait3A_287 : memref<1x128xi32, #tpu.memory_space<vmem>> -> memref<128xi32, #tpu.memory_space<vmem>>
          %dma_wait3A_289 = arith.constant 0 : i32
          %dma_wait3A_290 = arith.constant 0 : i32
          %dma_wait3A_291 = tpu.memref_slice %arg21[%dma_wait3A_289, %dma_wait3A_290] : memref<10032x128xf32, #tpu.memory_space<vmem_shared>> -> memref<10032x128xf32, #tpu.memory_space<vmem_shared>>
          tpu.wait_indirect_dma semaphore(%run_scoped3A_279 : memref<!tpu.dma_semaphore, #tpu.memory_space<semaphore_mem>>) src(%arg20 : memref<128x128xf32, #tpu.memory_space<vmem>>) dst(%dma_wait3A_291 : memref<10032x128xf32, #tpu.memory_space<vmem_shared>>)
          tpu.yield
        }) : () -> ()
        %dma_wait3A_76 = arith.constant 2 : i32
        %dma_wait3A_77 = arith.constant 0 : i32
        %dma_wait3A_78 = tpu.memref_slice %arg17[%dma_wait3A_76, %dma_wait3A_77] : memref<16x128xi32, #tpu.memory_space<vmem>> -> memref<1x128xi32, #tpu.memory_space<vmem>>
        %dma_wait3A_79 = tpu.memref_squeeze %dma_wait3A_78 : memref<1x128xi32, #tpu.memory_space<vmem>> -> memref<128xi32, #tpu.memory_space<vmem>>
        %dma_wait3A_80 = arith.constant 0 : i32
        %dma_wait3A_81 = arith.constant 0 : i32
        %dma_wait3A_82 = tpu.memref_slice %arg4[%dma_wait3A_80, %dma_wait3A_81] : memref<10016x128xf32, #tpu.memory_space<hbm>> -> memref<10016x128xf32, #tpu.memory_space<hbm>>
        tpu.wait_indirect_dma semaphore(%arg22 : memref<!tpu.dma_semaphore, #tpu.memory_space<semaphore_mem>>) src(%dma_wait3A_82 : memref<10016x128xf32, #tpu.memory_space<hbm>>) dst(%arg19 : memref<128x128xf32, #tpu.memory_space<vmem>>)
        %dma_start3A_83 = arith.constant 3 : i32
        %dma_start3A_84 = arith.constant 0 : i32
        %dma_start3A_85 = tpu.memref_slice %arg17[%dma_start3A_83, %dma_start3A_84] : memref<16x128xi32, #tpu.memory_space<vmem>> -> memref<1x128xi32, #tpu.memory_space<vmem>>
        %dma_start3A_86 = tpu.memref_squeeze %dma_start3A_85 : memref<1x128xi32, #tpu.memory_space<vmem>> -> memref<128xi32, #tpu.memory_space<vmem>>
        %dma_start3A_87 = arith.constant 0 : i32
        %dma_start3A_88 = arith.constant 0 : i32
        %dma_start3A_89 = tpu.memref_slice %arg4[%dma_start3A_87, %dma_start3A_88] : memref<10016x128xf32, #tpu.memory_space<hbm>> -> memref<10016x128xf32, #tpu.memory_space<hbm>>
        tpu.enqueue_indirect_dma source(%dma_start3A_89 : memref<10016x128xf32, #tpu.memory_space<hbm>>) target(%arg20 : memref<128x128xf32, #tpu.memory_space<vmem>>) offsets(%dma_start3A_86 : memref<128xi32, #tpu.memory_space<vmem>>) semaphore(%arg23 : memref<!tpu.dma_semaphore, #tpu.memory_space<semaphore_mem>>)
        %run_scoped3A_90 = arith.constant 2 : i32
        "tpu.region"() ({
          %run_scoped3A_279 = tpu.sem_alloc : memref<!tpu.dma_semaphore, #tpu.memory_space<semaphore_mem>>
          %dma_start3A_280 = arith.constant 0 : i32
          %dma_start3A_281 = tpu.memref_slice %arg18[%run_scoped3A_90, %dma_start3A_280] : memref<16x128xi32, #tpu.memory_space<vmem>> -> memref<1x128xi32, #tpu.memory_space<vmem>>
          %dma_start3A_282 = tpu.memref_squeeze %dma_start3A_281 : memref<1x128xi32, #tpu.memory_space<vmem>> -> memref<128xi32, #tpu.memory_space<vmem>>
          %dma_start3A_283 = arith.constant 0 : i32
          %dma_start3A_284 = arith.constant 0 : i32
          %dma_start3A_285 = tpu.memref_slice %arg21[%dma_start3A_283, %dma_start3A_284] : memref<10032x128xf32, #tpu.memory_space<vmem_shared>> -> memref<10032x128xf32, #tpu.memory_space<vmem_shared>>
          tpu.enqueue_indirect_dma source(%arg19 : memref<128x128xf32, #tpu.memory_space<vmem>>) target(%dma_start3A_285 : memref<10032x128xf32, #tpu.memory_space<vmem_shared>>) offsets(%dma_start3A_282 : memref<128xi32, #tpu.memory_space<vmem>>) semaphore(%run_scoped3A_279 : memref<!tpu.dma_semaphore, #tpu.memory_space<semaphore_mem>>) {add = true}
          %dma_wait3A_286 = arith.constant 0 : i32
          %dma_wait3A_287 = tpu.memref_slice %arg18[%run_scoped3A_90, %dma_wait3A_286] : memref<16x128xi32, #tpu.memory_space<vmem>> -> memref<1x128xi32, #tpu.memory_space<vmem>>
          %dma_wait3A_288 = tpu.memref_squeeze %dma_wait3A_287 : memref<1x128xi32, #tpu.memory_space<vmem>> -> memref<128xi32, #tpu.memory_space<vmem>>
          %dma_wait3A_289 = arith.constant 0 : i32
          %dma_wait3A_290 = arith.constant 0 : i32
          %dma_wait3A_291 = tpu.memref_slice %arg21[%dma_wait3A_289, %dma_wait3A_290] : memref<10032x128xf32, #tpu.memory_space<vmem_shared>> -> memref<10032x128xf32, #tpu.memory_space<vmem_shared>>
          tpu.wait_indirect_dma semaphore(%run_scoped3A_279 : memref<!tpu.dma_semaphore, #tpu.memory_space<semaphore_mem>>) src(%arg19 : memref<128x128xf32, #tpu.memory_space<vmem>>) dst(%dma_wait3A_291 : memref<10032x128xf32, #tpu.memory_space<vmem_shared>>)
          tpu.yield
        }) : () -> ()
        %dma_wait3A_91 = arith.constant 3 : i32
        %dma_wait3A_92 = arith.constant 0 : i32
        %dma_wait3A_93 = tpu.memref_slice %arg17[%dma_wait3A_91, %dma_wait3A_92] : memref<16x128xi32, #tpu.memory_space<vmem>> -> memref<1x128xi32, #tpu.memory_space<vmem>>
        %dma_wait3A_94 = tpu.memref_squeeze %dma_wait3A_93 : memref<1x128xi32, #tpu.memory_space<vmem>> -> memref<128xi32, #tpu.memory_space<vmem>>
        %dma_wait3A_95 = arith.constant 0 : i32
        %dma_wait3A_96 = arith.constant 0 : i32
        %dma_wait3A_97 = tpu.memref_slice %arg4[%dma_wait3A_95, %dma_wait3A_96] : memref<10016x128xf32, #tpu.memory_space<hbm>> -> memref<10016x128xf32, #tpu.memory_space<hbm>>
        tpu.wait_indirect_dma semaphore(%arg23 : memref<!tpu.dma_semaphore, #tpu.memory_space<semaphore_mem>>) src(%dma_wait3A_97 : memref<10016x128xf32, #tpu.memory_space<hbm>>) dst(%arg20 : memref<128x128xf32, #tpu.memory_space<vmem>>)
        %dma_start3A_98 = arith.constant 4 : i32
        %dma_start3A_99 = arith.constant 0 : i32
        %dma_start3A_100 = tpu.memref_slice %arg17[%dma_start3A_98, %dma_start3A_99] : memref<16x128xi32, #tpu.memory_space<vmem>> -> memref<1x128xi32, #tpu.memory_space<vmem>>
        %dma_start3A_101 = tpu.memref_squeeze %dma_start3A_100 : memref<1x128xi32, #tpu.memory_space<vmem>> -> memref<128xi32, #tpu.memory_space<vmem>>
        %dma_start3A_102 = arith.constant 0 : i32
        %dma_start3A_103 = arith.constant 0 : i32
        %dma_start3A_104 = tpu.memref_slice %arg4[%dma_start3A_102, %dma_start3A_103] : memref<10016x128xf32, #tpu.memory_space<hbm>> -> memref<10016x128xf32, #tpu.memory_space<hbm>>
        tpu.enqueue_indirect_dma source(%dma_start3A_104 : memref<10016x128xf32, #tpu.memory_space<hbm>>) target(%arg19 : memref<128x128xf32, #tpu.memory_space<vmem>>) offsets(%dma_start3A_101 : memref<128xi32, #tpu.memory_space<vmem>>) semaphore(%arg22 : memref<!tpu.dma_semaphore, #tpu.memory_space<semaphore_mem>>)
        %run_scoped3A_105 = arith.constant 3 : i32
        "tpu.region"() ({
          %run_scoped3A_279 = tpu.sem_alloc : memref<!tpu.dma_semaphore, #tpu.memory_space<semaphore_mem>>
          %dma_start3A_280 = arith.constant 0 : i32
          %dma_start3A_281 = tpu.memref_slice %arg18[%run_scoped3A_105, %dma_start3A_280] : memref<16x128xi32, #tpu.memory_space<vmem>> -> memref<1x128xi32, #tpu.memory_space<vmem>>
          %dma_start3A_282 = tpu.memref_squeeze %dma_start3A_281 : memref<1x128xi32, #tpu.memory_space<vmem>> -> memref<128xi32, #tpu.memory_space<vmem>>
          %dma_start3A_283 = arith.constant 0 : i32
          %dma_start3A_284 = arith.constant 0 : i32
          %dma_start3A_285 = tpu.memref_slice %arg21[%dma_start3A_283, %dma_start3A_284] : memref<10032x128xf32, #tpu.memory_space<vmem_shared>> -> memref<10032x128xf32, #tpu.memory_space<vmem_shared>>
          tpu.enqueue_indirect_dma source(%arg20 : memref<128x128xf32, #tpu.memory_space<vmem>>) target(%dma_start3A_285 : memref<10032x128xf32, #tpu.memory_space<vmem_shared>>) offsets(%dma_start3A_282 : memref<128xi32, #tpu.memory_space<vmem>>) semaphore(%run_scoped3A_279 : memref<!tpu.dma_semaphore, #tpu.memory_space<semaphore_mem>>) {add = true}
          %dma_wait3A_286 = arith.constant 0 : i32
          %dma_wait3A_287 = tpu.memref_slice %arg18[%run_scoped3A_105, %dma_wait3A_286] : memref<16x128xi32, #tpu.memory_space<vmem>> -> memref<1x128xi32, #tpu.memory_space<vmem>>
          %dma_wait3A_288 = tpu.memref_squeeze %dma_wait3A_287 : memref<1x128xi32, #tpu.memory_space<vmem>> -> memref<128xi32, #tpu.memory_space<vmem>>
          %dma_wait3A_289 = arith.constant 0 : i32
          %dma_wait3A_290 = arith.constant 0 : i32
          %dma_wait3A_291 = tpu.memref_slice %arg21[%dma_wait3A_289, %dma_wait3A_290] : memref<10032x128xf32, #tpu.memory_space<vmem_shared>> -> memref<10032x128xf32, #tpu.memory_space<vmem_shared>>
          tpu.wait_indirect_dma semaphore(%run_scoped3A_279 : memref<!tpu.dma_semaphore, #tpu.memory_space<semaphore_mem>>) src(%arg20 : memref<128x128xf32, #tpu.memory_space<vmem>>) dst(%dma_wait3A_291 : memref<10032x128xf32, #tpu.memory_space<vmem_shared>>)
          tpu.yield
        }) : () -> ()
        %dma_wait3A_106 = arith.constant 4 : i32
        %dma_wait3A_107 = arith.constant 0 : i32
        %dma_wait3A_108 = tpu.memref_slice %arg17[%dma_wait3A_106, %dma_wait3A_107] : memref<16x128xi32, #tpu.memory_space<vmem>> -> memref<1x128xi32, #tpu.memory_space<vmem>>
        %dma_wait3A_109 = tpu.memref_squeeze %dma_wait3A_108 : memref<1x128xi32, #tpu.memory_space<vmem>> -> memref<128xi32, #tpu.memory_space<vmem>>
        %dma_wait3A_110 = arith.constant 0 : i32
        %dma_wait3A_111 = arith.constant 0 : i32
        %dma_wait3A_112 = tpu.memref_slice %arg4[%dma_wait3A_110, %dma_wait3A_111] : memref<10016x128xf32, #tpu.memory_space<hbm>> -> memref<10016x128xf32, #tpu.memory_space<hbm>>
        tpu.wait_indirect_dma semaphore(%arg22 : memref<!tpu.dma_semaphore, #tpu.memory_space<semaphore_mem>>) src(%dma_wait3A_112 : memref<10016x128xf32, #tpu.memory_space<hbm>>) dst(%arg19 : memref<128x128xf32, #tpu.memory_space<vmem>>)
        %dma_start3A_113 = arith.constant 5 : i32
        %dma_start3A_114 = arith.constant 0 : i32
        %dma_start3A_115 = tpu.memref_slice %arg17[%dma_start3A_113, %dma_start3A_114] : memref<16x128xi32, #tpu.memory_space<vmem>> -> memref<1x128xi32, #tpu.memory_space<vmem>>
        %dma_start3A_116 = tpu.memref_squeeze %dma_start3A_115 : memref<1x128xi32, #tpu.memory_space<vmem>> -> memref<128xi32, #tpu.memory_space<vmem>>
        %dma_start3A_117 = arith.constant 0 : i32
        %dma_start3A_118 = arith.constant 0 : i32
        %dma_start3A_119 = tpu.memref_slice %arg4[%dma_start3A_117, %dma_start3A_118] : memref<10016x128xf32, #tpu.memory_space<hbm>> -> memref<10016x128xf32, #tpu.memory_space<hbm>>
        tpu.enqueue_indirect_dma source(%dma_start3A_119 : memref<10016x128xf32, #tpu.memory_space<hbm>>) target(%arg20 : memref<128x128xf32, #tpu.memory_space<vmem>>) offsets(%dma_start3A_116 : memref<128xi32, #tpu.memory_space<vmem>>) semaphore(%arg23 : memref<!tpu.dma_semaphore, #tpu.memory_space<semaphore_mem>>)
        %run_scoped3A_120 = arith.constant 4 : i32
        "tpu.region"() ({
          %run_scoped3A_279 = tpu.sem_alloc : memref<!tpu.dma_semaphore, #tpu.memory_space<semaphore_mem>>
          %dma_start3A_280 = arith.constant 0 : i32
          %dma_start3A_281 = tpu.memref_slice %arg18[%run_scoped3A_120, %dma_start3A_280] : memref<16x128xi32, #tpu.memory_space<vmem>> -> memref<1x128xi32, #tpu.memory_space<vmem>>
          %dma_start3A_282 = tpu.memref_squeeze %dma_start3A_281 : memref<1x128xi32, #tpu.memory_space<vmem>> -> memref<128xi32, #tpu.memory_space<vmem>>
          %dma_start3A_283 = arith.constant 0 : i32
          %dma_start3A_284 = arith.constant 0 : i32
          %dma_start3A_285 = tpu.memref_slice %arg21[%dma_start3A_283, %dma_start3A_284] : memref<10032x128xf32, #tpu.memory_space<vmem_shared>> -> memref<10032x128xf32, #tpu.memory_space<vmem_shared>>
          tpu.enqueue_indirect_dma source(%arg19 : memref<128x128xf32, #tpu.memory_space<vmem>>) target(%dma_start3A_285 : memref<10032x128xf32, #tpu.memory_space<vmem_shared>>) offsets(%dma_start3A_282 : memref<128xi32, #tpu.memory_space<vmem>>) semaphore(%run_scoped3A_279 : memref<!tpu.dma_semaphore, #tpu.memory_space<semaphore_mem>>) {add = true}
          %dma_wait3A_286 = arith.constant 0 : i32
          %dma_wait3A_287 = tpu.memref_slice %arg18[%run_scoped3A_120, %dma_wait3A_286] : memref<16x128xi32, #tpu.memory_space<vmem>> -> memref<1x128xi32, #tpu.memory_space<vmem>>
          %dma_wait3A_288 = tpu.memref_squeeze %dma_wait3A_287 : memref<1x128xi32, #tpu.memory_space<vmem>> -> memref<128xi32, #tpu.memory_space<vmem>>
          %dma_wait3A_289 = arith.constant 0 : i32
          %dma_wait3A_290 = arith.constant 0 : i32
          %dma_wait3A_291 = tpu.memref_slice %arg21[%dma_wait3A_289, %dma_wait3A_290] : memref<10032x128xf32, #tpu.memory_space<vmem_shared>> -> memref<10032x128xf32, #tpu.memory_space<vmem_shared>>
          tpu.wait_indirect_dma semaphore(%run_scoped3A_279 : memref<!tpu.dma_semaphore, #tpu.memory_space<semaphore_mem>>) src(%arg19 : memref<128x128xf32, #tpu.memory_space<vmem>>) dst(%dma_wait3A_291 : memref<10032x128xf32, #tpu.memory_space<vmem_shared>>)
          tpu.yield
        }) : () -> ()
        %dma_wait3A_121 = arith.constant 5 : i32
        %dma_wait3A_122 = arith.constant 0 : i32
        %dma_wait3A_123 = tpu.memref_slice %arg17[%dma_wait3A_121, %dma_wait3A_122] : memref<16x128xi32, #tpu.memory_space<vmem>> -> memref<1x128xi32, #tpu.memory_space<vmem>>
        %dma_wait3A_124 = tpu.memref_squeeze %dma_wait3A_123 : memref<1x128xi32, #tpu.memory_space<vmem>> -> memref<128xi32, #tpu.memory_space<vmem>>
        %dma_wait3A_125 = arith.constant 0 : i32
        %dma_wait3A_126 = arith.constant 0 : i32
        %dma_wait3A_127 = tpu.memref_slice %arg4[%dma_wait3A_125, %dma_wait3A_126] : memref<10016x128xf32, #tpu.memory_space<hbm>> -> memref<10016x128xf32, #tpu.memory_space<hbm>>
        tpu.wait_indirect_dma semaphore(%arg23 : memref<!tpu.dma_semaphore, #tpu.memory_space<semaphore_mem>>) src(%dma_wait3A_127 : memref<10016x128xf32, #tpu.memory_space<hbm>>) dst(%arg20 : memref<128x128xf32, #tpu.memory_space<vmem>>)
        %dma_start3A_128 = arith.constant 6 : i32
        %dma_start3A_129 = arith.constant 0 : i32
        %dma_start3A_130 = tpu.memref_slice %arg17[%dma_start3A_128, %dma_start3A_129] : memref<16x128xi32, #tpu.memory_space<vmem>> -> memref<1x128xi32, #tpu.memory_space<vmem>>
        %dma_start3A_131 = tpu.memref_squeeze %dma_start3A_130 : memref<1x128xi32, #tpu.memory_space<vmem>> -> memref<128xi32, #tpu.memory_space<vmem>>
        %dma_start3A_132 = arith.constant 0 : i32
        %dma_start3A_133 = arith.constant 0 : i32
        %dma_start3A_134 = tpu.memref_slice %arg4[%dma_start3A_132, %dma_start3A_133] : memref<10016x128xf32, #tpu.memory_space<hbm>> -> memref<10016x128xf32, #tpu.memory_space<hbm>>
        tpu.enqueue_indirect_dma source(%dma_start3A_134 : memref<10016x128xf32, #tpu.memory_space<hbm>>) target(%arg19 : memref<128x128xf32, #tpu.memory_space<vmem>>) offsets(%dma_start3A_131 : memref<128xi32, #tpu.memory_space<vmem>>) semaphore(%arg22 : memref<!tpu.dma_semaphore, #tpu.memory_space<semaphore_mem>>)
        %run_scoped3A_135 = arith.constant 5 : i32
        "tpu.region"() ({
          %run_scoped3A_279 = tpu.sem_alloc : memref<!tpu.dma_semaphore, #tpu.memory_space<semaphore_mem>>
          %dma_start3A_280 = arith.constant 0 : i32
          %dma_start3A_281 = tpu.memref_slice %arg18[%run_scoped3A_135, %dma_start3A_280] : memref<16x128xi32, #tpu.memory_space<vmem>> -> memref<1x128xi32, #tpu.memory_space<vmem>>
          %dma_start3A_282 = tpu.memref_squeeze %dma_start3A_281 : memref<1x128xi32, #tpu.memory_space<vmem>> -> memref<128xi32, #tpu.memory_space<vmem>>
          %dma_start3A_283 = arith.constant 0 : i32
          %dma_start3A_284 = arith.constant 0 : i32
          %dma_start3A_285 = tpu.memref_slice %arg21[%dma_start3A_283, %dma_start3A_284] : memref<10032x128xf32, #tpu.memory_space<vmem_shared>> -> memref<10032x128xf32, #tpu.memory_space<vmem_shared>>
          tpu.enqueue_indirect_dma source(%arg20 : memref<128x128xf32, #tpu.memory_space<vmem>>) target(%dma_start3A_285 : memref<10032x128xf32, #tpu.memory_space<vmem_shared>>) offsets(%dma_start3A_282 : memref<128xi32, #tpu.memory_space<vmem>>) semaphore(%run_scoped3A_279 : memref<!tpu.dma_semaphore, #tpu.memory_space<semaphore_mem>>) {add = true}
          %dma_wait3A_286 = arith.constant 0 : i32
          %dma_wait3A_287 = tpu.memref_slice %arg18[%run_scoped3A_135, %dma_wait3A_286] : memref<16x128xi32, #tpu.memory_space<vmem>> -> memref<1x128xi32, #tpu.memory_space<vmem>>
          %dma_wait3A_288 = tpu.memref_squeeze %dma_wait3A_287 : memref<1x128xi32, #tpu.memory_space<vmem>> -> memref<128xi32, #tpu.memory_space<vmem>>
          %dma_wait3A_289 = arith.constant 0 : i32
          %dma_wait3A_290 = arith.constant 0 : i32
          %dma_wait3A_291 = tpu.memref_slice %arg21[%dma_wait3A_289, %dma_wait3A_290] : memref<10032x128xf32, #tpu.memory_space<vmem_shared>> -> memref<10032x128xf32, #tpu.memory_space<vmem_shared>>
          tpu.wait_indirect_dma semaphore(%run_scoped3A_279 : memref<!tpu.dma_semaphore, #tpu.memory_space<semaphore_mem>>) src(%arg20 : memref<128x128xf32, #tpu.memory_space<vmem>>) dst(%dma_wait3A_291 : memref<10032x128xf32, #tpu.memory_space<vmem_shared>>)
          tpu.yield
        }) : () -> ()
        %dma_wait3A_136 = arith.constant 6 : i32
        %dma_wait3A_137 = arith.constant 0 : i32
        %dma_wait3A_138 = tpu.memref_slice %arg17[%dma_wait3A_136, %dma_wait3A_137] : memref<16x128xi32, #tpu.memory_space<vmem>> -> memref<1x128xi32, #tpu.memory_space<vmem>>
        %dma_wait3A_139 = tpu.memref_squeeze %dma_wait3A_138 : memref<1x128xi32, #tpu.memory_space<vmem>> -> memref<128xi32, #tpu.memory_space<vmem>>
        %dma_wait3A_140 = arith.constant 0 : i32
        %dma_wait3A_141 = arith.constant 0 : i32
        %dma_wait3A_142 = tpu.memref_slice %arg4[%dma_wait3A_140, %dma_wait3A_141] : memref<10016x128xf32, #tpu.memory_space<hbm>> -> memref<10016x128xf32, #tpu.memory_space<hbm>>
        tpu.wait_indirect_dma semaphore(%arg22 : memref<!tpu.dma_semaphore, #tpu.memory_space<semaphore_mem>>) src(%dma_wait3A_142 : memref<10016x128xf32, #tpu.memory_space<hbm>>) dst(%arg19 : memref<128x128xf32, #tpu.memory_space<vmem>>)
        %dma_start3A_143 = arith.constant 7 : i32
        %dma_start3A_144 = arith.constant 0 : i32
        %dma_start3A_145 = tpu.memref_slice %arg17[%dma_start3A_143, %dma_start3A_144] : memref<16x128xi32, #tpu.memory_space<vmem>> -> memref<1x128xi32, #tpu.memory_space<vmem>>
        %dma_start3A_146 = tpu.memref_squeeze %dma_start3A_145 : memref<1x128xi32, #tpu.memory_space<vmem>> -> memref<128xi32, #tpu.memory_space<vmem>>
        %dma_start3A_147 = arith.constant 0 : i32
        %dma_start3A_148 = arith.constant 0 : i32
        %dma_start3A_149 = tpu.memref_slice %arg4[%dma_start3A_147, %dma_start3A_148] : memref<10016x128xf32, #tpu.memory_space<hbm>> -> memref<10016x128xf32, #tpu.memory_space<hbm>>
        tpu.enqueue_indirect_dma source(%dma_start3A_149 : memref<10016x128xf32, #tpu.memory_space<hbm>>) target(%arg20 : memref<128x128xf32, #tpu.memory_space<vmem>>) offsets(%dma_start3A_146 : memref<128xi32, #tpu.memory_space<vmem>>) semaphore(%arg23 : memref<!tpu.dma_semaphore, #tpu.memory_space<semaphore_mem>>)
        %run_scoped3A_150 = arith.constant 6 : i32
        "tpu.region"() ({
          %run_scoped3A_279 = tpu.sem_alloc : memref<!tpu.dma_semaphore, #tpu.memory_space<semaphore_mem>>
          %dma_start3A_280 = arith.constant 0 : i32
          %dma_start3A_281 = tpu.memref_slice %arg18[%run_scoped3A_150, %dma_start3A_280] : memref<16x128xi32, #tpu.memory_space<vmem>> -> memref<1x128xi32, #tpu.memory_space<vmem>>
          %dma_start3A_282 = tpu.memref_squeeze %dma_start3A_281 : memref<1x128xi32, #tpu.memory_space<vmem>> -> memref<128xi32, #tpu.memory_space<vmem>>
          %dma_start3A_283 = arith.constant 0 : i32
          %dma_start3A_284 = arith.constant 0 : i32
          %dma_start3A_285 = tpu.memref_slice %arg21[%dma_start3A_283, %dma_start3A_284] : memref<10032x128xf32, #tpu.memory_space<vmem_shared>> -> memref<10032x128xf32, #tpu.memory_space<vmem_shared>>
          tpu.enqueue_indirect_dma source(%arg19 : memref<128x128xf32, #tpu.memory_space<vmem>>) target(%dma_start3A_285 : memref<10032x128xf32, #tpu.memory_space<vmem_shared>>) offsets(%dma_start3A_282 : memref<128xi32, #tpu.memory_space<vmem>>) semaphore(%run_scoped3A_279 : memref<!tpu.dma_semaphore, #tpu.memory_space<semaphore_mem>>) {add = true}
          %dma_wait3A_286 = arith.constant 0 : i32
          %dma_wait3A_287 = tpu.memref_slice %arg18[%run_scoped3A_150, %dma_wait3A_286] : memref<16x128xi32, #tpu.memory_space<vmem>> -> memref<1x128xi32, #tpu.memory_space<vmem>>
          %dma_wait3A_288 = tpu.memref_squeeze %dma_wait3A_287 : memref<1x128xi32, #tpu.memory_space<vmem>> -> memref<128xi32, #tpu.memory_space<vmem>>
          %dma_wait3A_289 = arith.constant 0 : i32
          %dma_wait3A_290 = arith.constant 0 : i32
          %dma_wait3A_291 = tpu.memref_slice %arg21[%dma_wait3A_289, %dma_wait3A_290] : memref<10032x128xf32, #tpu.memory_space<vmem_shared>> -> memref<10032x128xf32, #tpu.memory_space<vmem_shared>>
          tpu.wait_indirect_dma semaphore(%run_scoped3A_279 : memref<!tpu.dma_semaphore, #tpu.memory_space<semaphore_mem>>) src(%arg19 : memref<128x128xf32, #tpu.memory_space<vmem>>) dst(%dma_wait3A_291 : memref<10032x128xf32, #tpu.memory_space<vmem_shared>>)
          tpu.yield
        }) : () -> ()
        %dma_wait3A_151 = arith.constant 7 : i32
        %dma_wait3A_152 = arith.constant 0 : i32
        %dma_wait3A_153 = tpu.memref_slice %arg17[%dma_wait3A_151, %dma_wait3A_152] : memref<16x128xi32, #tpu.memory_space<vmem>> -> memref<1x128xi32, #tpu.memory_space<vmem>>
        %dma_wait3A_154 = tpu.memref_squeeze %dma_wait3A_153 : memref<1x128xi32, #tpu.memory_space<vmem>> -> memref<128xi32, #tpu.memory_space<vmem>>
        %dma_wait3A_155 = arith.constant 0 : i32
        %dma_wait3A_156 = arith.constant 0 : i32
        %dma_wait3A_157 = tpu.memref_slice %arg4[%dma_wait3A_155, %dma_wait3A_156] : memref<10016x128xf32, #tpu.memory_space<hbm>> -> memref<10016x128xf32, #tpu.memory_space<hbm>>
        tpu.wait_indirect_dma semaphore(%arg23 : memref<!tpu.dma_semaphore, #tpu.memory_space<semaphore_mem>>) src(%dma_wait3A_157 : memref<10016x128xf32, #tpu.memory_space<hbm>>) dst(%arg20 : memref<128x128xf32, #tpu.memory_space<vmem>>)
        %dma_start3A_158 = arith.constant 8 : i32
        %dma_start3A_159 = arith.constant 0 : i32
        %dma_start3A_160 = tpu.memref_slice %arg17[%dma_start3A_158, %dma_start3A_159] : memref<16x128xi32, #tpu.memory_space<vmem>> -> memref<1x128xi32, #tpu.memory_space<vmem>>
        %dma_start3A_161 = tpu.memref_squeeze %dma_start3A_160 : memref<1x128xi32, #tpu.memory_space<vmem>> -> memref<128xi32, #tpu.memory_space<vmem>>
        %dma_start3A_162 = arith.constant 0 : i32
        %dma_start3A_163 = arith.constant 0 : i32
        %dma_start3A_164 = tpu.memref_slice %arg4[%dma_start3A_162, %dma_start3A_163] : memref<10016x128xf32, #tpu.memory_space<hbm>> -> memref<10016x128xf32, #tpu.memory_space<hbm>>
        tpu.enqueue_indirect_dma source(%dma_start3A_164 : memref<10016x128xf32, #tpu.memory_space<hbm>>) target(%arg19 : memref<128x128xf32, #tpu.memory_space<vmem>>) offsets(%dma_start3A_161 : memref<128xi32, #tpu.memory_space<vmem>>) semaphore(%arg22 : memref<!tpu.dma_semaphore, #tpu.memory_space<semaphore_mem>>)
        %run_scoped3A_165 = arith.constant 7 : i32
        "tpu.region"() ({
          %run_scoped3A_279 = tpu.sem_alloc : memref<!tpu.dma_semaphore, #tpu.memory_space<semaphore_mem>>
          %dma_start3A_280 = arith.constant 0 : i32
          %dma_start3A_281 = tpu.memref_slice %arg18[%run_scoped3A_165, %dma_start3A_280] : memref<16x128xi32, #tpu.memory_space<vmem>> -> memref<1x128xi32, #tpu.memory_space<vmem>>
          %dma_start3A_282 = tpu.memref_squeeze %dma_start3A_281 : memref<1x128xi32, #tpu.memory_space<vmem>> -> memref<128xi32, #tpu.memory_space<vmem>>
          %dma_start3A_283 = arith.constant 0 : i32
          %dma_start3A_284 = arith.constant 0 : i32
          %dma_start3A_285 = tpu.memref_slice %arg21[%dma_start3A_283, %dma_start3A_284] : memref<10032x128xf32, #tpu.memory_space<vmem_shared>> -> memref<10032x128xf32, #tpu.memory_space<vmem_shared>>
          tpu.enqueue_indirect_dma source(%arg20 : memref<128x128xf32, #tpu.memory_space<vmem>>) target(%dma_start3A_285 : memref<10032x128xf32, #tpu.memory_space<vmem_shared>>) offsets(%dma_start3A_282 : memref<128xi32, #tpu.memory_space<vmem>>) semaphore(%run_scoped3A_279 : memref<!tpu.dma_semaphore, #tpu.memory_space<semaphore_mem>>) {add = true}
          %dma_wait3A_286 = arith.constant 0 : i32
          %dma_wait3A_287 = tpu.memref_slice %arg18[%run_scoped3A_165, %dma_wait3A_286] : memref<16x128xi32, #tpu.memory_space<vmem>> -> memref<1x128xi32, #tpu.memory_space<vmem>>
          %dma_wait3A_288 = tpu.memref_squeeze %dma_wait3A_287 : memref<1x128xi32, #tpu.memory_space<vmem>> -> memref<128xi32, #tpu.memory_space<vmem>>
          %dma_wait3A_289 = arith.constant 0 : i32
          %dma_wait3A_290 = arith.constant 0 : i32
          %dma_wait3A_291 = tpu.memref_slice %arg21[%dma_wait3A_289, %dma_wait3A_290] : memref<10032x128xf32, #tpu.memory_space<vmem_shared>> -> memref<10032x128xf32, #tpu.memory_space<vmem_shared>>
          tpu.wait_indirect_dma semaphore(%run_scoped3A_279 : memref<!tpu.dma_semaphore, #tpu.memory_space<semaphore_mem>>) src(%arg20 : memref<128x128xf32, #tpu.memory_space<vmem>>) dst(%dma_wait3A_291 : memref<10032x128xf32, #tpu.memory_space<vmem_shared>>)
          tpu.yield
        }) : () -> ()
        %dma_wait3A_166 = arith.constant 8 : i32
        %dma_wait3A_167 = arith.constant 0 : i32
        %dma_wait3A_168 = tpu.memref_slice %arg17[%dma_wait3A_166, %dma_wait3A_167] : memref<16x128xi32, #tpu.memory_space<vmem>> -> memref<1x128xi32, #tpu.memory_space<vmem>>
        %dma_wait3A_169 = tpu.memref_squeeze %dma_wait3A_168 : memref<1x128xi32, #tpu.memory_space<vmem>> -> memref<128xi32, #tpu.memory_space<vmem>>
        %dma_wait3A_170 = arith.constant 0 : i32
        %dma_wait3A_171 = arith.constant 0 : i32
        %dma_wait3A_172 = tpu.memref_slice %arg4[%dma_wait3A_170, %dma_wait3A_171] : memref<10016x128xf32, #tpu.memory_space<hbm>> -> memref<10016x128xf32, #tpu.memory_space<hbm>>
        tpu.wait_indirect_dma semaphore(%arg22 : memref<!tpu.dma_semaphore, #tpu.memory_space<semaphore_mem>>) src(%dma_wait3A_172 : memref<10016x128xf32, #tpu.memory_space<hbm>>) dst(%arg19 : memref<128x128xf32, #tpu.memory_space<vmem>>)
        %dma_start3A_173 = arith.constant 9 : i32
        %dma_start3A_174 = arith.constant 0 : i32
        %dma_start3A_175 = tpu.memref_slice %arg17[%dma_start3A_173, %dma_start3A_174] : memref<16x128xi32, #tpu.memory_space<vmem>> -> memref<1x128xi32, #tpu.memory_space<vmem>>
        %dma_start3A_176 = tpu.memref_squeeze %dma_start3A_175 : memref<1x128xi32, #tpu.memory_space<vmem>> -> memref<128xi32, #tpu.memory_space<vmem>>
        %dma_start3A_177 = arith.constant 0 : i32
        %dma_start3A_178 = arith.constant 0 : i32
        %dma_start3A_179 = tpu.memref_slice %arg4[%dma_start3A_177, %dma_start3A_178] : memref<10016x128xf32, #tpu.memory_space<hbm>> -> memref<10016x128xf32, #tpu.memory_space<hbm>>
        tpu.enqueue_indirect_dma source(%dma_start3A_179 : memref<10016x128xf32, #tpu.memory_space<hbm>>) target(%arg20 : memref<128x128xf32, #tpu.memory_space<vmem>>) offsets(%dma_start3A_176 : memref<128xi32, #tpu.memory_space<vmem>>) semaphore(%arg23 : memref<!tpu.dma_semaphore, #tpu.memory_space<semaphore_mem>>)
        %run_scoped3A_180 = arith.constant 8 : i32
        "tpu.region"() ({
          %run_scoped3A_279 = tpu.sem_alloc : memref<!tpu.dma_semaphore, #tpu.memory_space<semaphore_mem>>
          %dma_start3A_280 = arith.constant 0 : i32
          %dma_start3A_281 = tpu.memref_slice %arg18[%run_scoped3A_180, %dma_start3A_280] : memref<16x128xi32, #tpu.memory_space<vmem>> -> memref<1x128xi32, #tpu.memory_space<vmem>>
          %dma_start3A_282 = tpu.memref_squeeze %dma_start3A_281 : memref<1x128xi32, #tpu.memory_space<vmem>> -> memref<128xi32, #tpu.memory_space<vmem>>
          %dma_start3A_283 = arith.constant 0 : i32
          %dma_start3A_284 = arith.constant 0 : i32
          %dma_start3A_285 = tpu.memref_slice %arg21[%dma_start3A_283, %dma_start3A_284] : memref<10032x128xf32, #tpu.memory_space<vmem_shared>> -> memref<10032x128xf32, #tpu.memory_space<vmem_shared>>
          tpu.enqueue_indirect_dma source(%arg19 : memref<128x128xf32, #tpu.memory_space<vmem>>) target(%dma_start3A_285 : memref<10032x128xf32, #tpu.memory_space<vmem_shared>>) offsets(%dma_start3A_282 : memref<128xi32, #tpu.memory_space<vmem>>) semaphore(%run_scoped3A_279 : memref<!tpu.dma_semaphore, #tpu.memory_space<semaphore_mem>>) {add = true}
          %dma_wait3A_286 = arith.constant 0 : i32
          %dma_wait3A_287 = tpu.memref_slice %arg18[%run_scoped3A_180, %dma_wait3A_286] : memref<16x128xi32, #tpu.memory_space<vmem>> -> memref<1x128xi32, #tpu.memory_space<vmem>>
          %dma_wait3A_288 = tpu.memref_squeeze %dma_wait3A_287 : memref<1x128xi32, #tpu.memory_space<vmem>> -> memref<128xi32, #tpu.memory_space<vmem>>
          %dma_wait3A_289 = arith.constant 0 : i32
          %dma_wait3A_290 = arith.constant 0 : i32
          %dma_wait3A_291 = tpu.memref_slice %arg21[%dma_wait3A_289, %dma_wait3A_290] : memref<10032x128xf32, #tpu.memory_space<vmem_shared>> -> memref<10032x128xf32, #tpu.memory_space<vmem_shared>>
          tpu.wait_indirect_dma semaphore(%run_scoped3A_279 : memref<!tpu.dma_semaphore, #tpu.memory_space<semaphore_mem>>) src(%arg19 : memref<128x128xf32, #tpu.memory_space<vmem>>) dst(%dma_wait3A_291 : memref<10032x128xf32, #tpu.memory_space<vmem_shared>>)
          tpu.yield
        }) : () -> ()
        %dma_wait3A_181 = arith.constant 9 : i32
        %dma_wait3A_182 = arith.constant 0 : i32
        %dma_wait3A_183 = tpu.memref_slice %arg17[%dma_wait3A_181, %dma_wait3A_182] : memref<16x128xi32, #tpu.memory_space<vmem>> -> memref<1x128xi32, #tpu.memory_space<vmem>>
        %dma_wait3A_184 = tpu.memref_squeeze %dma_wait3A_183 : memref<1x128xi32, #tpu.memory_space<vmem>> -> memref<128xi32, #tpu.memory_space<vmem>>
        %dma_wait3A_185 = arith.constant 0 : i32
        %dma_wait3A_186 = arith.constant 0 : i32
        %dma_wait3A_187 = tpu.memref_slice %arg4[%dma_wait3A_185, %dma_wait3A_186] : memref<10016x128xf32, #tpu.memory_space<hbm>> -> memref<10016x128xf32, #tpu.memory_space<hbm>>
        tpu.wait_indirect_dma semaphore(%arg23 : memref<!tpu.dma_semaphore, #tpu.memory_space<semaphore_mem>>) src(%dma_wait3A_187 : memref<10016x128xf32, #tpu.memory_space<hbm>>) dst(%arg20 : memref<128x128xf32, #tpu.memory_space<vmem>>)
        %dma_start3A_188 = arith.constant 10 : i32
        %dma_start3A_189 = arith.constant 0 : i32
        %dma_start3A_190 = tpu.memref_slice %arg17[%dma_start3A_188, %dma_start3A_189] : memref<16x128xi32, #tpu.memory_space<vmem>> -> memref<1x128xi32, #tpu.memory_space<vmem>>
        %dma_start3A_191 = tpu.memref_squeeze %dma_start3A_190 : memref<1x128xi32, #tpu.memory_space<vmem>> -> memref<128xi32, #tpu.memory_space<vmem>>
        %dma_start3A_192 = arith.constant 0 : i32
        %dma_start3A_193 = arith.constant 0 : i32
        %dma_start3A_194 = tpu.memref_slice %arg4[%dma_start3A_192, %dma_start3A_193] : memref<10016x128xf32, #tpu.memory_space<hbm>> -> memref<10016x128xf32, #tpu.memory_space<hbm>>
        tpu.enqueue_indirect_dma source(%dma_start3A_194 : memref<10016x128xf32, #tpu.memory_space<hbm>>) target(%arg19 : memref<128x128xf32, #tpu.memory_space<vmem>>) offsets(%dma_start3A_191 : memref<128xi32, #tpu.memory_space<vmem>>) semaphore(%arg22 : memref<!tpu.dma_semaphore, #tpu.memory_space<semaphore_mem>>)
        %run_scoped3A_195 = arith.constant 9 : i32
        "tpu.region"() ({
          %run_scoped3A_279 = tpu.sem_alloc : memref<!tpu.dma_semaphore, #tpu.memory_space<semaphore_mem>>
          %dma_start3A_280 = arith.constant 0 : i32
          %dma_start3A_281 = tpu.memref_slice %arg18[%run_scoped3A_195, %dma_start3A_280] : memref<16x128xi32, #tpu.memory_space<vmem>> -> memref<1x128xi32, #tpu.memory_space<vmem>>
          %dma_start3A_282 = tpu.memref_squeeze %dma_start3A_281 : memref<1x128xi32, #tpu.memory_space<vmem>> -> memref<128xi32, #tpu.memory_space<vmem>>
          %dma_start3A_283 = arith.constant 0 : i32
          %dma_start3A_284 = arith.constant 0 : i32
          %dma_start3A_285 = tpu.memref_slice %arg21[%dma_start3A_283, %dma_start3A_284] : memref<10032x128xf32, #tpu.memory_space<vmem_shared>> -> memref<10032x128xf32, #tpu.memory_space<vmem_shared>>
          tpu.enqueue_indirect_dma source(%arg20 : memref<128x128xf32, #tpu.memory_space<vmem>>) target(%dma_start3A_285 : memref<10032x128xf32, #tpu.memory_space<vmem_shared>>) offsets(%dma_start3A_282 : memref<128xi32, #tpu.memory_space<vmem>>) semaphore(%run_scoped3A_279 : memref<!tpu.dma_semaphore, #tpu.memory_space<semaphore_mem>>) {add = true}
          %dma_wait3A_286 = arith.constant 0 : i32
          %dma_wait3A_287 = tpu.memref_slice %arg18[%run_scoped3A_195, %dma_wait3A_286] : memref<16x128xi32, #tpu.memory_space<vmem>> -> memref<1x128xi32, #tpu.memory_space<vmem>>
          %dma_wait3A_288 = tpu.memref_squeeze %dma_wait3A_287 : memref<1x128xi32, #tpu.memory_space<vmem>> -> memref<128xi32, #tpu.memory_space<vmem>>
          %dma_wait3A_289 = arith.constant 0 : i32
          %dma_wait3A_290 = arith.constant 0 : i32
          %dma_wait3A_291 = tpu.memref_slice %arg21[%dma_wait3A_289, %dma_wait3A_290] : memref<10032x128xf32, #tpu.memory_space<vmem_shared>> -> memref<10032x128xf32, #tpu.memory_space<vmem_shared>>
          tpu.wait_indirect_dma semaphore(%run_scoped3A_279 : memref<!tpu.dma_semaphore, #tpu.memory_space<semaphore_mem>>) src(%arg20 : memref<128x128xf32, #tpu.memory_space<vmem>>) dst(%dma_wait3A_291 : memref<10032x128xf32, #tpu.memory_space<vmem_shared>>)
          tpu.yield
        }) : () -> ()
        %dma_wait3A_196 = arith.constant 10 : i32
        %dma_wait3A_197 = arith.constant 0 : i32
        %dma_wait3A_198 = tpu.memref_slice %arg17[%dma_wait3A_196, %dma_wait3A_197] : memref<16x128xi32, #tpu.memory_space<vmem>> -> memref<1x128xi32, #tpu.memory_space<vmem>>
        %dma_wait3A_199 = tpu.memref_squeeze %dma_wait3A_198 : memref<1x128xi32, #tpu.memory_space<vmem>> -> memref<128xi32, #tpu.memory_space<vmem>>
        %dma_wait3A_200 = arith.constant 0 : i32
        %dma_wait3A_201 = arith.constant 0 : i32
        %dma_wait3A_202 = tpu.memref_slice %arg4[%dma_wait3A_200, %dma_wait3A_201] : memref<10016x128xf32, #tpu.memory_space<hbm>> -> memref<10016x128xf32, #tpu.memory_space<hbm>>
        tpu.wait_indirect_dma semaphore(%arg22 : memref<!tpu.dma_semaphore, #tpu.memory_space<semaphore_mem>>) src(%dma_wait3A_202 : memref<10016x128xf32, #tpu.memory_space<hbm>>) dst(%arg19 : memref<128x128xf32, #tpu.memory_space<vmem>>)
        %dma_start3A_203 = arith.constant 11 : i32
        %dma_start3A_204 = arith.constant 0 : i32
        %dma_start3A_205 = tpu.memref_slice %arg17[%dma_start3A_203, %dma_start3A_204] : memref<16x128xi32, #tpu.memory_space<vmem>> -> memref<1x128xi32, #tpu.memory_space<vmem>>
        %dma_start3A_206 = tpu.memref_squeeze %dma_start3A_205 : memref<1x128xi32, #tpu.memory_space<vmem>> -> memref<128xi32, #tpu.memory_space<vmem>>
        %dma_start3A_207 = arith.constant 0 : i32
        %dma_start3A_208 = arith.constant 0 : i32
        %dma_start3A_209 = tpu.memref_slice %arg4[%dma_start3A_207, %dma_start3A_208] : memref<10016x128xf32, #tpu.memory_space<hbm>> -> memref<10016x128xf32, #tpu.memory_space<hbm>>
        tpu.enqueue_indirect_dma source(%dma_start3A_209 : memref<10016x128xf32, #tpu.memory_space<hbm>>) target(%arg20 : memref<128x128xf32, #tpu.memory_space<vmem>>) offsets(%dma_start3A_206 : memref<128xi32, #tpu.memory_space<vmem>>) semaphore(%arg23 : memref<!tpu.dma_semaphore, #tpu.memory_space<semaphore_mem>>)
        %run_scoped3A_210 = arith.constant 10 : i32
        "tpu.region"() ({
          %run_scoped3A_279 = tpu.sem_alloc : memref<!tpu.dma_semaphore, #tpu.memory_space<semaphore_mem>>
          %dma_start3A_280 = arith.constant 0 : i32
          %dma_start3A_281 = tpu.memref_slice %arg18[%run_scoped3A_210, %dma_start3A_280] : memref<16x128xi32, #tpu.memory_space<vmem>> -> memref<1x128xi32, #tpu.memory_space<vmem>>
          %dma_start3A_282 = tpu.memref_squeeze %dma_start3A_281 : memref<1x128xi32, #tpu.memory_space<vmem>> -> memref<128xi32, #tpu.memory_space<vmem>>
          %dma_start3A_283 = arith.constant 0 : i32
          %dma_start3A_284 = arith.constant 0 : i32
          %dma_start3A_285 = tpu.memref_slice %arg21[%dma_start3A_283, %dma_start3A_284] : memref<10032x128xf32, #tpu.memory_space<vmem_shared>> -> memref<10032x128xf32, #tpu.memory_space<vmem_shared>>
          tpu.enqueue_indirect_dma source(%arg19 : memref<128x128xf32, #tpu.memory_space<vmem>>) target(%dma_start3A_285 : memref<10032x128xf32, #tpu.memory_space<vmem_shared>>) offsets(%dma_start3A_282 : memref<128xi32, #tpu.memory_space<vmem>>) semaphore(%run_scoped3A_279 : memref<!tpu.dma_semaphore, #tpu.memory_space<semaphore_mem>>) {add = true}
          %dma_wait3A_286 = arith.constant 0 : i32
          %dma_wait3A_287 = tpu.memref_slice %arg18[%run_scoped3A_210, %dma_wait3A_286] : memref<16x128xi32, #tpu.memory_space<vmem>> -> memref<1x128xi32, #tpu.memory_space<vmem>>
          %dma_wait3A_288 = tpu.memref_squeeze %dma_wait3A_287 : memref<1x128xi32, #tpu.memory_space<vmem>> -> memref<128xi32, #tpu.memory_space<vmem>>
          %dma_wait3A_289 = arith.constant 0 : i32
          %dma_wait3A_290 = arith.constant 0 : i32
          %dma_wait3A_291 = tpu.memref_slice %arg21[%dma_wait3A_289, %dma_wait3A_290] : memref<10032x128xf32, #tpu.memory_space<vmem_shared>> -> memref<10032x128xf32, #tpu.memory_space<vmem_shared>>
          tpu.wait_indirect_dma semaphore(%run_scoped3A_279 : memref<!tpu.dma_semaphore, #tpu.memory_space<semaphore_mem>>) src(%arg19 : memref<128x128xf32, #tpu.memory_space<vmem>>) dst(%dma_wait3A_291 : memref<10032x128xf32, #tpu.memory_space<vmem_shared>>)
          tpu.yield
        }) : () -> ()
        %dma_wait3A_211 = arith.constant 11 : i32
        %dma_wait3A_212 = arith.constant 0 : i32
        %dma_wait3A_213 = tpu.memref_slice %arg17[%dma_wait3A_211, %dma_wait3A_212] : memref<16x128xi32, #tpu.memory_space<vmem>> -> memref<1x128xi32, #tpu.memory_space<vmem>>
        %dma_wait3A_214 = tpu.memref_squeeze %dma_wait3A_213 : memref<1x128xi32, #tpu.memory_space<vmem>> -> memref<128xi32, #tpu.memory_space<vmem>>
        %dma_wait3A_215 = arith.constant 0 : i32
        %dma_wait3A_216 = arith.constant 0 : i32
        %dma_wait3A_217 = tpu.memref_slice %arg4[%dma_wait3A_215, %dma_wait3A_216] : memref<10016x128xf32, #tpu.memory_space<hbm>> -> memref<10016x128xf32, #tpu.memory_space<hbm>>
        tpu.wait_indirect_dma semaphore(%arg23 : memref<!tpu.dma_semaphore, #tpu.memory_space<semaphore_mem>>) src(%dma_wait3A_217 : memref<10016x128xf32, #tpu.memory_space<hbm>>) dst(%arg20 : memref<128x128xf32, #tpu.memory_space<vmem>>)
        %dma_start3A_218 = arith.constant 12 : i32
        %dma_start3A_219 = arith.constant 0 : i32
        %dma_start3A_220 = tpu.memref_slice %arg17[%dma_start3A_218, %dma_start3A_219] : memref<16x128xi32, #tpu.memory_space<vmem>> -> memref<1x128xi32, #tpu.memory_space<vmem>>
        %dma_start3A_221 = tpu.memref_squeeze %dma_start3A_220 : memref<1x128xi32, #tpu.memory_space<vmem>> -> memref<128xi32, #tpu.memory_space<vmem>>
        %dma_start3A_222 = arith.constant 0 : i32
        %dma_start3A_223 = arith.constant 0 : i32
        %dma_start3A_224 = tpu.memref_slice %arg4[%dma_start3A_222, %dma_start3A_223] : memref<10016x128xf32, #tpu.memory_space<hbm>> -> memref<10016x128xf32, #tpu.memory_space<hbm>>
        tpu.enqueue_indirect_dma source(%dma_start3A_224 : memref<10016x128xf32, #tpu.memory_space<hbm>>) target(%arg19 : memref<128x128xf32, #tpu.memory_space<vmem>>) offsets(%dma_start3A_221 : memref<128xi32, #tpu.memory_space<vmem>>) semaphore(%arg22 : memref<!tpu.dma_semaphore, #tpu.memory_space<semaphore_mem>>)
        %run_scoped3A_225 = arith.constant 11 : i32
        "tpu.region"() ({
          %run_scoped3A_279 = tpu.sem_alloc : memref<!tpu.dma_semaphore, #tpu.memory_space<semaphore_mem>>
          %dma_start3A_280 = arith.constant 0 : i32
          %dma_start3A_281 = tpu.memref_slice %arg18[%run_scoped3A_225, %dma_start3A_280] : memref<16x128xi32, #tpu.memory_space<vmem>> -> memref<1x128xi32, #tpu.memory_space<vmem>>
          %dma_start3A_282 = tpu.memref_squeeze %dma_start3A_281 : memref<1x128xi32, #tpu.memory_space<vmem>> -> memref<128xi32, #tpu.memory_space<vmem>>
          %dma_start3A_283 = arith.constant 0 : i32
          %dma_start3A_284 = arith.constant 0 : i32
          %dma_start3A_285 = tpu.memref_slice %arg21[%dma_start3A_283, %dma_start3A_284] : memref<10032x128xf32, #tpu.memory_space<vmem_shared>> -> memref<10032x128xf32, #tpu.memory_space<vmem_shared>>
          tpu.enqueue_indirect_dma source(%arg20 : memref<128x128xf32, #tpu.memory_space<vmem>>) target(%dma_start3A_285 : memref<10032x128xf32, #tpu.memory_space<vmem_shared>>) offsets(%dma_start3A_282 : memref<128xi32, #tpu.memory_space<vmem>>) semaphore(%run_scoped3A_279 : memref<!tpu.dma_semaphore, #tpu.memory_space<semaphore_mem>>) {add = true}
          %dma_wait3A_286 = arith.constant 0 : i32
          %dma_wait3A_287 = tpu.memref_slice %arg18[%run_scoped3A_225, %dma_wait3A_286] : memref<16x128xi32, #tpu.memory_space<vmem>> -> memref<1x128xi32, #tpu.memory_space<vmem>>
          %dma_wait3A_288 = tpu.memref_squeeze %dma_wait3A_287 : memref<1x128xi32, #tpu.memory_space<vmem>> -> memref<128xi32, #tpu.memory_space<vmem>>
          %dma_wait3A_289 = arith.constant 0 : i32
          %dma_wait3A_290 = arith.constant 0 : i32
          %dma_wait3A_291 = tpu.memref_slice %arg21[%dma_wait3A_289, %dma_wait3A_290] : memref<10032x128xf32, #tpu.memory_space<vmem_shared>> -> memref<10032x128xf32, #tpu.memory_space<vmem_shared>>
          tpu.wait_indirect_dma semaphore(%run_scoped3A_279 : memref<!tpu.dma_semaphore, #tpu.memory_space<semaphore_mem>>) src(%arg20 : memref<128x128xf32, #tpu.memory_space<vmem>>) dst(%dma_wait3A_291 : memref<10032x128xf32, #tpu.memory_space<vmem_shared>>)
          tpu.yield
        }) : () -> ()
        %dma_wait3A_226 = arith.constant 12 : i32
        %dma_wait3A_227 = arith.constant 0 : i32
        %dma_wait3A_228 = tpu.memref_slice %arg17[%dma_wait3A_226, %dma_wait3A_227] : memref<16x128xi32, #tpu.memory_space<vmem>> -> memref<1x128xi32, #tpu.memory_space<vmem>>
        %dma_wait3A_229 = tpu.memref_squeeze %dma_wait3A_228 : memref<1x128xi32, #tpu.memory_space<vmem>> -> memref<128xi32, #tpu.memory_space<vmem>>
        %dma_wait3A_230 = arith.constant 0 : i32
        %dma_wait3A_231 = arith.constant 0 : i32
        %dma_wait3A_232 = tpu.memref_slice %arg4[%dma_wait3A_230, %dma_wait3A_231] : memref<10016x128xf32, #tpu.memory_space<hbm>> -> memref<10016x128xf32, #tpu.memory_space<hbm>>
        tpu.wait_indirect_dma semaphore(%arg22 : memref<!tpu.dma_semaphore, #tpu.memory_space<semaphore_mem>>) src(%dma_wait3A_232 : memref<10016x128xf32, #tpu.memory_space<hbm>>) dst(%arg19 : memref<128x128xf32, #tpu.memory_space<vmem>>)
        %dma_start3A_233 = arith.constant 13 : i32
        %dma_start3A_234 = arith.constant 0 : i32
        %dma_start3A_235 = tpu.memref_slice %arg17[%dma_start3A_233, %dma_start3A_234] : memref<16x128xi32, #tpu.memory_space<vmem>> -> memref<1x128xi32, #tpu.memory_space<vmem>>
        %dma_start3A_236 = tpu.memref_squeeze %dma_start3A_235 : memref<1x128xi32, #tpu.memory_space<vmem>> -> memref<128xi32, #tpu.memory_space<vmem>>
        %dma_start3A_237 = arith.constant 0 : i32
        %dma_start3A_238 = arith.constant 0 : i32
        %dma_start3A_239 = tpu.memref_slice %arg4[%dma_start3A_237, %dma_start3A_238] : memref<10016x128xf32, #tpu.memory_space<hbm>> -> memref<10016x128xf32, #tpu.memory_space<hbm>>
        tpu.enqueue_indirect_dma source(%dma_start3A_239 : memref<10016x128xf32, #tpu.memory_space<hbm>>) target(%arg20 : memref<128x128xf32, #tpu.memory_space<vmem>>) offsets(%dma_start3A_236 : memref<128xi32, #tpu.memory_space<vmem>>) semaphore(%arg23 : memref<!tpu.dma_semaphore, #tpu.memory_space<semaphore_mem>>)
        %run_scoped3A_240 = arith.constant 12 : i32
        "tpu.region"() ({
          %run_scoped3A_279 = tpu.sem_alloc : memref<!tpu.dma_semaphore, #tpu.memory_space<semaphore_mem>>
          %dma_start3A_280 = arith.constant 0 : i32
          %dma_start3A_281 = tpu.memref_slice %arg18[%run_scoped3A_240, %dma_start3A_280] : memref<16x128xi32, #tpu.memory_space<vmem>> -> memref<1x128xi32, #tpu.memory_space<vmem>>
          %dma_start3A_282 = tpu.memref_squeeze %dma_start3A_281 : memref<1x128xi32, #tpu.memory_space<vmem>> -> memref<128xi32, #tpu.memory_space<vmem>>
          %dma_start3A_283 = arith.constant 0 : i32
          %dma_start3A_284 = arith.constant 0 : i32
          %dma_start3A_285 = tpu.memref_slice %arg21[%dma_start3A_283, %dma_start3A_284] : memref<10032x128xf32, #tpu.memory_space<vmem_shared>> -> memref<10032x128xf32, #tpu.memory_space<vmem_shared>>
          tpu.enqueue_indirect_dma source(%arg19 : memref<128x128xf32, #tpu.memory_space<vmem>>) target(%dma_start3A_285 : memref<10032x128xf32, #tpu.memory_space<vmem_shared>>) offsets(%dma_start3A_282 : memref<128xi32, #tpu.memory_space<vmem>>) semaphore(%run_scoped3A_279 : memref<!tpu.dma_semaphore, #tpu.memory_space<semaphore_mem>>) {add = true}
          %dma_wait3A_286 = arith.constant 0 : i32
          %dma_wait3A_287 = tpu.memref_slice %arg18[%run_scoped3A_240, %dma_wait3A_286] : memref<16x128xi32, #tpu.memory_space<vmem>> -> memref<1x128xi32, #tpu.memory_space<vmem>>
          %dma_wait3A_288 = tpu.memref_squeeze %dma_wait3A_287 : memref<1x128xi32, #tpu.memory_space<vmem>> -> memref<128xi32, #tpu.memory_space<vmem>>
          %dma_wait3A_289 = arith.constant 0 : i32
          %dma_wait3A_290 = arith.constant 0 : i32
          %dma_wait3A_291 = tpu.memref_slice %arg21[%dma_wait3A_289, %dma_wait3A_290] : memref<10032x128xf32, #tpu.memory_space<vmem_shared>> -> memref<10032x128xf32, #tpu.memory_space<vmem_shared>>
          tpu.wait_indirect_dma semaphore(%run_scoped3A_279 : memref<!tpu.dma_semaphore, #tpu.memory_space<semaphore_mem>>) src(%arg19 : memref<128x128xf32, #tpu.memory_space<vmem>>) dst(%dma_wait3A_291 : memref<10032x128xf32, #tpu.memory_space<vmem_shared>>)
          tpu.yield
        }) : () -> ()
        %dma_wait3A_241 = arith.constant 13 : i32
        %dma_wait3A_242 = arith.constant 0 : i32
        %dma_wait3A_243 = tpu.memref_slice %arg17[%dma_wait3A_241, %dma_wait3A_242] : memref<16x128xi32, #tpu.memory_space<vmem>> -> memref<1x128xi32, #tpu.memory_space<vmem>>
        %dma_wait3A_244 = tpu.memref_squeeze %dma_wait3A_243 : memref<1x128xi32, #tpu.memory_space<vmem>> -> memref<128xi32, #tpu.memory_space<vmem>>
        %dma_wait3A_245 = arith.constant 0 : i32
        %dma_wait3A_246 = arith.constant 0 : i32
        %dma_wait3A_247 = tpu.memref_slice %arg4[%dma_wait3A_245, %dma_wait3A_246] : memref<10016x128xf32, #tpu.memory_space<hbm>> -> memref<10016x128xf32, #tpu.memory_space<hbm>>
        tpu.wait_indirect_dma semaphore(%arg23 : memref<!tpu.dma_semaphore, #tpu.memory_space<semaphore_mem>>) src(%dma_wait3A_247 : memref<10016x128xf32, #tpu.memory_space<hbm>>) dst(%arg20 : memref<128x128xf32, #tpu.memory_space<vmem>>)
        %dma_start3A_248 = arith.constant 14 : i32
        %dma_start3A_249 = arith.constant 0 : i32
        %dma_start3A_250 = tpu.memref_slice %arg17[%dma_start3A_248, %dma_start3A_249] : memref<16x128xi32, #tpu.memory_space<vmem>> -> memref<1x128xi32, #tpu.memory_space<vmem>>
        %dma_start3A_251 = tpu.memref_squeeze %dma_start3A_250 : memref<1x128xi32, #tpu.memory_space<vmem>> -> memref<128xi32, #tpu.memory_space<vmem>>
        %dma_start3A_252 = arith.constant 0 : i32
        %dma_start3A_253 = arith.constant 0 : i32
        %dma_start3A_254 = tpu.memref_slice %arg4[%dma_start3A_252, %dma_start3A_253] : memref<10016x128xf32, #tpu.memory_space<hbm>> -> memref<10016x128xf32, #tpu.memory_space<hbm>>
        tpu.enqueue_indirect_dma source(%dma_start3A_254 : memref<10016x128xf32, #tpu.memory_space<hbm>>) target(%arg19 : memref<128x128xf32, #tpu.memory_space<vmem>>) offsets(%dma_start3A_251 : memref<128xi32, #tpu.memory_space<vmem>>) semaphore(%arg22 : memref<!tpu.dma_semaphore, #tpu.memory_space<semaphore_mem>>)
        %run_scoped3A_255 = arith.constant 13 : i32
        "tpu.region"() ({
          %run_scoped3A_279 = tpu.sem_alloc : memref<!tpu.dma_semaphore, #tpu.memory_space<semaphore_mem>>
          %dma_start3A_280 = arith.constant 0 : i32
          %dma_start3A_281 = tpu.memref_slice %arg18[%run_scoped3A_255, %dma_start3A_280] : memref<16x128xi32, #tpu.memory_space<vmem>> -> memref<1x128xi32, #tpu.memory_space<vmem>>
          %dma_start3A_282 = tpu.memref_squeeze %dma_start3A_281 : memref<1x128xi32, #tpu.memory_space<vmem>> -> memref<128xi32, #tpu.memory_space<vmem>>
          %dma_start3A_283 = arith.constant 0 : i32
          %dma_start3A_284 = arith.constant 0 : i32
          %dma_start3A_285 = tpu.memref_slice %arg21[%dma_start3A_283, %dma_start3A_284] : memref<10032x128xf32, #tpu.memory_space<vmem_shared>> -> memref<10032x128xf32, #tpu.memory_space<vmem_shared>>
          tpu.enqueue_indirect_dma source(%arg20 : memref<128x128xf32, #tpu.memory_space<vmem>>) target(%dma_start3A_285 : memref<10032x128xf32, #tpu.memory_space<vmem_shared>>) offsets(%dma_start3A_282 : memref<128xi32, #tpu.memory_space<vmem>>) semaphore(%run_scoped3A_279 : memref<!tpu.dma_semaphore, #tpu.memory_space<semaphore_mem>>) {add = true}
          %dma_wait3A_286 = arith.constant 0 : i32
          %dma_wait3A_287 = tpu.memref_slice %arg18[%run_scoped3A_255, %dma_wait3A_286] : memref<16x128xi32, #tpu.memory_space<vmem>> -> memref<1x128xi32, #tpu.memory_space<vmem>>
          %dma_wait3A_288 = tpu.memref_squeeze %dma_wait3A_287 : memref<1x128xi32, #tpu.memory_space<vmem>> -> memref<128xi32, #tpu.memory_space<vmem>>
          %dma_wait3A_289 = arith.constant 0 : i32
          %dma_wait3A_290 = arith.constant 0 : i32
          %dma_wait3A_291 = tpu.memref_slice %arg21[%dma_wait3A_289, %dma_wait3A_290] : memref<10032x128xf32, #tpu.memory_space<vmem_shared>> -> memref<10032x128xf32, #tpu.memory_space<vmem_shared>>
          tpu.wait_indirect_dma semaphore(%run_scoped3A_279 : memref<!tpu.dma_semaphore, #tpu.memory_space<semaphore_mem>>) src(%arg20 : memref<128x128xf32, #tpu.memory_space<vmem>>) dst(%dma_wait3A_291 : memref<10032x128xf32, #tpu.memory_space<vmem_shared>>)
          tpu.yield
        }) : () -> ()
        %dma_wait3A_256 = arith.constant 14 : i32
        %dma_wait3A_257 = arith.constant 0 : i32
        %dma_wait3A_258 = tpu.memref_slice %arg17[%dma_wait3A_256, %dma_wait3A_257] : memref<16x128xi32, #tpu.memory_space<vmem>> -> memref<1x128xi32, #tpu.memory_space<vmem>>
        %dma_wait3A_259 = tpu.memref_squeeze %dma_wait3A_258 : memref<1x128xi32, #tpu.memory_space<vmem>> -> memref<128xi32, #tpu.memory_space<vmem>>
        %dma_wait3A_260 = arith.constant 0 : i32
        %dma_wait3A_261 = arith.constant 0 : i32
        %dma_wait3A_262 = tpu.memref_slice %arg4[%dma_wait3A_260, %dma_wait3A_261] : memref<10016x128xf32, #tpu.memory_space<hbm>> -> memref<10016x128xf32, #tpu.memory_space<hbm>>
        tpu.wait_indirect_dma semaphore(%arg22 : memref<!tpu.dma_semaphore, #tpu.memory_space<semaphore_mem>>) src(%dma_wait3A_262 : memref<10016x128xf32, #tpu.memory_space<hbm>>) dst(%arg19 : memref<128x128xf32, #tpu.memory_space<vmem>>)
        %dma_start3A_263 = arith.constant 15 : i32
        %dma_start3A_264 = arith.constant 0 : i32
        %dma_start3A_265 = tpu.memref_slice %arg17[%dma_start3A_263, %dma_start3A_264] : memref<16x128xi32, #tpu.memory_space<vmem>> -> memref<1x128xi32, #tpu.memory_space<vmem>>
        %dma_start3A_266 = tpu.memref_squeeze %dma_start3A_265 : memref<1x128xi32, #tpu.memory_space<vmem>> -> memref<128xi32, #tpu.memory_space<vmem>>
        %dma_start3A_267 = arith.constant 0 : i32
        %dma_start3A_268 = arith.constant 0 : i32
        %dma_start3A_269 = tpu.memref_slice %arg4[%dma_start3A_267, %dma_start3A_268] : memref<10016x128xf32, #tpu.memory_space<hbm>> -> memref<10016x128xf32, #tpu.memory_space<hbm>>
        tpu.enqueue_indirect_dma source(%dma_start3A_269 : memref<10016x128xf32, #tpu.memory_space<hbm>>) target(%arg20 : memref<128x128xf32, #tpu.memory_space<vmem>>) offsets(%dma_start3A_266 : memref<128xi32, #tpu.memory_space<vmem>>) semaphore(%arg23 : memref<!tpu.dma_semaphore, #tpu.memory_space<semaphore_mem>>)
        %run_scoped3A_270 = arith.constant 14 : i32
        "tpu.region"() ({
          %run_scoped3A_279 = tpu.sem_alloc : memref<!tpu.dma_semaphore, #tpu.memory_space<semaphore_mem>>
          %dma_start3A_280 = arith.constant 0 : i32
          %dma_start3A_281 = tpu.memref_slice %arg18[%run_scoped3A_270, %dma_start3A_280] : memref<16x128xi32, #tpu.memory_space<vmem>> -> memref<1x128xi32, #tpu.memory_space<vmem>>
          %dma_start3A_282 = tpu.memref_squeeze %dma_start3A_281 : memref<1x128xi32, #tpu.memory_space<vmem>> -> memref<128xi32, #tpu.memory_space<vmem>>
          %dma_start3A_283 = arith.constant 0 : i32
          %dma_start3A_284 = arith.constant 0 : i32
          %dma_start3A_285 = tpu.memref_slice %arg21[%dma_start3A_283, %dma_start3A_284] : memref<10032x128xf32, #tpu.memory_space<vmem_shared>> -> memref<10032x128xf32, #tpu.memory_space<vmem_shared>>
          tpu.enqueue_indirect_dma source(%arg19 : memref<128x128xf32, #tpu.memory_space<vmem>>) target(%dma_start3A_285 : memref<10032x128xf32, #tpu.memory_space<vmem_shared>>) offsets(%dma_start3A_282 : memref<128xi32, #tpu.memory_space<vmem>>) semaphore(%run_scoped3A_279 : memref<!tpu.dma_semaphore, #tpu.memory_space<semaphore_mem>>) {add = true}
          %dma_wait3A_286 = arith.constant 0 : i32
          %dma_wait3A_287 = tpu.memref_slice %arg18[%run_scoped3A_270, %dma_wait3A_286] : memref<16x128xi32, #tpu.memory_space<vmem>> -> memref<1x128xi32, #tpu.memory_space<vmem>>
          %dma_wait3A_288 = tpu.memref_squeeze %dma_wait3A_287 : memref<1x128xi32, #tpu.memory_space<vmem>> -> memref<128xi32, #tpu.memory_space<vmem>>
          %dma_wait3A_289 = arith.constant 0 : i32
          %dma_wait3A_290 = arith.constant 0 : i32
          %dma_wait3A_291 = tpu.memref_slice %arg21[%dma_wait3A_289, %dma_wait3A_290] : memref<10032x128xf32, #tpu.memory_space<vmem_shared>> -> memref<10032x128xf32, #tpu.memory_space<vmem_shared>>
          tpu.wait_indirect_dma semaphore(%run_scoped3A_279 : memref<!tpu.dma_semaphore, #tpu.memory_space<semaphore_mem>>) src(%arg19 : memref<128x128xf32, #tpu.memory_space<vmem>>) dst(%dma_wait3A_291 : memref<10032x128xf32, #tpu.memory_space<vmem_shared>>)
          tpu.yield
        }) : () -> ()
        %dma_wait3A_271 = arith.constant 15 : i32
        %dma_wait3A_272 = arith.constant 0 : i32
        %dma_wait3A_273 = tpu.memref_slice %arg17[%dma_wait3A_271, %dma_wait3A_272] : memref<16x128xi32, #tpu.memory_space<vmem>> -> memref<1x128xi32, #tpu.memory_space<vmem>>
        %dma_wait3A_274 = tpu.memref_squeeze %dma_wait3A_273 : memref<1x128xi32, #tpu.memory_space<vmem>> -> memref<128xi32, #tpu.memory_space<vmem>>
        %dma_wait3A_275 = arith.constant 0 : i32
        %dma_wait3A_276 = arith.constant 0 : i32
        %dma_wait3A_277 = tpu.memref_slice %arg4[%dma_wait3A_275, %dma_wait3A_276] : memref<10016x128xf32, #tpu.memory_space<hbm>> -> memref<10016x128xf32, #tpu.memory_space<hbm>>
        tpu.wait_indirect_dma semaphore(%arg23 : memref<!tpu.dma_semaphore, #tpu.memory_space<semaphore_mem>>) src(%dma_wait3A_277 : memref<10016x128xf32, #tpu.memory_space<hbm>>) dst(%arg20 : memref<128x128xf32, #tpu.memory_space<vmem>>)
        %run_scoped3A_278 = arith.constant 15 : i32
        "tpu.region"() ({
          %run_scoped3A_279 = tpu.sem_alloc : memref<!tpu.dma_semaphore, #tpu.memory_space<semaphore_mem>>
          %dma_start3A_280 = arith.constant 0 : i32
          %dma_start3A_281 = tpu.memref_slice %arg18[%run_scoped3A_278, %dma_start3A_280] : memref<16x128xi32, #tpu.memory_space<vmem>> -> memref<1x128xi32, #tpu.memory_space<vmem>>
          %dma_start3A_282 = tpu.memref_squeeze %dma_start3A_281 : memref<1x128xi32, #tpu.memory_space<vmem>> -> memref<128xi32, #tpu.memory_space<vmem>>
          %dma_start3A_283 = arith.constant 0 : i32
          %dma_start3A_284 = arith.constant 0 : i32
          %dma_start3A_285 = tpu.memref_slice %arg21[%dma_start3A_283, %dma_start3A_284] : memref<10032x128xf32, #tpu.memory_space<vmem_shared>> -> memref<10032x128xf32, #tpu.memory_space<vmem_shared>>
          tpu.enqueue_indirect_dma source(%arg20 : memref<128x128xf32, #tpu.memory_space<vmem>>) target(%dma_start3A_285 : memref<10032x128xf32, #tpu.memory_space<vmem_shared>>) offsets(%dma_start3A_282 : memref<128xi32, #tpu.memory_space<vmem>>) semaphore(%run_scoped3A_279 : memref<!tpu.dma_semaphore, #tpu.memory_space<semaphore_mem>>) {add = true}
          %dma_wait3A_286 = arith.constant 0 : i32
          %dma_wait3A_287 = tpu.memref_slice %arg18[%run_scoped3A_278, %dma_wait3A_286] : memref<16x128xi32, #tpu.memory_space<vmem>> -> memref<1x128xi32, #tpu.memory_space<vmem>>
          %dma_wait3A_288 = tpu.memref_squeeze %dma_wait3A_287 : memref<1x128xi32, #tpu.memory_space<vmem>> -> memref<128xi32, #tpu.memory_space<vmem>>
          %dma_wait3A_289 = arith.constant 0 : i32
          %dma_wait3A_290 = arith.constant 0 : i32
          %dma_wait3A_291 = tpu.memref_slice %arg21[%dma_wait3A_289, %dma_wait3A_290] : memref<10032x128xf32, #tpu.memory_space<vmem_shared>> -> memref<10032x128xf32, #tpu.memory_space<vmem_shared>>
          tpu.wait_indirect_dma semaphore(%run_scoped3A_279 : memref<!tpu.dma_semaphore, #tpu.memory_space<semaphore_mem>>) src(%arg20 : memref<128x128xf32, #tpu.memory_space<vmem>>) dst(%dma_wait3A_291 : memref<10032x128xf32, #tpu.memory_space<vmem_shared>>)
          tpu.yield
        }) : () -> ()
      }
      %scan3A_30 = arith.constant 8 : i32
      %barrier3A_31 = arith.constant 0 : index
      tpu.barrier barrier_id(%barrier3A_31)
      "tpu.region"() ({
        %run_scoped3A = tpu.sem_alloc : memref<!tpu.dma_semaphore, #tpu.memory_space<semaphore_mem>>
        %dma_start3A = arith.constant 0 : i32
        %dma_start3A_38 = tpu.memref_slice %arg16[%mul3A_0, %dma_start3A] : memref<10000x128xf32, #tpu.memory_space<hbm>> -> memref<624x128xf32, #tpu.memory_space<hbm>>
        %dma_start3A_39 = arith.constant 0 : i32
        %dma_start3A_40 = tpu.memref_slice %arg21[%mul3A_0, %dma_start3A_39] : memref<10032x128xf32, #tpu.memory_space<vmem_shared>> -> memref<624x128xf32, #tpu.memory_space<vmem_shared>>
        tpu.enqueue_dma source(%dma_start3A_40 : memref<624x128xf32, #tpu.memory_space<vmem_shared>>) target(%dma_start3A_38 : memref<624x128xf32, #tpu.memory_space<hbm>>) target_semaphore(%run_scoped3A : memref<!tpu.dma_semaphore, #tpu.memory_space<semaphore_mem>>)
        %dma_wait3A = arith.constant 0 : i32
        %dma_wait3A_41 = tpu.memref_slice %arg16[%mul3A_0, %dma_wait3A] : memref<10000x128xf32, #tpu.memory_space<hbm>> -> memref<624x128xf32, #tpu.memory_space<hbm>>
        %dma_wait3A_42 = arith.constant 0 : i32
        %dma_wait3A_43 = tpu.memref_slice %arg21[%mul3A_0, %dma_wait3A_42] : memref<10032x128xf32, #tpu.memory_space<vmem_shared>> -> memref<624x128xf32, #tpu.memory_space<vmem_shared>>
        tpu.wait_dma2 semaphore(%run_scoped3A : memref<!tpu.dma_semaphore, #tpu.memory_space<semaphore_mem>>) src(%dma_wait3A_43 : memref<624x128xf32, #tpu.memory_space<vmem_shared>>) dst(%dma_wait3A_41 : memref<624x128xf32, #tpu.memory_space<hbm>>)
        tpu.yield
      }) : () -> ()
      %eq3A_32 = arith.constant 15 : i32
      %eq3A_33 = arith.cmpi eq, %arg1, %eq3A_32 : i32
      %convert_element_type3A_34 = arith.extui %eq3A_33 : i1 to i32
      %cond3A_35 = arith.constant 0 : i32
      %cond3A_36 = arith.cmpi ne, %convert_element_type3A_34, %cond3A_35 : i32
      scf.if %cond3A_36 {
        "tpu.region"() ({
          %run_scoped3A = tpu.sem_alloc : memref<!tpu.dma_semaphore, #tpu.memory_space<semaphore_mem>>
          %dma_start3A = arith.constant 9984 : i32
          %dma_start3A_38 = arith.constant 0 : i32
          %dma_start3A_39 = tpu.memref_slice %arg16[%dma_start3A, %dma_start3A_38] : memref<10000x128xf32, #tpu.memory_space<hbm>> -> memref<16x128xf32, #tpu.memory_space<hbm>>
          %dma_start3A_40 = arith.constant 9984 : i32
          %dma_start3A_41 = arith.constant 0 : i32
          %dma_start3A_42 = tpu.memref_slice %arg21[%dma_start3A_40, %dma_start3A_41] : memref<10032x128xf32, #tpu.memory_space<vmem_shared>> -> memref<16x128xf32, #tpu.memory_space<vmem_shared>>
          tpu.enqueue_dma source(%dma_start3A_42 : memref<16x128xf32, #tpu.memory_space<vmem_shared>>) target(%dma_start3A_39 : memref<16x128xf32, #tpu.memory_space<hbm>>) target_semaphore(%run_scoped3A : memref<!tpu.dma_semaphore, #tpu.memory_space<semaphore_mem>>)
          %dma_wait3A = arith.constant 9984 : i32
          %dma_wait3A_43 = arith.constant 0 : i32
          %dma_wait3A_44 = tpu.memref_slice %arg16[%dma_wait3A, %dma_wait3A_43] : memref<10000x128xf32, #tpu.memory_space<hbm>> -> memref<16x128xf32, #tpu.memory_space<hbm>>
          %dma_wait3A_45 = arith.constant 9984 : i32
          %dma_wait3A_46 = arith.constant 0 : i32
          %dma_wait3A_47 = tpu.memref_slice %arg21[%dma_wait3A_45, %dma_wait3A_46] : memref<10032x128xf32, #tpu.memory_space<vmem_shared>> -> memref<16x128xf32, #tpu.memory_space<vmem_shared>>
          tpu.wait_dma2 semaphore(%run_scoped3A : memref<!tpu.dma_semaphore, #tpu.memory_space<semaphore_mem>>) src(%dma_wait3A_47 : memref<16x128xf32, #tpu.memory_space<vmem_shared>>) dst(%dma_wait3A_44 : memref<16x128xf32, #tpu.memory_space<hbm>>)
          tpu.yield
        }) : () -> ()
      } else {
      }
      %barrier3A_37 = arith.constant 0 : index
      tpu.barrier barrier_id(%barrier3A_37)
    } else {
    }
    return
  }
}

module attributes {stable_mosaic.version = 14 : i64} {
  func.func @_tc_body(%arg0: i32, %arg1: memref<2504x128xf32, #tpu.memory_space<vmem>>, %arg2: memref<2504x128xf32, #tpu.memory_space<vmem>>, %arg3: memref<128x128xf32, #tpu.memory_space<vmem>>, %arg4: memref<128x128xf32, #tpu.memory_space<vmem>>, %arg5: memref<128x128xf32, #tpu.memory_space<vmem>>, %arg6: memref<128x128xf32, #tpu.memory_space<vmem>>, %arg7: memref<128x128xf32, #tpu.memory_space<vmem>>, %arg8: memref<2504x128xf32, #tpu.memory_space<vmem>>, %arg9: memref<2504x128xf32, #tpu.memory_space<vmem>>, %arg10: memref<2504x128xf32, #tpu.memory_space<vmem>>, %arg11: memref<2504x128xf32, #tpu.memory_space<vmem>>, %arg12: memref<2504x128xf32, #tpu.memory_space<vmem>>) attributes {dimension_semantics = [#tpu.dimension_semantics<arbitrary>], iteration_bounds = array<i64: 4>, scalar_prefetch = 0 : i64, scratch_operands = 0 : i64, tpu.core_type = #tpu.core_type<tc>, window_params = [{transform_indices = @transform_0, window_bounds = array<i64: 2504, 128>}, {transform_indices = @transform_1, window_bounds = array<i64: 2504, 128>}, {pipeline_mode = #tpu.pipeline_mode<synchronous>, transform_indices = @transform_2, window_bounds = array<i64: 128, 128>}, {pipeline_mode = #tpu.pipeline_mode<synchronous>, transform_indices = @transform_3, window_bounds = array<i64: 128, 128>}, {pipeline_mode = #tpu.pipeline_mode<synchronous>, transform_indices = @transform_4, window_bounds = array<i64: 128, 128>}, {pipeline_mode = #tpu.pipeline_mode<synchronous>, transform_indices = @transform_5, window_bounds = array<i64: 128, 128>}, {pipeline_mode = #tpu.pipeline_mode<synchronous>, transform_indices = @transform_6, window_bounds = array<i64: 128, 128>}, {transform_indices = @transform_7, window_bounds = array<i64: 2504, 128>}, {transform_indices = @transform_8, window_bounds = array<i64: 2504, 128>}, {transform_indices = @transform_9, window_bounds = array<i64: 2504, 128>}, {transform_indices = @transform_10, window_bounds = array<i64: 2504, 128>}, {transform_indices = @transform_11, window_bounds = array<i64: 2504, 128>}]} {
    %get3A = arith.constant 0 : index
    %get3A_0 = arith.constant 0 : index
    %get3A_1 = vector.load %arg1[%get3A, %get3A_0] : memref<2504x128xf32, #tpu.memory_space<vmem>>, vector<2504x128xf32>
    %get3A_2 = arith.constant 0 : index
    %get3A_3 = arith.constant 0 : index
    %get3A_4 = vector.load %arg2[%get3A_2, %get3A_3] : memref<2504x128xf32, #tpu.memory_space<vmem>>, vector<2504x128xf32>
    %get3A_5 = arith.constant 0 : index
    %get3A_6 = arith.constant 0 : index
    %get3A_7 = vector.load %arg3[%get3A_5, %get3A_6] : memref<128x128xf32, #tpu.memory_space<vmem>>, vector<128x128xf32>
    %dot_general3A = arith.constant dense<0.000000e+00> : vector<2504x128xf32>
    %dot_general3A_8 = tpu.matmul %get3A_1, %get3A_7, %dot_general3A {dimension_numbers = #tpu.dot_dimension_numbers<[1], [0], [0], [1], [0, 0, 1, 1], [], []>, transpose_lhs_hint = false} : vector<2504x128xf32>, vector<128x128xf32>, vector<2504x128xf32> -> vector<2504x128xf32>
    %swap3A = arith.constant 0 : index
    %swap3A_9 = arith.constant 0 : index
    %swap3A_10 = vector.load %arg8[%swap3A, %swap3A_9] : memref<2504x128xf32, #tpu.memory_space<vmem>>, vector<2504x128xf32>
    tpu.vector_store %arg8[%swap3A, %swap3A_9], %dot_general3A_8 {strides = array<i32>} : memref<2504x128xf32, #tpu.memory_space<vmem>>, vector<2504x128xf32>,
    %get3A_11 = arith.constant 0 : index
    %get3A_12 = arith.constant 0 : index
    %get3A_13 = vector.load %arg4[%get3A_11, %get3A_12] : memref<128x128xf32, #tpu.memory_space<vmem>>, vector<128x128xf32>
    %dot_general3A_14 = arith.constant dense<0.000000e+00> : vector<2504x128xf32>
    %dot_general3A_15 = tpu.matmul %get3A_4, %get3A_13, %dot_general3A_14 {dimension_numbers = #tpu.dot_dimension_numbers<[1], [0], [0], [1], [0, 0, 1, 1], [], []>, transpose_lhs_hint = false} : vector<2504x128xf32>, vector<128x128xf32>, vector<2504x128xf32> -> vector<2504x128xf32>
    %swap3A_16 = arith.constant 0 : index
    %swap3A_17 = arith.constant 0 : index
    %swap3A_18 = vector.load %arg9[%swap3A_16, %swap3A_17] : memref<2504x128xf32, #tpu.memory_space<vmem>>, vector<2504x128xf32>
    tpu.vector_store %arg9[%swap3A_16, %swap3A_17], %dot_general3A_15 {strides = array<i32>} : memref<2504x128xf32, #tpu.memory_space<vmem>>, vector<2504x128xf32>,
    %get3A_19 = arith.constant 0 : index
    %get3A_20 = arith.constant 0 : index
    %get3A_21 = vector.load %arg5[%get3A_19, %get3A_20] : memref<128x128xf32, #tpu.memory_space<vmem>>, vector<128x128xf32>
    %dot_general3A_22 = arith.constant dense<0.000000e+00> : vector<2504x128xf32>
    %dot_general3A_23 = tpu.matmul %get3A_1, %get3A_21, %dot_general3A_22 {dimension_numbers = #tpu.dot_dimension_numbers<[1], [0], [0], [1], [0, 0, 1, 1], [], []>, transpose_lhs_hint = false} : vector<2504x128xf32>, vector<128x128xf32>, vector<2504x128xf32> -> vector<2504x128xf32>
    %swap3A_24 = arith.constant 0 : index
    %swap3A_25 = arith.constant 0 : index
    %swap3A_26 = vector.load %arg10[%swap3A_24, %swap3A_25] : memref<2504x128xf32, #tpu.memory_space<vmem>>, vector<2504x128xf32>
    tpu.vector_store %arg10[%swap3A_24, %swap3A_25], %dot_general3A_23 {strides = array<i32>} : memref<2504x128xf32, #tpu.memory_space<vmem>>, vector<2504x128xf32>,
    %get3A_27 = arith.constant 0 : index
    %get3A_28 = arith.constant 0 : index
    %get3A_29 = vector.load %arg6[%get3A_27, %get3A_28] : memref<128x128xf32, #tpu.memory_space<vmem>>, vector<128x128xf32>
    %dot_general3A_30 = arith.constant dense<0.000000e+00> : vector<2504x128xf32>
    %dot_general3A_31 = tpu.matmul %get3A_4, %get3A_29, %dot_general3A_30 {dimension_numbers = #tpu.dot_dimension_numbers<[1], [0], [0], [1], [0, 0, 1, 1], [], []>, transpose_lhs_hint = false} : vector<2504x128xf32>, vector<128x128xf32>, vector<2504x128xf32> -> vector<2504x128xf32>
    %swap3A_32 = arith.constant 0 : index
    %swap3A_33 = arith.constant 0 : index
    %swap3A_34 = vector.load %arg11[%swap3A_32, %swap3A_33] : memref<2504x128xf32, #tpu.memory_space<vmem>>, vector<2504x128xf32>
    tpu.vector_store %arg11[%swap3A_32, %swap3A_33], %dot_general3A_31 {strides = array<i32>} : memref<2504x128xf32, #tpu.memory_space<vmem>>, vector<2504x128xf32>,
    %get3A_35 = arith.constant 0 : index
    %get3A_36 = arith.constant 0 : index
    %get3A_37 = vector.load %arg7[%get3A_35, %get3A_36] : memref<128x128xf32, #tpu.memory_space<vmem>>, vector<128x128xf32>
    %dot_general3A_38 = arith.constant dense<0.000000e+00> : vector<2504x128xf32>
    %dot_general3A_39 = tpu.matmul %get3A_1, %get3A_37, %dot_general3A_38 {dimension_numbers = #tpu.dot_dimension_numbers<[1], [0], [0], [1], [0, 0, 1, 1], [], []>, transpose_lhs_hint = false} : vector<2504x128xf32>, vector<128x128xf32>, vector<2504x128xf32> -> vector<2504x128xf32>
    %swap3A_40 = arith.constant 0 : index
    %swap3A_41 = arith.constant 0 : index
    %swap3A_42 = vector.load %arg12[%swap3A_40, %swap3A_41] : memref<2504x128xf32, #tpu.memory_space<vmem>>, vector<2504x128xf32>
    tpu.vector_store %arg12[%swap3A_40, %swap3A_41], %dot_general3A_39 {strides = array<i32>} : memref<2504x128xf32, #tpu.memory_space<vmem>>, vector<2504x128xf32>,
    return
  }
  func.func @transform_0(%arg0: i32) -> (i32, i32) {
    %c0_i32 = arith.constant 0 : i32
    %c0_i32_0 = arith.constant 0 : i32
    return %arg0, %c0_i32 : i32, i32
  }
  func.func @transform_1(%arg0: i32) -> (i32, i32) {
    %c0_i32 = arith.constant 0 : i32
    %c0_i32_0 = arith.constant 0 : i32
    return %arg0, %c0_i32 : i32, i32
  }
  func.func @transform_2(%arg0: i32) -> (i32, i32) {
    %c0_i32 = arith.constant 0 : i32
    %c0_i32_0 = arith.constant 0 : i32
    %c0_i32_1 = arith.constant 0 : i32
    return %c0_i32, %c0_i32_0 : i32, i32
  }
  func.func @transform_3(%arg0: i32) -> (i32, i32) {
    %c0_i32 = arith.constant 0 : i32
    %c0_i32_0 = arith.constant 0 : i32
    %c0_i32_1 = arith.constant 0 : i32
    return %c0_i32, %c0_i32_0 : i32, i32
  }
  func.func @transform_4(%arg0: i32) -> (i32, i32) {
    %c0_i32 = arith.constant 0 : i32
    %c0_i32_0 = arith.constant 0 : i32
    %c0_i32_1 = arith.constant 0 : i32
    return %c0_i32, %c0_i32_0 : i32, i32
  }
  func.func @transform_5(%arg0: i32) -> (i32, i32) {
    %c0_i32 = arith.constant 0 : i32
    %c0_i32_0 = arith.constant 0 : i32
    %c0_i32_1 = arith.constant 0 : i32
    return %c0_i32, %c0_i32_0 : i32, i32
  }
  func.func @transform_6(%arg0: i32) -> (i32, i32) {
    %c0_i32 = arith.constant 0 : i32
    %c0_i32_0 = arith.constant 0 : i32
    %c0_i32_1 = arith.constant 0 : i32
    return %c0_i32, %c0_i32_0 : i32, i32
  }
  func.func @transform_7(%arg0: i32) -> (i32, i32) {
    %c0_i32 = arith.constant 0 : i32
    %c0_i32_0 = arith.constant 0 : i32
    return %arg0, %c0_i32 : i32, i32
  }
  func.func @transform_8(%arg0: i32) -> (i32, i32) {
    %c0_i32 = arith.constant 0 : i32
    %c0_i32_0 = arith.constant 0 : i32
    return %arg0, %c0_i32 : i32, i32
  }
  func.func @transform_9(%arg0: i32) -> (i32, i32) {
    %c0_i32 = arith.constant 0 : i32
    %c0_i32_0 = arith.constant 0 : i32
    return %arg0, %c0_i32 : i32, i32
  }
  func.func @transform_10(%arg0: i32) -> (i32, i32) {
    %c0_i32 = arith.constant 0 : i32
    %c0_i32_0 = arith.constant 0 : i32
    return %arg0, %c0_i32 : i32, i32
  }
  func.func @transform_11(%arg0: i32) -> (i32, i32) {
    %c0_i32 = arith.constant 0 : i32
    %c0_i32_0 = arith.constant 0 : i32
    return %arg0, %c0_i32 : i32, i32
  }
}

module attributes {stable_mosaic.version = 14 : i64} {
  func.func @_add_body(%arg0: i32, %arg1: memref<2000x128xf32, #tpu.memory_space<vmem>>, %arg2: memref<2000x128xf32, #tpu.memory_space<vmem>>, %arg3: memref<2000x128xf32, #tpu.memory_space<vmem>>) attributes {dimension_semantics = [#tpu.dimension_semantics<arbitrary>], iteration_bounds = array<i64: 5>, scalar_prefetch = 0 : i64, scratch_operands = 0 : i64, tpu.core_type = #tpu.core_type<tc>, window_params = [{transform_indices = @transform_0, window_bounds = array<i64: 2000, 128>}, {transform_indices = @transform_1, window_bounds = array<i64: 2000, 128>}, {transform_indices = @transform_2, window_bounds = array<i64: 2000, 128>}]} {
    %get3A = arith.constant 0 : index
    %get3A_0 = arith.constant 0 : index
    %get3A_1 = vector.load %arg1[%get3A, %get3A_0] : memref<2000x128xf32, #tpu.memory_space<vmem>>, vector<2000x128xf32>
    %get3A_2 = arith.constant 0 : index
    %get3A_3 = arith.constant 0 : index
    %get3A_4 = vector.load %arg2[%get3A_2, %get3A_3] : memref<2000x128xf32, #tpu.memory_space<vmem>>, vector<2000x128xf32>
    %add3A = arith.addf %get3A_1, %get3A_4 : vector<2000x128xf32>
    %swap3A = arith.constant 0 : index
    %swap3A_5 = arith.constant 0 : index
    %swap3A_6 = vector.load %arg3[%swap3A, %swap3A_5] : memref<2000x128xf32, #tpu.memory_space<vmem>>, vector<2000x128xf32>
    tpu.vector_store %arg3[%swap3A, %swap3A_5], %add3A {strides = array<i32>} : memref<2000x128xf32, #tpu.memory_space<vmem>>, vector<2000x128xf32>,
    return
  }
  func.func @transform_0(%arg0: i32) -> (i32, i32) {
    %c0_i32 = arith.constant 0 : i32
    %c0_i32_0 = arith.constant 0 : i32
    return %arg0, %c0_i32 : i32, i32
  }
  func.func @transform_1(%arg0: i32) -> (i32, i32) {
    %c0_i32 = arith.constant 0 : i32
    %c0_i32_0 = arith.constant 0 : i32
    return %arg0, %c0_i32 : i32, i32
  }
  func.func @transform_2(%arg0: i32) -> (i32, i32) {
    %c0_i32 = arith.constant 0 : i32
    %c0_i32_0 = arith.constant 0 : i32
    return %arg0, %c0_i32 : i32, i32
  }
}

</mosaic_0001>

<sc_bundles>
// kernel: kernel.5.cloned.1.call-start
scs
__scs_entry_jumppad:
0x0: {  	(pc) =	sbr.rel $0x88, $3  }
0x1: {  	(tag) =	ssettag $0x0;
	lr =	simm.s32 $0x1  }
0x2: {  	[smem:$0x3F96] =	sst lr;
	_ =	strace $0xD0000000  }
0x3: {  	_ = 	snop  }
0x4: {  	_ = 	snop  }
0x5: {  	_ = 	snop  }
0x6: {  	_ = 	snop  }
0x7: {  	_ = 	snop  }
__scs_overlays_trampoline_lowered:
0x8: {  	[smem:$0x3FA5] =	sst s0  }
0x9: {  	[smem:$0x3FA6] =	sst s1  }
0xa: {  	[smem:$0x3FA7] =	sst s2  }
0xb: {  	[smem:$0x3FA8] =	sst s3  }
0xc: {  	[smem:$0x3FA9] =	sst s4  }
0xd: {  	[smem:$0x3FAA] =	sst s5  }
0xe: {  	[smem:$0x3FAB] =	sst s6  }
0xf: {  	[smem:$0x3FAC] =	sst s7  }
0x10: {  	[smem:$0x3FAD] =	sst s8  }
0x11: {  	[smem:$0x3FAE] =	sst s9;
	s0 =	simm.s32 @!p0 $0x0  }
0x12: {  	s1 =	sld [smem:$0x3F94];
	s0 =	simm.s32 @p0 $0x1  }
0x13: {  	[smem:$0x3FAF] =	sst s0;
	s0 =	simm.s32 @!p1 $0x0  }
0x14: {  	s2 =	sld [smem:$0x3F93];
	s0 =	simm.s32 @p1 $0x1  }
0x15: {  	[smem:$0x3FB0] =	sst s0;
	s0 =	simm.s32 @!p2 $0x0  }
0x16: {  	s3 =	sld [smem:$0x3FDB];
	s0 =	simm.s32 @p2 $0x1  }
0x17: {  	s4 =	simm.s32 $0x1BF5;
	[smem:$0x3FB2] =	sst s0  }
0x18: {  	s0 =	sld [smem:$0x3F95];
	_ =	swait.ge [sflag:s4], $0x0  }
0x19: {  	s7 =	sld [smem:$0x3F96]  }
0x1a: {  	s8 =	sadd.s32 $0xFFFFE003, lr  }
0x1b: {  	s9 =	sadd.s32 $0xFFFFFEF7, lr;
	s5 =	simm.s32 $0xFFFFFFFF;
	p2 =	slt.u32 s8, $0xFFFFF086  }
0x1c: {  	p1 =	slt.u32 s9, $0xF7A;
	s5 =	simm.s32 @!p2 $0x0  }
0x1d: {  	s5 =	simm.s32 @p1 $0x1;
	p0 =	seq.s32 s7, s2  }
0x1e: {  	s7 =	smul.u32 @!p0 $0xF7A, s2;
	p2 =	seq.s32 @!p0 s5, $0x0  }
0x1f: {  	s9 =	smul.u32 $0xF7A, s1;
	s8 =	simm.s32 @!p0 $0x1BF5;
	p2 =	por !p2, p0  }
0x20: {  	[sflag:s8] =	ssyncset.s32 @!p0 $0xFFFFF086;
	s6 =	sadd.s32 @!p0 s3, s7;
	s7 =	simm.s32 @!p0 $0x108  }
0x21: {  	s3 =	sadd.s32 s3, s9;
	s6 =	sadd.s32 @!p0 $0x88, s6;
	s7 =	simm.s32 @p2 $0x1082  }
0x22: {  	[simem:s7], [sflag:s8] =	dma.local @!p0 [hbm:s6], $0xF7A  }
0x23: {  	s9 =	sor.u32 $0xD0000000, s2;
	s6 =	simm.s32 $0x108;
	_ =	swait.ge @!p0 [sflag:s8], $0x0  }
0x24: {  	s3 =	sadd.s32 $0x88, s3;
	s6 =	simm.s32 @!p1 $0x1082;
	[sflag:s4] =	ssyncset.s32 $0xFFFFF086  }
0x25: {  	[simem:s6], [sflag:s4] =	dma.local [hbm:s3], $0xF7A  }
0x26: {  	[smem:$0x3F96] =	sst s1;
	(tag) =	ssettag s2;
	_ =	strace s9  }
0x27: {  	s1 =	sld [smem:$0x3FA6]  }
0x28: {  	s2 =	sld [smem:$0x3FA7]  }
0x29: {  	s4 =	sld [smem:$0x3FA9]  }
0x2a: {  	p0 =	seq.s32 s5, $0x0;
	s5 =	sld [smem:$0x3FAA]  }
0x2b: {  	s6 =	sld [smem:$0x3FAB]  }
0x2c: {  	s7 =	sld [smem:$0x3FAC]  }
0x2d: {  	s3 =	simm.s32 $0x108;
	s8 =	sld [smem:$0x3FAD]  }
0x2e: {  	s3 =	simm.s32 @!p0 $0x1082;
	s9 =	sld [smem:$0x3FAE]  }
0x2f: {  	lr =	sadd.s32 s0, s3;
	s0 =	sld [smem:$0x3FA5]  }
0x30: {  	s3 =	sld [smem:$0x3FA8]  }
0x31: {  	[smem:$0x3FB1] =	sst s10  }
0x32: {  	s10 =	sld [smem:$0x3FAF];
	_ =	sdelay $0x3  }
0x33: {  	p0 =	seq.s32 s10, $0x1;
	s10 =	sld [smem:$0x3FB1];
	_ =	sdelay $0x3  }
0x34: {  	[smem:$0x3FB1] =	sst s10  }
0x35: {  	s10 =	sld [smem:$0x3FB0];
	_ =	sdelay $0x3  }
0x36: {  	p1 =	seq.s32 s10, $0x1;
	s10 =	sld [smem:$0x3FB1];
	_ =	sdelay $0x3  }
0x37: {  	[smem:$0x3FB1] =	sst s10  }
0x38: {  	s10 =	sld [smem:$0x3FB2]  }
0x39: {  	_ = 	snop;
	(pc) =	sbr.ind lr, $3  }
0x3a: {  	_ = 	snop  }
0x3b: {  	_ = 	snop  }
0x3c: {  	p2 =	seq.s32 s10, $0x1;
	s10 =	sld [smem:$0x3FB1]  }
0x3d: {  	_ =	shalt  }
0x3e: {  	_ =	shalt  }
0x3f: {  	_ =	shalt  }
0x40: {  	_ =	shalt  }
0x41: {  	_ =	shalt  }
0x42: {  	_ =	shalt  }
0x43: {  	_ =	shalt  }
0x44: {  	_ =	shalt  }
0x45: {  	_ =	shalt  }
0x46: {  	_ =	shalt  }
0x47: {  	_ =	shalt  }
0x48: {  	_ =	shalt  }
0x49: {  	_ =	shalt  }
0x4a: {  	_ =	shalt  }
0x4b: {  	_ =	shalt  }
0x4c: {  	_ =	shalt  }
0x4d: {  	_ =	shalt  }
0x4e: {  	_ =	shalt  }
0x4f: {  	_ =	shalt  }
0x50: {  	_ =	shalt  }
0x51: {  	_ =	shalt  }
0x52: {  	_ =	shalt  }
0x53: {  	_ =	shalt  }
0x54: {  	_ =	shalt  }
0x55: {  	_ =	shalt  }
0x56: {  	_ =	shalt  }
0x57: {  	_ =	shalt  }
0x58: {  	_ =	shalt  }
0x59: {  	_ =	shalt  }
0x5a: {  	_ =	shalt  }
0x5b: {  	_ =	shalt  }
0x5c: {  	_ =	shalt  }
0x5d: {  	_ =	shalt  }
0x5e: {  	_ =	shalt  }
0x5f: {  	_ =	shalt  }
0x60: {  	_ =	shalt  }
0x61: {  	_ =	shalt  }
0x62: {  	_ =	shalt  }
0x63: {  	_ =	shalt  }
0x64: {  	_ =	shalt  }
0x65: {  	_ =	shalt  }
0x66: {  	_ =	shalt  }
0x67: {  	_ =	shalt  }
0x68: {  	_ =	shalt  }
0x69: {  	_ =	shalt  }
0x6a: {  	_ =	shalt  }
0x6b: {  	_ =	shalt  }
0x6c: {  	_ =	shalt  }
0x6d: {  	_ =	shalt  }
0x6e: {  	_ =	shalt  }
0x6f: {  	_ =	shalt  }
0x70: {  	_ =	shalt  }
0x71: {  	_ =	shalt  }
0x72: {  	_ =	shalt  }
0x73: {  	_ =	shalt  }
0x74: {  	_ =	shalt  }
0x75: {  	_ =	shalt  }
0x76: {  	_ =	shalt  }
0x77: {  	_ =	shalt  }
0x78: {  	_ =	shalt  }
0x79: {  	_ =	shalt  }
0x7a: {  	_ =	shalt  }
0x7b: {  	_ =	shalt  }
0x7c: {  	_ =	shalt  }
0x7d: {  	_ =	shalt  }
0x7e: {  	_ =	shalt  }
0x7f: {  	_ =	shalt  }
0x80: {  	_ =	shalt  }
0x81: {  	_ =	shalt  }
0x82: {  	_ =	shalt  }
0x83: {  	_ =	shalt  }
0x84: {  	_ =	shalt  }
0x85: {  	_ =	shalt  }
0x86: {  	_ =	shalt  }
0x87: {  	_ =	shalt  }
.Lfunc_end0:
.L_simem_size_0:
called_computation_lowered:
.L_overlay_start_0:
0x88: {  	s2 =	sld [smem:$0x3FD9]  }
0x89: {  	s3 =	sld [smem:$0x3FFE];
	_ =	sdelay $0x1  }
0x8a: {  	s1 =	srdreg.scid  }
0x8b: {  	s0 =	sand.u32 $0x1, s1  }
0x8c: {  	s14 =	sshll.u32 s0, $0xA;
	s2 =	sadd.s32 s3, s2  }
0x8d: {  	s2 =	sadd.s32 s2, s14  }
0x8e: {  	[smem:$0x3FBD] =	sst s2  }
0x8f: {  	_ = 	snop  }
0x90: {  	s2 =	sld [smem:$0x3FD0];
	_ =	sdelay $0x2  }
0x91: {  	s15 =	simm.s32 $0xA;
	s4 =	simm.s32 $0x10  }
0x92: {  	[smem:s4], [sflag:s15] =	dma.local [hbm:s2], $0x1  }
0x93: {  	_ =	swait.eq [sflag:s15], $0x1  }
0x94: {  	[sflag:s15] =	ssyncset.done $0x0  }
0x95: {  	s16 =	sld [smem:$0x10];
	[sflag:s15] =	ssyncadd.s32 $0xFFFFFFFF  }
0x96: {  	s17 =	sld [smem:$0x11];
	(tm) =	ssettm $0x1  }
0x97: {  	s18 =	sld [smem:$0x3FFB];
	_ =	sdelay $0x3  }
0x98: {  	_ =	strace s18  }
0x99: {  	s4 =	sld [smem:$0x3FFC];
	_ =	sdelay $0x3  }
0x9a: {  	_ =	strace s4  }
0x9b: {  	s4 =	sld [smem:$0x3FFD];
	_ =	sdelay $0x3  }
0x9c: {  	_ =	strace s4  }
0x9d: {  	_ =	strace $0x8FFFFFFF  }
0x9e: {  	s19 =	sld [smem:$0x3FDB];
	_ =	sdelay $0x1  }
0x9f: {  	s5 =	simm.s32 $_scs_section_size  }
0xa0: {  	s6 =	simm.s32 $_size__tile_overlayer_lowered;
	s7 =	simm.s32 $_tile_overlayer_lowered  }
0xa1: {  	s22 =	simm.s32 $0x1BFF;
	s21 =	sshll.u32 s7, $0x1;
	s4 =	sadd.s32 s5, s19  }
0xa2: {  	s8 =	simm.s32 $0x0;
	s20 =	sshll.u32 s6, $0x1;
	s6 =	sadd.s32 s21, s4  }
0xa3: {  	[timem:s8], [sflag:s22] =	dma.local [hbm:s6], s20  }
0xa4: {  	_ =	swait.ge [sflag:s22], s20  }
0xa5: {  	s5 =	ssub.s32 $0x0, s20;
	[sflag:s22] =	ssyncset.done $0x0  }
0xa6: {  	[sflag:s22] =	ssyncadd.s32 s5;
	_ =	sdelay $0x1  }
0xa7: {  	s23 =	simm.s32 $0x1B8B  }
0xa8: {  	_ =	swait.ge [sflag:s23], $0x1  }
0xa9: {  	[sflag:s23] =	ssyncset.done $0x0  }
0xaa: {  	s25 =	simm.s32 $0x1B8E;
	s24 =	sld [smem:$0x3FFE];
	[sflag:s23] =	ssyncadd.s32 $0xFFFFFFFF  }
0xab: {  	s26 =	simm.s32 $execute0_lowered;
	[smem:$0x3FD2] =	sst s25  }
0xac: {  	s6 =	sshll.u32 s26, $0x1;
	_ =	strace $0x80000046;
	[dreg:$0x1] =	wrdreg $0xFFFFFFFF  }
0xad: {  	s28 =	simm.s32 $_size_execute0_lowered;
	s4 =	sadd.s32 s4, s6;
	[dreg:$0x0] =	wrdreg $0x0  }
0xae: {  	s6 =	sshll.u32 s28, $0x1;
	[dreg:$0x2] =	wrdreg s4  }
0xaf: {  	[dreg:$0x3] =	wrdreg s6  }
0xb0: {  	[dreg:$0x4] =	wrdreg $0xC0  }
0xb1: {  	_ =	task [dreg:s8], $0x5FFFF  }
0xb2: {  	[dreg:$0x1] =	wrdreg $0xFFFFFFFF  }
0xb3: {  	[dreg:$0x0] =	wrdreg $0x60  }
0xb4: {  	[dreg:$0x2] =	wrdreg s24  }
0xb5: {  	[dreg:$0x3] =	wrdreg s17  }
0xb6: {  	[dreg:$0x4] =	wrdreg s16  }
0xb7: {  	[dreg:$0x5] =	wrdreg $0x90000  }
0xb8: {  	[dreg:$0x6] =	wrdreg $0x9  }
0xb9: {  	_ =	task.clear_ibuf [dreg:s8], $0x7FFFF;
	_ =	strace $0x90000046  }
0xba: {  	s29 =	simm.s32 $0x9;
	_ =	strace $0x80000048  }
0xbb: {  	_ =	swait.ge [sflag:s29], $0x1  }
0xbc: {  	[sflag:s29] =	ssyncadd.s32 $0xFFFFFFFF  }
0xbd: {  	_ =	strace $0x90000048  }
0xbe: {  	_ =	sfence  }
0xbf: {  	s30 =	sld [smem:$0x0];
	_ =	sdelay $0x2  }
0xc0: {  	s31 =	sshll.u32 s1, $0xD;
	s1 =	sshrl.u32 s1, $0x2  }
0xc1: {  	s3 =	sand.u32 $0x4000, s31;
	s1 =	sadd.s32 s1, s30  }
0xc2: {  	s0 =	sor.u32 s3, s0;
	s1 =	sshll.u32 s1, $0x11  }
0xc3: {  	s0 =	sor.u32 s1, s0  }
0xc4: {  	s0 =	sadd.s32 $0x8F2B, s0  }
0xc5: {  	[sflag:s0] =	ssyncadd.remote.s32 $0x1  }
0xc6: {  	_ =	sfence.sel $0xFFFF  }
0xc7: {  	[dreg:$0x0] =	wrdreg $0xFFFFFFFF;
	(pc) =	sbr.abs _section_cstart, $3  }
0xc8: {  	[dreg:$0x1] =	wrdreg $0xFFFFFFFF  }
0xc9: {  	_ =	task.clear_ibuf [dreg:s8], $0x2FFFF;
	_ =	strace $0x9FFFFFFF  }
0xca: {  	(tm) =	ssettm $0x7FFFFFFF  }
0xcb: {  	_ =	shalt  }
tec
execute0_lowered:
.L_overlay_start_1:
0x0: {  	(tag) =	ssettag $0x1  }
0x1: {  	s0 =	rddreg [dreg:$0x0]  }
0x2: {  	s1 =	rddreg [dreg:$0x1]  }
0x3: {  	s15 =	rddreg [dreg:$0x2]  }
0x4: {  	s3 =	rddreg [dreg:$0x3];
	s4 =	simm.s32 $0x0  }
0x5: {  	s14 =	stileid.u32;
	s9 =	srdreg.scid;
	s28 =	simm.s32 $0x3  }
0x6: {  	s29 =	simm.s32 $0x800;
	s30 =	simm.s32 $0x80;
	s31 =	simm.s32 $0x1000  }
0x7: {  	[smem:$0x7FF] =	sst s4;
	s2 =	smul.u32 $0x2700, s14;
	s5 =	sadd.s32 $0xDA800, s0  }
0x8: {  	s8 =	smul.u32 $0xA00, s14;
	s6 =	sadd.s32 $0x2000, s0;
	s7 =	sadd.s32 $0x29200, s0  }
0x9: {  	s9 =	sand.u32 $0x1, s9;
	s25 =	sadd.s32 $0x6E400, s0;
	s11 =	sadd.s32 $0x64400, s0  }
0xa: {  	s16 =	sadd.s32 $0x82400, s0;
	s13 =	smul.u32 $0x4E000, s14;
	s17 =	sadd.s32 $0x78400, s0  }
0xb: {  	s18 =	sadd.s32 $0x128C00, s0;
	_ =	strace $0x80000047;
	[dreg:$0xe] =	wrdreg s17  }
0xc: {  	s22 =	sshll.u32 s14, $0xB;
	s26 =	sadd.s32 $0x138000, s3;
	[dreg:$0xc] =	wrdreg s11  }
0xd: {  	p1 =	sne.s32 s14, $0xF;
	s19 =	ssub.s32 $0x2, s9;
	[dreg:$0x12] =	wrdreg s26  }
0xe: {  	p0 =	seq.s32 s9, $0x1;
	s24 =	sadd.s32 s22, s11;
	[dreg:$0xf] =	wrdreg s18  }
0xf: {  	s11 =	sadd.s32 s22, s25;
	s20 =	sadd.s32 s22, s17;
	[dreg:$0xb] =	wrdreg s25  }
0x10: {  	s10 =	sadd.s32 s2, s0;
	s21 =	sshrl.u32 s13, $0x2;
	s13 =	sadd.s32 $0x2000, s11  }
0x11: {  	s12 =	sshrl.u32 s19, $0x1;
	s9 =	sadd.s32 s21, s3;
	[dreg:$0x6] =	wrdreg s13  }
0x12: {  	s19 =	ssub.s32 s19, s12;
	s23 =	sadd.s32 $0x8C400, s10;
	[dreg:$0x10] =	wrdreg s9  }
0x13: {  	s12 =	sadd.s32 s22, s16;
	s22 =	sadd.s32 $0xB3400, s0;
	[dreg:$0x11] =	wrdreg s23  }
0x14: {  	p2 =	seq.s32 s14, $0xF;
	s21 =	sadd.s32 $0x2000, s20;
	[dreg:$0x13] =	wrdreg s22  }
0x15: {  	s8 =	sadd.s32 s8, s0;
	s11 =	sadd.s32 $0xB3600, s10;
	[dreg:$0x7] =	wrdreg s21  }
0x16: {  	s17 =	simm.s32 $0x280;
	s26 =	sadd.s32 $0x50400, s8;
	[dreg:$0x15] =	wrdreg s11  }
0x17: {  	s13 =	smov.u32 s16;
	s10 =	sadd.s32 $0x101A00, s10;
	[dreg:$0x9] =	wrdreg s26  }
0x18: {  	s8 =	sadd.s32 $0x5A400, s8;
	s16 =	simm.s32 $0x980;
	[dreg:$0x17] =	wrdreg s10  }
0x19: {  	s20 =	simm.s32 $0x0;
	s9 =	sadd.s32 $0x2000, s24;
	[dreg:$0xa] =	wrdreg s8  }
0x1a: {  	s23 =	sadd.s32 $0x2000, s12;
	s24 =	sadd.s32 s18, s2;
	[dreg:$0xd] =	wrdreg s13  }
0x1b: {  	s26 =	sadd.s32 s1, s2;
	s1 =	sadd.s32 $0x27000, s1;
	[dreg:$0x5] =	wrdreg s9  }
0x1c: {  	s8 =	sshll.u32 s14, $0x9;
	s14 =	simm.s32 $0x2;
	[dreg:$0x14] =	wrdreg s24  }
0x1d: {  	s10 =	simm.s32 $0x180;
	s18 =	simm.s32 $0xA00;
	[dreg:$0x8] =	wrdreg s23  }
0x1e: {  	s21 =	simm.s32 $0xA80;
	s22 =	simm.s32 $0x380;
	[dreg:$0x18] =	wrdreg s26  }
0x1f: {  	s12 =	simm.s32 $0xB80;
	s24 =	sadd.s32 $0xDA600, s0;
	[dreg:$0x19] =	wrdreg s1  }
0x20: {  	s0 =	sadd.s32 $0x128A00, s0;
	s1 =	sadd.s32 s15, s2;
	[dreg:$0x1d] =	wrdreg s8  }
.Ltmp0:
0x21: {  	s2 =	smax.u32 s19, $0x1;
	[dreg:$0x16] =	wrdreg s24;
	(pc) =	sbr.rel .LBB2_1-.Ltmp0, $4  }
0x22: {  	s9 =	simm.s32 $0x100;
	s15 =	simm.s32 $0x880;
	[dreg:$0x1a] =	wrdreg s0  }
0x23: {  	s26 =	simm.s32 $0x200;
	s19 =	simm.s32 $0x300;
	[dreg:$0x1b] =	wrdreg s1  }
0x24: {  	s23 =	simm.s32 $0xB00;
	[dreg:$0x1c] =	wrdreg s2;
	s0 =	simm.s32 $0x1  }
0x25: {  	s2 =	simm.s32 $0x5000;
	s24 =	simm.s32 $0x400;
	s1 =	simm.s32 $0x480  }
.LBB2_14:
0x26: {  	s9 =	rddreg [dreg:$0x12]  }
0x27: {  	s8 =	sadd.s32 $0x27000, s8;
	s9 =	sshrl.u32 s9, $0x3  }
0x28: {  	[hbm:s8], [sflag:s25] =	dma.local [spmem:s9], $0x100  }
0x29: {  	_ =	swait.ge [sflag:s28], $0x100  }
0x2a: {  	[sflag:s28] =	ssyncset.done $0x0  }
0x2b: {  	[sflag:s28] =	ssyncadd.s32 $0xFFFFFF00  }
.LBB2_15:
0x2c: {  	s20 =	sadd.s32 $0x1, s20;
	s8 =	rddreg [dreg:$0x1c]  }
0x2d: {  	p3 =	sne.s32 s20, s8  }
.Ltmp1:
0x2e: {  	_ = 	snop;
	(pc) =	sbr.rel @!p3 .LBB2_16-.Ltmp1, $3  }
0x2f: {  	_ =	sdelay $0x1  }
0x30: {  	[bflag:$0x0] =	sbarrier.arrive $0xFFFF  }
0x31: {  	s9 =	simm.s32 $0x100  }
.LBB2_1:
.Ltmp2:
0x32: {  	(pc) =	sbr.rel @!p0 .LBB2_9-.Ltmp2, $4  }
0x33: {  	[dreg:$0x1e] =	wrdreg s20  }
0x34: {  	s8 =	stileid.u32;
	s13 =	rddreg [dreg:$0x10]  }
0x35: {  	s8 =	sshll.u32 s8, $0x6;
	s20 =	sshrl.u32 s13, $0x3;
	s13 =	rddreg [dreg:$0x12]  }
0x36: {  	s25 =	sshrl.u32 @!p1 s13, $0x3;
	s13 =	sor.u32 $0x1C03, s8;
	[smem:$0x7FD] =	sst s20  }
0x37: {  	s11 =	sor.u32 $0x1C03, s8;
	s13 =	rddreg [dreg:$0x15]  }
0x38: {  	[spmem:s20], [sflag:s11] =	dma.local [hbm:s13], $0x2700  }
0x39: {  	_ =	swait.ge [sflag:s28], $0x2700;
	[dreg:$0x1f] =	wrdreg s11  }
0x3a: {  	[sflag:s28] =	ssyncset.done $0x0;
	s8 =	rddreg [dreg:$0x16]  }
0x3b: {  	[smem:$0x7FC] =	sst s25;
	[sflag:s28] =	ssyncadd.s32 $0xFFFFD900  }
0x3c: {  	[spmem:s25], [sflag:s11] =	dma.local @!p1 [hbm:s8], $0x100  }
0x3d: {  	s8 =	simm.s32 @!p1 $0x3  }
0x3e: {  	_ =	swait.ge @!p1 [sflag:s8], $0x100  }
0x3f: {  	[sflag:s8] =	ssyncset.done @!p1 $0x0  }
0x40: {  	[sflag:s8] =	ssyncadd.s32 @!p1 $0xFFFFFF00  }
0x41: {  	[bflag:$0x0] =	sbarrier.arrive $0xFFFF  }
0x42: {  	s11 =	rddreg [dreg:$0xa]  }
0x43: {  	s8 =	sadd.s32 $0x0, s11  }
0x44: {  	[tilespmem:s4], [sflag:$0x3] =	stream.linear.gather [hbm4b:s8+s4], $0x800, $0x38;
	[tilespmem:$0x1C980] =	vst v63  }
0x45: {  	_ =	swait.ge [sflag:s28], $0x800  }
0x46: {  	s13 =	rddreg [dreg:$0x9];
	[sflag:s28] =	ssyncset.done $0x0  }
0x47: {  	[sflag:s28] =	ssyncadd.s32 $0xFFFFF800;
	s8 =	sadd.s32 $0x0, s13  }
0x48: {  	[tilespmem:s29], [sflag:$0x3] =	stream.linear.gather [hbm4b:s8+s4], $0x800, $0x38;
	[tilespmem:$0x1C980] =	vst v63  }
0x49: {  	_ =	swait.ge [sflag:s28], $0x800  }
0x4a: {  	[sflag:s28] =	ssyncset.done $0x0  }
0x4b: {  	[sflag:s28] =	ssyncadd.s32 $0xFFFFF800  }
0x4c: {  	[tilespmem:s31], [sflag:$0x1] =	stream.indirect.gather [hbm4b:s5+s30], $0x80, s4, s30, $0xb8;
	[tilespmem:$0x1C980] =	vst v63  }
0x4d: {  	_ =	swait.ge [sflag:s0], $0x4000  }
0x4e: {  	[sflag:s0] =	ssyncset.done $0x0  }
0x4f: {  	[sflag:s0] =	ssyncadd.s32 $0xFFFFC000  }
0x50: {  	[tilespmem:s2], [sflag:$0x2] =	stream.indirect.gather [hbm4b:s5+s30], $0x80, s30, s30, $0xb8;
	[tilespmem:$0x1C980] =	vst v63  }
0x51: {  	_ = 	snop  }
0x52: {  	[spmem:s3] =	stream.indirect.scatter.add.f32 [tilespmem:s31], [sflag:$0x3], $0x80, s29, s30, $0xb8;
	[tilespmem:$0x1C980] =	vst v63  }
0x53: {  	_ =	swait.ge [sflag:s28], $0x4000  }
0x54: {  	[sflag:s28] =	ssyncset.done $0x0  }
0x55: {  	[sflag:s28] =	ssyncadd.s32 $0xFFFFC000  }
0x56: {  	_ =	swait.ge [sflag:s14], $0x4000  }
0x57: {  	[sflag:s14] =	ssyncset.done $0x0  }
0x58: {  	[sflag:s14] =	ssyncadd.s32 $0xFFFFC000  }
0x59: {  	[tilespmem:s31], [sflag:$0x1] =	stream.indirect.gather [hbm4b:s5+s30], $0x80, s9, s30, $0xb8;
	[tilespmem:$0x1C980] =	vst v63  }
0x5a: {  	_ = 	snop  }
0x5b: {  	[spmem:s3] =	stream.indirect.scatter.add.f32 [tilespmem:s2], [sflag:$0x3], $0x80, s15, s30, $0xb8;
	[tilespmem:$0x1C980] =	vst v63  }
0x5c: {  	_ =	swait.ge [sflag:s28], $0x4000  }
0x5d: {  	[sflag:s28] =	ssyncset.done $0x0  }
0x5e: {  	[sflag:s28] =	ssyncadd.s32 $0xFFFFC000  }
0x5f: {  	_ =	swait.ge [sflag:s0], $0x4000  }
0x60: {  	[sflag:s0] =	ssyncset.done $0x0  }
0x61: {  	[sflag:s0] =	ssyncadd.s32 $0xFFFFC000  }
0x62: {  	[tilespmem:s2], [sflag:$0x2] =	stream.indirect.gather [hbm4b:s5+s30], $0x80, s10, s30, $0xb8;
	[tilespmem:$0x1C980] =	vst v63  }
0x63: {  	s11 =	simm.s32 $0x900  }
0x64: {  	[spmem:s3] =	stream.indirect.scatter.add.f32 [tilespmem:s31], [sflag:$0x3], $0x80, s11, s30, $0xb8;
	[tilespmem:$0x1C980] =	vst v63  }
0x65: {  	_ =	swait.ge [sflag:s28], $0x4000  }
0x66: {  	[sflag:s28] =	ssyncset.done $0x0  }
0x67: {  	[sflag:s28] =	ssyncadd.s32 $0xFFFFC000  }
0x68: {  	_ =	swait.ge [sflag:s14], $0x4000  }
0x69: {  	[sflag:s14] =	ssyncset.done $0x0  }
0x6a: {  	[sflag:s14] =	ssyncadd.s32 $0xFFFFC000  }
0x6b: {  	[tilespmem:s31], [sflag:$0x1] =	stream.indirect.gather [hbm4b:s5+s30], $0x80, s26, s30, $0xb8;
	[tilespmem:$0x1C980] =	vst v63  }
0x6c: {  	_ = 	snop  }
0x6d: {  	[spmem:s3] =	stream.indirect.scatter.add.f32 [tilespmem:s2], [sflag:$0x3], $0x80, s16, s30, $0xb8;
	[tilespmem:$0x1C980] =	vst v63  }
0x6e: {  	_ =	swait.ge [sflag:s28], $0x4000  }
0x6f: {  	[sflag:s28] =	ssyncset.done $0x0  }
0x70: {  	[sflag:s28] =	ssyncadd.s32 $0xFFFFC000  }
0x71: {  	_ =	swait.ge [sflag:s0], $0x4000  }
0x72: {  	[sflag:s0] =	ssyncset.done $0x0  }
0x73: {  	[sflag:s0] =	ssyncadd.s32 $0xFFFFC000  }
0x74: {  	[tilespmem:s2], [sflag:$0x2] =	stream.indirect.gather [hbm4b:s5+s30], $0x80, s17, s30, $0xb8;
	[tilespmem:$0x1C980] =	vst v63  }
0x75: {  	_ = 	snop  }
0x76: {  	[spmem:s3] =	stream.indirect.scatter.add.f32 [tilespmem:s31], [sflag:$0x3], $0x80, s18, s30, $0xb8;
	[tilespmem:$0x1C980] =	vst v63  }
0x77: {  	_ =	swait.ge [sflag:s28], $0x4000  }
0x78: {  	[sflag:s28] =	ssyncset.done $0x0  }
0x79: {  	[sflag:s28] =	ssyncadd.s32 $0xFFFFC000  }
0x7a: {  	_ =	swait.ge [sflag:s14], $0x4000  }
0x7b: {  	[sflag:s14] =	ssyncset.done $0x0  }
0x7c: {  	[sflag:s14] =	ssyncadd.s32 $0xFFFFC000  }
0x7d: {  	[tilespmem:s31], [sflag:$0x1] =	stream.indirect.gather [hbm4b:s5+s30], $0x80, s19, s30, $0xb8;
	[tilespmem:$0x1C980] =	vst v63  }
0x7e: {  	_ = 	snop  }
0x7f: {  	[spmem:s3] =	stream.indirect.scatter.add.f32 [tilespmem:s2], [sflag:$0x3], $0x80, s21, s30, $0xb8;
	[tilespmem:$0x1C980] =	vst v63  }
0x80: {  	_ =	swait.ge [sflag:s28], $0x4000  }
0x81: {  	[sflag:s28] =	ssyncset.done $0x0  }
0x82: {  	[sflag:s28] =	ssyncadd.s32 $0xFFFFC000  }
0x83: {  	_ =	swait.ge [sflag:s0], $0x4000  }
0x84: {  	[sflag:s0] =	ssyncset.done $0x0  }
0x85: {  	[sflag:s0] =	ssyncadd.s32 $0xFFFFC000  }
0x86: {  	[tilespmem:s2], [sflag:$0x2] =	stream.indirect.gather [hbm4b:s5+s30], $0x80, s22, s30, $0xb8;
	[tilespmem:$0x1C980] =	vst v63  }
0x87: {  	_ = 	snop  }
0x88: {  	[spmem:s3] =	stream.indirect.scatter.add.f32 [tilespmem:s31], [sflag:$0x3], $0x80, s23, s30, $0xb8;
	[tilespmem:$0x1C980] =	vst v63  }
0x89: {  	_ =	swait.ge [sflag:s28], $0x4000  }
0x8a: {  	[sflag:s28] =	ssyncset.done $0x0  }
0x8b: {  	[sflag:s28] =	ssyncadd.s32 $0xFFFFC000  }
0x8c: {  	_ =	swait.ge [sflag:s14], $0x4000  }
0x8d: {  	[sflag:s14] =	ssyncset.done $0x0  }
0x8e: {  	[sflag:s14] =	ssyncadd.s32 $0xFFFFC000  }
0x8f: {  	[tilespmem:s31], [sflag:$0x1] =	stream.indirect.gather [hbm4b:s5+s30], $0x80, s24, s30, $0xb8;
	[tilespmem:$0x1C980] =	vst v63  }
0x90: {  	_ = 	snop  }
0x91: {  	[spmem:s3] =	stream.indirect.scatter.add.f32 [tilespmem:s2], [sflag:$0x3], $0x80, s12, s30, $0xb8;
	[tilespmem:$0x1C980] =	vst v63  }
0x92: {  	_ =	swait.ge [sflag:s28], $0x4000  }
0x93: {  	[sflag:s28] =	ssyncset.done $0x0  }
0x94: {  	[sflag:s28] =	ssyncadd.s32 $0xFFFFC000  }
0x95: {  	_ =	swait.ge [sflag:s0], $0x4000  }
0x96: {  	[sflag:s0] =	ssyncset.done $0x0  }
0x97: {  	[sflag:s0] =	ssyncadd.s32 $0xFFFFC000  }
0x98: {  	[tilespmem:s2], [sflag:$0x2] =	stream.indirect.gather [hbm4b:s5+s30], $0x80, s1, s30, $0xb8;
	[tilespmem:$0x1C980] =	vst v63  }
0x99: {  	s20 =	simm.s32 $0xC00  }
0x9a: {  	[spmem:s3] =	stream.indirect.scatter.add.f32 [tilespmem:s31], [sflag:$0x3], $0x80, s20, s30, $0xb8;
	[tilespmem:$0x1C980] =	vst v63  }
0x9b: {  	_ =	swait.ge [sflag:s28], $0x4000  }
0x9c: {  	[sflag:s28] =	ssyncset.done $0x0  }
0x9d: {  	[sflag:s28] =	ssyncadd.s32 $0xFFFFC000  }
0x9e: {  	_ =	swait.ge [sflag:s14], $0x4000  }
0x9f: {  	[sflag:s14] =	ssyncset.done $0x0  }
0xa0: {  	s25 =	simm.s32 $0x500;
	[sflag:s14] =	ssyncadd.s32 $0xFFFFC000  }
0xa1: {  	[tilespmem:s31], [sflag:$0x1] =	stream.indirect.gather [hbm4b:s5+s30], $0x80, s25, s30, $0xb8;
	[tilespmem:$0x1C980] =	vst v63  }
0xa2: {  	s13 =	simm.s32 $0xC80  }
0xa3: {  	[spmem:s3] =	stream.indirect.scatter.add.f32 [tilespmem:s2], [sflag:$0x3], $0x80, s13, s30, $0xb8;
	[tilespmem:$0x1C980] =	vst v63  }
0xa4: {  	_ =	swait.ge [sflag:s28], $0x4000  }
0xa5: {  	[sflag:s28] =	ssyncset.done $0x0  }
0xa6: {  	[sflag:s28] =	ssyncadd.s32 $0xFFFFC000  }
0xa7: {  	_ =	swait.ge [sflag:s0], $0x4000  }
0xa8: {  	[sflag:s0] =	ssyncset.done $0x0  }
0xa9: {  	s15 =	simm.s32 $0x580;
	[sflag:s0] =	ssyncadd.s32 $0xFFFFC000  }
0xaa: {  	[tilespmem:s2], [sflag:$0x2] =	stream.indirect.gather [hbm4b:s5+s30], $0x80, s15, s30, $0xb8;
	[tilespmem:$0x1C980] =	vst v63  }
0xab: {  	s15 =	simm.s32 $0xD00  }
0xac: {  	[spmem:s3] =	stream.indirect.scatter.add.f32 [tilespmem:s31], [sflag:$0x3], $0x80, s15, s30, $0xb8;
	[tilespmem:$0x1C980] =	vst v63  }
0xad: {  	_ =	swait.ge [sflag:s28], $0x4000  }
0xae: {  	[sflag:s28] =	ssyncset.done $0x0  }
0xaf: {  	[sflag:s28] =	ssyncadd.s32 $0xFFFFC000  }
0xb0: {  	_ =	swait.ge [sflag:s14], $0x4000  }
0xb1: {  	[sflag:s14] =	ssyncset.done $0x0  }
0xb2: {  	s25 =	simm.s32 $0x600;
	[sflag:s14] =	ssyncadd.s32 $0xFFFFC000  }
0xb3: {  	[tilespmem:s31], [sflag:$0x1] =	stream.indirect.gather [hbm4b:s5+s30], $0x80, s25, s30, $0xb8;
	[tilespmem:$0x1C980] =	vst v63  }
0xb4: {  	s10 =	simm.s32 $0xD80  }
0xb5: {  	[spmem:s3] =	stream.indirect.scatter.add.f32 [tilespmem:s2], [sflag:$0x3], $0x80, s10, s30, $0xb8;
	[tilespmem:$0x1C980] =	vst v63  }
0xb6: {  	_ =	swait.ge [sflag:s28], $0x4000  }
0xb7: {  	[sflag:s28] =	ssyncset.done $0x0  }
0xb8: {  	[sflag:s28] =	ssyncadd.s32 $0xFFFFC000  }
0xb9: {  	_ =	swait.ge [sflag:s0], $0x4000  }
0xba: {  	[sflag:s0] =	ssyncset.done $0x0  }
0xbb: {  	s13 =	simm.s32 $0x680;
	[sflag:s0] =	ssyncadd.s32 $0xFFFFC000  }
0xbc: {  	[tilespmem:s2], [sflag:$0x2] =	stream.indirect.gather [hbm4b:s5+s30], $0x80, s13, s30, $0xb8;
	[tilespmem:$0x1C980] =	vst v63  }
0xbd: {  	s15 =	simm.s32 $0xE00  }
0xbe: {  	[spmem:s3] =	stream.indirect.scatter.add.f32 [tilespmem:s31], [sflag:$0x3], $0x80, s15, s30, $0xb8;
	[tilespmem:$0x1C980] =	vst v63  }
0xbf: {  	_ =	swait.ge [sflag:s28], $0x4000  }
0xc0: {  	[sflag:s28] =	ssyncset.done $0x0  }
0xc1: {  	[sflag:s28] =	ssyncadd.s32 $0xFFFFC000  }
0xc2: {  	_ =	swait.ge [sflag:s14], $0x4000  }
0xc3: {  	[sflag:s14] =	ssyncset.done $0x0  }
0xc4: {  	s25 =	simm.s32 $0x700;
	[sflag:s14] =	ssyncadd.s32 $0xFFFFC000  }
0xc5: {  	[tilespmem:s31], [sflag:$0x1] =	stream.indirect.gather [hbm4b:s5+s30], $0x80, s25, s30, $0xb8;
	[tilespmem:$0x1C980] =	vst v63  }
0xc6: {  	s10 =	simm.s32 $0xE80  }
0xc7: {  	[spmem:s3] =	stream.indirect.scatter.add.f32 [tilespmem:s2], [sflag:$0x3], $0x80, s10, s30, $0xb8;
	[tilespmem:$0x1C980] =	vst v63  }
0xc8: {  	_ =	swait.ge [sflag:s28], $0x4000  }
0xc9: {  	[sflag:s28] =	ssyncset.done $0x0  }
0xca: {  	[sflag:s28] =	ssyncadd.s32 $0xFFFFC000  }
0xcb: {  	_ =	swait.ge [sflag:s0], $0x4000  }
0xcc: {  	[sflag:s0] =	ssyncset.done $0x0  }
0xcd: {  	s13 =	simm.s32 $0x780;
	[sflag:s0] =	ssyncadd.s32 $0xFFFFC000  }
0xce: {  	[tilespmem:s2], [sflag:$0x2] =	stream.indirect.gather [hbm4b:s5+s30], $0x80, s13, s30, $0xb8;
	[tilespmem:$0x1C980] =	vst v63  }
0xcf: {  	s15 =	simm.s32 $0xF00  }
0xd0: {  	[spmem:s3] =	stream.indirect.scatter.add.f32 [tilespmem:s31], [sflag:$0x3], $0x80, s15, s30, $0xb8;
	[tilespmem:$0x1C980] =	vst v63  }
0xd1: {  	_ =	swait.ge [sflag:s28], $0x4000  }
0xd2: {  	[sflag:s28] =	ssyncset.done $0x0  }
0xd3: {  	[sflag:s28] =	ssyncadd.s32 $0xFFFFC000  }
0xd4: {  	_ =	swait.ge [sflag:s14], $0x4000  }
0xd5: {  	[sflag:s14] =	ssyncset.done $0x0  }
0xd6: {  	s25 =	simm.s32 $0xF80;
	[sflag:s14] =	ssyncadd.s32 $0xFFFFC000  }
0xd7: {  	[spmem:s3] =	stream.indirect.scatter.add.f32 [tilespmem:s2], [sflag:$0x3], $0x80, s25, s30, $0xb8;
	[tilespmem:$0x1C980] =	vst v63  }
0xd8: {  	s13 =	simm.s32 $0x200;
	_ =	swait.ge [sflag:s28], $0x4000  }
0xd9: {  	s25 =	simm.s32 $0x100;
	s8 =	rddreg [dreg:$0xa];
	[sflag:s28] =	ssyncset.done $0x0  }
.LBB2_3:
0xda: {  	[sflag:s28] =	ssyncadd.s32 $0xFFFFC000;
	s8 =	sadd.s32 s25, s8  }
0xdb: {  	[tilespmem:s4], [sflag:$0x3] =	stream.linear.gather [hbm4b:s8+s4], $0x800, $0x38;
	[tilespmem:$0x1C980] =	vst v63  }
0xdc: {  	_ =	swait.ge [sflag:s28], $0x800  }
0xdd: {  	s10 =	rddreg [dreg:$0x9];
	[sflag:s28] =	ssyncset.done $0x0  }
0xde: {  	[sflag:s28] =	ssyncadd.s32 $0xFFFFF800;
	s8 =	sadd.s32 s25, s10  }
0xdf: {  	[tilespmem:s29], [sflag:$0x3] =	stream.linear.gather [hbm4b:s8+s4], $0x800, $0x38;
	[tilespmem:$0x1C980] =	vst v63  }
0xe0: {  	_ =	swait.ge [sflag:s28], $0x800  }
0xe1: {  	[sflag:s28] =	ssyncset.done $0x0  }
0xe2: {  	[sflag:s28] =	ssyncadd.s32 $0xFFFFF800  }
0xe3: {  	[tilespmem:s31], [sflag:$0x1] =	stream.indirect.gather [hbm4b:s5+s30], $0x80, s4, s30, $0xb8;
	[tilespmem:$0x1C980] =	vst v63  }
0xe4: {  	_ =	swait.ge [sflag:s0], $0x4000  }
0xe5: {  	[sflag:s0] =	ssyncset.done $0x0  }
0xe6: {  	[sflag:s0] =	ssyncadd.s32 $0xFFFFC000  }
0xe7: {  	[tilespmem:s2], [sflag:$0x2] =	stream.indirect.gather [hbm4b:s5+s30], $0x80, s30, s30, $0xb8;
	[tilespmem:$0x1C980] =	vst v63  }
0xe8: {  	_ = 	snop  }
0xe9: {  	[spmem:s3] =	stream.indirect.scatter.add.f32 [tilespmem:s31], [sflag:$0x3], $0x80, s29, s30, $0xb8;
	[tilespmem:$0x1C980] =	vst v63  }
0xea: {  	_ =	swait.ge [sflag:s28], $0x4000  }
0xeb: {  	[sflag:s28] =	ssyncset.done $0x0  }
0xec: {  	[sflag:s28] =	ssyncadd.s32 $0xFFFFC000  }
0xed: {  	_ =	swait.ge [sflag:s14], $0x4000  }
0xee: {  	[sflag:s14] =	ssyncset.done $0x0  }
0xef: {  	[sflag:s14] =	ssyncadd.s32 $0xFFFFC000  }
0xf0: {  	[tilespmem:s31], [sflag:$0x1] =	stream.indirect.gather [hbm4b:s5+s30], $0x80, s9, s30, $0xb8;
	[tilespmem:$0x1C980] =	vst v63  }
0xf1: {  	s10 =	simm.s32 $0x880  }
0xf2: {  	[spmem:s3] =	stream.indirect.scatter.add.f32 [tilespmem:s2], [sflag:$0x3], $0x80, s10, s30, $0xb8;
	[tilespmem:$0x1C980] =	vst v63  }
0xf3: {  	_ =	swait.ge [sflag:s28], $0x4000  }
0xf4: {  	[sflag:s28] =	ssyncset.done $0x0  }
0xf5: {  	[sflag:s28] =	ssyncadd.s32 $0xFFFFC000  }
0xf6: {  	_ =	swait.ge [sflag:s0], $0x4000  }
0xf7: {  	[sflag:s0] =	ssyncset.done $0x0  }
0xf8: {  	s8 =	simm.s32 $0x180;
	[sflag:s0] =	ssyncadd.s32 $0xFFFFC000  }
0xf9: {  	[tilespmem:s2], [sflag:$0x2] =	stream.indirect.gather [hbm4b:s5+s30], $0x80, s8, s30, $0xb8;
	[tilespmem:$0x1C980] =	vst v63  }
0xfa: {  	_ = 	snop  }
0xfb: {  	[spmem:s3] =	stream.indirect.scatter.add.f32 [tilespmem:s31], [sflag:$0x3], $0x80, s11, s30, $0xb8;
	[tilespmem:$0x1C980] =	vst v63  }
0xfc: {  	_ =	swait.ge [sflag:s28], $0x4000  }
0xfd: {  	[sflag:s28] =	ssyncset.done $0x0  }
0xfe: {  	[sflag:s28] =	ssyncadd.s32 $0xFFFFC000  }
0xff: {  	_ =	swait.ge [sflag:s14], $0x4000  }
0x100: {  	[sflag:s14] =	ssyncset.done $0x0  }
0x101: {  	[sflag:s14] =	ssyncadd.s32 $0xFFFFC000  }
0x102: {  	[tilespmem:s31], [sflag:$0x1] =	stream.indirect.gather [hbm4b:s5+s30], $0x80, s26, s30, $0xb8;
	[tilespmem:$0x1C980] =	vst v63  }
0x103: {  	_ = 	snop  }
0x104: {  	[spmem:s3] =	stream.indirect.scatter.add.f32 [tilespmem:s2], [sflag:$0x3], $0x80, s16, s30, $0xb8;
	[tilespmem:$0x1C980] =	vst v63  }
0x105: {  	_ =	swait.ge [sflag:s28], $0x4000  }
0x106: {  	[sflag:s28] =	ssyncset.done $0x0  }
0x107: {  	[sflag:s28] =	ssyncadd.s32 $0xFFFFC000  }
0x108: {  	_ =	swait.ge [sflag:s0], $0x4000  }
0x109: {  	[sflag:s0] =	ssyncset.done $0x0  }
0x10a: {  	[sflag:s0] =	ssyncadd.s32 $0xFFFFC000  }
0x10b: {  	[tilespmem:s2], [sflag:$0x2] =	stream.indirect.gather [hbm4b:s5+s30], $0x80, s17, s30, $0xb8;
	[tilespmem:$0x1C980] =	vst v63  }
0x10c: {  	_ = 	snop  }
0x10d: {  	[spmem:s3] =	stream.indirect.scatter.add.f32 [tilespmem:s31], [sflag:$0x3], $0x80, s18, s30, $0xb8;
	[tilespmem:$0x1C980] =	vst v63  }
0x10e: {  	_ =	swait.ge [sflag:s28], $0x4000  }
0x10f: {  	[sflag:s28] =	ssyncset.done $0x0  }
0x110: {  	[sflag:s28] =	ssyncadd.s32 $0xFFFFC000  }
0x111: {  	_ =	swait.ge [sflag:s14], $0x4000  }
0x112: {  	[sflag:s14] =	ssyncset.done $0x0  }
0x113: {  	[sflag:s14] =	ssyncadd.s32 $0xFFFFC000  }
0x114: {  	[tilespmem:s31], [sflag:$0x1] =	stream.indirect.gather [hbm4b:s5+s30], $0x80, s19, s30, $0xb8;
	[tilespmem:$0x1C980] =	vst v63  }
0x115: {  	_ = 	snop  }
0x116: {  	[spmem:s3] =	stream.indirect.scatter.add.f32 [tilespmem:s2], [sflag:$0x3], $0x80, s21, s30, $0xb8;
	[tilespmem:$0x1C980] =	vst v63  }
0x117: {  	_ =	swait.ge [sflag:s28], $0x4000  }
0x118: {  	[sflag:s28] =	ssyncset.done $0x0  }
0x119: {  	[sflag:s28] =	ssyncadd.s32 $0xFFFFC000  }
0x11a: {  	_ =	swait.ge [sflag:s0], $0x4000  }
0x11b: {  	[sflag:s0] =	ssyncset.done $0x0  }
0x11c: {  	[sflag:s0] =	ssyncadd.s32 $0xFFFFC000  }
0x11d: {  	[tilespmem:s2], [sflag:$0x2] =	stream.indirect.gather [hbm4b:s5+s30], $0x80, s22, s30, $0xb8;
	[tilespmem:$0x1C980] =	vst v63  }
0x11e: {  	_ = 	snop  }
0x11f: {  	[spmem:s3] =	stream.indirect.scatter.add.f32 [tilespmem:s31], [sflag:$0x3], $0x80, s23, s30, $0xb8;
	[tilespmem:$0x1C980] =	vst v63  }
0x120: {  	_ =	swait.ge [sflag:s28], $0x4000  }
0x121: {  	[sflag:s28] =	ssyncset.done $0x0  }
0x122: {  	[sflag:s28] =	ssyncadd.s32 $0xFFFFC000  }
0x123: {  	_ =	swait.ge [sflag:s14], $0x4000  }
0x124: {  	[sflag:s14] =	ssyncset.done $0x0  }
0x125: {  	[sflag:s14] =	ssyncadd.s32 $0xFFFFC000  }
0x126: {  	[tilespmem:s31], [sflag:$0x1] =	stream.indirect.gather [hbm4b:s5+s30], $0x80, s24, s30, $0xb8;
	[tilespmem:$0x1C980] =	vst v63  }
0x127: {  	_ = 	snop  }
0x128: {  	[spmem:s3] =	stream.indirect.scatter.add.f32 [tilespmem:s2], [sflag:$0x3], $0x80, s12, s30, $0xb8;
	[tilespmem:$0x1C980] =	vst v63  }
0x129: {  	_ =	swait.ge [sflag:s28], $0x4000  }
0x12a: {  	[sflag:s28] =	ssyncset.done $0x0  }
0x12b: {  	[sflag:s28] =	ssyncadd.s32 $0xFFFFC000  }
0x12c: {  	_ =	swait.ge [sflag:s0], $0x4000  }
0x12d: {  	[sflag:s0] =	ssyncset.done $0x0  }
0x12e: {  	[sflag:s0] =	ssyncadd.s32 $0xFFFFC000  }
0x12f: {  	[tilespmem:s2], [sflag:$0x2] =	stream.indirect.gather [hbm4b:s5+s30], $0x80, s1, s30, $0xb8;
	[tilespmem:$0x1C980] =	vst v63  }
0x130: {  	_ = 	snop  }
0x131: {  	[spmem:s3] =	stream.indirect.scatter.add.f32 [tilespmem:s31], [sflag:$0x3], $0x80, s20, s30, $0xb8;
	[tilespmem:$0x1C980] =	vst v63  }
0x132: {  	_ =	swait.ge [sflag:s28], $0x4000  }
0x133: {  	[sflag:s28] =	ssyncset.done $0x0  }
0x134: {  	[sflag:s28] =	ssyncadd.s32 $0xFFFFC000  }
0x135: {  	_ =	swait.ge [sflag:s14], $0x4000  }
0x136: {  	[sflag:s14] =	ssyncset.done $0x0  }
0x137: {  	s15 =	smov.u32 s13;
	s8 =	simm.s32 $0x500;
	[sflag:s14] =	ssyncadd.s32 $0xFFFFC000  }
0x138: {  	[tilespmem:s31], [sflag:$0x1] =	stream.indirect.gather [hbm4b:s5+s30], $0x80, s8, s30, $0xb8;
	[tilespmem:$0x1C980] =	vst v63  }
0x139: {  	s25 =	smov.u32 s15;
	s15 =	simm.s32 $0xC80  }
0x13a: {  	[spmem:s3] =	stream.indirect.scatter.add.f32 [tilespmem:s2], [sflag:$0x3], $0x80, s15, s30, $0xb8;
	[tilespmem:$0x1C980] =	vst v63  }
0x13b: {  	_ =	swait.ge [sflag:s28], $0x4000  }
0x13c: {  	[sflag:s28] =	ssyncset.done $0x0  }
0x13d: {  	[sflag:s28] =	ssyncadd.s32 $0xFFFFC000  }
0x13e: {  	_ =	swait.ge [sflag:s0], $0x4000  }
0x13f: {  	[sflag:s0] =	ssyncset.done $0x0  }
0x140: {  	s8 =	simm.s32 $0x580;
	[sflag:s0] =	ssyncadd.s32 $0xFFFFC000  }
0x141: {  	[tilespmem:s2], [sflag:$0x2] =	stream.indirect.gather [hbm4b:s5+s30], $0x80, s8, s30, $0xb8;
	[tilespmem:$0x1C980] =	vst v63  }
0x142: {  	s8 =	simm.s32 $0xD00  }
0x143: {  	[spmem:s3] =	stream.indirect.scatter.add.f32 [tilespmem:s31], [sflag:$0x3], $0x80, s8, s30, $0xb8;
	[tilespmem:$0x1C980] =	vst v63  }
0x144: {  	_ =	swait.ge [sflag:s28], $0x4000  }
0x145: {  	[sflag:s28] =	ssyncset.done $0x0  }
0x146: {  	[sflag:s28] =	ssyncadd.s32 $0xFFFFC000  }
0x147: {  	_ =	swait.ge [sflag:s14], $0x4000  }
0x148: {  	[sflag:s14] =	ssyncset.done $0x0  }
0x149: {  	s8 =	simm.s32 $0x600;
	[sflag:s14] =	ssyncadd.s32 $0xFFFFC000  }
0x14a: {  	[tilespmem:s31], [sflag:$0x1] =	stream.indirect.gather [hbm4b:s5+s30], $0x80, s8, s30, $0xb8;
	[tilespmem:$0x1C980] =	vst v63  }
0x14b: {  	s8 =	simm.s32 $0xD80  }
0x14c: {  	[spmem:s3] =	stream.indirect.scatter.add.f32 [tilespmem:s2], [sflag:$0x3], $0x80, s8, s30, $0xb8;
	[tilespmem:$0x1C980] =	vst v63  }
0x14d: {  	_ =	swait.ge [sflag:s28], $0x4000  }
0x14e: {  	[sflag:s28] =	ssyncset.done $0x0  }
0x14f: {  	[sflag:s28] =	ssyncadd.s32 $0xFFFFC000  }
0x150: {  	_ =	swait.ge [sflag:s0], $0x4000  }
0x151: {  	[sflag:s0] =	ssyncset.done $0x0  }
0x152: {  	s8 =	simm.s32 $0x680;
	[sflag:s0] =	ssyncadd.s32 $0xFFFFC000  }
0x153: {  	[tilespmem:s2], [sflag:$0x2] =	stream.indirect.gather [hbm4b:s5+s30], $0x80, s8, s30, $0xb8;
	[tilespmem:$0x1C980] =	vst v63  }
0x154: {  	s8 =	simm.s32 $0xE00  }
0x155: {  	[spmem:s3] =	stream.indirect.scatter.add.f32 [tilespmem:s31], [sflag:$0x3], $0x80, s8, s30, $0xb8;
	[tilespmem:$0x1C980] =	vst v63  }
0x156: {  	_ =	swait.ge [sflag:s28], $0x4000  }
0x157: {  	[sflag:s28] =	ssyncset.done $0x0  }
0x158: {  	[sflag:s28] =	ssyncadd.s32 $0xFFFFC000  }
0x159: {  	_ =	swait.ge [sflag:s14], $0x4000  }
0x15a: {  	[sflag:s14] =	ssyncset.done $0x0  }
0x15b: {  	s8 =	simm.s32 $0x700;
	[sflag:s14] =	ssyncadd.s32 $0xFFFFC000  }
0x15c: {  	[tilespmem:s31], [sflag:$0x1] =	stream.indirect.gather [hbm4b:s5+s30], $0x80, s8, s30, $0xb8;
	[tilespmem:$0x1C980] =	vst v63  }
0x15d: {  	s8 =	simm.s32 $0xE80  }
0x15e: {  	[spmem:s3] =	stream.indirect.scatter.add.f32 [tilespmem:s2], [sflag:$0x3], $0x80, s8, s30, $0xb8;
	[tilespmem:$0x1C980] =	vst v63  }
0x15f: {  	_ =	swait.ge [sflag:s28], $0x4000  }
0x160: {  	[sflag:s28] =	ssyncset.done $0x0  }
0x161: {  	[sflag:s28] =	ssyncadd.s32 $0xFFFFC000  }
0x162: {  	_ =	swait.ge [sflag:s0], $0x4000  }
0x163: {  	[sflag:s0] =	ssyncset.done $0x0  }
0x164: {  	s8 =	simm.s32 $0x780;
	[sflag:s0] =	ssyncadd.s32 $0xFFFFC000  }
0x165: {  	[tilespmem:s2], [sflag:$0x2] =	stream.indirect.gather [hbm4b:s5+s30], $0x80, s8, s30, $0xb8;
	[tilespmem:$0x1C980] =	vst v63  }
0x166: {  	s8 =	simm.s32 $0xF00  }
0x167: {  	[spmem:s3] =	stream.indirect.scatter.add.f32 [tilespmem:s31], [sflag:$0x3], $0x80, s8, s30, $0xb8;
	[tilespmem:$0x1C980] =	vst v63  }
0x168: {  	_ =	swait.ge [sflag:s28], $0x4000  }
0x169: {  	[sflag:s28] =	ssyncset.done $0x0  }
0x16a: {  	[sflag:s28] =	ssyncadd.s32 $0xFFFFC000  }
0x16b: {  	p3 =	sne.s32 s13, $0x900;
	_ =	swait.ge [sflag:s14], $0x4000  }
.Ltmp3:
0x16c: {  	[sflag:s14] =	ssyncset.done $0x0;
	(pc) =	sbr.rel @p3 .LBB2_3-.Ltmp3, $4  }
0x16d: {  	s8 =	simm.s32 $0xF80;
	[sflag:s14] =	ssyncadd.s32 $0xFFFFC000  }
0x16e: {  	[spmem:s3] =	stream.indirect.scatter.add.f32 [tilespmem:s2], [sflag:$0x3], $0x80, s8, s30, $0xb8;
	[tilespmem:$0x1C980] =	vst v63  }
0x16f: {  	_ =	swait.ge [sflag:s28], $0x4000  }
0x170: {  	s13 =	sadd.s32 $0x100, s13;
	s8 =	rddreg [dreg:$0xa];
	[sflag:s28] =	ssyncset.done $0x0  }
0x171: {  	[sflag:s28] =	ssyncadd.s32 $0xFFFFC000;
	s8 =	sadd.s32 s25, s8  }
0x172: {  	[tilespmem:s4], [sflag:$0x3] =	stream.linear.gather [hbm4b:s8+s4], $0x800, $0x38;
	[tilespmem:$0x1C980] =	vst v63  }
0x173: {  	_ =	swait.ge [sflag:s28], $0x800  }
0x174: {  	s13 =	rddreg [dreg:$0x9];
	[sflag:s28] =	ssyncset.done $0x0  }
0x175: {  	[sflag:s28] =	ssyncadd.s32 $0xFFFFF800;
	s8 =	sadd.s32 s25, s13  }
0x176: {  	[tilespmem:s29], [sflag:$0x3] =	stream.linear.gather [hbm4b:s8+s4], $0x800, $0x38;
	[tilespmem:$0x1C980] =	vst v63  }
0x177: {  	_ =	swait.ge [sflag:s28], $0x800  }
0x178: {  	[sflag:s28] =	ssyncset.done $0x0  }
0x179: {  	[sflag:s28] =	ssyncadd.s32 $0xFFFFF800  }
0x17a: {  	[tilespmem:s31], [sflag:$0x1] =	stream.indirect.gather [hbm4b:s5+s30], $0x80, s4, s30, $0xb8;
	[tilespmem:$0x1C980] =	vst v63  }
0x17b: {  	_ =	swait.ge [sflag:s0], $0x4000  }
0x17c: {  	[sflag:s0] =	ssyncset.done $0x0  }
0x17d: {  	[sflag:s0] =	ssyncadd.s32 $0xFFFFC000  }
0x17e: {  	[tilespmem:s2], [sflag:$0x2] =	stream.indirect.gather [hbm4b:s5+s30], $0x80, s30, s30, $0xb8;
	[tilespmem:$0x1C980] =	vst v63  }
0x17f: {  	_ = 	snop  }
0x180: {  	[spmem:s3] =	stream.indirect.scatter.add.f32 [tilespmem:s31], [sflag:$0x3], $0x80, s29, s30, $0xb8;
	[tilespmem:$0x1C980] =	vst v63  }
0x181: {  	_ =	swait.ge [sflag:s28], $0x4000  }
0x182: {  	[sflag:s28] =	ssyncset.done $0x0  }
0x183: {  	[sflag:s28] =	ssyncadd.s32 $0xFFFFC000  }
0x184: {  	_ =	swait.ge [sflag:s14], $0x4000  }
0x185: {  	[sflag:s14] =	ssyncset.done $0x0  }
0x186: {  	[sflag:s14] =	ssyncadd.s32 $0xFFFFC000  }
0x187: {  	[tilespmem:s31], [sflag:$0x1] =	stream.indirect.gather [hbm4b:s5+s30], $0x80, s9, s30, $0xb8;
	[tilespmem:$0x1C980] =	vst v63  }
0x188: {  	_ = 	snop  }
0x189: {  	[spmem:s3] =	stream.indirect.scatter.add.f32 [tilespmem:s2], [sflag:$0x3], $0x80, s10, s30, $0xb8;
	[tilespmem:$0x1C980] =	vst v63  }
0x18a: {  	_ =	swait.ge [sflag:s28], $0x4000  }
0x18b: {  	[sflag:s28] =	ssyncset.done $0x0  }
0x18c: {  	[sflag:s28] =	ssyncadd.s32 $0xFFFFC000  }
0x18d: {  	_ =	swait.ge [sflag:s0], $0x4000  }
0x18e: {  	[sflag:s0] =	ssyncset.done $0x0  }
0x18f: {  	s10 =	simm.s32 $0x180;
	[sflag:s0] =	ssyncadd.s32 $0xFFFFC000  }
0x190: {  	[tilespmem:s2], [sflag:$0x2] =	stream.indirect.gather [hbm4b:s5+s30], $0x80, s10, s30, $0xb8;
	[tilespmem:$0x1C980] =	vst v63  }
0x191: {  	_ = 	snop  }
0x192: {  	[spmem:s3] =	stream.indirect.scatter.add.f32 [tilespmem:s31], [sflag:$0x3], $0x80, s11, s30, $0xb8;
	[tilespmem:$0x1C980] =	vst v63  }
0x193: {  	_ =	swait.ge [sflag:s28], $0x4000  }
0x194: {  	[sflag:s28] =	ssyncset.done $0x0  }
0x195: {  	[sflag:s28] =	ssyncadd.s32 $0xFFFFC000  }
0x196: {  	_ =	swait.ge [sflag:s14], $0x4000  }
0x197: {  	[sflag:s14] =	ssyncset.done $0x0  }
0x198: {  	[sflag:s14] =	ssyncadd.s32 $0xFFFFC000  }
0x199: {  	[tilespmem:s31], [sflag:$0x1] =	stream.indirect.gather [hbm4b:s5+s30], $0x80, s26, s30, $0xb8;
	[tilespmem:$0x1C980] =	vst v63  }
0x19a: {  	_ = 	snop  }
0x19b: {  	[spmem:s3] =	stream.indirect.scatter.add.f32 [tilespmem:s2], [sflag:$0x3], $0x80, s16, s30, $0xb8;
	[tilespmem:$0x1C980] =	vst v63  }
0x19c: {  	_ =	swait.ge [sflag:s28], $0x4000  }
0x19d: {  	[sflag:s28] =	ssyncset.done $0x0  }
0x19e: {  	[sflag:s28] =	ssyncadd.s32 $0xFFFFC000  }
0x19f: {  	_ =	swait.ge [sflag:s0], $0x4000  }
0x1a0: {  	[sflag:s0] =	ssyncset.done $0x0  }
0x1a1: {  	[sflag:s0] =	ssyncadd.s32 $0xFFFFC000  }
0x1a2: {  	[tilespmem:s2], [sflag:$0x2] =	stream.indirect.gather [hbm4b:s5+s30], $0x80, s17, s30, $0xb8;
	[tilespmem:$0x1C980] =	vst v63  }
0x1a3: {  	_ = 	snop  }
0x1a4: {  	[spmem:s3] =	stream.indirect.scatter.add.f32 [tilespmem:s31], [sflag:$0x3], $0x80, s18, s30, $0xb8;
	[tilespmem:$0x1C980] =	vst v63  }
0x1a5: {  	_ =	swait.ge [sflag:s28], $0x4000  }
0x1a6: {  	[sflag:s28] =	ssyncset.done $0x0  }
0x1a7: {  	[sflag:s28] =	ssyncadd.s32 $0xFFFFC000  }
0x1a8: {  	_ =	swait.ge [sflag:s14], $0x4000  }
0x1a9: {  	[sflag:s14] =	ssyncset.done $0x0  }
0x1aa: {  	[sflag:s14] =	ssyncadd.s32 $0xFFFFC000  }
0x1ab: {  	[tilespmem:s31], [sflag:$0x1] =	stream.indirect.gather [hbm4b:s5+s30], $0x80, s19, s30, $0xb8;
	[tilespmem:$0x1C980] =	vst v63  }
0x1ac: {  	_ = 	snop  }
0x1ad: {  	[spmem:s3] =	stream.indirect.scatter.add.f32 [tilespmem:s2], [sflag:$0x3], $0x80, s21, s30, $0xb8;
	[tilespmem:$0x1C980] =	vst v63  }
0x1ae: {  	_ =	swait.ge [sflag:s28], $0x4000  }
0x1af: {  	[sflag:s28] =	ssyncset.done $0x0  }
0x1b0: {  	[sflag:s28] =	ssyncadd.s32 $0xFFFFC000  }
0x1b1: {  	_ =	swait.ge [sflag:s0], $0x4000  }
0x1b2: {  	[sflag:s0] =	ssyncset.done $0x0  }
0x1b3: {  	[sflag:s0] =	ssyncadd.s32 $0xFFFFC000  }
0x1b4: {  	[tilespmem:s2], [sflag:$0x2] =	stream.indirect.gather [hbm4b:s5+s30], $0x80, s22, s30, $0xb8;
	[tilespmem:$0x1C980] =	vst v63  }
0x1b5: {  	_ = 	snop  }
0x1b6: {  	[spmem:s3] =	stream.indirect.scatter.add.f32 [tilespmem:s31], [sflag:$0x3], $0x80, s23, s30, $0xb8;
	[tilespmem:$0x1C980] =	vst v63  }
0x1b7: {  	_ =	swait.ge [sflag:s28], $0x4000  }
0x1b8: {  	[sflag:s28] =	ssyncset.done $0x0  }
0x1b9: {  	[sflag:s28] =	ssyncadd.s32 $0xFFFFC000  }
0x1ba: {  	_ =	swait.ge [sflag:s14], $0x4000  }
0x1bb: {  	[sflag:s14] =	ssyncset.done $0x0  }
0x1bc: {  	[sflag:s14] =	ssyncadd.s32 $0xFFFFC000  }
0x1bd: {  	[tilespmem:s31], [sflag:$0x1] =	stream.indirect.gather [hbm4b:s5+s30], $0x80, s24, s30, $0xb8;
	[tilespmem:$0x1C980] =	vst v63  }
0x1be: {  	_ = 	snop  }
0x1bf: {  	[spmem:s3] =	stream.indirect.scatter.add.f32 [tilespmem:s2], [sflag:$0x3], $0x80, s12, s30, $0xb8;
	[tilespmem:$0x1C980] =	vst v63  }
0x1c0: {  	_ =	swait.ge [sflag:s28], $0x4000  }
0x1c1: {  	[sflag:s28] =	ssyncset.done $0x0  }
0x1c2: {  	[sflag:s28] =	ssyncadd.s32 $0xFFFFC000  }
0x1c3: {  	_ =	swait.ge [sflag:s0], $0x4000  }
0x1c4: {  	[sflag:s0] =	ssyncset.done $0x0  }
0x1c5: {  	[sflag:s0] =	ssyncadd.s32 $0xFFFFC000  }
0x1c6: {  	[tilespmem:s2], [sflag:$0x2] =	stream.indirect.gather [hbm4b:s5+s30], $0x80, s1, s30, $0xb8;
	[tilespmem:$0x1C980] =	vst v63  }
0x1c7: {  	_ = 	snop  }
0x1c8: {  	[spmem:s3] =	stream.indirect.scatter.add.f32 [tilespmem:s31], [sflag:$0x3], $0x80, s20, s30, $0xb8;
	[tilespmem:$0x1C980] =	vst v63  }
0x1c9: {  	_ =	swait.ge [sflag:s28], $0x4000  }
0x1ca: {  	[sflag:s28] =	ssyncset.done $0x0  }
0x1cb: {  	[sflag:s28] =	ssyncadd.s32 $0xFFFFC000  }
0x1cc: {  	_ =	swait.ge [sflag:s14], $0x4000  }
0x1cd: {  	[sflag:s14] =	ssyncset.done $0x0  }
0x1ce: {  	s12 =	simm.s32 $0x500;
	[sflag:s14] =	ssyncadd.s32 $0xFFFFC000  }
0x1cf: {  	[tilespmem:s31], [sflag:$0x1] =	stream.indirect.gather [hbm4b:s5+s30], $0x80, s12, s30, $0xb8;
	[tilespmem:$0x1C980] =	vst v63  }
0x1d0: {  	_ = 	snop  }
0x1d1: {  	[spmem:s3] =	stream.indirect.scatter.add.f32 [tilespmem:s2], [sflag:$0x3], $0x80, s15, s30, $0xb8;
	[tilespmem:$0x1C980] =	vst v63  }
0x1d2: {  	_ =	swait.ge [sflag:s28], $0x4000  }
0x1d3: {  	[sflag:s28] =	ssyncset.done $0x0  }
0x1d4: {  	[sflag:s28] =	ssyncadd.s32 $0xFFFFC000  }
0x1d5: {  	_ =	swait.ge [sflag:s0], $0x4000  }
0x1d6: {  	[sflag:s0] =	ssyncset.done $0x0  }
0x1d7: {  	s13 =	simm.s32 $0x580;
	[sflag:s0] =	ssyncadd.s32 $0xFFFFC000  }
0x1d8: {  	[tilespmem:s2], [sflag:$0x2] =	stream.indirect.gather [hbm4b:s5+s30], $0x80, s13, s30, $0xb8;
	[tilespmem:$0x1C980] =	vst v63  }
0x1d9: {  	s15 =	simm.s32 $0xD00  }
0x1da: {  	[spmem:s3] =	stream.indirect.scatter.add.f32 [tilespmem:s31], [sflag:$0x3], $0x80, s15, s30, $0xb8;
	[tilespmem:$0x1C980] =	vst v63  }
0x1db: {  	_ =	swait.ge [sflag:s28], $0x4000  }
0x1dc: {  	[sflag:s28] =	ssyncset.done $0x0  }
0x1dd: {  	[sflag:s28] =	ssyncadd.s32 $0xFFFFC000  }
0x1de: {  	_ =	swait.ge [sflag:s14], $0x4000  }
0x1df: {  	[sflag:s14] =	ssyncset.done $0x0  }
0x1e0: {  	s16 =	simm.s32 $0x600;
	[sflag:s14] =	ssyncadd.s32 $0xFFFFC000  }
0x1e1: {  	[tilespmem:s31], [sflag:$0x1] =	stream.indirect.gather [hbm4b:s5+s30], $0x80, s16, s30, $0xb8;
	[tilespmem:$0x1C980] =	vst v63  }
0x1e2: {  	s17 =	simm.s32 $0xD80  }
0x1e3: {  	[spmem:s3] =	stream.indirect.scatter.add.f32 [tilespmem:s2], [sflag:$0x3], $0x80, s17, s30, $0xb8;
	[tilespmem:$0x1C980] =	vst v63  }
0x1e4: {  	_ =	swait.ge [sflag:s28], $0x4000  }
0x1e5: {  	[sflag:s28] =	ssyncset.done $0x0  }
0x1e6: {  	[sflag:s28] =	ssyncadd.s32 $0xFFFFC000  }
0x1e7: {  	_ =	swait.ge [sflag:s0], $0x4000  }
0x1e8: {  	[sflag:s0] =	ssyncset.done $0x0  }
0x1e9: {  	s18 =	simm.s32 $0x680;
	[sflag:s0] =	ssyncadd.s32 $0xFFFFC000  }
0x1ea: {  	[tilespmem:s2], [sflag:$0x2] =	stream.indirect.gather [hbm4b:s5+s30], $0x80, s18, s30, $0xb8;
	[tilespmem:$0x1C980] =	vst v63  }
0x1eb: {  	s19 =	simm.s32 $0xE00  }
0x1ec: {  	[spmem:s3] =	stream.indirect.scatter.add.f32 [tilespmem:s31], [sflag:$0x3], $0x80, s19, s30, $0xb8;
	[tilespmem:$0x1C980] =	vst v63  }
0x1ed: {  	_ =	swait.ge [sflag:s28], $0x4000  }
0x1ee: {  	[sflag:s28] =	ssyncset.done $0x0  }
0x1ef: {  	[sflag:s28] =	ssyncadd.s32 $0xFFFFC000  }
0x1f0: {  	_ =	swait.ge [sflag:s14], $0x4000  }
0x1f1: {  	[sflag:s14] =	ssyncset.done $0x0  }
0x1f2: {  	s20 =	simm.s32 $0x700;
	[sflag:s14] =	ssyncadd.s32 $0xFFFFC000  }
0x1f3: {  	[tilespmem:s31], [sflag:$0x1] =	stream.indirect.gather [hbm4b:s5+s30], $0x80, s20, s30, $0xb8;
	[tilespmem:$0x1C980] =	vst v63  }
0x1f4: {  	s21 =	simm.s32 $0xE80  }
0x1f5: {  	[spmem:s3] =	stream.indirect.scatter.add.f32 [tilespmem:s2], [sflag:$0x3], $0x80, s21, s30, $0xb8;
	[tilespmem:$0x1C980] =	vst v63  }
0x1f6: {  	_ =	swait.ge [sflag:s28], $0x4000  }
0x1f7: {  	[sflag:s28] =	ssyncset.done $0x0  }
0x1f8: {  	[sflag:s28] =	ssyncadd.s32 $0xFFFFC000  }
0x1f9: {  	_ =	swait.ge [sflag:s0], $0x4000  }
0x1fa: {  	[sflag:s0] =	ssyncset.done $0x0  }
0x1fb: {  	s22 =	simm.s32 $0x780;
	[sflag:s0] =	ssyncadd.s32 $0xFFFFC000  }
0x1fc: {  	[tilespmem:s2], [sflag:$0x2] =	stream.indirect.gather [hbm4b:s5+s30], $0x80, s22, s30, $0xb8;
	[tilespmem:$0x1C980] =	vst v63  }
0x1fd: {  	s23 =	simm.s32 $0xF00  }
0x1fe: {  	[spmem:s3] =	stream.indirect.scatter.add.f32 [tilespmem:s31], [sflag:$0x3], $0x80, s23, s30, $0xb8;
	[tilespmem:$0x1C980] =	vst v63  }
0x1ff: {  	_ =	swait.ge [sflag:s28], $0x4000  }
0x200: {  	[sflag:s28] =	ssyncset.done $0x0  }
0x201: {  	[sflag:s28] =	ssyncadd.s32 $0xFFFFC000  }
0x202: {  	_ =	swait.ge [sflag:s14], $0x4000  }
0x203: {  	[sflag:s14] =	ssyncset.done $0x0  }
0x204: {  	s24 =	simm.s32 $0xF80;
	[sflag:s14] =	ssyncadd.s32 $0xFFFFC000  }
0x205: {  	[spmem:s3] =	stream.indirect.scatter.add.f32 [tilespmem:s2], [sflag:$0x3], $0x80, s24, s30, $0xb8;
	[tilespmem:$0x1C980] =	vst v63  }
0x206: {  	_ =	swait.ge [sflag:s28], $0x4000  }
0x207: {  	[sflag:s28] =	ssyncset.done $0x0  }
0x208: {  	[sflag:s28] =	ssyncadd.s32 $0xFFFFC000  }
0x209: {  	[bflag:$0x0] =	sbarrier.arrive $0xFFFF  }
0x20a: {  	s26 =	sld [smem:$0x7FD]  }
0x20b: {  	s25 =	rddreg [dreg:$0x18]  }
0x20c: {  	s1 =	rddreg [dreg:$0x1f]  }
0x20d: {  	[hbm:s25], [sflag:s1] =	dma.local [spmem:s26], $0x2700  }
0x20e: {  	_ =	swait.ge [sflag:s28], $0x2700  }
0x20f: {  	[sflag:s28] =	ssyncset.done $0x0  }
0x210: {  	[sflag:s28] =	ssyncadd.s32 $0xFFFFD900  }
0x211: {  	[bflag:$0x0] =	sbarrier.arrive @p1 $0xFFFF  }
0x212: {  	s13 =	rddreg [dreg:$0x10]  }
0x213: {  	s15 =	rddreg [dreg:$0x17];
	s8 =	sshrl.u32 @p1 s13, $0x3  }
0x214: {  	[spmem:s8], [sflag:s1] =	dma.local @p1 [hbm:s15], $0x2700  }
0x215: {  	s8 =	simm.s32 @p1 $0x3  }
0x216: {  	_ =	swait.ge @p1 [sflag:s8], $0x2700  }
0x217: {  	s9 =	sld [smem:$0x7FC]  }
0x218: {  	[sflag:s8] =	ssyncset.done @p1 $0x0  }
0x219: {  	[sflag:s8] =	ssyncadd.s32 @p1 $0xFFFFD900;
	s8 =	rddreg [dreg:$0x19]  }
0x21a: {  	[hbm:s8], [sflag:s1] =	dma.local @!p1 [spmem:s9], $0x100  }
0x21b: {  	s8 =	simm.s32 @!p1 $0x3  }
0x21c: {  	_ =	swait.ge @!p1 [sflag:s8], $0x100  }
0x21d: {  	[sflag:s8] =	ssyncset.done @!p1 $0x0  }
0x21e: {  	[sflag:s8] =	ssyncadd.s32 @!p1 $0xFFFFFF00  }
0x21f: {  	s13 =	sshrl.u32 @!p1 s13, $0x3;
	[bflag:$0x0] =	sbarrier.arrive @!p1 $0xFFFF  }
0x220: {  	[spmem:s13], [sflag:s1] =	dma.local @!p1 [hbm:s15], $0x2700  }
0x221: {  	_ =	swait.ge @!p1 [sflag:s8], $0x2700  }
0x222: {  	p3 =	por $0x1, $0x1;
	p4 =	por $0x1, $0x1;
	[sflag:s8] =	ssyncset.done @!p1 $0x0  }
0x223: {  	s11 =	simm.s32 $0x480;
	s13 =	rddreg [dreg:$0x1a];
	[sflag:s8] =	ssyncadd.s32 @!p1 $0xFFFFD900  }
0x224: {  	[spmem:s9], [sflag:s1] =	dma.local @!p1 [hbm:s13], $0x100  }
0x225: {  	s12 =	simm.s32 $0x400;
	s16 =	simm.s32 $0x200;
	_ =	swait.ge @!p1 [sflag:s8], $0x100  }
0x226: {  	s17 =	simm.s32 $0x980;
	s18 =	simm.s32 $0x280;
	[sflag:s8] =	ssyncset.done @!p1 $0x0  }
0x227: {  	s19 =	simm.s32 $0xA00;
	s21 =	simm.s32 $0x300;
	[sflag:s8] =	ssyncadd.s32 @!p1 $0xFFFFFF00  }
0x228: {  	s22 =	simm.s32 $0xA80;
	s23 =	simm.s32 $0x380;
	[bflag:$0x0] =	sbarrier.arrive $0xFFFF  }
0x229: {  	s24 =	simm.s32 $0xB00;
	s26 =	simm.s32 $0x900;
	s10 =	rddreg [dreg:$0xb]  }
0x22a: {  	s25 =	simm.s32 $0x600;
	s15 =	simm.s32 $0x0;
	s20 =	rddreg [dreg:$0xc]  }
0x22b: {  	s13 =	simm.s32 $0x0;
	s1 =	simm.s32 $0xB80;
	s9 =	rddreg [dreg:$0x1d]  }
.LBB2_5:
0x22c: {  	s8 =	sor.u32 s9, s15  }
0x22d: {  	s15 =	sadd.s32 s10, s8  }
0x22e: {  	[tilespmem:s13], [sflag:$0x3] =	stream.linear.gather [hbm4b:s15+s13], $0x800, $0x38;
	[tilespmem:$0x1C980] =	vst v63  }
0x22f: {  	_ =	swait.ge [sflag:s28], $0x800  }
0x230: {  	[sflag:s28] =	ssyncset.done $0x0  }
0x231: {  	s8 =	sadd.s32 s20, s8;
	[sflag:s28] =	ssyncadd.s32 $0xFFFFF800  }
0x232: {  	[tilespmem:s29], [sflag:$0x3] =	stream.linear.gather [hbm4b:s8+s13], $0x800, $0x38;
	[tilespmem:$0x1C980] =	vst v63  }
0x233: {  	_ =	swait.ge [sflag:s28], $0x800  }
0x234: {  	[sflag:s28] =	ssyncset.done $0x0  }
0x235: {  	[sflag:s28] =	ssyncadd.s32 $0xFFFFF800  }
0x236: {  	[tilespmem:s31], [sflag:$0x1] =	stream.indirect.gather [hbm4b:s6+s30], $0x80, s13, s30, $0xb8;
	[tilespmem:$0x1C980] =	vst v63  }
0x237: {  	_ =	swait.ge [sflag:s0], $0x4000  }
0x238: {  	[sflag:s0] =	ssyncset.done $0x0  }
0x239: {  	[sflag:s0] =	ssyncadd.s32 $0xFFFFC000  }
0x23a: {  	[tilespmem:s2], [sflag:$0x2] =	stream.indirect.gather [hbm4b:s6+s30], $0x80, s30, s30, $0xb8;
	[tilespmem:$0x1C980] =	vst v63  }
0x23b: {  	_ = 	snop  }
0x23c: {  	[spmem:s3] =	stream.indirect.scatter.add.f32 [tilespmem:s31], [sflag:$0x3], $0x80, s29, s30, $0xb8;
	[tilespmem:$0x1C980] =	vst v63  }
0x23d: {  	_ =	swait.ge [sflag:s28], $0x4000  }
0x23e: {  	[sflag:s28] =	ssyncset.done $0x0  }
0x23f: {  	[sflag:s28] =	ssyncadd.s32 $0xFFFFC000  }
0x240: {  	_ =	swait.ge [sflag:s14], $0x4000  }
0x241: {  	[sflag:s14] =	ssyncset.done $0x0  }
0x242: {  	s15 =	simm.s32 $0x100;
	[sflag:s14] =	ssyncadd.s32 $0xFFFFC000  }
0x243: {  	[tilespmem:s31], [sflag:$0x1] =	stream.indirect.gather [hbm4b:s6+s30], $0x80, s15, s30, $0xb8;
	[tilespmem:$0x1C980] =	vst v63  }
0x244: {  	s8 =	simm.s32 $0x880  }
0x245: {  	[spmem:s3] =	stream.indirect.scatter.add.f32 [tilespmem:s2], [sflag:$0x3], $0x80, s8, s30, $0xb8;
	[tilespmem:$0x1C980] =	vst v63  }
0x246: {  	_ =	swait.ge [sflag:s28], $0x4000  }
0x247: {  	[sflag:s28] =	ssyncset.done $0x0  }
0x248: {  	[sflag:s28] =	ssyncadd.s32 $0xFFFFC000  }
0x249: {  	_ =	swait.ge [sflag:s0], $0x4000  }
0x24a: {  	[sflag:s0] =	ssyncset.done $0x0  }
0x24b: {  	s8 =	simm.s32 $0x180;
	[sflag:s0] =	ssyncadd.s32 $0xFFFFC000  }
0x24c: {  	[tilespmem:s2], [sflag:$0x2] =	stream.indirect.gather [hbm4b:s6+s30], $0x80, s8, s30, $0xb8;
	[tilespmem:$0x1C980] =	vst v63  }
0x24d: {  	_ = 	snop  }
0x24e: {  	[spmem:s3] =	stream.indirect.scatter.add.f32 [tilespmem:s31], [sflag:$0x3], $0x80, s26, s30, $0xb8;
	[tilespmem:$0x1C980] =	vst v63  }
0x24f: {  	_ =	swait.ge [sflag:s28], $0x4000  }
0x250: {  	[sflag:s28] =	ssyncset.done $0x0  }
0x251: {  	[sflag:s28] =	ssyncadd.s32 $0xFFFFC000  }
0x252: {  	_ =	swait.ge [sflag:s14], $0x4000  }
0x253: {  	[sflag:s14] =	ssyncset.done $0x0  }
0x254: {  	[sflag:s14] =	ssyncadd.s32 $0xFFFFC000  }
0x255: {  	[tilespmem:s31], [sflag:$0x1] =	stream.indirect.gather [hbm4b:s6+s30], $0x80, s16, s30, $0xb8;
	[tilespmem:$0x1C980] =	vst v63  }
0x256: {  	_ = 	snop  }
0x257: {  	[spmem:s3] =	stream.indirect.scatter.add.f32 [tilespmem:s2], [sflag:$0x3], $0x80, s17, s30, $0xb8;
	[tilespmem:$0x1C980] =	vst v63  }
0x258: {  	_ =	swait.ge [sflag:s28], $0x4000  }
0x259: {  	[sflag:s28] =	ssyncset.done $0x0  }
0x25a: {  	[sflag:s28] =	ssyncadd.s32 $0xFFFFC000  }
0x25b: {  	_ =	swait.ge [sflag:s0], $0x4000  }
0x25c: {  	[sflag:s0] =	ssyncset.done $0x0  }
0x25d: {  	[sflag:s0] =	ssyncadd.s32 $0xFFFFC000  }
0x25e: {  	[tilespmem:s2], [sflag:$0x2] =	stream.indirect.gather [hbm4b:s6+s30], $0x80, s18, s30, $0xb8;
	[tilespmem:$0x1C980] =	vst v63  }
0x25f: {  	_ = 	snop  }
0x260: {  	[spmem:s3] =	stream.indirect.scatter.add.f32 [tilespmem:s31], [sflag:$0x3], $0x80, s19, s30, $0xb8;
	[tilespmem:$0x1C980] =	vst v63  }
0x261: {  	_ =	swait.ge [sflag:s28], $0x4000  }
0x262: {  	[sflag:s28] =	ssyncset.done $0x0  }
0x263: {  	[sflag:s28] =	ssyncadd.s32 $0xFFFFC000  }
0x264: {  	_ =	swait.ge [sflag:s14], $0x4000  }
0x265: {  	[sflag:s14] =	ssyncset.done $0x0  }
0x266: {  	[sflag:s14] =	ssyncadd.s32 $0xFFFFC000  }
0x267: {  	[tilespmem:s31], [sflag:$0x1] =	stream.indirect.gather [hbm4b:s6+s30], $0x80, s21, s30, $0xb8;
	[tilespmem:$0x1C980] =	vst v63  }
0x268: {  	_ = 	snop  }
0x269: {  	[spmem:s3] =	stream.indirect.scatter.add.f32 [tilespmem:s2], [sflag:$0x3], $0x80, s22, s30, $0xb8;
	[tilespmem:$0x1C980] =	vst v63  }
0x26a: {  	_ =	swait.ge [sflag:s28], $0x4000  }
0x26b: {  	[sflag:s28] =	ssyncset.done $0x0  }
0x26c: {  	[sflag:s28] =	ssyncadd.s32 $0xFFFFC000  }
0x26d: {  	_ =	swait.ge [sflag:s0], $0x4000  }
0x26e: {  	[sflag:s0] =	ssyncset.done $0x0  }
0x26f: {  	[sflag:s0] =	ssyncadd.s32 $0xFFFFC000  }
0x270: {  	[tilespmem:s2], [sflag:$0x2] =	stream.indirect.gather [hbm4b:s6+s30], $0x80, s23, s30, $0xb8;
	[tilespmem:$0x1C980] =	vst v63  }
0x271: {  	_ = 	snop  }
0x272: {  	[spmem:s3] =	stream.indirect.scatter.add.f32 [tilespmem:s31], [sflag:$0x3], $0x80, s24, s30, $0xb8;
	[tilespmem:$0x1C980] =	vst v63  }
0x273: {  	_ =	swait.ge [sflag:s28], $0x4000  }
0x274: {  	[sflag:s28] =	ssyncset.done $0x0  }
0x275: {  	[sflag:s28] =	ssyncadd.s32 $0xFFFFC000  }
0x276: {  	_ =	swait.ge [sflag:s14], $0x4000  }
0x277: {  	[sflag:s14] =	ssyncset.done $0x0  }
0x278: {  	[sflag:s14] =	ssyncadd.s32 $0xFFFFC000  }
0x279: {  	[tilespmem:s31], [sflag:$0x1] =	stream.indirect.gather [hbm4b:s6+s30], $0x80, s12, s30, $0xb8;
	[tilespmem:$0x1C980] =	vst v63  }
0x27a: {  	_ = 	snop  }
0x27b: {  	[spmem:s3] =	stream.indirect.scatter.add.f32 [tilespmem:s2], [sflag:$0x3], $0x80, s1, s30, $0xb8;
	[tilespmem:$0x1C980] =	vst v63  }
0x27c: {  	_ =	swait.ge [sflag:s28], $0x4000  }
0x27d: {  	[sflag:s28] =	ssyncset.done $0x0  }
0x27e: {  	[sflag:s28] =	ssyncadd.s32 $0xFFFFC000  }
0x27f: {  	_ =	swait.ge [sflag:s0], $0x4000  }
0x280: {  	[sflag:s0] =	ssyncset.done $0x0  }
0x281: {  	[sflag:s0] =	ssyncadd.s32 $0xFFFFC000  }
0x282: {  	[tilespmem:s2], [sflag:$0x2] =	stream.indirect.gather [hbm4b:s6+s30], $0x80, s11, s30, $0xb8;
	[tilespmem:$0x1C980] =	vst v63  }
0x283: {  	s8 =	simm.s32 $0xC00  }
0x284: {  	[spmem:s3] =	stream.indirect.scatter.add.f32 [tilespmem:s31], [sflag:$0x3], $0x80, s8, s30, $0xb8;
	[tilespmem:$0x1C980] =	vst v63  }
0x285: {  	_ =	swait.ge [sflag:s28], $0x4000  }
0x286: {  	[sflag:s28] =	ssyncset.done $0x0  }
0x287: {  	[sflag:s28] =	ssyncadd.s32 $0xFFFFC000  }
0x288: {  	_ =	swait.ge [sflag:s14], $0x4000  }
0x289: {  	[sflag:s14] =	ssyncset.done $0x0  }
0x28a: {  	s8 =	simm.s32 $0x500;
	[sflag:s14] =	ssyncadd.s32 $0xFFFFC000  }
0x28b: {  	[tilespmem:s31], [sflag:$0x1] =	stream.indirect.gather [hbm4b:s6+s30], $0x80, s8, s30, $0xb8;
	[tilespmem:$0x1C980] =	vst v63  }
0x28c: {  	s8 =	simm.s32 $0xC80  }
0x28d: {  	[spmem:s3] =	stream.indirect.scatter.add.f32 [tilespmem:s2], [sflag:$0x3], $0x80, s8, s30, $0xb8;
	[tilespmem:$0x1C980] =	vst v63  }
0x28e: {  	_ =	swait.ge [sflag:s28], $0x4000  }
0x28f: {  	[sflag:s28] =	ssyncset.done $0x0  }
0x290: {  	[sflag:s28] =	ssyncadd.s32 $0xFFFFC000  }
0x291: {  	_ =	swait.ge [sflag:s0], $0x4000  }
0x292: {  	[sflag:s0] =	ssyncset.done $0x0  }
0x293: {  	s8 =	simm.s32 $0x580;
	[sflag:s0] =	ssyncadd.s32 $0xFFFFC000  }
0x294: {  	[tilespmem:s2], [sflag:$0x2] =	stream.indirect.gather [hbm4b:s6+s30], $0x80, s8, s30, $0xb8;
	[tilespmem:$0x1C980] =	vst v63  }
0x295: {  	s8 =	simm.s32 $0xD00  }
0x296: {  	[spmem:s3] =	stream.indirect.scatter.add.f32 [tilespmem:s31], [sflag:$0x3], $0x80, s8, s30, $0xb8;
	[tilespmem:$0x1C980] =	vst v63  }
0x297: {  	_ =	swait.ge [sflag:s28], $0x4000  }
0x298: {  	[sflag:s28] =	ssyncset.done $0x0  }
0x299: {  	[sflag:s28] =	ssyncadd.s32 $0xFFFFC000  }
0x29a: {  	_ =	swait.ge [sflag:s14], $0x4000  }
0x29b: {  	[sflag:s14] =	ssyncset.done $0x0  }
0x29c: {  	[sflag:s14] =	ssyncadd.s32 $0xFFFFC000  }
0x29d: {  	[tilespmem:s31], [sflag:$0x1] =	stream.indirect.gather [hbm4b:s6+s30], $0x80, s25, s30, $0xb8;
	[tilespmem:$0x1C980] =	vst v63  }
0x29e: {  	s8 =	simm.s32 $0xD80  }
0x29f: {  	[spmem:s3] =	stream.indirect.scatter.add.f32 [tilespmem:s2], [sflag:$0x3], $0x80, s8, s30, $0xb8;
	[tilespmem:$0x1C980] =	vst v63  }
0x2a0: {  	_ =	swait.ge [sflag:s28], $0x4000  }
0x2a1: {  	[sflag:s28] =	ssyncset.done $0x0  }
0x2a2: {  	[sflag:s28] =	ssyncadd.s32 $0xFFFFC000  }
0x2a3: {  	_ =	swait.ge [sflag:s0], $0x4000  }
0x2a4: {  	[sflag:s0] =	ssyncset.done $0x0  }
0x2a5: {  	s8 =	simm.s32 $0x680;
	[sflag:s0] =	ssyncadd.s32 $0xFFFFC000  }
0x2a6: {  	[tilespmem:s2], [sflag:$0x2] =	stream.indirect.gather [hbm4b:s6+s30], $0x80, s8, s30, $0xb8;
	[tilespmem:$0x1C980] =	vst v63  }
0x2a7: {  	s8 =	simm.s32 $0xE00  }
0x2a8: {  	[spmem:s3] =	stream.indirect.scatter.add.f32 [tilespmem:s31], [sflag:$0x3], $0x80, s8, s30, $0xb8;
	[tilespmem:$0x1C980] =	vst v63  }
0x2a9: {  	_ =	swait.ge [sflag:s28], $0x4000  }
0x2aa: {  	[sflag:s28] =	ssyncset.done $0x0  }
0x2ab: {  	[sflag:s28] =	ssyncadd.s32 $0xFFFFC000  }
0x2ac: {  	_ =	swait.ge [sflag:s14], $0x4000  }
0x2ad: {  	[sflag:s14] =	ssyncset.done $0x0  }
0x2ae: {  	s8 =	simm.s32 $0x700;
	[sflag:s14] =	ssyncadd.s32 $0xFFFFC000  }
0x2af: {  	[tilespmem:s31], [sflag:$0x1] =	stream.indirect.gather [hbm4b:s6+s30], $0x80, s8, s30, $0xb8;
	[tilespmem:$0x1C980] =	vst v63  }
0x2b0: {  	s8 =	simm.s32 $0xE80  }
0x2b1: {  	[spmem:s3] =	stream.indirect.scatter.add.f32 [tilespmem:s2], [sflag:$0x3], $0x80, s8, s30, $0xb8;
	[tilespmem:$0x1C980] =	vst v63  }
0x2b2: {  	_ =	swait.ge [sflag:s28], $0x4000  }
0x2b3: {  	[sflag:s28] =	ssyncset.done $0x0  }
0x2b4: {  	[sflag:s28] =	ssyncadd.s32 $0xFFFFC000  }
0x2b5: {  	_ =	swait.ge [sflag:s0], $0x4000  }
0x2b6: {  	[sflag:s0] =	ssyncset.done $0x0  }
0x2b7: {  	s8 =	simm.s32 $0x780;
	[sflag:s0] =	ssyncadd.s32 $0xFFFFC000  }
0x2b8: {  	[tilespmem:s2], [sflag:$0x2] =	stream.indirect.gather [hbm4b:s6+s30], $0x80, s8, s30, $0xb8;
	[tilespmem:$0x1C980] =	vst v63  }
0x2b9: {  	s8 =	simm.s32 $0xF00  }
0x2ba: {  	[spmem:s3] =	stream.indirect.scatter.add.f32 [tilespmem:s31], [sflag:$0x3], $0x80, s8, s30, $0xb8;
	[tilespmem:$0x1C980] =	vst v63  }
0x2bb: {  	_ =	swait.ge [sflag:s28], $0x4000  }
0x2bc: {  	[sflag:s28] =	ssyncset.done $0x0  }
0x2bd: {  	[sflag:s28] =	ssyncadd.s32 $0xFFFFC000  }
0x2be: {  	_ =	swait.ge [sflag:s14], $0x4000  }
0x2bf: {  	p5 =	por p4, p4;
	[sflag:s14] =	ssyncset.done $0x0  }
.Ltmp4:
0x2c0: {  	s8 =	simm.s32 $0xF80;
	[sflag:s14] =	ssyncadd.s32 $0xFFFFC000;
	(pc) =	sbr.rel @p5 .LBB2_5-.Ltmp4, $4  }
0x2c1: {  	[spmem:s3] =	stream.indirect.scatter.add.f32 [tilespmem:s2], [sflag:$0x3], $0x80, s8, s30, $0xb8;
	[tilespmem:$0x1C980] =	vst v63  }
0x2c2: {  	_ =	swait.ge [sflag:s28], $0x4000  }
0x2c3: {  	[sflag:s28] =	ssyncset.done $0x0  }
0x2c4: {  	p4 =	por $0x0, $0x0;
	[sflag:s28] =	ssyncadd.s32 $0xFFFFC000  }
0x2c5: {  	s15 =	rddreg [dreg:$0xe]  }
0x2c6: {  	s25 =	simm.s32 $0x600;
	s20 =	simm.s32 $0x580;
	s10 =	rddreg [dreg:$0xd]  }
.LBB2_7:
0x2c7: {  	s8 =	sor.u32 s9, s13  }
0x2c8: {  	s13 =	sadd.s32 s10, s8  }
0x2c9: {  	[tilespmem:s4], [sflag:$0x3] =	stream.linear.gather [hbm4b:s13+s4], $0x800, $0x38;
	[tilespmem:$0x1C980] =	vst v63  }
0x2ca: {  	_ =	swait.ge [sflag:s28], $0x800  }
0x2cb: {  	[sflag:s28] =	ssyncset.done $0x0  }
0x2cc: {  	s8 =	sadd.s32 s15, s8;
	[sflag:s28] =	ssyncadd.s32 $0xFFFFF800  }
0x2cd: {  	[tilespmem:s29], [sflag:$0x3] =	stream.linear.gather [hbm4b:s8+s4], $0x800, $0x38;
	[tilespmem:$0x1C980] =	vst v63  }
0x2ce: {  	_ =	swait.ge [sflag:s28], $0x800  }
0x2cf: {  	[sflag:s28] =	ssyncset.done $0x0  }
0x2d0: {  	[sflag:s28] =	ssyncadd.s32 $0xFFFFF800  }
0x2d1: {  	[tilespmem:s31], [sflag:$0x1] =	stream.indirect.gather [hbm4b:s7+s30], $0x80, s4, s30, $0xb8;
	[tilespmem:$0x1C980] =	vst v63  }
0x2d2: {  	_ =	swait.ge [sflag:s0], $0x4000  }
0x2d3: {  	[sflag:s0] =	ssyncset.done $0x0  }
0x2d4: {  	[sflag:s0] =	ssyncadd.s32 $0xFFFFC000  }
0x2d5: {  	[tilespmem:s2], [sflag:$0x2] =	stream.indirect.gather [hbm4b:s7+s30], $0x80, s30, s30, $0xb8;
	[tilespmem:$0x1C980] =	vst v63  }
0x2d6: {  	_ = 	snop  }
0x2d7: {  	[spmem:s3] =	stream.indirect.scatter.add.f32 [tilespmem:s31], [sflag:$0x3], $0x80, s29, s30, $0xb8;
	[tilespmem:$0x1C980] =	vst v63  }
0x2d8: {  	_ =	swait.ge [sflag:s28], $0x4000  }
0x2d9: {  	[sflag:s28] =	ssyncset.done $0x0  }
0x2da: {  	[sflag:s28] =	ssyncadd.s32 $0xFFFFC000  }
0x2db: {  	_ =	swait.ge [sflag:s14], $0x4000  }
0x2dc: {  	[sflag:s14] =	ssyncset.done $0x0  }
0x2dd: {  	s13 =	simm.s32 $0x100;
	[sflag:s14] =	ssyncadd.s32 $0xFFFFC000  }
0x2de: {  	[tilespmem:s31], [sflag:$0x1] =	stream.indirect.gather [hbm4b:s7+s30], $0x80, s13, s30, $0xb8;
	[tilespmem:$0x1C980] =	vst v63  }
0x2df: {  	s8 =	simm.s32 $0x880  }
0x2e0: {  	[spmem:s3] =	stream.indirect.scatter.add.f32 [tilespmem:s2], [sflag:$0x3], $0x80, s8, s30, $0xb8;
	[tilespmem:$0x1C980] =	vst v63  }
0x2e1: {  	_ =	swait.ge [sflag:s28], $0x4000  }
0x2e2: {  	[sflag:s28] =	ssyncset.done $0x0  }
0x2e3: {  	[sflag:s28] =	ssyncadd.s32 $0xFFFFC000  }
0x2e4: {  	_ =	swait.ge [sflag:s0], $0x4000  }
0x2e5: {  	[sflag:s0] =	ssyncset.done $0x0  }
0x2e6: {  	s8 =	simm.s32 $0x180;
	[sflag:s0] =	ssyncadd.s32 $0xFFFFC000  }
0x2e7: {  	[tilespmem:s2], [sflag:$0x2] =	stream.indirect.gather [hbm4b:s7+s30], $0x80, s8, s30, $0xb8;
	[tilespmem:$0x1C980] =	vst v63  }
0x2e8: {  	_ = 	snop  }
0x2e9: {  	[spmem:s3] =	stream.indirect.scatter.add.f32 [tilespmem:s31], [sflag:$0x3], $0x80, s26, s30, $0xb8;
	[tilespmem:$0x1C980] =	vst v63  }
0x2ea: {  	_ =	swait.ge [sflag:s28], $0x4000  }
0x2eb: {  	[sflag:s28] =	ssyncset.done $0x0  }
0x2ec: {  	[sflag:s28] =	ssyncadd.s32 $0xFFFFC000  }
0x2ed: {  	_ =	swait.ge [sflag:s14], $0x4000  }
0x2ee: {  	[sflag:s14] =	ssyncset.done $0x0  }
0x2ef: {  	[sflag:s14] =	ssyncadd.s32 $0xFFFFC000  }
0x2f0: {  	[tilespmem:s31], [sflag:$0x1] =	stream.indirect.gather [hbm4b:s7+s30], $0x80, s16, s30, $0xb8;
	[tilespmem:$0x1C980] =	vst v63  }
0x2f1: {  	_ = 	snop  }
0x2f2: {  	[spmem:s3] =	stream.indirect.scatter.add.f32 [tilespmem:s2], [sflag:$0x3], $0x80, s17, s30, $0xb8;
	[tilespmem:$0x1C980] =	vst v63  }
0x2f3: {  	_ =	swait.ge [sflag:s28], $0x4000  }
0x2f4: {  	[sflag:s28] =	ssyncset.done $0x0  }
0x2f5: {  	[sflag:s28] =	ssyncadd.s32 $0xFFFFC000  }
0x2f6: {  	_ =	swait.ge [sflag:s0], $0x4000  }
0x2f7: {  	[sflag:s0] =	ssyncset.done $0x0  }
0x2f8: {  	[sflag:s0] =	ssyncadd.s32 $0xFFFFC000  }
0x2f9: {  	[tilespmem:s2], [sflag:$0x2] =	stream.indirect.gather [hbm4b:s7+s30], $0x80, s18, s30, $0xb8;
	[tilespmem:$0x1C980] =	vst v63  }
0x2fa: {  	_ = 	snop  }
0x2fb: {  	[spmem:s3] =	stream.indirect.scatter.add.f32 [tilespmem:s31], [sflag:$0x3], $0x80, s19, s30, $0xb8;
	[tilespmem:$0x1C980] =	vst v63  }
0x2fc: {  	_ =	swait.ge [sflag:s28], $0x4000  }
0x2fd: {  	[sflag:s28] =	ssyncset.done $0x0  }
0x2fe: {  	[sflag:s28] =	ssyncadd.s32 $0xFFFFC000  }
0x2ff: {  	_ =	swait.ge [sflag:s14], $0x4000  }
0x300: {  	[sflag:s14] =	ssyncset.done $0x0  }
0x301: {  	[sflag:s14] =	ssyncadd.s32 $0xFFFFC000  }
0x302: {  	[tilespmem:s31], [sflag:$0x1] =	stream.indirect.gather [hbm4b:s7+s30], $0x80, s21, s30, $0xb8;
	[tilespmem:$0x1C980] =	vst v63  }
0x303: {  	_ = 	snop  }
0x304: {  	[spmem:s3] =	stream.indirect.scatter.add.f32 [tilespmem:s2], [sflag:$0x3], $0x80, s22, s30, $0xb8;
	[tilespmem:$0x1C980] =	vst v63  }
0x305: {  	_ =	swait.ge [sflag:s28], $0x4000  }
0x306: {  	[sflag:s28] =	ssyncset.done $0x0  }
0x307: {  	[sflag:s28] =	ssyncadd.s32 $0xFFFFC000  }
0x308: {  	_ =	swait.ge [sflag:s0], $0x4000  }
0x309: {  	[sflag:s0] =	ssyncset.done $0x0  }
0x30a: {  	[sflag:s0] =	ssyncadd.s32 $0xFFFFC000  }
0x30b: {  	[tilespmem:s2], [sflag:$0x2] =	stream.indirect.gather [hbm4b:s7+s30], $0x80, s23, s30, $0xb8;
	[tilespmem:$0x1C980] =	vst v63  }
0x30c: {  	_ = 	snop  }
0x30d: {  	[spmem:s3] =	stream.indirect.scatter.add.f32 [tilespmem:s31], [sflag:$0x3], $0x80, s24, s30, $0xb8;
	[tilespmem:$0x1C980] =	vst v63  }
0x30e: {  	_ =	swait.ge [sflag:s28], $0x4000  }
0x30f: {  	[sflag:s28] =	ssyncset.done $0x0  }
0x310: {  	[sflag:s28] =	ssyncadd.s32 $0xFFFFC000  }
0x311: {  	_ =	swait.ge [sflag:s14], $0x4000  }
0x312: {  	[sflag:s14] =	ssyncset.done $0x0  }
0x313: {  	[sflag:s14] =	ssyncadd.s32 $0xFFFFC000  }
0x314: {  	[tilespmem:s31], [sflag:$0x1] =	stream.indirect.gather [hbm4b:s7+s30], $0x80, s12, s30, $0xb8;
	[tilespmem:$0x1C980] =	vst v63  }
0x315: {  	_ = 	snop  }
0x316: {  	[spmem:s3] =	stream.indirect.scatter.add.f32 [tilespmem:s2], [sflag:$0x3], $0x80, s1, s30, $0xb8;
	[tilespmem:$0x1C980] =	vst v63  }
0x317: {  	_ =	swait.ge [sflag:s28], $0x4000  }
0x318: {  	[sflag:s28] =	ssyncset.done $0x0  }
0x319: {  	[sflag:s28] =	ssyncadd.s32 $0xFFFFC000  }
0x31a: {  	_ =	swait.ge [sflag:s0], $0x4000  }
0x31b: {  	[sflag:s0] =	ssyncset.done $0x0  }
0x31c: {  	[sflag:s0] =	ssyncadd.s32 $0xFFFFC000  }
0x31d: {  	[tilespmem:s2], [sflag:$0x2] =	stream.indirect.gather [hbm4b:s7+s30], $0x80, s11, s30, $0xb8;
	[tilespmem:$0x1C980] =	vst v63  }
0x31e: {  	s8 =	simm.s32 $0xC00  }
0x31f: {  	[spmem:s3] =	stream.indirect.scatter.add.f32 [tilespmem:s31], [sflag:$0x3], $0x80, s8, s30, $0xb8;
	[tilespmem:$0x1C980] =	vst v63  }
0x320: {  	_ =	swait.ge [sflag:s28], $0x4000  }
0x321: {  	[sflag:s28] =	ssyncset.done $0x0  }
0x322: {  	[sflag:s28] =	ssyncadd.s32 $0xFFFFC000  }
0x323: {  	_ =	swait.ge [sflag:s14], $0x4000  }
0x324: {  	[sflag:s14] =	ssyncset.done $0x0  }
0x325: {  	s8 =	simm.s32 $0x500;
	[sflag:s14] =	ssyncadd.s32 $0xFFFFC000  }
0x326: {  	[tilespmem:s31], [sflag:$0x1] =	stream.indirect.gather [hbm4b:s7+s30], $0x80, s8, s30, $0xb8;
	[tilespmem:$0x1C980] =	vst v63  }
0x327: {  	s8 =	simm.s32 $0xC80  }
0x328: {  	[spmem:s3] =	stream.indirect.scatter.add.f32 [tilespmem:s2], [sflag:$0x3], $0x80, s8, s30, $0xb8;
	[tilespmem:$0x1C980] =	vst v63  }
0x329: {  	_ =	swait.ge [sflag:s28], $0x4000  }
0x32a: {  	[sflag:s28] =	ssyncset.done $0x0  }
0x32b: {  	[sflag:s28] =	ssyncadd.s32 $0xFFFFC000  }
0x32c: {  	_ =	swait.ge [sflag:s0], $0x4000  }
0x32d: {  	[sflag:s0] =	ssyncset.done $0x0  }
0x32e: {  	[sflag:s0] =	ssyncadd.s32 $0xFFFFC000  }
0x32f: {  	[tilespmem:s2], [sflag:$0x2] =	stream.indirect.gather [hbm4b:s7+s30], $0x80, s20, s30, $0xb8;
	[tilespmem:$0x1C980] =	vst v63  }
0x330: {  	s8 =	simm.s32 $0xD00  }
0x331: {  	[spmem:s3] =	stream.indirect.scatter.add.f32 [tilespmem:s31], [sflag:$0x3], $0x80, s8, s30, $0xb8;
	[tilespmem:$0x1C980] =	vst v63  }
0x332: {  	_ =	swait.ge [sflag:s28], $0x4000  }
0x333: {  	[sflag:s28] =	ssyncset.done $0x0  }
0x334: {  	[sflag:s28] =	ssyncadd.s32 $0xFFFFC000  }
0x335: {  	_ =	swait.ge [sflag:s14], $0x4000  }
0x336: {  	[sflag:s14] =	ssyncset.done $0x0  }
0x337: {  	[sflag:s14] =	ssyncadd.s32 $0xFFFFC000  }
0x338: {  	[tilespmem:s31], [sflag:$0x1] =	stream.indirect.gather [hbm4b:s7+s30], $0x80, s25, s30, $0xb8;
	[tilespmem:$0x1C980] =	vst v63  }
0x339: {  	s8 =	simm.s32 $0xD80  }
0x33a: {  	[spmem:s3] =	stream.indirect.scatter.add.f32 [tilespmem:s2], [sflag:$0x3], $0x80, s8, s30, $0xb8;
	[tilespmem:$0x1C980] =	vst v63  }
0x33b: {  	_ =	swait.ge [sflag:s28], $0x4000  }
0x33c: {  	[sflag:s28] =	ssyncset.done $0x0  }
0x33d: {  	[sflag:s28] =	ssyncadd.s32 $0xFFFFC000  }
0x33e: {  	_ =	swait.ge [sflag:s0], $0x4000  }
0x33f: {  	[sflag:s0] =	ssyncset.done $0x0  }
0x340: {  	s8 =	simm.s32 $0x680;
	[sflag:s0] =	ssyncadd.s32 $0xFFFFC000  }
0x341: {  	[tilespmem:s2], [sflag:$0x2] =	stream.indirect.gather [hbm4b:s7+s30], $0x80, s8, s30, $0xb8;
	[tilespmem:$0x1C980] =	vst v63  }
0x342: {  	s8 =	simm.s32 $0xE00  }
0x343: {  	[spmem:s3] =	stream.indirect.scatter.add.f32 [tilespmem:s31], [sflag:$0x3], $0x80, s8, s30, $0xb8;
	[tilespmem:$0x1C980] =	vst v63  }
0x344: {  	_ =	swait.ge [sflag:s28], $0x4000  }
0x345: {  	[sflag:s28] =	ssyncset.done $0x0  }
0x346: {  	[sflag:s28] =	ssyncadd.s32 $0xFFFFC000  }
0x347: {  	_ =	swait.ge [sflag:s14], $0x4000  }
0x348: {  	[sflag:s14] =	ssyncset.done $0x0  }
0x349: {  	s8 =	simm.s32 $0x700;
	[sflag:s14] =	ssyncadd.s32 $0xFFFFC000  }
0x34a: {  	[tilespmem:s31], [sflag:$0x1] =	stream.indirect.gather [hbm4b:s7+s30], $0x80, s8, s30, $0xb8;
	[tilespmem:$0x1C980] =	vst v63  }
0x34b: {  	s8 =	simm.s32 $0xE80  }
0x34c: {  	[spmem:s3] =	stream.indirect.scatter.add.f32 [tilespmem:s2], [sflag:$0x3], $0x80, s8, s30, $0xb8;
	[tilespmem:$0x1C980] =	vst v63  }
0x34d: {  	_ =	swait.ge [sflag:s28], $0x4000  }
0x34e: {  	[sflag:s28] =	ssyncset.done $0x0  }
0x34f: {  	[sflag:s28] =	ssyncadd.s32 $0xFFFFC000  }
0x350: {  	_ =	swait.ge [sflag:s0], $0x4000  }
0x351: {  	[sflag:s0] =	ssyncset.done $0x0  }
0x352: {  	s8 =	simm.s32 $0x780;
	[sflag:s0] =	ssyncadd.s32 $0xFFFFC000  }
0x353: {  	[tilespmem:s2], [sflag:$0x2] =	stream.indirect.gather [hbm4b:s7+s30], $0x80, s8, s30, $0xb8;
	[tilespmem:$0x1C980] =	vst v63  }
0x354: {  	s8 =	simm.s32 $0xF00  }
0x355: {  	[spmem:s3] =	stream.indirect.scatter.add.f32 [tilespmem:s31], [sflag:$0x3], $0x80, s8, s30, $0xb8;
	[tilespmem:$0x1C980] =	vst v63  }
0x356: {  	_ =	swait.ge [sflag:s28], $0x4000  }
0x357: {  	[sflag:s28] =	ssyncset.done $0x0  }
0x358: {  	[sflag:s28] =	ssyncadd.s32 $0xFFFFC000  }
0x359: {  	_ =	swait.ge [sflag:s14], $0x4000  }
0x35a: {  	p4 =	por p3, p3;
	[sflag:s14] =	ssyncset.done $0x0  }
.Ltmp5:
0x35b: {  	s8 =	simm.s32 $0xF80;
	[sflag:s14] =	ssyncadd.s32 $0xFFFFC000;
	(pc) =	sbr.rel @p4 .LBB2_7-.Ltmp5, $4  }
0x35c: {  	[spmem:s3] =	stream.indirect.scatter.add.f32 [tilespmem:s2], [sflag:$0x3], $0x80, s8, s30, $0xb8;
	[tilespmem:$0x1C980] =	vst v63  }
0x35d: {  	_ =	swait.ge [sflag:s28], $0x4000  }
0x35e: {  	[sflag:s28] =	ssyncset.done $0x0  }
0x35f: {  	p3 =	por $0x0, $0x0;
	[sflag:s28] =	ssyncadd.s32 $0xFFFFC000  }
0x360: {  	[bflag:$0x0] =	sbarrier.arrive $0xFFFF  }
0x361: {  	s15 =	simm.s32 $0x880;
	s1 =	sld [smem:$0x7FD]  }
0x362: {  	s10 =	simm.s32 $0x180;
	s26 =	simm.s32 $0x200;
	s8 =	rddreg [dreg:$0x1b]  }
0x363: {  	s16 =	simm.s32 $0x980;
	s17 =	simm.s32 $0x280;
	s25 =	rddreg [dreg:$0x1f]  }
0x364: {  	[hbm:s8], [sflag:s25] =	dma.local [spmem:s1], $0x2700  }
.Ltmp6:
0x365: {  	s18 =	simm.s32 $0xA00;
	s19 =	simm.s32 $0x300;
	(pc) =	sbr.rel @p2 .LBB2_14-.Ltmp6, $4  }
.Ltmp7:
0x366: {  	s21 =	simm.s32 $0xA80;
	_ =	swait.ge [sflag:s28], $0x2700;
	(pc) =	sbr.rel @!p2 .LBB2_15-.Ltmp7, $4  }
0x367: {  	s22 =	simm.s32 $0x380;
	s23 =	simm.s32 $0xB00;
	[sflag:s28] =	ssyncset.done $0x0  }
0x368: {  	s24 =	simm.s32 $0x400;
	s20 =	rddreg [dreg:$0x1e];
	[sflag:s28] =	ssyncadd.s32 $0xFFFFD900  }
0x369: {  	s12 =	simm.s32 $0xB80;
	s1 =	simm.s32 $0x480;
	s8 =	rddreg [dreg:$0x2]  }
0x36a: {  	_ = 	snop  }
.LBB2_9:
0x36b: {  	s8 =	rddreg [dreg:$0x11]  }
0x36c: {  	[spmem:s20], [sflag:s13] =	dma.local [hbm:s8], $0x2700  }
0x36d: {  	_ =	swait.ge [sflag:s28], $0x2700  }
0x36e: {  	[dreg:$0x1f] =	wrdreg s13;
	[sflag:s28] =	ssyncset.done $0x0  }
0x36f: {  	s8 =	rddreg [dreg:$0x13];
	[sflag:s28] =	ssyncadd.s32 $0xFFFFD900  }
0x370: {  	[spmem:s25], [sflag:s13] =	dma.local @!p1 [hbm:s8], $0x100  }
0x371: {  	s8 =	simm.s32 @!p1 $0x3  }
0x372: {  	_ =	swait.ge @!p1 [sflag:s8], $0x100  }
0x373: {  	[sflag:s8] =	ssyncset.done @!p1 $0x0  }
0x374: {  	[sflag:s8] =	ssyncadd.s32 @!p1 $0xFFFFFF00  }
0x375: {  	[bflag:$0x0] =	sbarrier.arrive $0xFFFF  }
0x376: {  	s20 =	rddreg [dreg:$0x6]  }
0x377: {  	s25 =	simm.s32 $0x0;
	s8 =	sadd.s32 $0x0, s20  }
0x378: {  	[tilespmem:s25], [sflag:$0x3] =	stream.linear.gather [hbm4b:s8+s25], $0x800, $0x38;
	[tilespmem:$0x1C980] =	vst v63  }
0x379: {  	_ =	swait.ge [sflag:s28], $0x800  }
0x37a: {  	s21 =	rddreg [dreg:$0x5];
	[sflag:s28] =	ssyncset.done $0x0  }
0x37b: {  	[sflag:s28] =	ssyncadd.s32 $0xFFFFF800;
	s8 =	sadd.s32 $0x0, s21  }
0x37c: {  	[tilespmem:s29], [sflag:$0x3] =	stream.linear.gather [hbm4b:s8+s25], $0x800, $0x38;
	[tilespmem:$0x1C980] =	vst v63  }
0x37d: {  	_ =	swait.ge [sflag:s28], $0x800  }
0x37e: {  	[sflag:s28] =	ssyncset.done $0x0  }
0x37f: {  	[sflag:s28] =	ssyncadd.s32 $0xFFFFF800  }
0x380: {  	[tilespmem:s31], [sflag:$0x1] =	stream.indirect.gather [hbm4b:s6+s30], $0x80, s25, s30, $0xb8;
	[tilespmem:$0x1C980] =	vst v63  }
0x381: {  	_ =	swait.ge [sflag:s0], $0x4000  }
0x382: {  	[sflag:s0] =	ssyncset.done $0x0  }
0x383: {  	[sflag:s0] =	ssyncadd.s32 $0xFFFFC000  }
0x384: {  	[tilespmem:s2], [sflag:$0x2] =	stream.indirect.gather [hbm4b:s6+s30], $0x80, s30, s30, $0xb8;
	[tilespmem:$0x1C980] =	vst v63  }
0x385: {  	_ = 	snop  }
0x386: {  	[spmem:s3] =	stream.indirect.scatter.add.f32 [tilespmem:s31], [sflag:$0x3], $0x80, s29, s30, $0xb8;
	[tilespmem:$0x1C980] =	vst v63  }
0x387: {  	_ =	swait.ge [sflag:s28], $0x4000  }
0x388: {  	[sflag:s28] =	ssyncset.done $0x0  }
0x389: {  	[sflag:s28] =	ssyncadd.s32 $0xFFFFC000  }
0x38a: {  	_ =	swait.ge [sflag:s14], $0x4000  }
0x38b: {  	[sflag:s14] =	ssyncset.done $0x0  }
0x38c: {  	[sflag:s14] =	ssyncadd.s32 $0xFFFFC000  }
0x38d: {  	[tilespmem:s31], [sflag:$0x1] =	stream.indirect.gather [hbm4b:s6+s30], $0x80, s9, s30, $0xb8;
	[tilespmem:$0x1C980] =	vst v63  }
0x38e: {  	_ = 	snop  }
0x38f: {  	[spmem:s3] =	stream.indirect.scatter.add.f32 [tilespmem:s2], [sflag:$0x3], $0x80, s15, s30, $0xb8;
	[tilespmem:$0x1C980] =	vst v63  }
0x390: {  	_ =	swait.ge [sflag:s28], $0x4000  }
0x391: {  	[sflag:s28] =	ssyncset.done $0x0  }
0x392: {  	[sflag:s28] =	ssyncadd.s32 $0xFFFFC000  }
0x393: {  	_ =	swait.ge [sflag:s0], $0x4000  }
0x394: {  	[sflag:s0] =	ssyncset.done $0x0  }
0x395: {  	[sflag:s0] =	ssyncadd.s32 $0xFFFFC000  }
0x396: {  	[tilespmem:s2], [sflag:$0x2] =	stream.indirect.gather [hbm4b:s6+s30], $0x80, s10, s30, $0xb8;
	[tilespmem:$0x1C980] =	vst v63  }
0x397: {  	s21 =	simm.s32 $0x900  }
0x398: {  	[spmem:s3] =	stream.indirect.scatter.add.f32 [tilespmem:s31], [sflag:$0x3], $0x80, s21, s30, $0xb8;
	[tilespmem:$0x1C980] =	vst v63  }
0x399: {  	_ =	swait.ge [sflag:s28], $0x4000  }
0x39a: {  	[sflag:s28] =	ssyncset.done $0x0  }
0x39b: {  	[sflag:s28] =	ssyncadd.s32 $0xFFFFC000  }
0x39c: {  	_ =	swait.ge [sflag:s14], $0x4000  }
0x39d: {  	[sflag:s14] =	ssyncset.done $0x0  }
0x39e: {  	s19 =	simm.s32 $0x200;
	[sflag:s14] =	ssyncadd.s32 $0xFFFFC000  }
0x39f: {  	[tilespmem:s31], [sflag:$0x1] =	stream.indirect.gather [hbm4b:s6+s30], $0x80, s19, s30, $0xb8;
	[tilespmem:$0x1C980] =	vst v63  }
0x3a0: {  	s18 =	simm.s32 $0x980  }
0x3a1: {  	[spmem:s3] =	stream.indirect.scatter.add.f32 [tilespmem:s2], [sflag:$0x3], $0x80, s18, s30, $0xb8;
	[tilespmem:$0x1C980] =	vst v63  }
0x3a2: {  	_ =	swait.ge [sflag:s28], $0x4000  }
0x3a3: {  	[sflag:s28] =	ssyncset.done $0x0  }
0x3a4: {  	[sflag:s28] =	ssyncadd.s32 $0xFFFFC000  }
0x3a5: {  	_ =	swait.ge [sflag:s0], $0x4000  }
0x3a6: {  	[sflag:s0] =	ssyncset.done $0x0  }
0x3a7: {  	s17 =	simm.s32 $0x280;
	[sflag:s0] =	ssyncadd.s32 $0xFFFFC000  }
0x3a8: {  	[tilespmem:s2], [sflag:$0x2] =	stream.indirect.gather [hbm4b:s6+s30], $0x80, s17, s30, $0xb8;
	[tilespmem:$0x1C980] =	vst v63  }
0x3a9: {  	s16 =	simm.s32 $0xA00  }
0x3aa: {  	[spmem:s3] =	stream.indirect.scatter.add.f32 [tilespmem:s31], [sflag:$0x3], $0x80, s16, s30, $0xb8;
	[tilespmem:$0x1C980] =	vst v63  }
0x3ab: {  	_ =	swait.ge [sflag:s28], $0x4000  }
0x3ac: {  	[sflag:s28] =	ssyncset.done $0x0  }
0x3ad: {  	[sflag:s28] =	ssyncadd.s32 $0xFFFFC000  }
0x3ae: {  	_ =	swait.ge [sflag:s14], $0x4000  }
0x3af: {  	[sflag:s14] =	ssyncset.done $0x0  }
0x3b0: {  	s26 =	simm.s32 $0x300;
	[sflag:s14] =	ssyncadd.s32 $0xFFFFC000  }
0x3b1: {  	[tilespmem:s31], [sflag:$0x1] =	stream.indirect.gather [hbm4b:s6+s30], $0x80, s26, s30, $0xb8;
	[tilespmem:$0x1C980] =	vst v63  }
0x3b2: {  	s12 =	simm.s32 $0xA80  }
0x3b3: {  	[spmem:s3] =	stream.indirect.scatter.add.f32 [tilespmem:s2], [sflag:$0x3], $0x80, s12, s30, $0xb8;
	[tilespmem:$0x1C980] =	vst v63  }
0x3b4: {  	_ =	swait.ge [sflag:s28], $0x4000  }
0x3b5: {  	[sflag:s28] =	ssyncset.done $0x0  }
0x3b6: {  	[sflag:s28] =	ssyncadd.s32 $0xFFFFC000  }
0x3b7: {  	_ =	swait.ge [sflag:s0], $0x4000  }
0x3b8: {  	[sflag:s0] =	ssyncset.done $0x0  }
0x3b9: {  	s11 =	simm.s32 $0x380;
	[sflag:s0] =	ssyncadd.s32 $0xFFFFC000  }
0x3ba: {  	[tilespmem:s2], [sflag:$0x2] =	stream.indirect.gather [hbm4b:s6+s30], $0x80, s11, s30, $0xb8;
	[tilespmem:$0x1C980] =	vst v63  }
0x3bb: {  	s24 =	simm.s32 $0xB00  }
0x3bc: {  	[spmem:s3] =	stream.indirect.scatter.add.f32 [tilespmem:s31], [sflag:$0x3], $0x80, s24, s30, $0xb8;
	[tilespmem:$0x1C980] =	vst v63  }
0x3bd: {  	_ =	swait.ge [sflag:s28], $0x4000  }
0x3be: {  	[sflag:s28] =	ssyncset.done $0x0  }
0x3bf: {  	[sflag:s28] =	ssyncadd.s32 $0xFFFFC000  }
0x3c0: {  	_ =	swait.ge [sflag:s14], $0x4000  }
0x3c1: {  	[sflag:s14] =	ssyncset.done $0x0  }
0x3c2: {  	s23 =	simm.s32 $0x400;
	[sflag:s14] =	ssyncadd.s32 $0xFFFFC000  }
0x3c3: {  	[tilespmem:s31], [sflag:$0x1] =	stream.indirect.gather [hbm4b:s6+s30], $0x80, s23, s30, $0xb8;
	[tilespmem:$0x1C980] =	vst v63  }
0x3c4: {  	s22 =	simm.s32 $0xB80  }
0x3c5: {  	[spmem:s3] =	stream.indirect.scatter.add.f32 [tilespmem:s2], [sflag:$0x3], $0x80, s22, s30, $0xb8;
	[tilespmem:$0x1C980] =	vst v63  }
0x3c6: {  	_ =	swait.ge [sflag:s28], $0x4000  }
0x3c7: {  	[sflag:s28] =	ssyncset.done $0x0  }
0x3c8: {  	[sflag:s28] =	ssyncadd.s32 $0xFFFFC000  }
0x3c9: {  	_ =	swait.ge [sflag:s0], $0x4000  }
0x3ca: {  	[sflag:s0] =	ssyncset.done $0x0  }
0x3cb: {  	s1 =	simm.s32 $0x480;
	[sflag:s0] =	ssyncadd.s32 $0xFFFFC000  }
0x3cc: {  	[tilespmem:s2], [sflag:$0x2] =	stream.indirect.gather [hbm4b:s6+s30], $0x80, s1, s30, $0xb8;
	[tilespmem:$0x1C980] =	vst v63  }
0x3cd: {  	s22 =	simm.s32 $0xC00  }
0x3ce: {  	[spmem:s3] =	stream.indirect.scatter.add.f32 [tilespmem:s31], [sflag:$0x3], $0x80, s22, s30, $0xb8;
	[tilespmem:$0x1C980] =	vst v63  }
0x3cf: {  	_ =	swait.ge [sflag:s28], $0x4000  }
0x3d0: {  	[sflag:s28] =	ssyncset.done $0x0  }
0x3d1: {  	[sflag:s28] =	ssyncadd.s32 $0xFFFFC000  }
0x3d2: {  	_ =	swait.ge [sflag:s14], $0x4000  }
0x3d3: {  	[sflag:s14] =	ssyncset.done $0x0  }
0x3d4: {  	s23 =	simm.s32 $0x500;
	[sflag:s14] =	ssyncadd.s32 $0xFFFFC000  }
0x3d5: {  	[tilespmem:s31], [sflag:$0x1] =	stream.indirect.gather [hbm4b:s6+s30], $0x80, s23, s30, $0xb8;
	[tilespmem:$0x1C980] =	vst v63  }
0x3d6: {  	s24 =	simm.s32 $0xC80  }
0x3d7: {  	[spmem:s3] =	stream.indirect.scatter.add.f32 [tilespmem:s2], [sflag:$0x3], $0x80, s24, s30, $0xb8;
	[tilespmem:$0x1C980] =	vst v63  }
0x3d8: {  	_ =	swait.ge [sflag:s28], $0x4000  }
0x3d9: {  	[sflag:s28] =	ssyncset.done $0x0  }
0x3da: {  	[sflag:s28] =	ssyncadd.s32 $0xFFFFC000  }
0x3db: {  	_ =	swait.ge [sflag:s0], $0x4000  }
0x3dc: {  	[sflag:s0] =	ssyncset.done $0x0  }
0x3dd: {  	s26 =	simm.s32 $0x580;
	[sflag:s0] =	ssyncadd.s32 $0xFFFFC000  }
0x3de: {  	[tilespmem:s2], [sflag:$0x2] =	stream.indirect.gather [hbm4b:s6+s30], $0x80, s26, s30, $0xb8;
	[tilespmem:$0x1C980] =	vst v63  }
0x3df: {  	s13 =	simm.s32 $0xD00  }
0x3e0: {  	[spmem:s3] =	stream.indirect.scatter.add.f32 [tilespmem:s31], [sflag:$0x3], $0x80, s13, s30, $0xb8;
	[tilespmem:$0x1C980] =	vst v63  }
0x3e1: {  	_ =	swait.ge [sflag:s28], $0x4000  }
0x3e2: {  	[sflag:s28] =	ssyncset.done $0x0  }
0x3e3: {  	[sflag:s28] =	ssyncadd.s32 $0xFFFFC000  }
0x3e4: {  	_ =	swait.ge [sflag:s14], $0x4000  }
0x3e5: {  	[sflag:s14] =	ssyncset.done $0x0  }
0x3e6: {  	s1 =	simm.s32 $0x600;
	[sflag:s14] =	ssyncadd.s32 $0xFFFFC000  }
0x3e7: {  	[tilespmem:s31], [sflag:$0x1] =	stream.indirect.gather [hbm4b:s6+s30], $0x80, s1, s30, $0xb8;
	[tilespmem:$0x1C980] =	vst v63  }
0x3e8: {  	s9 =	simm.s32 $0xD80  }
0x3e9: {  	[spmem:s3] =	stream.indirect.scatter.add.f32 [tilespmem:s2], [sflag:$0x3], $0x80, s9, s30, $0xb8;
	[tilespmem:$0x1C980] =	vst v63  }
0x3ea: {  	_ =	swait.ge [sflag:s28], $0x4000  }
0x3eb: {  	[sflag:s28] =	ssyncset.done $0x0  }
0x3ec: {  	[sflag:s28] =	ssyncadd.s32 $0xFFFFC000  }
0x3ed: {  	_ =	swait.ge [sflag:s0], $0x4000  }
0x3ee: {  	[sflag:s0] =	ssyncset.done $0x0  }
0x3ef: {  	s10 =	simm.s32 $0x680;
	[sflag:s0] =	ssyncadd.s32 $0xFFFFC000  }
0x3f0: {  	[tilespmem:s2], [sflag:$0x2] =	stream.indirect.gather [hbm4b:s6+s30], $0x80, s10, s30, $0xb8;
	[tilespmem:$0x1C980] =	vst v63  }
0x3f1: {  	s11 =	simm.s32 $0xE00  }
0x3f2: {  	[spmem:s3] =	stream.indirect.scatter.add.f32 [tilespmem:s31], [sflag:$0x3], $0x80, s11, s30, $0xb8;
	[tilespmem:$0x1C980] =	vst v63  }
0x3f3: {  	_ =	swait.ge [sflag:s28], $0x4000  }
0x3f4: {  	[sflag:s28] =	ssyncset.done $0x0  }
0x3f5: {  	[sflag:s28] =	ssyncadd.s32 $0xFFFFC000  }
0x3f6: {  	_ =	swait.ge [sflag:s14], $0x4000  }
0x3f7: {  	[sflag:s14] =	ssyncset.done $0x0  }
0x3f8: {  	s12 =	simm.s32 $0x700;
	[sflag:s14] =	ssyncadd.s32 $0xFFFFC000  }
0x3f9: {  	[tilespmem:s31], [sflag:$0x1] =	stream.indirect.gather [hbm4b:s6+s30], $0x80, s12, s30, $0xb8;
	[tilespmem:$0x1C980] =	vst v63  }
0x3fa: {  	s13 =	simm.s32 $0xE80  }
0x3fb: {  	[spmem:s3] =	stream.indirect.scatter.add.f32 [tilespmem:s2], [sflag:$0x3], $0x80, s13, s30, $0xb8;
	[tilespmem:$0x1C980] =	vst v63  }
0x3fc: {  	_ =	swait.ge [sflag:s28], $0x4000  }
0x3fd: {  	[sflag:s28] =	ssyncset.done $0x0  }
0x3fe: {  	[sflag:s28] =	ssyncadd.s32 $0xFFFFC000  }
0x3ff: {  	_ =	swait.ge [sflag:s0], $0x4000  }
0x400: {  	[sflag:s0] =	ssyncset.done $0x0  }
0x401: {  	s15 =	simm.s32 $0x780;
	[sflag:s0] =	ssyncadd.s32 $0xFFFFC000  }
0x402: {  	[tilespmem:s2], [sflag:$0x2] =	stream.indirect.gather [hbm4b:s6+s30], $0x80, s15, s30, $0xb8;
	[tilespmem:$0x1C980] =	vst v63  }
0x403: {  	s20 =	simm.s32 $0xF00;
	s21 =	simm.s32 $0x680;
	s19 =	simm.s32 $0xE00  }
0x404: {  	[spmem:s3] =	stream.indirect.scatter.add.f32 [tilespmem:s31], [sflag:$0x3], $0x80, s20, s30, $0xb8;
	[tilespmem:$0x1C980] =	vst v63  }
0x405: {  	s18 =	simm.s32 $0x700;
	s17 =	simm.s32 $0xE80;
	_ =	swait.ge [sflag:s28], $0x4000  }
0x406: {  	s16 =	simm.s32 $0x780;
	s22 =	simm.s32 $0xD80;
	[sflag:s28] =	ssyncset.done $0x0  }
0x407: {  	s23 =	simm.s32 $0x600;
	s24 =	simm.s32 $0xF80;
	[sflag:s28] =	ssyncadd.s32 $0xFFFFC000  }
0x408: {  	s26 =	simm.s32 $0xF80;
	s1 =	simm.s32 $0xF00;
	_ =	swait.ge [sflag:s14], $0x4000  }
0x409: {  	s10 =	simm.s32 $0x500;
	s11 =	simm.s32 $0x580;
	[sflag:s14] =	ssyncset.done $0x0  }
0x40a: {  	s12 =	simm.s32 $0x880;
	s13 =	simm.s32 $0x200;
	[sflag:s14] =	ssyncadd.s32 $0xFFFFC000  }
0x40b: {  	[spmem:s3] =	stream.indirect.scatter.add.f32 [tilespmem:s2], [sflag:$0x3], $0x80, s24, s30, $0xb8;
	[tilespmem:$0x1C980] =	vst v63  }
0x40c: {  	s15 =	simm.s32 $0x100;
	s20 =	simm.s32 $0x100;
	_ =	swait.ge [sflag:s28], $0x4000  }
0x40d: {  	s24 =	simm.s32 $0x180;
	s8 =	rddreg [dreg:$0x6];
	[sflag:s28] =	ssyncset.done $0x0  }
.LBB2_10:
0x40e: {  	[sflag:s28] =	ssyncadd.s32 $0xFFFFC000;
	s8 =	sadd.s32 s15, s8  }
0x40f: {  	[tilespmem:s25], [sflag:$0x3] =	stream.linear.gather [hbm4b:s8+s25], $0x800, $0x38;
	[tilespmem:$0x1C980] =	vst v63  }
0x410: {  	_ =	swait.ge [sflag:s28], $0x800  }
0x411: {  	s8 =	rddreg [dreg:$0x5];
	[sflag:s28] =	ssyncset.done $0x0  }
0x412: {  	[sflag:s28] =	ssyncadd.s32 $0xFFFFF800;
	s8 =	sadd.s32 s15, s8  }
0x413: {  	[tilespmem:s29], [sflag:$0x3] =	stream.linear.gather [hbm4b:s8+s25], $0x800, $0x38;
	[tilespmem:$0x1C980] =	vst v63  }
0x414: {  	_ =	swait.ge [sflag:s28], $0x800  }
0x415: {  	[sflag:s28] =	ssyncset.done $0x0  }
0x416: {  	[sflag:s28] =	ssyncadd.s32 $0xFFFFF800  }
0x417: {  	[tilespmem:s31], [sflag:$0x1] =	stream.indirect.gather [hbm4b:s6+s30], $0x80, s25, s30, $0xb8;
	[tilespmem:$0x1C980] =	vst v63  }
0x418: {  	_ =	swait.ge [sflag:s0], $0x4000  }
0x419: {  	[sflag:s0] =	ssyncset.done $0x0  }
0x41a: {  	[sflag:s0] =	ssyncadd.s32 $0xFFFFC000  }
0x41b: {  	[tilespmem:s2], [sflag:$0x2] =	stream.indirect.gather [hbm4b:s6+s30], $0x80, s30, s30, $0xb8;
	[tilespmem:$0x1C980] =	vst v63  }
0x41c: {  	_ = 	snop  }
0x41d: {  	[spmem:s3] =	stream.indirect.scatter.add.f32 [tilespmem:s31], [sflag:$0x3], $0x80, s29, s30, $0xb8;
	[tilespmem:$0x1C980] =	vst v63  }
0x41e: {  	_ =	swait.ge [sflag:s28], $0x4000  }
0x41f: {  	[sflag:s28] =	ssyncset.done $0x0  }
0x420: {  	[sflag:s28] =	ssyncadd.s32 $0xFFFFC000  }
0x421: {  	_ =	swait.ge [sflag:s14], $0x4000  }
0x422: {  	s9 =	smov.u32 s13;
	[sflag:s14] =	ssyncset.done $0x0  }
0x423: {  	s15 =	smov.u32 s9;
	s9 =	simm.s32 $0x100;
	[sflag:s14] =	ssyncadd.s32 $0xFFFFC000  }
0x424: {  	[tilespmem:s31], [sflag:$0x1] =	stream.indirect.gather [hbm4b:s6+s30], $0x80, s9, s30, $0xb8;
	[tilespmem:$0x1C980] =	vst v63  }
0x425: {  	_ = 	snop  }
0x426: {  	[spmem:s3] =	stream.indirect.scatter.add.f32 [tilespmem:s2], [sflag:$0x3], $0x80, s12, s30, $0xb8;
	[tilespmem:$0x1C980] =	vst v63  }
0x427: {  	_ =	swait.ge [sflag:s28], $0x4000  }
0x428: {  	[sflag:s28] =	ssyncset.done $0x0  }
0x429: {  	[sflag:s28] =	ssyncadd.s32 $0xFFFFC000  }
0x42a: {  	_ =	swait.ge [sflag:s0], $0x4000  }
0x42b: {  	[sflag:s0] =	ssyncset.done $0x0  }
0x42c: {  	[sflag:s0] =	ssyncadd.s32 $0xFFFFC000  }
0x42d: {  	[tilespmem:s2], [sflag:$0x2] =	stream.indirect.gather [hbm4b:s6+s30], $0x80, s24, s30, $0xb8;
	[tilespmem:$0x1C980] =	vst v63  }
0x42e: {  	s8 =	simm.s32 $0x900  }
0x42f: {  	[spmem:s3] =	stream.indirect.scatter.add.f32 [tilespmem:s31], [sflag:$0x3], $0x80, s8, s30, $0xb8;
	[tilespmem:$0x1C980] =	vst v63  }
0x430: {  	_ =	swait.ge [sflag:s28], $0x4000  }
0x431: {  	[sflag:s28] =	ssyncset.done $0x0  }
0x432: {  	[sflag:s28] =	ssyncadd.s32 $0xFFFFC000  }
0x433: {  	_ =	swait.ge [sflag:s14], $0x4000  }
0x434: {  	[sflag:s14] =	ssyncset.done $0x0  }
0x435: {  	s8 =	simm.s32 $0x200;
	[sflag:s14] =	ssyncadd.s32 $0xFFFFC000  }
0x436: {  	[tilespmem:s31], [sflag:$0x1] =	stream.indirect.gather [hbm4b:s6+s30], $0x80, s8, s30, $0xb8;
	[tilespmem:$0x1C980] =	vst v63  }
0x437: {  	s8 =	simm.s32 $0x980  }
0x438: {  	[spmem:s3] =	stream.indirect.scatter.add.f32 [tilespmem:s2], [sflag:$0x3], $0x80, s8, s30, $0xb8;
	[tilespmem:$0x1C980] =	vst v63  }
0x439: {  	_ =	swait.ge [sflag:s28], $0x4000  }
0x43a: {  	[sflag:s28] =	ssyncset.done $0x0  }
0x43b: {  	[sflag:s28] =	ssyncadd.s32 $0xFFFFC000  }
0x43c: {  	_ =	swait.ge [sflag:s0], $0x4000  }
0x43d: {  	[sflag:s0] =	ssyncset.done $0x0  }
0x43e: {  	s8 =	simm.s32 $0x280;
	[sflag:s0] =	ssyncadd.s32 $0xFFFFC000  }
0x43f: {  	[tilespmem:s2], [sflag:$0x2] =	stream.indirect.gather [hbm4b:s6+s30], $0x80, s8, s30, $0xb8;
	[tilespmem:$0x1C980] =	vst v63  }
0x440: {  	s8 =	simm.s32 $0xA00  }
0x441: {  	[spmem:s3] =	stream.indirect.scatter.add.f32 [tilespmem:s31], [sflag:$0x3], $0x80, s8, s30, $0xb8;
	[tilespmem:$0x1C980] =	vst v63  }
0x442: {  	_ =	swait.ge [sflag:s28], $0x4000  }
0x443: {  	[sflag:s28] =	ssyncset.done $0x0  }
0x444: {  	[sflag:s28] =	ssyncadd.s32 $0xFFFFC000  }
0x445: {  	_ =	swait.ge [sflag:s14], $0x4000  }
0x446: {  	[sflag:s14] =	ssyncset.done $0x0  }
0x447: {  	s8 =	simm.s32 $0x300;
	[sflag:s14] =	ssyncadd.s32 $0xFFFFC000  }
0x448: {  	[tilespmem:s31], [sflag:$0x1] =	stream.indirect.gather [hbm4b:s6+s30], $0x80, s8, s30, $0xb8;
	[tilespmem:$0x1C980] =	vst v63  }
0x449: {  	s8 =	simm.s32 $0xA80  }
0x44a: {  	[spmem:s3] =	stream.indirect.scatter.add.f32 [tilespmem:s2], [sflag:$0x3], $0x80, s8, s30, $0xb8;
	[tilespmem:$0x1C980] =	vst v63  }
0x44b: {  	_ =	swait.ge [sflag:s28], $0x4000  }
0x44c: {  	[sflag:s28] =	ssyncset.done $0x0  }
0x44d: {  	[sflag:s28] =	ssyncadd.s32 $0xFFFFC000  }
0x44e: {  	_ =	swait.ge [sflag:s0], $0x4000  }
0x44f: {  	[sflag:s0] =	ssyncset.done $0x0  }
0x450: {  	s8 =	simm.s32 $0x380;
	[sflag:s0] =	ssyncadd.s32 $0xFFFFC000  }
0x451: {  	[tilespmem:s2], [sflag:$0x2] =	stream.indirect.gather [hbm4b:s6+s30], $0x80, s8, s30, $0xb8;
	[tilespmem:$0x1C980] =	vst v63  }
0x452: {  	s8 =	simm.s32 $0xB00  }
0x453: {  	[spmem:s3] =	stream.indirect.scatter.add.f32 [tilespmem:s31], [sflag:$0x3], $0x80, s8, s30, $0xb8;
	[tilespmem:$0x1C980] =	vst v63  }
0x454: {  	_ =	swait.ge [sflag:s28], $0x4000  }
0x455: {  	[sflag:s28] =	ssyncset.done $0x0  }
0x456: {  	[sflag:s28] =	ssyncadd.s32 $0xFFFFC000  }
0x457: {  	_ =	swait.ge [sflag:s14], $0x4000  }
0x458: {  	[sflag:s14] =	ssyncset.done $0x0  }
0x459: {  	s8 =	simm.s32 $0x400;
	[sflag:s14] =	ssyncadd.s32 $0xFFFFC000  }
0x45a: {  	[tilespmem:s31], [sflag:$0x1] =	stream.indirect.gather [hbm4b:s6+s30], $0x80, s8, s30, $0xb8;
	[tilespmem:$0x1C980] =	vst v63  }
0x45b: {  	s8 =	simm.s32 $0xB80  }
0x45c: {  	[spmem:s3] =	stream.indirect.scatter.add.f32 [tilespmem:s2], [sflag:$0x3], $0x80, s8, s30, $0xb8;
	[tilespmem:$0x1C980] =	vst v63  }
0x45d: {  	_ =	swait.ge [sflag:s28], $0x4000  }
0x45e: {  	[sflag:s28] =	ssyncset.done $0x0  }
0x45f: {  	[sflag:s28] =	ssyncadd.s32 $0xFFFFC000  }
0x460: {  	_ =	swait.ge [sflag:s0], $0x4000  }
0x461: {  	[sflag:s0] =	ssyncset.done $0x0  }
0x462: {  	s8 =	simm.s32 $0x480;
	[sflag:s0] =	ssyncadd.s32 $0xFFFFC000  }
0x463: {  	[tilespmem:s2], [sflag:$0x2] =	stream.indirect.gather [hbm4b:s6+s30], $0x80, s8, s30, $0xb8;
	[tilespmem:$0x1C980] =	vst v63  }
0x464: {  	s8 =	simm.s32 $0xC00  }
0x465: {  	[spmem:s3] =	stream.indirect.scatter.add.f32 [tilespmem:s31], [sflag:$0x3], $0x80, s8, s30, $0xb8;
	[tilespmem:$0x1C980] =	vst v63  }
0x466: {  	_ =	swait.ge [sflag:s28], $0x4000  }
0x467: {  	[sflag:s28] =	ssyncset.done $0x0  }
0x468: {  	[sflag:s28] =	ssyncadd.s32 $0xFFFFC000  }
0x469: {  	_ =	swait.ge [sflag:s14], $0x4000  }
0x46a: {  	[sflag:s14] =	ssyncset.done $0x0  }
0x46b: {  	[sflag:s14] =	ssyncadd.s32 $0xFFFFC000  }
0x46c: {  	[tilespmem:s31], [sflag:$0x1] =	stream.indirect.gather [hbm4b:s6+s30], $0x80, s10, s30, $0xb8;
	[tilespmem:$0x1C980] =	vst v63  }
0x46d: {  	s8 =	simm.s32 $0xC80  }
0x46e: {  	[spmem:s3] =	stream.indirect.scatter.add.f32 [tilespmem:s2], [sflag:$0x3], $0x80, s8, s30, $0xb8;
	[tilespmem:$0x1C980] =	vst v63  }
0x46f: {  	_ =	swait.ge [sflag:s28], $0x4000  }
0x470: {  	[sflag:s28] =	ssyncset.done $0x0  }
0x471: {  	[sflag:s28] =	ssyncadd.s32 $0xFFFFC000  }
0x472: {  	_ =	swait.ge [sflag:s0], $0x4000  }
0x473: {  	[sflag:s0] =	ssyncset.done $0x0  }
0x474: {  	[sflag:s0] =	ssyncadd.s32 $0xFFFFC000  }
0x475: {  	[tilespmem:s2], [sflag:$0x2] =	stream.indirect.gather [hbm4b:s6+s30], $0x80, s11, s30, $0xb8;
	[tilespmem:$0x1C980] =	vst v63  }
0x476: {  	s8 =	simm.s32 $0xD00  }
0x477: {  	[spmem:s3] =	stream.indirect.scatter.add.f32 [tilespmem:s31], [sflag:$0x3], $0x80, s8, s30, $0xb8;
	[tilespmem:$0x1C980] =	vst v63  }
0x478: {  	_ =	swait.ge [sflag:s28], $0x4000  }
0x479: {  	[sflag:s28] =	ssyncset.done $0x0  }
0x47a: {  	[sflag:s28] =	ssyncadd.s32 $0xFFFFC000  }
0x47b: {  	_ =	swait.ge [sflag:s14], $0x4000  }
0x47c: {  	[sflag:s14] =	ssyncset.done $0x0  }
0x47d: {  	[sflag:s14] =	ssyncadd.s32 $0xFFFFC000  }
0x47e: {  	[tilespmem:s31], [sflag:$0x1] =	stream.indirect.gather [hbm4b:s6+s30], $0x80, s23, s30, $0xb8;
	[tilespmem:$0x1C980] =	vst v63  }
0x47f: {  	_ = 	snop  }
0x480: {  	[spmem:s3] =	stream.indirect.scatter.add.f32 [tilespmem:s2], [sflag:$0x3], $0x80, s22, s30, $0xb8;
	[tilespmem:$0x1C980] =	vst v63  }
0x481: {  	_ =	swait.ge [sflag:s28], $0x4000  }
0x482: {  	[sflag:s28] =	ssyncset.done $0x0  }
0x483: {  	[sflag:s28] =	ssyncadd.s32 $0xFFFFC000  }
0x484: {  	_ =	swait.ge [sflag:s0], $0x4000  }
0x485: {  	[sflag:s0] =	ssyncset.done $0x0  }
0x486: {  	[sflag:s0] =	ssyncadd.s32 $0xFFFFC000  }
0x487: {  	[tilespmem:s2], [sflag:$0x2] =	stream.indirect.gather [hbm4b:s6+s30], $0x80, s21, s30, $0xb8;
	[tilespmem:$0x1C980] =	vst v63  }
0x488: {  	_ = 	snop  }
0x489: {  	[spmem:s3] =	stream.indirect.scatter.add.f32 [tilespmem:s31], [sflag:$0x3], $0x80, s19, s30, $0xb8;
	[tilespmem:$0x1C980] =	vst v63  }
0x48a: {  	_ =	swait.ge [sflag:s28], $0x4000  }
0x48b: {  	[sflag:s28] =	ssyncset.done $0x0  }
0x48c: {  	[sflag:s28] =	ssyncadd.s32 $0xFFFFC000  }
0x48d: {  	_ =	swait.ge [sflag:s14], $0x4000  }
0x48e: {  	[sflag:s14] =	ssyncset.done $0x0  }
0x48f: {  	[sflag:s14] =	ssyncadd.s32 $0xFFFFC000  }
0x490: {  	[tilespmem:s31], [sflag:$0x1] =	stream.indirect.gather [hbm4b:s6+s30], $0x80, s18, s30, $0xb8;
	[tilespmem:$0x1C980] =	vst v63  }
0x491: {  	_ = 	snop  }
0x492: {  	[spmem:s3] =	stream.indirect.scatter.add.f32 [tilespmem:s2], [sflag:$0x3], $0x80, s17, s30, $0xb8;
	[tilespmem:$0x1C980] =	vst v63  }
0x493: {  	_ =	swait.ge [sflag:s28], $0x4000  }
0x494: {  	[sflag:s28] =	ssyncset.done $0x0  }
0x495: {  	[sflag:s28] =	ssyncadd.s32 $0xFFFFC000  }
0x496: {  	_ =	swait.ge [sflag:s0], $0x4000  }
0x497: {  	[sflag:s0] =	ssyncset.done $0x0  }
0x498: {  	[sflag:s0] =	ssyncadd.s32 $0xFFFFC000  }
0x499: {  	[tilespmem:s2], [sflag:$0x2] =	stream.indirect.gather [hbm4b:s6+s30], $0x80, s16, s30, $0xb8;
	[tilespmem:$0x1C980] =	vst v63  }
0x49a: {  	_ = 	snop  }
0x49b: {  	[spmem:s3] =	stream.indirect.scatter.add.f32 [tilespmem:s31], [sflag:$0x3], $0x80, s1, s30, $0xb8;
	[tilespmem:$0x1C980] =	vst v63  }
0x49c: {  	_ =	swait.ge [sflag:s28], $0x4000  }
0x49d: {  	[sflag:s28] =	ssyncset.done $0x0  }
0x49e: {  	[sflag:s28] =	ssyncadd.s32 $0xFFFFC000  }
0x49f: {  	p3 =	sne.s32 s13, $0x700;
	_ =	swait.ge [sflag:s14], $0x4000  }
.Ltmp8:
0x4a0: {  	[sflag:s14] =	ssyncset.done $0x0;
	(pc) =	sbr.rel @p3 .LBB2_10-.Ltmp8, $4  }
0x4a1: {  	[sflag:s14] =	ssyncadd.s32 $0xFFFFC000  }
0x4a2: {  	[spmem:s3] =	stream.indirect.scatter.add.f32 [tilespmem:s2], [sflag:$0x3], $0x80, s26, s30, $0xb8;
	[tilespmem:$0x1C980] =	vst v63  }
0x4a3: {  	_ =	swait.ge [sflag:s28], $0x4000  }
0x4a4: {  	s13 =	sadd.s32 $0x100, s13;
	s8 =	rddreg [dreg:$0x6];
	[sflag:s28] =	ssyncset.done $0x0  }
0x4a5: {  	[sflag:s28] =	ssyncadd.s32 $0xFFFFC000;
	s8 =	sadd.s32 s15, s8  }
0x4a6: {  	[tilespmem:s25], [sflag:$0x3] =	stream.linear.gather [hbm4b:s8+s25], $0x800, $0x38;
	[tilespmem:$0x1C980] =	vst v63  }
0x4a7: {  	_ =	swait.ge [sflag:s28], $0x800  }
0x4a8: {  	s13 =	rddreg [dreg:$0x5];
	[sflag:s28] =	ssyncset.done $0x0  }
0x4a9: {  	s8 =	sadd.s32 s15, s13;
	[sflag:s28] =	ssyncadd.s32 $0xFFFFF800  }
0x4aa: {  	[tilespmem:s29], [sflag:$0x3] =	stream.linear.gather [hbm4b:s8+s25], $0x800, $0x38;
	[tilespmem:$0x1C980] =	vst v63  }
0x4ab: {  	_ =	swait.ge [sflag:s28], $0x800  }
0x4ac: {  	[sflag:s28] =	ssyncset.done $0x0  }
0x4ad: {  	[sflag:s28] =	ssyncadd.s32 $0xFFFFF800  }
0x4ae: {  	[tilespmem:s31], [sflag:$0x1] =	stream.indirect.gather [hbm4b:s6+s30], $0x80, s25, s30, $0xb8;
	[tilespmem:$0x1C980] =	vst v63  }
0x4af: {  	_ =	swait.ge [sflag:s0], $0x4000  }
0x4b0: {  	[sflag:s0] =	ssyncset.done $0x0  }
0x4b1: {  	[sflag:s0] =	ssyncadd.s32 $0xFFFFC000  }
0x4b2: {  	[tilespmem:s2], [sflag:$0x2] =	stream.indirect.gather [hbm4b:s6+s30], $0x80, s30, s30, $0xb8;
	[tilespmem:$0x1C980] =	vst v63  }
0x4b3: {  	_ = 	snop  }
0x4b4: {  	[spmem:s3] =	stream.indirect.scatter.add.f32 [tilespmem:s31], [sflag:$0x3], $0x80, s29, s30, $0xb8;
	[tilespmem:$0x1C980] =	vst v63  }
0x4b5: {  	_ =	swait.ge [sflag:s28], $0x4000  }
0x4b6: {  	[sflag:s28] =	ssyncset.done $0x0  }
0x4b7: {  	[sflag:s28] =	ssyncadd.s32 $0xFFFFC000  }
0x4b8: {  	_ =	swait.ge [sflag:s14], $0x4000  }
0x4b9: {  	[sflag:s14] =	ssyncset.done $0x0  }
0x4ba: {  	[sflag:s14] =	ssyncadd.s32 $0xFFFFC000  }
0x4bb: {  	[tilespmem:s31], [sflag:$0x1] =	stream.indirect.gather [hbm4b:s6+s30], $0x80, s9, s30, $0xb8;
	[tilespmem:$0x1C980] =	vst v63  }
0x4bc: {  	s1 =	simm.s32 $0x880  }
0x4bd: {  	[spmem:s3] =	stream.indirect.scatter.add.f32 [tilespmem:s2], [sflag:$0x3], $0x80, s1, s30, $0xb8;
	[tilespmem:$0x1C980] =	vst v63  }
0x4be: {  	_ =	swait.ge [sflag:s28], $0x4000  }
0x4bf: {  	[sflag:s28] =	ssyncset.done $0x0  }
0x4c0: {  	[sflag:s28] =	ssyncadd.s32 $0xFFFFC000  }
0x4c1: {  	_ =	swait.ge [sflag:s0], $0x4000  }
0x4c2: {  	[sflag:s0] =	ssyncset.done $0x0  }
0x4c3: {  	s16 =	simm.s32 $0x180;
	[sflag:s0] =	ssyncadd.s32 $0xFFFFC000  }
0x4c4: {  	[tilespmem:s2], [sflag:$0x2] =	stream.indirect.gather [hbm4b:s6+s30], $0x80, s16, s30, $0xb8;
	[tilespmem:$0x1C980] =	vst v63  }
0x4c5: {  	s17 =	simm.s32 $0x900  }
0x4c6: {  	[spmem:s3] =	stream.indirect.scatter.add.f32 [tilespmem:s31], [sflag:$0x3], $0x80, s17, s30, $0xb8;
	[tilespmem:$0x1C980] =	vst v63  }
0x4c7: {  	_ =	swait.ge [sflag:s28], $0x4000  }
0x4c8: {  	[sflag:s28] =	ssyncset.done $0x0  }
0x4c9: {  	[sflag:s28] =	ssyncadd.s32 $0xFFFFC000  }
0x4ca: {  	_ =	swait.ge [sflag:s14], $0x4000  }
0x4cb: {  	[sflag:s14] =	ssyncset.done $0x0  }
0x4cc: {  	s18 =	simm.s32 $0x200;
	[sflag:s14] =	ssyncadd.s32 $0xFFFFC000  }
0x4cd: {  	[tilespmem:s31], [sflag:$0x1] =	stream.indirect.gather [hbm4b:s6+s30], $0x80, s18, s30, $0xb8;
	[tilespmem:$0x1C980] =	vst v63  }
0x4ce: {  	s19 =	simm.s32 $0x980  }
0x4cf: {  	[spmem:s3] =	stream.indirect.scatter.add.f32 [tilespmem:s2], [sflag:$0x3], $0x80, s19, s30, $0xb8;
	[tilespmem:$0x1C980] =	vst v63  }
0x4d0: {  	_ =	swait.ge [sflag:s28], $0x4000  }
0x4d1: {  	[sflag:s28] =	ssyncset.done $0x0  }
0x4d2: {  	[sflag:s28] =	ssyncadd.s32 $0xFFFFC000  }
0x4d3: {  	_ =	swait.ge [sflag:s0], $0x4000  }
0x4d4: {  	[sflag:s0] =	ssyncset.done $0x0  }
0x4d5: {  	s21 =	simm.s32 $0x280;
	[sflag:s0] =	ssyncadd.s32 $0xFFFFC000  }
0x4d6: {  	[tilespmem:s2], [sflag:$0x2] =	stream.indirect.gather [hbm4b:s6+s30], $0x80, s21, s30, $0xb8;
	[tilespmem:$0x1C980] =	vst v63  }
0x4d7: {  	s22 =	simm.s32 $0xA00  }
0x4d8: {  	[spmem:s3] =	stream.indirect.scatter.add.f32 [tilespmem:s31], [sflag:$0x3], $0x80, s22, s30, $0xb8;
	[tilespmem:$0x1C980] =	vst v63  }
0x4d9: {  	_ =	swait.ge [sflag:s28], $0x4000  }
0x4da: {  	[sflag:s28] =	ssyncset.done $0x0  }
0x4db: {  	[sflag:s28] =	ssyncadd.s32 $0xFFFFC000  }
0x4dc: {  	_ =	swait.ge [sflag:s14], $0x4000  }
0x4dd: {  	[sflag:s14] =	ssyncset.done $0x0  }
0x4de: {  	s23 =	simm.s32 $0x300;
	[sflag:s14] =	ssyncadd.s32 $0xFFFFC000  }
0x4df: {  	[tilespmem:s31], [sflag:$0x1] =	stream.indirect.gather [hbm4b:s6+s30], $0x80, s23, s30, $0xb8;
	[tilespmem:$0x1C980] =	vst v63  }
0x4e0: {  	s24 =	simm.s32 $0xA80  }
0x4e1: {  	[spmem:s3] =	stream.indirect.scatter.add.f32 [tilespmem:s2], [sflag:$0x3], $0x80, s24, s30, $0xb8;
	[tilespmem:$0x1C980] =	vst v63  }
0x4e2: {  	_ =	swait.ge [sflag:s28], $0x4000  }
0x4e3: {  	[sflag:s28] =	ssyncset.done $0x0  }
0x4e4: {  	[sflag:s28] =	ssyncadd.s32 $0xFFFFC000  }
0x4e5: {  	_ =	swait.ge [sflag:s0], $0x4000  }
0x4e6: {  	[sflag:s0] =	ssyncset.done $0x0  }
0x4e7: {  	s25 =	simm.s32 $0x380;
	[sflag:s0] =	ssyncadd.s32 $0xFFFFC000  }
0x4e8: {  	[tilespmem:s2], [sflag:$0x2] =	stream.indirect.gather [hbm4b:s6+s30], $0x80, s25, s30, $0xb8;
	[tilespmem:$0x1C980] =	vst v63  }
0x4e9: {  	s26 =	simm.s32 $0xB00  }
0x4ea: {  	[spmem:s3] =	stream.indirect.scatter.add.f32 [tilespmem:s31], [sflag:$0x3], $0x80, s26, s30, $0xb8;
	[tilespmem:$0x1C980] =	vst v63  }
0x4eb: {  	_ =	swait.ge [sflag:s28], $0x4000  }
0x4ec: {  	[sflag:s28] =	ssyncset.done $0x0  }
0x4ed: {  	[sflag:s28] =	ssyncadd.s32 $0xFFFFC000  }
0x4ee: {  	_ =	swait.ge [sflag:s14], $0x4000  }
0x4ef: {  	[sflag:s14] =	ssyncset.done $0x0  }
0x4f0: {  	s26 =	simm.s32 $0x400;
	[sflag:s14] =	ssyncadd.s32 $0xFFFFC000  }
0x4f1: {  	[tilespmem:s31], [sflag:$0x1] =	stream.indirect.gather [hbm4b:s6+s30], $0x80, s26, s30, $0xb8;
	[tilespmem:$0x1C980] =	vst v63  }
0x4f2: {  	s25 =	simm.s32 $0xB80  }
0x4f3: {  	[spmem:s3] =	stream.indirect.scatter.add.f32 [tilespmem:s2], [sflag:$0x3], $0x80, s25, s30, $0xb8;
	[tilespmem:$0x1C980] =	vst v63  }
0x4f4: {  	_ =	swait.ge [sflag:s28], $0x4000  }
0x4f5: {  	[sflag:s28] =	ssyncset.done $0x0  }
0x4f6: {  	[sflag:s28] =	ssyncadd.s32 $0xFFFFC000  }
0x4f7: {  	_ =	swait.ge [sflag:s0], $0x4000  }
0x4f8: {  	[sflag:s0] =	ssyncset.done $0x0  }
0x4f9: {  	s24 =	simm.s32 $0x480;
	[sflag:s0] =	ssyncadd.s32 $0xFFFFC000  }
0x4fa: {  	[tilespmem:s2], [sflag:$0x2] =	stream.indirect.gather [hbm4b:s6+s30], $0x80, s24, s30, $0xb8;
	[tilespmem:$0x1C980] =	vst v63  }
0x4fb: {  	s8 =	simm.s32 $0xC00  }
0x4fc: {  	[spmem:s3] =	stream.indirect.scatter.add.f32 [tilespmem:s31], [sflag:$0x3], $0x80, s8, s30, $0xb8;
	[tilespmem:$0x1C980] =	vst v63  }
0x4fd: {  	_ =	swait.ge [sflag:s28], $0x4000  }
0x4fe: {  	[sflag:s28] =	ssyncset.done $0x0  }
0x4ff: {  	[sflag:s28] =	ssyncadd.s32 $0xFFFFC000  }
0x500: {  	_ =	swait.ge [sflag:s14], $0x4000  }
0x501: {  	[sflag:s14] =	ssyncset.done $0x0  }
0x502: {  	s10 =	simm.s32 $0x500;
	[sflag:s14] =	ssyncadd.s32 $0xFFFFC000  }
0x503: {  	[tilespmem:s31], [sflag:$0x1] =	stream.indirect.gather [hbm4b:s6+s30], $0x80, s10, s30, $0xb8;
	[tilespmem:$0x1C980] =	vst v63  }
0x504: {  	s13 =	simm.s32 $0xC80  }
0x505: {  	[spmem:s3] =	stream.indirect.scatter.add.f32 [tilespmem:s2], [sflag:$0x3], $0x80, s13, s30, $0xb8;
	[tilespmem:$0x1C980] =	vst v63  }
0x506: {  	_ =	swait.ge [sflag:s28], $0x4000  }
0x507: {  	[sflag:s28] =	ssyncset.done $0x0  }
0x508: {  	[sflag:s28] =	ssyncadd.s32 $0xFFFFC000  }
0x509: {  	_ =	swait.ge [sflag:s0], $0x4000  }
0x50a: {  	[sflag:s0] =	ssyncset.done $0x0  }
0x50b: {  	s11 =	simm.s32 $0x580;
	[sflag:s0] =	ssyncadd.s32 $0xFFFFC000  }
0x50c: {  	[tilespmem:s2], [sflag:$0x2] =	stream.indirect.gather [hbm4b:s6+s30], $0x80, s11, s30, $0xb8;
	[tilespmem:$0x1C980] =	vst v63  }
0x50d: {  	s12 =	simm.s32 $0xD00  }
0x50e: {  	[spmem:s3] =	stream.indirect.scatter.add.f32 [tilespmem:s31], [sflag:$0x3], $0x80, s12, s30, $0xb8;
	[tilespmem:$0x1C980] =	vst v63  }
0x50f: {  	_ =	swait.ge [sflag:s28], $0x4000  }
0x510: {  	[sflag:s28] =	ssyncset.done $0x0  }
0x511: {  	[sflag:s28] =	ssyncadd.s32 $0xFFFFC000  }
0x512: {  	_ =	swait.ge [sflag:s14], $0x4000  }
0x513: {  	[sflag:s14] =	ssyncset.done $0x0  }
0x514: {  	s15 =	simm.s32 $0x600;
	[sflag:s14] =	ssyncadd.s32 $0xFFFFC000  }
0x515: {  	[tilespmem:s31], [sflag:$0x1] =	stream.indirect.gather [hbm4b:s6+s30], $0x80, s15, s30, $0xb8;
	[tilespmem:$0x1C980] =	vst v63  }
0x516: {  	s22 =	simm.s32 $0xD80  }
0x517: {  	[spmem:s3] =	stream.indirect.scatter.add.f32 [tilespmem:s2], [sflag:$0x3], $0x80, s22, s30, $0xb8;
	[tilespmem:$0x1C980] =	vst v63  }
0x518: {  	_ =	swait.ge [sflag:s28], $0x4000  }
0x519: {  	[sflag:s28] =	ssyncset.done $0x0  }
0x51a: {  	[sflag:s28] =	ssyncadd.s32 $0xFFFFC000  }
0x51b: {  	_ =	swait.ge [sflag:s0], $0x4000  }
0x51c: {  	[sflag:s0] =	ssyncset.done $0x0  }
0x51d: {  	s21 =	simm.s32 $0x680;
	[sflag:s0] =	ssyncadd.s32 $0xFFFFC000  }
0x51e: {  	[tilespmem:s2], [sflag:$0x2] =	stream.indirect.gather [hbm4b:s6+s30], $0x80, s21, s30, $0xb8;
	[tilespmem:$0x1C980] =	vst v63  }
0x51f: {  	s19 =	simm.s32 $0xE00  }
0x520: {  	[spmem:s3] =	stream.indirect.scatter.add.f32 [tilespmem:s31], [sflag:$0x3], $0x80, s19, s30, $0xb8;
	[tilespmem:$0x1C980] =	vst v63  }
0x521: {  	_ =	swait.ge [sflag:s28], $0x4000  }
0x522: {  	[sflag:s28] =	ssyncset.done $0x0  }
0x523: {  	[sflag:s28] =	ssyncadd.s32 $0xFFFFC000  }
0x524: {  	_ =	swait.ge [sflag:s14], $0x4000  }
0x525: {  	[sflag:s14] =	ssyncset.done $0x0  }
0x526: {  	s18 =	simm.s32 $0x700;
	[sflag:s14] =	ssyncadd.s32 $0xFFFFC000  }
0x527: {  	[tilespmem:s31], [sflag:$0x1] =	stream.indirect.gather [hbm4b:s6+s30], $0x80, s18, s30, $0xb8;
	[tilespmem:$0x1C980] =	vst v63  }
0x528: {  	s17 =	simm.s32 $0xE80  }
0x529: {  	[spmem:s3] =	stream.indirect.scatter.add.f32 [tilespmem:s2], [sflag:$0x3], $0x80, s17, s30, $0xb8;
	[tilespmem:$0x1C980] =	vst v63  }
0x52a: {  	_ =	swait.ge [sflag:s28], $0x4000  }
0x52b: {  	[sflag:s28] =	ssyncset.done $0x0  }
0x52c: {  	[sflag:s28] =	ssyncadd.s32 $0xFFFFC000  }
0x52d: {  	_ =	swait.ge [sflag:s0], $0x4000  }
0x52e: {  	[sflag:s0] =	ssyncset.done $0x0  }
0x52f: {  	s16 =	simm.s32 $0x780;
	[sflag:s0] =	ssyncadd.s32 $0xFFFFC000  }
0x530: {  	[tilespmem:s2], [sflag:$0x2] =	stream.indirect.gather [hbm4b:s6+s30], $0x80, s16, s30, $0xb8;
	[tilespmem:$0x1C980] =	vst v63  }
0x531: {  	s1 =	simm.s32 $0xF00  }
0x532: {  	[spmem:s3] =	stream.indirect.scatter.add.f32 [tilespmem:s31], [sflag:$0x3], $0x80, s1, s30, $0xb8;
	[tilespmem:$0x1C980] =	vst v63  }
0x533: {  	_ =	swait.ge [sflag:s28], $0x4000  }
0x534: {  	[sflag:s28] =	ssyncset.done $0x0  }
0x535: {  	[sflag:s28] =	ssyncadd.s32 $0xFFFFC000  }
0x536: {  	_ =	swait.ge [sflag:s14], $0x4000  }
0x537: {  	[sflag:s14] =	ssyncset.done $0x0  }
0x538: {  	s23 =	simm.s32 $0xF80;
	[sflag:s14] =	ssyncadd.s32 $0xFFFFC000  }
0x539: {  	[spmem:s3] =	stream.indirect.scatter.add.f32 [tilespmem:s2], [sflag:$0x3], $0x80, s23, s30, $0xb8;
	[tilespmem:$0x1C980] =	vst v63  }
0x53a: {  	_ =	swait.ge [sflag:s28], $0x4000  }
0x53b: {  	s8 =	rddreg [dreg:$0x8];
	[sflag:s28] =	ssyncset.done $0x0  }
0x53c: {  	[sflag:s28] =	ssyncadd.s32 $0xFFFFC000;
	s8 =	sadd.s32 $0x0, s8  }
0x53d: {  	[tilespmem:s4], [sflag:$0x3] =	stream.linear.gather [hbm4b:s8+s4], $0x800, $0x38;
	[tilespmem:$0x1C980] =	vst v63  }
0x53e: {  	_ =	swait.ge [sflag:s28], $0x800  }
0x53f: {  	s8 =	rddreg [dreg:$0x7];
	[sflag:s28] =	ssyncset.done $0x0  }
0x540: {  	[sflag:s28] =	ssyncadd.s32 $0xFFFFF800;
	s8 =	sadd.s32 $0x0, s8  }
0x541: {  	[tilespmem:s29], [sflag:$0x3] =	stream.linear.gather [hbm4b:s8+s4], $0x800, $0x38;
	[tilespmem:$0x1C980] =	vst v63  }
0x542: {  	_ =	swait.ge [sflag:s28], $0x800  }
0x543: {  	[sflag:s28] =	ssyncset.done $0x0  }
0x544: {  	[sflag:s28] =	ssyncadd.s32 $0xFFFFF800  }
0x545: {  	[tilespmem:s31], [sflag:$0x1] =	stream.indirect.gather [hbm4b:s7+s30], $0x80, s4, s30, $0xb8;
	[tilespmem:$0x1C980] =	vst v63  }
0x546: {  	_ =	swait.ge [sflag:s0], $0x4000  }
0x547: {  	[sflag:s0] =	ssyncset.done $0x0  }
0x548: {  	[sflag:s0] =	ssyncadd.s32 $0xFFFFC000  }
0x549: {  	[tilespmem:s2], [sflag:$0x2] =	stream.indirect.gather [hbm4b:s7+s30], $0x80, s30, s30, $0xb8;
	[tilespmem:$0x1C980] =	vst v63  }
0x54a: {  	_ = 	snop  }
0x54b: {  	[spmem:s3] =	stream.indirect.scatter.add.f32 [tilespmem:s31], [sflag:$0x3], $0x80, s29, s30, $0xb8;
	[tilespmem:$0x1C980] =	vst v63  }
0x54c: {  	_ =	swait.ge [sflag:s28], $0x4000  }
0x54d: {  	[sflag:s28] =	ssyncset.done $0x0  }
0x54e: {  	[sflag:s28] =	ssyncadd.s32 $0xFFFFC000  }
0x54f: {  	_ =	swait.ge [sflag:s14], $0x4000  }
0x550: {  	[sflag:s14] =	ssyncset.done $0x0  }
0x551: {  	[sflag:s14] =	ssyncadd.s32 $0xFFFFC000  }
0x552: {  	[tilespmem:s31], [sflag:$0x1] =	stream.indirect.gather [hbm4b:s7+s30], $0x80, s9, s30, $0xb8;
	[tilespmem:$0x1C980] =	vst v63  }
0x553: {  	s9 =	simm.s32 $0x880  }
0x554: {  	[spmem:s3] =	stream.indirect.scatter.add.f32 [tilespmem:s2], [sflag:$0x3], $0x80, s9, s30, $0xb8;
	[tilespmem:$0x1C980] =	vst v63  }
0x555: {  	_ =	swait.ge [sflag:s28], $0x4000  }
0x556: {  	[sflag:s28] =	ssyncset.done $0x0  }
0x557: {  	[sflag:s28] =	ssyncadd.s32 $0xFFFFC000  }
0x558: {  	_ =	swait.ge [sflag:s0], $0x4000  }
0x559: {  	[sflag:s0] =	ssyncset.done $0x0  }
0x55a: {  	s9 =	simm.s32 $0x180;
	[sflag:s0] =	ssyncadd.s32 $0xFFFFC000  }
0x55b: {  	[tilespmem:s2], [sflag:$0x2] =	stream.indirect.gather [hbm4b:s7+s30], $0x80, s9, s30, $0xb8;
	[tilespmem:$0x1C980] =	vst v63  }
0x55c: {  	s9 =	simm.s32 $0x900  }
0x55d: {  	[spmem:s3] =	stream.indirect.scatter.add.f32 [tilespmem:s31], [sflag:$0x3], $0x80, s9, s30, $0xb8;
	[tilespmem:$0x1C980] =	vst v63  }
0x55e: {  	_ =	swait.ge [sflag:s28], $0x4000  }
0x55f: {  	[sflag:s28] =	ssyncset.done $0x0  }
0x560: {  	[sflag:s28] =	ssyncadd.s32 $0xFFFFC000  }
0x561: {  	_ =	swait.ge [sflag:s14], $0x4000  }
0x562: {  	[sflag:s14] =	ssyncset.done $0x0  }
0x563: {  	s9 =	simm.s32 $0x200;
	[sflag:s14] =	ssyncadd.s32 $0xFFFFC000  }
0x564: {  	[tilespmem:s31], [sflag:$0x1] =	stream.indirect.gather [hbm4b:s7+s30], $0x80, s9, s30, $0xb8;
	[tilespmem:$0x1C980] =	vst v63  }
0x565: {  	s9 =	simm.s32 $0x980  }
0x566: {  	[spmem:s3] =	stream.indirect.scatter.add.f32 [tilespmem:s2], [sflag:$0x3], $0x80, s9, s30, $0xb8;
	[tilespmem:$0x1C980] =	vst v63  }
0x567: {  	_ =	swait.ge [sflag:s28], $0x4000  }
0x568: {  	[sflag:s28] =	ssyncset.done $0x0  }
0x569: {  	[sflag:s28] =	ssyncadd.s32 $0xFFFFC000  }
0x56a: {  	_ =	swait.ge [sflag:s0], $0x4000  }
0x56b: {  	[sflag:s0] =	ssyncset.done $0x0  }
0x56c: {  	s9 =	simm.s32 $0x280;
	[sflag:s0] =	ssyncadd.s32 $0xFFFFC000  }
0x56d: {  	[tilespmem:s2], [sflag:$0x2] =	stream.indirect.gather [hbm4b:s7+s30], $0x80, s9, s30, $0xb8;
	[tilespmem:$0x1C980] =	vst v63  }
0x56e: {  	s9 =	simm.s32 $0xA00  }
0x56f: {  	[spmem:s3] =	stream.indirect.scatter.add.f32 [tilespmem:s31], [sflag:$0x3], $0x80, s9, s30, $0xb8;
	[tilespmem:$0x1C980] =	vst v63  }
0x570: {  	_ =	swait.ge [sflag:s28], $0x4000  }
0x571: {  	[sflag:s28] =	ssyncset.done $0x0  }
0x572: {  	[sflag:s28] =	ssyncadd.s32 $0xFFFFC000  }
0x573: {  	_ =	swait.ge [sflag:s14], $0x4000  }
0x574: {  	[sflag:s14] =	ssyncset.done $0x0  }
0x575: {  	s9 =	simm.s32 $0x300;
	[sflag:s14] =	ssyncadd.s32 $0xFFFFC000  }
0x576: {  	[tilespmem:s31], [sflag:$0x1] =	stream.indirect.gather [hbm4b:s7+s30], $0x80, s9, s30, $0xb8;
	[tilespmem:$0x1C980] =	vst v63  }
0x577: {  	s9 =	simm.s32 $0xA80  }
0x578: {  	[spmem:s3] =	stream.indirect.scatter.add.f32 [tilespmem:s2], [sflag:$0x3], $0x80, s9, s30, $0xb8;
	[tilespmem:$0x1C980] =	vst v63  }
0x579: {  	_ =	swait.ge [sflag:s28], $0x4000  }
0x57a: {  	[sflag:s28] =	ssyncset.done $0x0  }
0x57b: {  	[sflag:s28] =	ssyncadd.s32 $0xFFFFC000  }
0x57c: {  	_ =	swait.ge [sflag:s0], $0x4000  }
0x57d: {  	[sflag:s0] =	ssyncset.done $0x0  }
0x57e: {  	s9 =	simm.s32 $0x380;
	[sflag:s0] =	ssyncadd.s32 $0xFFFFC000  }
0x57f: {  	[tilespmem:s2], [sflag:$0x2] =	stream.indirect.gather [hbm4b:s7+s30], $0x80, s9, s30, $0xb8;
	[tilespmem:$0x1C980] =	vst v63  }
0x580: {  	s9 =	simm.s32 $0xB00  }
0x581: {  	[spmem:s3] =	stream.indirect.scatter.add.f32 [tilespmem:s31], [sflag:$0x3], $0x80, s9, s30, $0xb8;
	[tilespmem:$0x1C980] =	vst v63  }
0x582: {  	_ =	swait.ge [sflag:s28], $0x4000  }
0x583: {  	[sflag:s28] =	ssyncset.done $0x0  }
0x584: {  	[sflag:s28] =	ssyncadd.s32 $0xFFFFC000  }
0x585: {  	_ =	swait.ge [sflag:s14], $0x4000  }
0x586: {  	[sflag:s14] =	ssyncset.done $0x0  }
0x587: {  	[sflag:s14] =	ssyncadd.s32 $0xFFFFC000  }
0x588: {  	[tilespmem:s31], [sflag:$0x1] =	stream.indirect.gather [hbm4b:s7+s30], $0x80, s26, s30, $0xb8;
	[tilespmem:$0x1C980] =	vst v63  }
0x589: {  	_ = 	snop  }
0x58a: {  	[spmem:s3] =	stream.indirect.scatter.add.f32 [tilespmem:s2], [sflag:$0x3], $0x80, s25, s30, $0xb8;
	[tilespmem:$0x1C980] =	vst v63  }
0x58b: {  	_ =	swait.ge [sflag:s28], $0x4000  }
0x58c: {  	[sflag:s28] =	ssyncset.done $0x0  }
0x58d: {  	[sflag:s28] =	ssyncadd.s32 $0xFFFFC000  }
0x58e: {  	_ =	swait.ge [sflag:s0], $0x4000  }
0x58f: {  	[sflag:s0] =	ssyncset.done $0x0  }
0x590: {  	[sflag:s0] =	ssyncadd.s32 $0xFFFFC000  }
0x591: {  	[tilespmem:s2], [sflag:$0x2] =	stream.indirect.gather [hbm4b:s7+s30], $0x80, s24, s30, $0xb8;
	[tilespmem:$0x1C980] =	vst v63  }
0x592: {  	s26 =	simm.s32 $0xC00  }
0x593: {  	[spmem:s3] =	stream.indirect.scatter.add.f32 [tilespmem:s31], [sflag:$0x3], $0x80, s26, s30, $0xb8;
	[tilespmem:$0x1C980] =	vst v63  }
0x594: {  	_ =	swait.ge [sflag:s28], $0x4000  }
0x595: {  	[sflag:s28] =	ssyncset.done $0x0  }
0x596: {  	[sflag:s28] =	ssyncadd.s32 $0xFFFFC000  }
0x597: {  	_ =	swait.ge [sflag:s14], $0x4000  }
0x598: {  	[sflag:s14] =	ssyncset.done $0x0  }
0x599: {  	[sflag:s14] =	ssyncadd.s32 $0xFFFFC000  }
0x59a: {  	[tilespmem:s31], [sflag:$0x1] =	stream.indirect.gather [hbm4b:s7+s30], $0x80, s10, s30, $0xb8;
	[tilespmem:$0x1C980] =	vst v63  }
0x59b: {  	_ = 	snop  }
0x59c: {  	[spmem:s3] =	stream.indirect.scatter.add.f32 [tilespmem:s2], [sflag:$0x3], $0x80, s13, s30, $0xb8;
	[tilespmem:$0x1C980] =	vst v63  }
0x59d: {  	_ =	swait.ge [sflag:s28], $0x4000  }
0x59e: {  	[sflag:s28] =	ssyncset.done $0x0  }
0x59f: {  	[sflag:s28] =	ssyncadd.s32 $0xFFFFC000  }
0x5a0: {  	_ =	swait.ge [sflag:s0], $0x4000  }
0x5a1: {  	[sflag:s0] =	ssyncset.done $0x0  }
0x5a2: {  	[sflag:s0] =	ssyncadd.s32 $0xFFFFC000  }
0x5a3: {  	[tilespmem:s2], [sflag:$0x2] =	stream.indirect.gather [hbm4b:s7+s30], $0x80, s11, s30, $0xb8;
	[tilespmem:$0x1C980] =	vst v63  }
0x5a4: {  	_ = 	snop  }
0x5a5: {  	[spmem:s3] =	stream.indirect.scatter.add.f32 [tilespmem:s31], [sflag:$0x3], $0x80, s12, s30, $0xb8;
	[tilespmem:$0x1C980] =	vst v63  }
0x5a6: {  	_ =	swait.ge [sflag:s28], $0x4000  }
0x5a7: {  	[sflag:s28] =	ssyncset.done $0x0  }
0x5a8: {  	[sflag:s28] =	ssyncadd.s32 $0xFFFFC000  }
0x5a9: {  	_ =	swait.ge [sflag:s14], $0x4000  }
0x5aa: {  	[sflag:s14] =	ssyncset.done $0x0  }
0x5ab: {  	[sflag:s14] =	ssyncadd.s32 $0xFFFFC000  }
0x5ac: {  	[tilespmem:s31], [sflag:$0x1] =	stream.indirect.gather [hbm4b:s7+s30], $0x80, s15, s30, $0xb8;
	[tilespmem:$0x1C980] =	vst v63  }
0x5ad: {  	_ = 	snop  }
0x5ae: {  	[spmem:s3] =	stream.indirect.scatter.add.f32 [tilespmem:s2], [sflag:$0x3], $0x80, s22, s30, $0xb8;
	[tilespmem:$0x1C980] =	vst v63  }
0x5af: {  	_ =	swait.ge [sflag:s28], $0x4000  }
0x5b0: {  	[sflag:s28] =	ssyncset.done $0x0  }
0x5b1: {  	[sflag:s28] =	ssyncadd.s32 $0xFFFFC000  }
0x5b2: {  	_ =	swait.ge [sflag:s0], $0x4000  }
0x5b3: {  	[sflag:s0] =	ssyncset.done $0x0  }
0x5b4: {  	[sflag:s0] =	ssyncadd.s32 $0xFFFFC000  }
0x5b5: {  	[tilespmem:s2], [sflag:$0x2] =	stream.indirect.gather [hbm4b:s7+s30], $0x80, s21, s30, $0xb8;
	[tilespmem:$0x1C980] =	vst v63  }
0x5b6: {  	_ = 	snop  }
0x5b7: {  	[spmem:s3] =	stream.indirect.scatter.add.f32 [tilespmem:s31], [sflag:$0x3], $0x80, s19, s30, $0xb8;
	[tilespmem:$0x1C980] =	vst v63  }
0x5b8: {  	_ =	swait.ge [sflag:s28], $0x4000  }
0x5b9: {  	[sflag:s28] =	ssyncset.done $0x0  }
0x5ba: {  	[sflag:s28] =	ssyncadd.s32 $0xFFFFC000  }
0x5bb: {  	_ =	swait.ge [sflag:s14], $0x4000  }
0x5bc: {  	[sflag:s14] =	ssyncset.done $0x0  }
0x5bd: {  	[sflag:s14] =	ssyncadd.s32 $0xFFFFC000  }
0x5be: {  	[tilespmem:s31], [sflag:$0x1] =	stream.indirect.gather [hbm4b:s7+s30], $0x80, s18, s30, $0xb8;
	[tilespmem:$0x1C980] =	vst v63  }
0x5bf: {  	_ = 	snop  }
0x5c0: {  	[spmem:s3] =	stream.indirect.scatter.add.f32 [tilespmem:s2], [sflag:$0x3], $0x80, s17, s30, $0xb8;
	[tilespmem:$0x1C980] =	vst v63  }
0x5c1: {  	_ =	swait.ge [sflag:s28], $0x4000  }
0x5c2: {  	[sflag:s28] =	ssyncset.done $0x0  }
0x5c3: {  	[sflag:s28] =	ssyncadd.s32 $0xFFFFC000  }
0x5c4: {  	_ =	swait.ge [sflag:s0], $0x4000  }
0x5c5: {  	[sflag:s0] =	ssyncset.done $0x0  }
0x5c6: {  	[sflag:s0] =	ssyncadd.s32 $0xFFFFC000  }
0x5c7: {  	[tilespmem:s2], [sflag:$0x2] =	stream.indirect.gather [hbm4b:s7+s30], $0x80, s16, s30, $0xb8;
	[tilespmem:$0x1C980] =	vst v63  }
0x5c8: {  	s25 =	simm.s32 $0xC00  }
0x5c9: {  	[spmem:s3] =	stream.indirect.scatter.add.f32 [tilespmem:s31], [sflag:$0x3], $0x80, s1, s30, $0xb8;
	[tilespmem:$0x1C980] =	vst v63  }
0x5ca: {  	s24 =	simm.s32 $0x400;
	s26 =	simm.s32 $0x200;
	_ =	swait.ge [sflag:s28], $0x4000  }
0x5cb: {  	s10 =	simm.s32 $0x180;
	s13 =	simm.s32 $0x200;
	[sflag:s28] =	ssyncset.done $0x0  }
0x5cc: {  	s11 =	simm.s32 $0x900;
	s12 =	simm.s32 $0xB80;
	[sflag:s28] =	ssyncadd.s32 $0xFFFFC000  }
0x5cd: {  	s15 =	simm.s32 $0x880;
	s22 =	simm.s32 $0x380;
	_ =	swait.ge [sflag:s14], $0x4000  }
0x5ce: {  	s21 =	simm.s32 $0xA80;
	s19 =	simm.s32 $0x300;
	[sflag:s14] =	ssyncset.done $0x0  }
0x5cf: {  	s18 =	simm.s32 $0xA00;
	s17 =	simm.s32 $0x280;
	[sflag:s14] =	ssyncadd.s32 $0xFFFFC000  }
0x5d0: {  	[spmem:s3] =	stream.indirect.scatter.add.f32 [tilespmem:s2], [sflag:$0x3], $0x80, s23, s30, $0xb8;
	[tilespmem:$0x1C980] =	vst v63  }
0x5d1: {  	s16 =	simm.s32 $0x980;
	s1 =	simm.s32 $0x480;
	_ =	swait.ge [sflag:s28], $0x4000  }
0x5d2: {  	s23 =	simm.s32 $0xB00;
	s8 =	rddreg [dreg:$0x8];
	[sflag:s28] =	ssyncset.done $0x0  }
.LBB2_12:
0x5d3: {  	[sflag:s28] =	ssyncadd.s32 $0xFFFFC000;
	s8 =	sadd.s32 s20, s8  }
0x5d4: {  	[tilespmem:s4], [sflag:$0x3] =	stream.linear.gather [hbm4b:s8+s4], $0x800, $0x38;
	[tilespmem:$0x1C980] =	vst v63  }
0x5d5: {  	_ =	swait.ge [sflag:s28], $0x800  }
0x5d6: {  	s8 =	rddreg [dreg:$0x7];
	[sflag:s28] =	ssyncset.done $0x0  }
0x5d7: {  	[sflag:s28] =	ssyncadd.s32 $0xFFFFF800;
	s8 =	sadd.s32 s20, s8  }
0x5d8: {  	[tilespmem:s29], [sflag:$0x3] =	stream.linear.gather [hbm4b:s8+s4], $0x800, $0x38;
	[tilespmem:$0x1C980] =	vst v63  }
0x5d9: {  	_ =	swait.ge [sflag:s28], $0x800  }
0x5da: {  	[sflag:s28] =	ssyncset.done $0x0  }
0x5db: {  	[sflag:s28] =	ssyncadd.s32 $0xFFFFF800  }
0x5dc: {  	[tilespmem:s31], [sflag:$0x1] =	stream.indirect.gather [hbm4b:s7+s30], $0x80, s4, s30, $0xb8;
	[tilespmem:$0x1C980] =	vst v63  }
0x5dd: {  	_ =	swait.ge [sflag:s0], $0x4000  }
0x5de: {  	[sflag:s0] =	ssyncset.done $0x0  }
0x5df: {  	[sflag:s0] =	ssyncadd.s32 $0xFFFFC000  }
0x5e0: {  	[tilespmem:s2], [sflag:$0x2] =	stream.indirect.gather [hbm4b:s7+s30], $0x80, s30, s30, $0xb8;
	[tilespmem:$0x1C980] =	vst v63  }
0x5e1: {  	_ = 	snop  }
0x5e2: {  	[spmem:s3] =	stream.indirect.scatter.add.f32 [tilespmem:s31], [sflag:$0x3], $0x80, s29, s30, $0xb8;
	[tilespmem:$0x1C980] =	vst v63  }
0x5e3: {  	_ =	swait.ge [sflag:s28], $0x4000  }
0x5e4: {  	[sflag:s28] =	ssyncset.done $0x0  }
0x5e5: {  	[sflag:s28] =	ssyncadd.s32 $0xFFFFC000  }
0x5e6: {  	_ =	swait.ge [sflag:s14], $0x4000  }
0x5e7: {  	s9 =	smov.u32 s13;
	[sflag:s14] =	ssyncset.done $0x0  }
0x5e8: {  	s20 =	smov.u32 s9;
	s9 =	simm.s32 $0x100;
	[sflag:s14] =	ssyncadd.s32 $0xFFFFC000  }
0x5e9: {  	[tilespmem:s31], [sflag:$0x1] =	stream.indirect.gather [hbm4b:s7+s30], $0x80, s9, s30, $0xb8;
	[tilespmem:$0x1C980] =	vst v63  }
0x5ea: {  	_ = 	snop  }
0x5eb: {  	[spmem:s3] =	stream.indirect.scatter.add.f32 [tilespmem:s2], [sflag:$0x3], $0x80, s15, s30, $0xb8;
	[tilespmem:$0x1C980] =	vst v63  }
0x5ec: {  	_ =	swait.ge [sflag:s28], $0x4000  }
0x5ed: {  	[sflag:s28] =	ssyncset.done $0x0  }
0x5ee: {  	[sflag:s28] =	ssyncadd.s32 $0xFFFFC000  }
0x5ef: {  	_ =	swait.ge [sflag:s0], $0x4000  }
0x5f0: {  	[sflag:s0] =	ssyncset.done $0x0  }
0x5f1: {  	[sflag:s0] =	ssyncadd.s32 $0xFFFFC000  }
0x5f2: {  	[tilespmem:s2], [sflag:$0x2] =	stream.indirect.gather [hbm4b:s7+s30], $0x80, s10, s30, $0xb8;
	[tilespmem:$0x1C980] =	vst v63  }
0x5f3: {  	_ = 	snop  }
0x5f4: {  	[spmem:s3] =	stream.indirect.scatter.add.f32 [tilespmem:s31], [sflag:$0x3], $0x80, s11, s30, $0xb8;
	[tilespmem:$0x1C980] =	vst v63  }
0x5f5: {  	_ =	swait.ge [sflag:s28], $0x4000  }
0x5f6: {  	[sflag:s28] =	ssyncset.done $0x0  }
0x5f7: {  	[sflag:s28] =	ssyncadd.s32 $0xFFFFC000  }
0x5f8: {  	_ =	swait.ge [sflag:s14], $0x4000  }
0x5f9: {  	[sflag:s14] =	ssyncset.done $0x0  }
0x5fa: {  	[sflag:s14] =	ssyncadd.s32 $0xFFFFC000  }
0x5fb: {  	[tilespmem:s31], [sflag:$0x1] =	stream.indirect.gather [hbm4b:s7+s30], $0x80, s26, s30, $0xb8;
	[tilespmem:$0x1C980] =	vst v63  }
0x5fc: {  	_ = 	snop  }
0x5fd: {  	[spmem:s3] =	stream.indirect.scatter.add.f32 [tilespmem:s2], [sflag:$0x3], $0x80, s16, s30, $0xb8;
	[tilespmem:$0x1C980] =	vst v63  }
0x5fe: {  	_ =	swait.ge [sflag:s28], $0x4000  }
0x5ff: {  	[sflag:s28] =	ssyncset.done $0x0  }
0x600: {  	[sflag:s28] =	ssyncadd.s32 $0xFFFFC000  }
0x601: {  	_ =	swait.ge [sflag:s0], $0x4000  }
0x602: {  	[sflag:s0] =	ssyncset.done $0x0  }
0x603: {  	[sflag:s0] =	ssyncadd.s32 $0xFFFFC000  }
0x604: {  	[tilespmem:s2], [sflag:$0x2] =	stream.indirect.gather [hbm4b:s7+s30], $0x80, s17, s30, $0xb8;
	[tilespmem:$0x1C980] =	vst v63  }
0x605: {  	_ = 	snop  }
0x606: {  	[spmem:s3] =	stream.indirect.scatter.add.f32 [tilespmem:s31], [sflag:$0x3], $0x80, s18, s30, $0xb8;
	[tilespmem:$0x1C980] =	vst v63  }
0x607: {  	_ =	swait.ge [sflag:s28], $0x4000  }
0x608: {  	[sflag:s28] =	ssyncset.done $0x0  }
0x609: {  	[sflag:s28] =	ssyncadd.s32 $0xFFFFC000  }
0x60a: {  	_ =	swait.ge [sflag:s14], $0x4000  }
0x60b: {  	[sflag:s14] =	ssyncset.done $0x0  }
0x60c: {  	[sflag:s14] =	ssyncadd.s32 $0xFFFFC000  }
0x60d: {  	[tilespmem:s31], [sflag:$0x1] =	stream.indirect.gather [hbm4b:s7+s30], $0x80, s19, s30, $0xb8;
	[tilespmem:$0x1C980] =	vst v63  }
0x60e: {  	_ = 	snop  }
0x60f: {  	[spmem:s3] =	stream.indirect.scatter.add.f32 [tilespmem:s2], [sflag:$0x3], $0x80, s21, s30, $0xb8;
	[tilespmem:$0x1C980] =	vst v63  }
0x610: {  	_ =	swait.ge [sflag:s28], $0x4000  }
0x611: {  	[sflag:s28] =	ssyncset.done $0x0  }
0x612: {  	[sflag:s28] =	ssyncadd.s32 $0xFFFFC000  }
0x613: {  	_ =	swait.ge [sflag:s0], $0x4000  }
0x614: {  	[sflag:s0] =	ssyncset.done $0x0  }
0x615: {  	[sflag:s0] =	ssyncadd.s32 $0xFFFFC000  }
0x616: {  	[tilespmem:s2], [sflag:$0x2] =	stream.indirect.gather [hbm4b:s7+s30], $0x80, s22, s30, $0xb8;
	[tilespmem:$0x1C980] =	vst v63  }
0x617: {  	_ = 	snop  }
0x618: {  	[spmem:s3] =	stream.indirect.scatter.add.f32 [tilespmem:s31], [sflag:$0x3], $0x80, s23, s30, $0xb8;
	[tilespmem:$0x1C980] =	vst v63  }
0x619: {  	_ =	swait.ge [sflag:s28], $0x4000  }
0x61a: {  	[sflag:s28] =	ssyncset.done $0x0  }
0x61b: {  	[sflag:s28] =	ssyncadd.s32 $0xFFFFC000  }
0x61c: {  	_ =	swait.ge [sflag:s14], $0x4000  }
0x61d: {  	[sflag:s14] =	ssyncset.done $0x0  }
0x61e: {  	[sflag:s14] =	ssyncadd.s32 $0xFFFFC000  }
0x61f: {  	[tilespmem:s31], [sflag:$0x1] =	stream.indirect.gather [hbm4b:s7+s30], $0x80, s24, s30, $0xb8;
	[tilespmem:$0x1C980] =	vst v63  }
0x620: {  	_ = 	snop  }
0x621: {  	[spmem:s3] =	stream.indirect.scatter.add.f32 [tilespmem:s2], [sflag:$0x3], $0x80, s12, s30, $0xb8;
	[tilespmem:$0x1C980] =	vst v63  }
0x622: {  	_ =	swait.ge [sflag:s28], $0x4000  }
0x623: {  	[sflag:s28] =	ssyncset.done $0x0  }
0x624: {  	[sflag:s28] =	ssyncadd.s32 $0xFFFFC000  }
0x625: {  	_ =	swait.ge [sflag:s0], $0x4000  }
0x626: {  	[sflag:s0] =	ssyncset.done $0x0  }
0x627: {  	[sflag:s0] =	ssyncadd.s32 $0xFFFFC000  }
0x628: {  	[tilespmem:s2], [sflag:$0x2] =	stream.indirect.gather [hbm4b:s7+s30], $0x80, s1, s30, $0xb8;
	[tilespmem:$0x1C980] =	vst v63  }
0x629: {  	_ = 	snop  }
0x62a: {  	[spmem:s3] =	stream.indirect.scatter.add.f32 [tilespmem:s31], [sflag:$0x3], $0x80, s25, s30, $0xb8;
	[tilespmem:$0x1C980] =	vst v63  }
0x62b: {  	_ =	swait.ge [sflag:s28], $0x4000  }
0x62c: {  	[sflag:s28] =	ssyncset.done $0x0  }
0x62d: {  	[sflag:s28] =	ssyncadd.s32 $0xFFFFC000  }
0x62e: {  	_ =	swait.ge [sflag:s14], $0x4000  }
0x62f: {  	[sflag:s14] =	ssyncset.done $0x0  }
0x630: {  	s8 =	simm.s32 $0x500;
	[sflag:s14] =	ssyncadd.s32 $0xFFFFC000  }
0x631: {  	[tilespmem:s31], [sflag:$0x1] =	stream.indirect.gather [hbm4b:s7+s30], $0x80, s8, s30, $0xb8;
	[tilespmem:$0x1C980] =	vst v63  }
0x632: {  	s8 =	simm.s32 $0xC80  }
0x633: {  	[spmem:s3] =	stream.indirect.scatter.add.f32 [tilespmem:s2], [sflag:$0x3], $0x80, s8, s30, $0xb8;
	[tilespmem:$0x1C980] =	vst v63  }
0x634: {  	_ =	swait.ge [sflag:s28], $0x4000  }
0x635: {  	[sflag:s28] =	ssyncset.done $0x0  }
0x636: {  	[sflag:s28] =	ssyncadd.s32 $0xFFFFC000  }
0x637: {  	_ =	swait.ge [sflag:s0], $0x4000  }
0x638: {  	[sflag:s0] =	ssyncset.done $0x0  }
0x639: {  	s8 =	simm.s32 $0x580;
	[sflag:s0] =	ssyncadd.s32 $0xFFFFC000  }
0x63a: {  	[tilespmem:s2], [sflag:$0x2] =	stream.indirect.gather [hbm4b:s7+s30], $0x80, s8, s30, $0xb8;
	[tilespmem:$0x1C980] =	vst v63  }
0x63b: {  	s8 =	simm.s32 $0xD00  }
0x63c: {  	[spmem:s3] =	stream.indirect.scatter.add.f32 [tilespmem:s31], [sflag:$0x3], $0x80, s8, s30, $0xb8;
	[tilespmem:$0x1C980] =	vst v63  }
0x63d: {  	_ =	swait.ge [sflag:s28], $0x4000  }
0x63e: {  	[sflag:s28] =	ssyncset.done $0x0  }
0x63f: {  	[sflag:s28] =	ssyncadd.s32 $0xFFFFC000  }
0x640: {  	_ =	swait.ge [sflag:s14], $0x4000  }
0x641: {  	[sflag:s14] =	ssyncset.done $0x0  }
0x642: {  	s8 =	simm.s32 $0x600;
	[sflag:s14] =	ssyncadd.s32 $0xFFFFC000  }
0x643: {  	[tilespmem:s31], [sflag:$0x1] =	stream.indirect.gather [hbm4b:s7+s30], $0x80, s8, s30, $0xb8;
	[tilespmem:$0x1C980] =	vst v63  }
0x644: {  	s8 =	simm.s32 $0xD80  }
0x645: {  	[spmem:s3] =	stream.indirect.scatter.add.f32 [tilespmem:s2], [sflag:$0x3], $0x80, s8, s30, $0xb8;
	[tilespmem:$0x1C980] =	vst v63  }
0x646: {  	_ =	swait.ge [sflag:s28], $0x4000  }
0x647: {  	[sflag:s28] =	ssyncset.done $0x0  }
0x648: {  	[sflag:s28] =	ssyncadd.s32 $0xFFFFC000  }
0x649: {  	_ =	swait.ge [sflag:s0], $0x4000  }
0x64a: {  	[sflag:s0] =	ssyncset.done $0x0  }
0x64b: {  	s8 =	simm.s32 $0x680;
	[sflag:s0] =	ssyncadd.s32 $0xFFFFC000  }
0x64c: {  	[tilespmem:s2], [sflag:$0x2] =	stream.indirect.gather [hbm4b:s7+s30], $0x80, s8, s30, $0xb8;
	[tilespmem:$0x1C980] =	vst v63  }
0x64d: {  	s8 =	simm.s32 $0xE00  }
0x64e: {  	[spmem:s3] =	stream.indirect.scatter.add.f32 [tilespmem:s31], [sflag:$0x3], $0x80, s8, s30, $0xb8;
	[tilespmem:$0x1C980] =	vst v63  }
0x64f: {  	_ =	swait.ge [sflag:s28], $0x4000  }
0x650: {  	[sflag:s28] =	ssyncset.done $0x0  }
0x651: {  	[sflag:s28] =	ssyncadd.s32 $0xFFFFC000  }
0x652: {  	_ =	swait.ge [sflag:s14], $0x4000  }
0x653: {  	[sflag:s14] =	ssyncset.done $0x0  }
0x654: {  	s8 =	simm.s32 $0x700;
	[sflag:s14] =	ssyncadd.s32 $0xFFFFC000  }
0x655: {  	[tilespmem:s31], [sflag:$0x1] =	stream.indirect.gather [hbm4b:s7+s30], $0x80, s8, s30, $0xb8;
	[tilespmem:$0x1C980] =	vst v63  }
0x656: {  	s8 =	simm.s32 $0xE80  }
0x657: {  	[spmem:s3] =	stream.indirect.scatter.add.f32 [tilespmem:s2], [sflag:$0x3], $0x80, s8, s30, $0xb8;
	[tilespmem:$0x1C980] =	vst v63  }
0x658: {  	_ =	swait.ge [sflag:s28], $0x4000  }
0x659: {  	[sflag:s28] =	ssyncset.done $0x0  }
0x65a: {  	[sflag:s28] =	ssyncadd.s32 $0xFFFFC000  }
0x65b: {  	_ =	swait.ge [sflag:s0], $0x4000  }
0x65c: {  	[sflag:s0] =	ssyncset.done $0x0  }
0x65d: {  	s8 =	simm.s32 $0x780;
	[sflag:s0] =	ssyncadd.s32 $0xFFFFC000  }
0x65e: {  	[tilespmem:s2], [sflag:$0x2] =	stream.indirect.gather [hbm4b:s7+s30], $0x80, s8, s30, $0xb8;
	[tilespmem:$0x1C980] =	vst v63  }
0x65f: {  	s8 =	simm.s32 $0xF00  }
0x660: {  	[spmem:s3] =	stream.indirect.scatter.add.f32 [tilespmem:s31], [sflag:$0x3], $0x80, s8, s30, $0xb8;
	[tilespmem:$0x1C980] =	vst v63  }
0x661: {  	_ =	swait.ge [sflag:s28], $0x4000  }
0x662: {  	[sflag:s28] =	ssyncset.done $0x0  }
0x663: {  	[sflag:s28] =	ssyncadd.s32 $0xFFFFC000  }
0x664: {  	p3 =	sne.s32 s13, $0x700;
	_ =	swait.ge [sflag:s14], $0x4000  }
.Ltmp9:
0x665: {  	[sflag:s14] =	ssyncset.done $0x0;
	(pc) =	sbr.rel @p3 .LBB2_12-.Ltmp9, $4  }
0x666: {  	s8 =	simm.s32 $0xF80;
	[sflag:s14] =	ssyncadd.s32 $0xFFFFC000  }
0x667: {  	[spmem:s3] =	stream.indirect.scatter.add.f32 [tilespmem:s2], [sflag:$0x3], $0x80, s8, s30, $0xb8;
	[tilespmem:$0x1C980] =	vst v63  }
0x668: {  	_ =	swait.ge [sflag:s28], $0x4000  }
0x669: {  	s13 =	sadd.s32 $0x100, s13;
	s8 =	rddreg [dreg:$0x8];
	[sflag:s28] =	ssyncset.done $0x0  }
0x66a: {  	[sflag:s28] =	ssyncadd.s32 $0xFFFFC000;
	s8 =	sadd.s32 s20, s8  }
0x66b: {  	[tilespmem:s4], [sflag:$0x3] =	stream.linear.gather [hbm4b:s8+s4], $0x800, $0x38;
	[tilespmem:$0x1C980] =	vst v63  }
0x66c: {  	_ =	swait.ge [sflag:s28], $0x800  }
0x66d: {  	s13 =	rddreg [dreg:$0x7];
	[sflag:s28] =	ssyncset.done $0x0  }
0x66e: {  	s8 =	sadd.s32 s20, s13;
	[sflag:s28] =	ssyncadd.s32 $0xFFFFF800  }
0x66f: {  	[tilespmem:s29], [sflag:$0x3] =	stream.linear.gather [hbm4b:s8+s4], $0x800, $0x38;
	[tilespmem:$0x1C980] =	vst v63  }
0x670: {  	_ =	swait.ge [sflag:s28], $0x800  }
0x671: {  	[sflag:s28] =	ssyncset.done $0x0  }
0x672: {  	[sflag:s28] =	ssyncadd.s32 $0xFFFFF800  }
0x673: {  	[tilespmem:s31], [sflag:$0x1] =	stream.indirect.gather [hbm4b:s7+s30], $0x80, s4, s30, $0xb8;
	[tilespmem:$0x1C980] =	vst v63  }
0x674: {  	_ =	swait.ge [sflag:s0], $0x4000  }
0x675: {  	[sflag:s0] =	ssyncset.done $0x0  }
0x676: {  	[sflag:s0] =	ssyncadd.s32 $0xFFFFC000  }
0x677: {  	[tilespmem:s2], [sflag:$0x2] =	stream.indirect.gather [hbm4b:s7+s30], $0x80, s30, s30, $0xb8;
	[tilespmem:$0x1C980] =	vst v63  }
0x678: {  	_ = 	snop  }
0x679: {  	[spmem:s3] =	stream.indirect.scatter.add.f32 [tilespmem:s31], [sflag:$0x3], $0x80, s29, s30, $0xb8;
	[tilespmem:$0x1C980] =	vst v63  }
0x67a: {  	_ =	swait.ge [sflag:s28], $0x4000  }
0x67b: {  	[sflag:s28] =	ssyncset.done $0x0  }
0x67c: {  	[sflag:s28] =	ssyncadd.s32 $0xFFFFC000  }
0x67d: {  	_ =	swait.ge [sflag:s14], $0x4000  }
0x67e: {  	[sflag:s14] =	ssyncset.done $0x0  }
0x67f: {  	[sflag:s14] =	ssyncadd.s32 $0xFFFFC000  }
0x680: {  	[tilespmem:s31], [sflag:$0x1] =	stream.indirect.gather [hbm4b:s7+s30], $0x80, s9, s30, $0xb8;
	[tilespmem:$0x1C980] =	vst v63  }
0x681: {  	_ = 	snop  }
0x682: {  	[spmem:s3] =	stream.indirect.scatter.add.f32 [tilespmem:s2], [sflag:$0x3], $0x80, s15, s30, $0xb8;
	[tilespmem:$0x1C980] =	vst v63  }
0x683: {  	_ =	swait.ge [sflag:s28], $0x4000  }
0x684: {  	[sflag:s28] =	ssyncset.done $0x0  }
0x685: {  	[sflag:s28] =	ssyncadd.s32 $0xFFFFC000  }
0x686: {  	_ =	swait.ge [sflag:s0], $0x4000  }
0x687: {  	[sflag:s0] =	ssyncset.done $0x0  }
0x688: {  	[sflag:s0] =	ssyncadd.s32 $0xFFFFC000  }
0x689: {  	[tilespmem:s2], [sflag:$0x2] =	stream.indirect.gather [hbm4b:s7+s30], $0x80, s10, s30, $0xb8;
	[tilespmem:$0x1C980] =	vst v63  }
0x68a: {  	_ = 	snop  }
0x68b: {  	[spmem:s3] =	stream.indirect.scatter.add.f32 [tilespmem:s31], [sflag:$0x3], $0x80, s11, s30, $0xb8;
	[tilespmem:$0x1C980] =	vst v63  }
0x68c: {  	_ =	swait.ge [sflag:s28], $0x4000  }
0x68d: {  	[sflag:s28] =	ssyncset.done $0x0  }
0x68e: {  	[sflag:s28] =	ssyncadd.s32 $0xFFFFC000  }
0x68f: {  	_ =	swait.ge [sflag:s14], $0x4000  }
0x690: {  	[sflag:s14] =	ssyncset.done $0x0  }
0x691: {  	[sflag:s14] =	ssyncadd.s32 $0xFFFFC000  }
0x692: {  	[tilespmem:s31], [sflag:$0x1] =	stream.indirect.gather [hbm4b:s7+s30], $0x80, s26, s30, $0xb8;
	[tilespmem:$0x1C980] =	vst v63  }
0x693: {  	_ = 	snop  }
0x694: {  	[spmem:s3] =	stream.indirect.scatter.add.f32 [tilespmem:s2], [sflag:$0x3], $0x80, s16, s30, $0xb8;
	[tilespmem:$0x1C980] =	vst v63  }
0x695: {  	_ =	swait.ge [sflag:s28], $0x4000  }
0x696: {  	[sflag:s28] =	ssyncset.done $0x0  }
0x697: {  	[sflag:s28] =	ssyncadd.s32 $0xFFFFC000  }
0x698: {  	_ =	swait.ge [sflag:s0], $0x4000  }
0x699: {  	[sflag:s0] =	ssyncset.done $0x0  }
0x69a: {  	[sflag:s0] =	ssyncadd.s32 $0xFFFFC000  }
0x69b: {  	[tilespmem:s2], [sflag:$0x2] =	stream.indirect.gather [hbm4b:s7+s30], $0x80, s17, s30, $0xb8;
	[tilespmem:$0x1C980] =	vst v63  }
0x69c: {  	_ = 	snop  }
0x69d: {  	[spmem:s3] =	stream.indirect.scatter.add.f32 [tilespmem:s31], [sflag:$0x3], $0x80, s18, s30, $0xb8;
	[tilespmem:$0x1C980] =	vst v63  }
0x69e: {  	_ =	swait.ge [sflag:s28], $0x4000  }
0x69f: {  	[sflag:s28] =	ssyncset.done $0x0  }
0x6a0: {  	[sflag:s28] =	ssyncadd.s32 $0xFFFFC000  }
0x6a1: {  	_ =	swait.ge [sflag:s14], $0x4000  }
0x6a2: {  	[sflag:s14] =	ssyncset.done $0x0  }
0x6a3: {  	[sflag:s14] =	ssyncadd.s32 $0xFFFFC000  }
0x6a4: {  	[tilespmem:s31], [sflag:$0x1] =	stream.indirect.gather [hbm4b:s7+s30], $0x80, s19, s30, $0xb8;
	[tilespmem:$0x1C980] =	vst v63  }
0x6a5: {  	_ = 	snop  }
0x6a6: {  	[spmem:s3] =	stream.indirect.scatter.add.f32 [tilespmem:s2], [sflag:$0x3], $0x80, s21, s30, $0xb8;
	[tilespmem:$0x1C980] =	vst v63  }
0x6a7: {  	_ =	swait.ge [sflag:s28], $0x4000  }
0x6a8: {  	[sflag:s28] =	ssyncset.done $0x0  }
0x6a9: {  	[sflag:s28] =	ssyncadd.s32 $0xFFFFC000  }
0x6aa: {  	_ =	swait.ge [sflag:s0], $0x4000  }
0x6ab: {  	[sflag:s0] =	ssyncset.done $0x0  }
0x6ac: {  	[sflag:s0] =	ssyncadd.s32 $0xFFFFC000  }
0x6ad: {  	[tilespmem:s2], [sflag:$0x2] =	stream.indirect.gather [hbm4b:s7+s30], $0x80, s22, s30, $0xb8;
	[tilespmem:$0x1C980] =	vst v63  }
0x6ae: {  	_ = 	snop  }
0x6af: {  	[spmem:s3] =	stream.indirect.scatter.add.f32 [tilespmem:s31], [sflag:$0x3], $0x80, s23, s30, $0xb8;
	[tilespmem:$0x1C980] =	vst v63  }
0x6b0: {  	_ =	swait.ge [sflag:s28], $0x4000  }
0x6b1: {  	[sflag:s28] =	ssyncset.done $0x0  }
0x6b2: {  	[sflag:s28] =	ssyncadd.s32 $0xFFFFC000  }
0x6b3: {  	_ =	swait.ge [sflag:s14], $0x4000  }
0x6b4: {  	[sflag:s14] =	ssyncset.done $0x0  }
0x6b5: {  	[sflag:s14] =	ssyncadd.s32 $0xFFFFC000  }
0x6b6: {  	[tilespmem:s31], [sflag:$0x1] =	stream.indirect.gather [hbm4b:s7+s30], $0x80, s24, s30, $0xb8;
	[tilespmem:$0x1C980] =	vst v63  }
0x6b7: {  	_ = 	snop  }
0x6b8: {  	[spmem:s3] =	stream.indirect.scatter.add.f32 [tilespmem:s2], [sflag:$0x3], $0x80, s12, s30, $0xb8;
	[tilespmem:$0x1C980] =	vst v63  }
0x6b9: {  	_ =	swait.ge [sflag:s28], $0x4000  }
0x6ba: {  	[sflag:s28] =	ssyncset.done $0x0  }
0x6bb: {  	[sflag:s28] =	ssyncadd.s32 $0xFFFFC000  }
0x6bc: {  	_ =	swait.ge [sflag:s0], $0x4000  }
0x6bd: {  	[sflag:s0] =	ssyncset.done $0x0  }
0x6be: {  	[sflag:s0] =	ssyncadd.s32 $0xFFFFC000  }
0x6bf: {  	[tilespmem:s2], [sflag:$0x2] =	stream.indirect.gather [hbm4b:s7+s30], $0x80, s1, s30, $0xb8;
	[tilespmem:$0x1C980] =	vst v63  }
0x6c0: {  	_ = 	snop  }
0x6c1: {  	[spmem:s3] =	stream.indirect.scatter.add.f32 [tilespmem:s31], [sflag:$0x3], $0x80, s25, s30, $0xb8;
	[tilespmem:$0x1C980] =	vst v63  }
0x6c2: {  	_ =	swait.ge [sflag:s28], $0x4000  }
0x6c3: {  	[sflag:s28] =	ssyncset.done $0x0  }
0x6c4: {  	[sflag:s28] =	ssyncadd.s32 $0xFFFFC000  }
0x6c5: {  	_ =	swait.ge [sflag:s14], $0x4000  }
0x6c6: {  	[sflag:s14] =	ssyncset.done $0x0  }
0x6c7: {  	s25 =	simm.s32 $0x500;
	[sflag:s14] =	ssyncadd.s32 $0xFFFFC000  }
0x6c8: {  	[tilespmem:s31], [sflag:$0x1] =	stream.indirect.gather [hbm4b:s7+s30], $0x80, s25, s30, $0xb8;
	[tilespmem:$0x1C980] =	vst v63  }
0x6c9: {  	s9 =	simm.s32 $0xC80  }
0x6ca: {  	[spmem:s3] =	stream.indirect.scatter.add.f32 [tilespmem:s2], [sflag:$0x3], $0x80, s9, s30, $0xb8;
	[tilespmem:$0x1C980] =	vst v63  }
0x6cb: {  	_ =	swait.ge [sflag:s28], $0x4000  }
0x6cc: {  	[sflag:s28] =	ssyncset.done $0x0  }
0x6cd: {  	[sflag:s28] =	ssyncadd.s32 $0xFFFFC000  }
0x6ce: {  	_ =	swait.ge [sflag:s0], $0x4000  }
0x6cf: {  	[sflag:s0] =	ssyncset.done $0x0  }
0x6d0: {  	s11 =	simm.s32 $0x580;
	[sflag:s0] =	ssyncadd.s32 $0xFFFFC000  }
0x6d1: {  	[tilespmem:s2], [sflag:$0x2] =	stream.indirect.gather [hbm4b:s7+s30], $0x80, s11, s30, $0xb8;
	[tilespmem:$0x1C980] =	vst v63  }
0x6d2: {  	s13 =	simm.s32 $0xD00  }
0x6d3: {  	[spmem:s3] =	stream.indirect.scatter.add.f32 [tilespmem:s31], [sflag:$0x3], $0x80, s13, s30, $0xb8;
	[tilespmem:$0x1C980] =	vst v63  }
0x6d4: {  	_ =	swait.ge [sflag:s28], $0x4000  }
0x6d5: {  	[sflag:s28] =	ssyncset.done $0x0  }
0x6d6: {  	[sflag:s28] =	ssyncadd.s32 $0xFFFFC000  }
0x6d7: {  	_ =	swait.ge [sflag:s14], $0x4000  }
0x6d8: {  	[sflag:s14] =	ssyncset.done $0x0  }
0x6d9: {  	s20 =	simm.s32 $0x600;
	[sflag:s14] =	ssyncadd.s32 $0xFFFFC000  }
0x6da: {  	[tilespmem:s31], [sflag:$0x1] =	stream.indirect.gather [hbm4b:s7+s30], $0x80, s20, s30, $0xb8;
	[tilespmem:$0x1C980] =	vst v63  }
0x6db: {  	s25 =	simm.s32 $0xD80  }
0x6dc: {  	[spmem:s3] =	stream.indirect.scatter.add.f32 [tilespmem:s2], [sflag:$0x3], $0x80, s25, s30, $0xb8;
	[tilespmem:$0x1C980] =	vst v63  }
0x6dd: {  	_ =	swait.ge [sflag:s28], $0x4000  }
0x6de: {  	[sflag:s28] =	ssyncset.done $0x0  }
0x6df: {  	[sflag:s28] =	ssyncadd.s32 $0xFFFFC000  }
0x6e0: {  	_ =	swait.ge [sflag:s0], $0x4000  }
0x6e1: {  	[sflag:s0] =	ssyncset.done $0x0  }
0x6e2: {  	s9 =	simm.s32 $0x680;
	[sflag:s0] =	ssyncadd.s32 $0xFFFFC000  }
0x6e3: {  	[tilespmem:s2], [sflag:$0x2] =	stream.indirect.gather [hbm4b:s7+s30], $0x80, s9, s30, $0xb8;
	[tilespmem:$0x1C980] =	vst v63  }
0x6e4: {  	s11 =	simm.s32 $0xE00  }
0x6e5: {  	[spmem:s3] =	stream.indirect.scatter.add.f32 [tilespmem:s31], [sflag:$0x3], $0x80, s11, s30, $0xb8;
	[tilespmem:$0x1C980] =	vst v63  }
0x6e6: {  	_ =	swait.ge [sflag:s28], $0x4000  }
0x6e7: {  	[sflag:s28] =	ssyncset.done $0x0  }
0x6e8: {  	[sflag:s28] =	ssyncadd.s32 $0xFFFFC000  }
0x6e9: {  	_ =	swait.ge [sflag:s14], $0x4000  }
0x6ea: {  	[sflag:s14] =	ssyncset.done $0x0  }
0x6eb: {  	s13 =	simm.s32 $0x700;
	[sflag:s14] =	ssyncadd.s32 $0xFFFFC000  }
0x6ec: {  	[tilespmem:s31], [sflag:$0x1] =	stream.indirect.gather [hbm4b:s7+s30], $0x80, s13, s30, $0xb8;
	[tilespmem:$0x1C980] =	vst v63  }
0x6ed: {  	s20 =	simm.s32 $0xE80  }
0x6ee: {  	[spmem:s3] =	stream.indirect.scatter.add.f32 [tilespmem:s2], [sflag:$0x3], $0x80, s20, s30, $0xb8;
	[tilespmem:$0x1C980] =	vst v63  }
0x6ef: {  	_ =	swait.ge [sflag:s28], $0x4000  }
0x6f0: {  	[sflag:s28] =	ssyncset.done $0x0  }
0x6f1: {  	[sflag:s28] =	ssyncadd.s32 $0xFFFFC000  }
0x6f2: {  	_ =	swait.ge [sflag:s0], $0x4000  }
0x6f3: {  	[sflag:s0] =	ssyncset.done $0x0  }
0x6f4: {  	s25 =	simm.s32 $0x780;
	[sflag:s0] =	ssyncadd.s32 $0xFFFFC000  }
0x6f5: {  	[tilespmem:s2], [sflag:$0x2] =	stream.indirect.gather [hbm4b:s7+s30], $0x80, s25, s30, $0xb8;
	[tilespmem:$0x1C980] =	vst v63  }
0x6f6: {  	s9 =	simm.s32 $0xF00  }
0x6f7: {  	[spmem:s3] =	stream.indirect.scatter.add.f32 [tilespmem:s31], [sflag:$0x3], $0x80, s9, s30, $0xb8;
	[tilespmem:$0x1C980] =	vst v63  }
0x6f8: {  	_ =	swait.ge [sflag:s28], $0x4000  }
0x6f9: {  	[sflag:s28] =	ssyncset.done $0x0  }
0x6fa: {  	[sflag:s28] =	ssyncadd.s32 $0xFFFFC000  }
0x6fb: {  	_ =	swait.ge [sflag:s14], $0x4000  }
0x6fc: {  	[sflag:s14] =	ssyncset.done $0x0  }
0x6fd: {  	s11 =	simm.s32 $0xF80;
	[sflag:s14] =	ssyncadd.s32 $0xFFFFC000  }
0x6fe: {  	[spmem:s3] =	stream.indirect.scatter.add.f32 [tilespmem:s2], [sflag:$0x3], $0x80, s11, s30, $0xb8;
	[tilespmem:$0x1C980] =	vst v63  }
0x6ff: {  	_ =	swait.ge [sflag:s28], $0x4000  }
0x700: {  	[sflag:s28] =	ssyncset.done $0x0  }
0x701: {  	[sflag:s28] =	ssyncadd.s32 $0xFFFFC000  }
0x702: {  	[bflag:$0x0] =	sbarrier.arrive $0xFFFF  }
0x703: {  	s20 =	sld [smem:$0x7FD]  }
0x704: {  	s13 =	rddreg [dreg:$0x14]  }
0x705: {  	s25 =	rddreg [dreg:$0x1f]  }
0x706: {  	[hbm:s13], [sflag:s25] =	dma.local [spmem:s20], $0x2700  }
.Ltmp10:
0x707: {  	_ = 	snop;
	(pc) =	sbr.rel @p1 .LBB2_15-.Ltmp10, $4  }
.Ltmp11:
0x708: {  	_ = 	snop;
	(pc) =	sbr.rel @!p1 .LBB2_14-.Ltmp11, $4  }
0x709: {  	_ =	swait.ge [sflag:s28], $0x2700  }
0x70a: {  	[sflag:s28] =	ssyncset.done $0x0;
	s8 =	rddreg [dreg:$0xf]  }
0x70b: {  	s20 =	rddreg [dreg:$0x1e];
	[sflag:s28] =	ssyncadd.s32 $0xFFFFD900  }
0x70c: {  	_ = 	snop  }
.LBB2_16:
0x70d: {  	_ =	sfence.sel $0x180000  }
0x70e: {  	[bflag:$0x0] =	sbarrier.arrive $0xFFFF  }
0x70f: {  	_ =	strace $0x90000047  }
0x710: {  	s0 =	stileid.u32;
	[bflag:$0x2] =	sbarrier.arrive $0xFFFF  }
0x711: {  	p0 =	sne.s32 s0, $0x0;
	s0 =	rddreg [dreg:$0x4]  }
0x712: {  	s0 =	sadd.s32 @!p0 $0x100000, s0  }
0x713: {  	[sflag:s0] =	ssyncadd.tile.s32 @!p0 $0x1;
	_ =	shalt  }
.Lfunc_end2:
_tile_overlayer_lowered:
.L_overlay_start_2:
0x714: {  	(tag) =	ssettag $0x2  }
0x715: {  	s0 =	rddreg [dreg:$0x0];
	s2 =	stileid.u32  }
0x716: {  	s1 =	rddreg [dreg:$0x1];
	p0 =	sne.s32 s2, $0x0  }
0x717: {  	s3 =	rddreg [dreg:$0x2];
	[bflag:$0x3] =	sbarrier.arrive $0xFFFF;
	s2 =	simm.s32 @!p0 $0x1C03  }
0x718: {  	[timem:s3], [sflag:s2] =	dma.local @!p0 [hbm:s0], s1  }
0x719: {  	s0 =	simm.s32 @!p0 $0x3  }
0x71a: {  	_ =	swait.ge @!p0 [sflag:s0], s1  }
0x71b: {  	s1 =	ssub.s32 @!p0 $0x0, s1;
	[sflag:s0] =	ssyncset.done @!p0 $0x0  }
0x71c: {  	[sflag:s0] =	ssyncadd.s32 @!p0 s1  }
0x71d: {  	[bflag:$0x3] =	sbarrier.arrive $0xFFFF  }
0x71e: {  	_ =	shalt  }

</sc_bundles>
